<compile_context>
chip_gen: v7x
topology: tpu7x:2x2x1
jax: 0.10.2.dev20260603
libtpu: 0.0.44.dev20260713+nightly
codegen_flags: <defaults>
</compile_context>

<pallas_src>
import jax
import jax.numpy as jnp
from jax import lax
from jax.experimental import pallas as pl
from jax.experimental.pallas import tpu as pltpu
from jax.experimental.pallas import tpu_sc as plsc

_M, _D, _B = 1000000, 16, 16384
_NT = 16
_SLOTS = _B // _NT
_CHUNK = 128
_NCH = _SLOTS // _CHUNK
_ROWS = (_M // _NT) // 8 * 8
_TAIL = _M - _NT * _ROWS
_DUMMY = _B


def _body(mem, idx, val, zeros, out, s_hbm, accum,
          idx2, w2, weff2, ids2, val_v, cur_v, sums_v, sem, csem):
  t = lax.axis_index("s")
  base = t * _SLOTS

  _HALF = _ROWS // 2
  copies = [pltpu.async_copy(mem.at[pl.ds(t * _ROWS + c * _HALF, _HALF)],
                             out.at[pl.ds(t * _ROWS + c * _HALF, _HALF)],
                             csem)
            for c in range(2)]

  @pl.when(t == 0)
  def _copy_tail():
    pltpu.async_copy(mem.at[pl.ds(_NT * _ROWS, _TAIL)],
                     out.at[pl.ds(_NT * _ROWS, _TAIL)], csem).wait()

  pltpu.sync_copy(zeros, accum.at[pl.ds(base, _SLOTS)])

  for j in range(_NCH):
    pltpu.sync_copy(idx.at[pl.ds(base + j * _CHUNK, _CHUNK)], idx2.at[j])
  pltpu.sync_copy(val.at[pl.ds(base, _SLOTS)], val_v)
  lanes = lax.iota(jnp.int32, 16)
  for j in range(_NCH):
    for k in range(_CHUNK // 16):
      ids2[j, pl.ds(k * 16, 16)] = lanes + (base + j * _CHUNK + k * 16)

  scat = [pltpu.async_copy(ids2.at[j], s_hbm.at[idx2.at[j]], sem)
          for j in range(_NCH)]
  gcur = [pltpu.async_copy(mem.at[idx2.at[j]],
                           cur_v.at[pl.ds(j * _CHUNK, _CHUNK)], sem)
          for j in range(_NCH)]
  for h in scat + gcur:
    h.wait()
  plsc.subcore_barrier()

  gw = [pltpu.async_copy(s_hbm.at[idx2.at[j]], w2.at[j], sem)
        for j in range(_NCH)]
  for h in gw:
    h.wait()
  for j in range(_NCH):
    for k in range(_CHUNK // 16):
      wv = w2[j, pl.ds(k * 16, 16)]
      iv = ids2[j, pl.ds(k * 16, 16)]
      weff2[j, pl.ds(k * 16, 16)] = jnp.where(wv == iv, wv, _DUMMY)
  addv = [pltpu.async_copy(val_v.at[pl.ds(j * _CHUNK, _CHUNK)],
                           accum.at[w2.at[j]], sem, add=True)
          for j in range(_NCH)]
  addc = [pltpu.async_copy(cur_v.at[pl.ds(j * _CHUNK, _CHUNK)],
                           accum.at[weff2.at[j]], sem, add=True)
          for j in range(_NCH)]
  for h in addv + addc:
    h.wait()
  plsc.subcore_barrier()

  gs = [pltpu.async_copy(accum.at[w2.at[j]],
                         sums_v.at[pl.ds(j * _CHUNK, _CHUNK)], sem)
        for j in range(_NCH)]
  for h in gs:
    h.wait()

  for h in copies:
    h.wait()
  plsc.subcore_barrier()

  fin = [pltpu.async_copy(sums_v.at[pl.ds(j * _CHUNK, _CHUNK)],
                          out.at[idx2.at[j]], sem)
         for j in range(_NCH)]
  for h in fin:
    h.wait()


@jax.jit
def _scatter_add(mem, idx, val):
  zeros = jnp.zeros((_SLOTS, _D), jnp.float32)
  mesh = plsc.VectorSubcoreMesh(core_axis_name="c", subcore_axis_name="s",
                                num_cores=1)
  out, _ = pl.kernel(
      _body,
      out_type=(jax.ShapeDtypeStruct((_M, _D), jnp.float32),
                jax.ShapeDtypeStruct((_M,), jnp.int32)),
      mesh=mesh,
      compiler_params=pltpu.CompilerParams(use_tc_tiling_on_sc=False),
      scratch_types=(
          pltpu.VMEM_SHARED((_B + _CHUNK, _D), jnp.float32),
          pltpu.VMEM((_NCH, _CHUNK), jnp.int32),
          pltpu.VMEM((_NCH, _CHUNK), jnp.int32),
          pltpu.VMEM((_NCH, _CHUNK), jnp.int32),
          pltpu.VMEM((_NCH, _CHUNK), jnp.int32),
          pltpu.VMEM((_SLOTS, _D), jnp.float32),
          pltpu.VMEM((_SLOTS, _D), jnp.float32),
          pltpu.VMEM((_SLOTS, _D), jnp.float32),
          pltpu.SemaphoreType.DMA,
          pltpu.SemaphoreType.DMA,
      ),
  )(mem, idx, val, zeros)
  return out


def kernel(mem, idx, val):
  return _scatter_add(mem, idx.astype(jnp.int32), val)

# --- scband reference (transcript-rebuilt; emitter-appended) ---
"""Pipeline reference for scband-embeddings-56650618634417 (READ-ONLY COPY).

The authoritative reference and input builder live on the scoring server;
editing this copy changes nothing except your own understanding.
"""

import jax, jax.numpy as jnp
import numpy as np

M, D, B = 1000000, 16, 16384

def setup_inputs(seed: int = 0) -> dict:
    key = jax.random.key(seed)
    k1, k2, k3 = jax.random.split(key, 3)
    mem = jax.random.normal(k1, (M, D), dtype=jnp.float32)
    idx = jax.random.randint(k2, (B,), 0, M)
    val = jax.random.normal(k3, (B, D), dtype=jnp.float32)
    return {"mem": mem, "idx": idx, "val": val}

def reference(mem, idx, val):
    # Scatter-update of the embedding memory V, mirroring the in-place
    # group_ids / V row updates performed inside Embeddings._fast_predict
    # (group_ids[ids_to_group] = g_i[k]). Uses scatter-add so the result is
    # deterministic under duplicate indices.
    new_mem = mem.at[idx].add(val)
    return new_mem

if __name__ == "__main__":
    import jax
    _d = setup_inputs()
    print(jax.jit(kernel)(*tuple(_d.values())))

</pallas_src>

<mosaic_0001>
#map = affine_map<(d0, d1) -> (0, 0)>
#map1 = affine_map<(d0, d1) -> (0)>
module attributes {stable_mosaic.version = 14 : i64} {
  func.func @_body(%arg0: i32, %arg1: i32, %arg2: memref<1000000x16xf32, #tpu.memory_space<hbm>>, %arg3: memref<16384xi32, #tpu.memory_space<hbm>>, %arg4: memref<16384x16xf32, #tpu.memory_space<hbm>>, %arg5: memref<1024x16xf32, #tpu.memory_space<hbm>>, %arg6: memref<1000000x16xf32, #tpu.memory_space<hbm>>, %arg7: memref<1000000xi32, #tpu.memory_space<hbm>>, %arg8: memref<16512x16xf32, #tpu.memory_space<vmem_shared>>, %arg9: memref<8x128xi32, #tpu.memory_space<vmem>>, %arg10: memref<8x128xi32, #tpu.memory_space<vmem>>, %arg11: memref<8x128xi32, #tpu.memory_space<vmem>>, %arg12: memref<8x128xi32, #tpu.memory_space<vmem>>, %arg13: memref<1024x16xf32, #tpu.memory_space<vmem>>, %arg14: memref<1024x16xf32, #tpu.memory_space<vmem>>, %arg15: memref<1024x16xf32, #tpu.memory_space<vmem>>, %arg16: memref<!tpu.dma_semaphore, #tpu.memory_space<semaphore_mem>>, %arg17: memref<!tpu.dma_semaphore, #tpu.memory_space<semaphore_mem>>) attributes {dimension_semantics = [#tpu.dimension_semantics<core_parallel>, #tpu.dimension_semantics<subcore_parallel>], iteration_bounds = array<i64: 1, 16>, scalar_prefetch = 0 : i64, scratch_operands = 10 : i64, tpu.core_type = #tpu.core_type<sc_vector_subcore>, window_params = [{transform_indices = #map}, {transform_indices = #map1}, {transform_indices = #map}, {transform_indices = #map}, {transform_indices = #map}, {transform_indices = #map1}]} {
    %mul3A = arith.constant 1024 : i32
    %mul3A_0 = arith.muli %arg1, %mul3A : i32
    %mul3A_1 = arith.constant 62496 : i32
    %mul3A_2 = arith.muli %arg1, %mul3A_1 : i32
    %add3A = arith.constant 0 : i32
    %add3A_3 = arith.addi %mul3A_2, %add3A : i32
    %mul3A_4 = arith.constant 62496 : i32
    %mul3A_5 = arith.muli %arg1, %mul3A_4 : i32
    %add3A_6 = arith.constant 0 : i32
    %add3A_7 = arith.addi %mul3A_5, %add3A_6 : i32
    %dma_start3A = arith.constant 0 : i32
    %dma_start3A_8 = tpu.memref_slice %arg6[%add3A_7, %dma_start3A] : memref<1000000x16xf32, #tpu.memory_space<hbm>> -> memref<31248x16xf32, #tpu.memory_space<hbm>>
    %dma_start3A_9 = arith.constant 0 : i32
    %dma_start3A_10 = tpu.memref_slice %arg2[%add3A_3, %dma_start3A_9] : memref<1000000x16xf32, #tpu.memory_space<hbm>> -> memref<31248x16xf32, #tpu.memory_space<hbm>>
    tpu.enqueue_dma source(%dma_start3A_10 : memref<31248x16xf32, #tpu.memory_space<hbm>>) target(%dma_start3A_8 : memref<31248x16xf32, #tpu.memory_space<hbm>>) target_semaphore(%arg17 : memref<!tpu.dma_semaphore, #tpu.memory_space<semaphore_mem>>)
    %mul3A_11 = arith.constant 62496 : i32
    %mul3A_12 = arith.muli %arg1, %mul3A_11 : i32
    %add3A_13 = arith.constant 31248 : i32
    %add3A_14 = arith.addi %mul3A_12, %add3A_13 : i32
    %mul3A_15 = arith.constant 62496 : i32
    %mul3A_16 = arith.muli %arg1, %mul3A_15 : i32
    %add3A_17 = arith.constant 31248 : i32
    %add3A_18 = arith.addi %mul3A_16, %add3A_17 : i32
    %dma_start3A_19 = arith.constant 0 : i32
    %dma_start3A_20 = tpu.memref_slice %arg6[%add3A_18, %dma_start3A_19] : memref<1000000x16xf32, #tpu.memory_space<hbm>> -> memref<31248x16xf32, #tpu.memory_space<hbm>>
    %dma_start3A_21 = arith.constant 0 : i32
    %dma_start3A_22 = tpu.memref_slice %arg2[%add3A_14, %dma_start3A_21] : memref<1000000x16xf32, #tpu.memory_space<hbm>> -> memref<31248x16xf32, #tpu.memory_space<hbm>>
    tpu.enqueue_dma source(%dma_start3A_22 : memref<31248x16xf32, #tpu.memory_space<hbm>>) target(%dma_start3A_20 : memref<31248x16xf32, #tpu.memory_space<hbm>>) target_semaphore(%arg17 : memref<!tpu.dma_semaphore, #tpu.memory_space<semaphore_mem>>)
    %eq3A = arith.constant 0 : i32
    %eq3A_23 = arith.cmpi eq, %arg1, %eq3A : i32
    %convert_element_type3A = arith.extui %eq3A_23 : i1 to i32
    %cond3A = arith.constant 0 : i32
    %cond3A_24 = arith.cmpi ne, %convert_element_type3A, %cond3A : i32
    scf.if %cond3A_24 {
      %dma_start3A_3220 = arith.constant 999936 : i32
      %dma_start3A_3221 = arith.constant 0 : i32
      %dma_start3A_3222 = tpu.memref_slice %arg6[%dma_start3A_3220, %dma_start3A_3221] : memref<1000000x16xf32, #tpu.memory_space<hbm>> -> memref<64x16xf32, #tpu.memory_space<hbm>>
      %dma_start3A_3223 = arith.constant 999936 : i32
      %dma_start3A_3224 = arith.constant 0 : i32
      %dma_start3A_3225 = tpu.memref_slice %arg2[%dma_start3A_3223, %dma_start3A_3224] : memref<1000000x16xf32, #tpu.memory_space<hbm>> -> memref<64x16xf32, #tpu.memory_space<hbm>>
      tpu.enqueue_dma source(%dma_start3A_3225 : memref<64x16xf32, #tpu.memory_space<hbm>>) target(%dma_start3A_3222 : memref<64x16xf32, #tpu.memory_space<hbm>>) target_semaphore(%arg17 : memref<!tpu.dma_semaphore, #tpu.memory_space<semaphore_mem>>)
      %dma_wait3A_3226 = arith.constant 999936 : i32
      %dma_wait3A_3227 = arith.constant 0 : i32
      %dma_wait3A_3228 = tpu.memref_slice %arg6[%dma_wait3A_3226, %dma_wait3A_3227] : memref<1000000x16xf32, #tpu.memory_space<hbm>> -> memref<64x16xf32, #tpu.memory_space<hbm>>
      %dma_wait3A_3229 = arith.constant 999936 : i32
      %dma_wait3A_3230 = arith.constant 0 : i32
      %dma_wait3A_3231 = tpu.memref_slice %arg2[%dma_wait3A_3229, %dma_wait3A_3230] : memref<1000000x16xf32, #tpu.memory_space<hbm>> -> memref<64x16xf32, #tpu.memory_space<hbm>>
      tpu.wait_dma2 semaphore(%arg17 : memref<!tpu.dma_semaphore, #tpu.memory_space<semaphore_mem>>) src(%dma_wait3A_3231 : memref<64x16xf32, #tpu.memory_space<hbm>>) dst(%dma_wait3A_3228 : memref<64x16xf32, #tpu.memory_space<hbm>>)
    } else {
    }
    "tpu.region"() ({
      %run_scoped3A_3220 = tpu.sem_alloc : memref<!tpu.dma_semaphore, #tpu.memory_space<semaphore_mem>>
      %dma_start3A_3221 = arith.constant 0 : i32
      %dma_start3A_3222 = tpu.memref_slice %arg8[%mul3A_0, %dma_start3A_3221] : memref<16512x16xf32, #tpu.memory_space<vmem_shared>> -> memref<1024x16xf32, #tpu.memory_space<vmem_shared>>
      tpu.enqueue_dma source(%arg5 : memref<1024x16xf32, #tpu.memory_space<hbm>>) target(%dma_start3A_3222 : memref<1024x16xf32, #tpu.memory_space<vmem_shared>>) target_semaphore(%run_scoped3A_3220 : memref<!tpu.dma_semaphore, #tpu.memory_space<semaphore_mem>>)
      %dma_wait3A_3223 = arith.constant 0 : i32
      %dma_wait3A_3224 = tpu.memref_slice %arg8[%mul3A_0, %dma_wait3A_3223] : memref<16512x16xf32, #tpu.memory_space<vmem_shared>> -> memref<1024x16xf32, #tpu.memory_space<vmem_shared>>
      tpu.wait_dma2 semaphore(%run_scoped3A_3220 : memref<!tpu.dma_semaphore, #tpu.memory_space<semaphore_mem>>) src(%arg5 : memref<1024x16xf32, #tpu.memory_space<hbm>>) dst(%dma_wait3A_3224 : memref<1024x16xf32, #tpu.memory_space<vmem_shared>>)
      tpu.yield
    }) : () -> ()
    %add3A_25 = arith.constant 0 : i32
    %add3A_26 = arith.addi %mul3A_0, %add3A_25 : i32
    %run_scoped3A = arith.constant 0 : i32
    "tpu.region"() ({
      %run_scoped3A_3220 = tpu.sem_alloc : memref<!tpu.dma_semaphore, #tpu.memory_space<semaphore_mem>>
      %dma_start3A_3221 = arith.constant 0 : i32
      %dma_start3A_3222 = tpu.memref_slice %arg9[%run_scoped3A, %dma_start3A_3221] : memref<8x128xi32, #tpu.memory_space<vmem>> -> memref<1x128xi32, #tpu.memory_space<vmem>>
      %dma_start3A_3223 = tpu.memref_squeeze %dma_start3A_3222 : memref<1x128xi32, #tpu.memory_space<vmem>> -> memref<128xi32, #tpu.memory_space<vmem>>
      %dma_start3A_3224 = tpu.memref_slice %arg3[%add3A_26] : memref<16384xi32, #tpu.memory_space<hbm>> -> memref<128xi32, #tpu.memory_space<hbm>>
      %dma_start3A_3225 = arith.constant 0 : i32
      %dma_start3A_3226 = tpu.memref_slice %arg9[%run_scoped3A, %dma_start3A_3225] : memref<8x128xi32, #tpu.memory_space<vmem>> -> memref<1x128xi32, #tpu.memory_space<vmem>>
      %dma_start3A_3227 = tpu.memref_squeeze %dma_start3A_3226 : memref<1x128xi32, #tpu.memory_space<vmem>> -> memref<128xi32, #tpu.memory_space<vmem>>
      %dma_start3A_3228 = tpu.memref_slice %arg3[%add3A_26] : memref<16384xi32, #tpu.memory_space<hbm>> -> memref<128xi32, #tpu.memory_space<hbm>>
      tpu.enqueue_dma source(%dma_start3A_3228 : memref<128xi32, #tpu.memory_space<hbm>>) target(%dma_start3A_3227 : memref<128xi32, #tpu.memory_space<vmem>>) target_semaphore(%run_scoped3A_3220 : memref<!tpu.dma_semaphore, #tpu.memory_space<semaphore_mem>>)
      %dma_wait3A_3229 = arith.constant 0 : i32
      %dma_wait3A_3230 = tpu.memref_slice %arg9[%run_scoped3A, %dma_wait3A_3229] : memref<8x128xi32, #tpu.memory_space<vmem>> -> memref<1x128xi32, #tpu.memory_space<vmem>>
      %dma_wait3A_3231 = tpu.memref_squeeze %dma_wait3A_3230 : memref<1x128xi32, #tpu.memory_space<vmem>> -> memref<128xi32, #tpu.memory_space<vmem>>
      %dma_wait3A_3232 = tpu.memref_slice %arg3[%add3A_26] : memref<16384xi32, #tpu.memory_space<hbm>> -> memref<128xi32, #tpu.memory_space<hbm>>
      %dma_wait3A_3233 = arith.constant 0 : i32
      %dma_wait3A_3234 = tpu.memref_slice %arg9[%run_scoped3A, %dma_wait3A_3233] : memref<8x128xi32, #tpu.memory_space<vmem>> -> memref<1x128xi32, #tpu.memory_space<vmem>>
      %dma_wait3A_3235 = tpu.memref_squeeze %dma_wait3A_3234 : memref<1x128xi32, #tpu.memory_space<vmem>> -> memref<128xi32, #tpu.memory_space<vmem>>
      %dma_wait3A_3236 = tpu.memref_slice %arg3[%add3A_26] : memref<16384xi32, #tpu.memory_space<hbm>> -> memref<128xi32, #tpu.memory_space<hbm>>
      tpu.wait_dma2 semaphore(%run_scoped3A_3220 : memref<!tpu.dma_semaphore, #tpu.memory_space<semaphore_mem>>) src(%dma_wait3A_3236 : memref<128xi32, #tpu.memory_space<hbm>>) dst(%dma_wait3A_3235 : memref<128xi32, #tpu.memory_space<vmem>>)
      tpu.yield
    }) : () -> ()
    %add3A_27 = arith.constant 128 : i32
    %add3A_28 = arith.addi %mul3A_0, %add3A_27 : i32
    %run_scoped3A_29 = arith.constant 1 : i32
    "tpu.region"() ({
      %run_scoped3A_3220 = tpu.sem_alloc : memref<!tpu.dma_semaphore, #tpu.memory_space<semaphore_mem>>
      %dma_start3A_3221 = arith.constant 0 : i32
      %dma_start3A_3222 = tpu.memref_slice %arg9[%run_scoped3A_29, %dma_start3A_3221] : memref<8x128xi32, #tpu.memory_space<vmem>> -> memref<1x128xi32, #tpu.memory_space<vmem>>
      %dma_start3A_3223 = tpu.memref_squeeze %dma_start3A_3222 : memref<1x128xi32, #tpu.memory_space<vmem>> -> memref<128xi32, #tpu.memory_space<vmem>>
      %dma_start3A_3224 = tpu.memref_slice %arg3[%add3A_28] : memref<16384xi32, #tpu.memory_space<hbm>> -> memref<128xi32, #tpu.memory_space<hbm>>
      %dma_start3A_3225 = arith.constant 0 : i32
      %dma_start3A_3226 = tpu.memref_slice %arg9[%run_scoped3A_29, %dma_start3A_3225] : memref<8x128xi32, #tpu.memory_space<vmem>> -> memref<1x128xi32, #tpu.memory_space<vmem>>
      %dma_start3A_3227 = tpu.memref_squeeze %dma_start3A_3226 : memref<1x128xi32, #tpu.memory_space<vmem>> -> memref<128xi32, #tpu.memory_space<vmem>>
      %dma_start3A_3228 = tpu.memref_slice %arg3[%add3A_28] : memref<16384xi32, #tpu.memory_space<hbm>> -> memref<128xi32, #tpu.memory_space<hbm>>
      tpu.enqueue_dma source(%dma_start3A_3228 : memref<128xi32, #tpu.memory_space<hbm>>) target(%dma_start3A_3227 : memref<128xi32, #tpu.memory_space<vmem>>) target_semaphore(%run_scoped3A_3220 : memref<!tpu.dma_semaphore, #tpu.memory_space<semaphore_mem>>)
      %dma_wait3A_3229 = arith.constant 0 : i32
      %dma_wait3A_3230 = tpu.memref_slice %arg9[%run_scoped3A_29, %dma_wait3A_3229] : memref<8x128xi32, #tpu.memory_space<vmem>> -> memref<1x128xi32, #tpu.memory_space<vmem>>
      %dma_wait3A_3231 = tpu.memref_squeeze %dma_wait3A_3230 : memref<1x128xi32, #tpu.memory_space<vmem>> -> memref<128xi32, #tpu.memory_space<vmem>>
      %dma_wait3A_3232 = tpu.memref_slice %arg3[%add3A_28] : memref<16384xi32, #tpu.memory_space<hbm>> -> memref<128xi32, #tpu.memory_space<hbm>>
      %dma_wait3A_3233 = arith.constant 0 : i32
      %dma_wait3A_3234 = tpu.memref_slice %arg9[%run_scoped3A_29, %dma_wait3A_3233] : memref<8x128xi32, #tpu.memory_space<vmem>> -> memref<1x128xi32, #tpu.memory_space<vmem>>
      %dma_wait3A_3235 = tpu.memref_squeeze %dma_wait3A_3234 : memref<1x128xi32, #tpu.memory_space<vmem>> -> memref<128xi32, #tpu.memory_space<vmem>>
      %dma_wait3A_3236 = tpu.memref_slice %arg3[%add3A_28] : memref<16384xi32, #tpu.memory_space<hbm>> -> memref<128xi32, #tpu.memory_space<hbm>>
      tpu.wait_dma2 semaphore(%run_scoped3A_3220 : memref<!tpu.dma_semaphore, #tpu.memory_space<semaphore_mem>>) src(%dma_wait3A_3236 : memref<128xi32, #tpu.memory_space<hbm>>) dst(%dma_wait3A_3235 : memref<128xi32, #tpu.memory_space<vmem>>)
      tpu.yield
    }) : () -> ()
    %add3A_30 = arith.constant 256 : i32
    %add3A_31 = arith.addi %mul3A_0, %add3A_30 : i32
    %run_scoped3A_32 = arith.constant 2 : i32
    "tpu.region"() ({
      %run_scoped3A_3220 = tpu.sem_alloc : memref<!tpu.dma_semaphore, #tpu.memory_space<semaphore_mem>>
      %dma_start3A_3221 = arith.constant 0 : i32
      %dma_start3A_3222 = tpu.memref_slice %arg9[%run_scoped3A_32, %dma_start3A_3221] : memref<8x128xi32, #tpu.memory_space<vmem>> -> memref<1x128xi32, #tpu.memory_space<vmem>>
      %dma_start3A_3223 = tpu.memref_squeeze %dma_start3A_3222 : memref<1x128xi32, #tpu.memory_space<vmem>> -> memref<128xi32, #tpu.memory_space<vmem>>
      %dma_start3A_3224 = tpu.memref_slice %arg3[%add3A_31] : memref<16384xi32, #tpu.memory_space<hbm>> -> memref<128xi32, #tpu.memory_space<hbm>>
      %dma_start3A_3225 = arith.constant 0 : i32
      %dma_start3A_3226 = tpu.memref_slice %arg9[%run_scoped3A_32, %dma_start3A_3225] : memref<8x128xi32, #tpu.memory_space<vmem>> -> memref<1x128xi32, #tpu.memory_space<vmem>>
      %dma_start3A_3227 = tpu.memref_squeeze %dma_start3A_3226 : memref<1x128xi32, #tpu.memory_space<vmem>> -> memref<128xi32, #tpu.memory_space<vmem>>
      %dma_start3A_3228 = tpu.memref_slice %arg3[%add3A_31] : memref<16384xi32, #tpu.memory_space<hbm>> -> memref<128xi32, #tpu.memory_space<hbm>>
      tpu.enqueue_dma source(%dma_start3A_3228 : memref<128xi32, #tpu.memory_space<hbm>>) target(%dma_start3A_3227 : memref<128xi32, #tpu.memory_space<vmem>>) target_semaphore(%run_scoped3A_3220 : memref<!tpu.dma_semaphore, #tpu.memory_space<semaphore_mem>>)
      %dma_wait3A_3229 = arith.constant 0 : i32
      %dma_wait3A_3230 = tpu.memref_slice %arg9[%run_scoped3A_32, %dma_wait3A_3229] : memref<8x128xi32, #tpu.memory_space<vmem>> -> memref<1x128xi32, #tpu.memory_space<vmem>>
      %dma_wait3A_3231 = tpu.memref_squeeze %dma_wait3A_3230 : memref<1x128xi32, #tpu.memory_space<vmem>> -> memref<128xi32, #tpu.memory_space<vmem>>
      %dma_wait3A_3232 = tpu.memref_slice %arg3[%add3A_31] : memref<16384xi32, #tpu.memory_space<hbm>> -> memref<128xi32, #tpu.memory_space<hbm>>
      %dma_wait3A_3233 = arith.constant 0 : i32
      %dma_wait3A_3234 = tpu.memref_slice %arg9[%run_scoped3A_32, %dma_wait3A_3233] : memref<8x128xi32, #tpu.memory_space<vmem>> -> memref<1x128xi32, #tpu.memory_space<vmem>>
      %dma_wait3A_3235 = tpu.memref_squeeze %dma_wait3A_3234 : memref<1x128xi32, #tpu.memory_space<vmem>> -> memref<128xi32, #tpu.memory_space<vmem>>
      %dma_wait3A_3236 = tpu.memref_slice %arg3[%add3A_31] : memref<16384xi32, #tpu.memory_space<hbm>> -> memref<128xi32, #tpu.memory_space<hbm>>
      tpu.wait_dma2 semaphore(%run_scoped3A_3220 : memref<!tpu.dma_semaphore, #tpu.memory_space<semaphore_mem>>) src(%dma_wait3A_3236 : memref<128xi32, #tpu.memory_space<hbm>>) dst(%dma_wait3A_3235 : memref<128xi32, #tpu.memory_space<vmem>>)
      tpu.yield
    }) : () -> ()
    %add3A_33 = arith.constant 384 : i32
    %add3A_34 = arith.addi %mul3A_0, %add3A_33 : i32
    %run_scoped3A_35 = arith.constant 3 : i32
    "tpu.region"() ({
      %run_scoped3A_3220 = tpu.sem_alloc : memref<!tpu.dma_semaphore, #tpu.memory_space<semaphore_mem>>
      %dma_start3A_3221 = arith.constant 0 : i32
      %dma_start3A_3222 = tpu.memref_slice %arg9[%run_scoped3A_35, %dma_start3A_3221] : memref<8x128xi32, #tpu.memory_space<vmem>> -> memref<1x128xi32, #tpu.memory_space<vmem>>
      %dma_start3A_3223 = tpu.memref_squeeze %dma_start3A_3222 : memref<1x128xi32, #tpu.memory_space<vmem>> -> memref<128xi32, #tpu.memory_space<vmem>>
      %dma_start3A_3224 = tpu.memref_slice %arg3[%add3A_34] : memref<16384xi32, #tpu.memory_space<hbm>> -> memref<128xi32, #tpu.memory_space<hbm>>
      %dma_start3A_3225 = arith.constant 0 : i32
      %dma_start3A_3226 = tpu.memref_slice %arg9[%run_scoped3A_35, %dma_start3A_3225] : memref<8x128xi32, #tpu.memory_space<vmem>> -> memref<1x128xi32, #tpu.memory_space<vmem>>
      %dma_start3A_3227 = tpu.memref_squeeze %dma_start3A_3226 : memref<1x128xi32, #tpu.memory_space<vmem>> -> memref<128xi32, #tpu.memory_space<vmem>>
      %dma_start3A_3228 = tpu.memref_slice %arg3[%add3A_34] : memref<16384xi32, #tpu.memory_space<hbm>> -> memref<128xi32, #tpu.memory_space<hbm>>
      tpu.enqueue_dma source(%dma_start3A_3228 : memref<128xi32, #tpu.memory_space<hbm>>) target(%dma_start3A_3227 : memref<128xi32, #tpu.memory_space<vmem>>) target_semaphore(%run_scoped3A_3220 : memref<!tpu.dma_semaphore, #tpu.memory_space<semaphore_mem>>)
      %dma_wait3A_3229 = arith.constant 0 : i32
      %dma_wait3A_3230 = tpu.memref_slice %arg9[%run_scoped3A_35, %dma_wait3A_3229] : memref<8x128xi32, #tpu.memory_space<vmem>> -> memref<1x128xi32, #tpu.memory_space<vmem>>
      %dma_wait3A_3231 = tpu.memref_squeeze %dma_wait3A_3230 : memref<1x128xi32, #tpu.memory_space<vmem>> -> memref<128xi32, #tpu.memory_space<vmem>>
      %dma_wait3A_3232 = tpu.memref_slice %arg3[%add3A_34] : memref<16384xi32, #tpu.memory_space<hbm>> -> memref<128xi32, #tpu.memory_space<hbm>>
      %dma_wait3A_3233 = arith.constant 0 : i32
      %dma_wait3A_3234 = tpu.memref_slice %arg9[%run_scoped3A_35, %dma_wait3A_3233] : memref<8x128xi32, #tpu.memory_space<vmem>> -> memref<1x128xi32, #tpu.memory_space<vmem>>
      %dma_wait3A_3235 = tpu.memref_squeeze %dma_wait3A_3234 : memref<1x128xi32, #tpu.memory_space<vmem>> -> memref<128xi32, #tpu.memory_space<vmem>>
      %dma_wait3A_3236 = tpu.memref_slice %arg3[%add3A_34] : memref<16384xi32, #tpu.memory_space<hbm>> -> memref<128xi32, #tpu.memory_space<hbm>>
      tpu.wait_dma2 semaphore(%run_scoped3A_3220 : memref<!tpu.dma_semaphore, #tpu.memory_space<semaphore_mem>>) src(%dma_wait3A_3236 : memref<128xi32, #tpu.memory_space<hbm>>) dst(%dma_wait3A_3235 : memref<128xi32, #tpu.memory_space<vmem>>)
      tpu.yield
    }) : () -> ()
    %add3A_36 = arith.constant 512 : i32
    %add3A_37 = arith.addi %mul3A_0, %add3A_36 : i32
    %run_scoped3A_38 = arith.constant 4 : i32
    "tpu.region"() ({
      %run_scoped3A_3220 = tpu.sem_alloc : memref<!tpu.dma_semaphore, #tpu.memory_space<semaphore_mem>>
      %dma_start3A_3221 = arith.constant 0 : i32
      %dma_start3A_3222 = tpu.memref_slice %arg9[%run_scoped3A_38, %dma_start3A_3221] : memref<8x128xi32, #tpu.memory_space<vmem>> -> memref<1x128xi32, #tpu.memory_space<vmem>>
      %dma_start3A_3223 = tpu.memref_squeeze %dma_start3A_3222 : memref<1x128xi32, #tpu.memory_space<vmem>> -> memref<128xi32, #tpu.memory_space<vmem>>
      %dma_start3A_3224 = tpu.memref_slice %arg3[%add3A_37] : memref<16384xi32, #tpu.memory_space<hbm>> -> memref<128xi32, #tpu.memory_space<hbm>>
      %dma_start3A_3225 = arith.constant 0 : i32
      %dma_start3A_3226 = tpu.memref_slice %arg9[%run_scoped3A_38, %dma_start3A_3225] : memref<8x128xi32, #tpu.memory_space<vmem>> -> memref<1x128xi32, #tpu.memory_space<vmem>>
      %dma_start3A_3227 = tpu.memref_squeeze %dma_start3A_3226 : memref<1x128xi32, #tpu.memory_space<vmem>> -> memref<128xi32, #tpu.memory_space<vmem>>
      %dma_start3A_3228 = tpu.memref_slice %arg3[%add3A_37] : memref<16384xi32, #tpu.memory_space<hbm>> -> memref<128xi32, #tpu.memory_space<hbm>>
      tpu.enqueue_dma source(%dma_start3A_3228 : memref<128xi32, #tpu.memory_space<hbm>>) target(%dma_start3A_3227 : memref<128xi32, #tpu.memory_space<vmem>>) target_semaphore(%run_scoped3A_3220 : memref<!tpu.dma_semaphore, #tpu.memory_space<semaphore_mem>>)
      %dma_wait3A_3229 = arith.constant 0 : i32
      %dma_wait3A_3230 = tpu.memref_slice %arg9[%run_scoped3A_38, %dma_wait3A_3229] : memref<8x128xi32, #tpu.memory_space<vmem>> -> memref<1x128xi32, #tpu.memory_space<vmem>>
      %dma_wait3A_3231 = tpu.memref_squeeze %dma_wait3A_3230 : memref<1x128xi32, #tpu.memory_space<vmem>> -> memref<128xi32, #tpu.memory_space<vmem>>
      %dma_wait3A_3232 = tpu.memref_slice %arg3[%add3A_37] : memref<16384xi32, #tpu.memory_space<hbm>> -> memref<128xi32, #tpu.memory_space<hbm>>
      %dma_wait3A_3233 = arith.constant 0 : i32
      %dma_wait3A_3234 = tpu.memref_slice %arg9[%run_scoped3A_38, %dma_wait3A_3233] : memref<8x128xi32, #tpu.memory_space<vmem>> -> memref<1x128xi32, #tpu.memory_space<vmem>>
      %dma_wait3A_3235 = tpu.memref_squeeze %dma_wait3A_3234 : memref<1x128xi32, #tpu.memory_space<vmem>> -> memref<128xi32, #tpu.memory_space<vmem>>
      %dma_wait3A_3236 = tpu.memref_slice %arg3[%add3A_37] : memref<16384xi32, #tpu.memory_space<hbm>> -> memref<128xi32, #tpu.memory_space<hbm>>
      tpu.wait_dma2 semaphore(%run_scoped3A_3220 : memref<!tpu.dma_semaphore, #tpu.memory_space<semaphore_mem>>) src(%dma_wait3A_3236 : memref<128xi32, #tpu.memory_space<hbm>>) dst(%dma_wait3A_3235 : memref<128xi32, #tpu.memory_space<vmem>>)
      tpu.yield
    }) : () -> ()
    %add3A_39 = arith.constant 640 : i32
    %add3A_40 = arith.addi %mul3A_0, %add3A_39 : i32
    %run_scoped3A_41 = arith.constant 5 : i32
    "tpu.region"() ({
      %run_scoped3A_3220 = tpu.sem_alloc : memref<!tpu.dma_semaphore, #tpu.memory_space<semaphore_mem>>
      %dma_start3A_3221 = arith.constant 0 : i32
      %dma_start3A_3222 = tpu.memref_slice %arg9[%run_scoped3A_41, %dma_start3A_3221] : memref<8x128xi32, #tpu.memory_space<vmem>> -> memref<1x128xi32, #tpu.memory_space<vmem>>
      %dma_start3A_3223 = tpu.memref_squeeze %dma_start3A_3222 : memref<1x128xi32, #tpu.memory_space<vmem>> -> memref<128xi32, #tpu.memory_space<vmem>>
      %dma_start3A_3224 = tpu.memref_slice %arg3[%add3A_40] : memref<16384xi32, #tpu.memory_space<hbm>> -> memref<128xi32, #tpu.memory_space<hbm>>
      %dma_start3A_3225 = arith.constant 0 : i32
      %dma_start3A_3226 = tpu.memref_slice %arg9[%run_scoped3A_41, %dma_start3A_3225] : memref<8x128xi32, #tpu.memory_space<vmem>> -> memref<1x128xi32, #tpu.memory_space<vmem>>
      %dma_start3A_3227 = tpu.memref_squeeze %dma_start3A_3226 : memref<1x128xi32, #tpu.memory_space<vmem>> -> memref<128xi32, #tpu.memory_space<vmem>>
      %dma_start3A_3228 = tpu.memref_slice %arg3[%add3A_40] : memref<16384xi32, #tpu.memory_space<hbm>> -> memref<128xi32, #tpu.memory_space<hbm>>
      tpu.enqueue_dma source(%dma_start3A_3228 : memref<128xi32, #tpu.memory_space<hbm>>) target(%dma_start3A_3227 : memref<128xi32, #tpu.memory_space<vmem>>) target_semaphore(%run_scoped3A_3220 : memref<!tpu.dma_semaphore, #tpu.memory_space<semaphore_mem>>)
      %dma_wait3A_3229 = arith.constant 0 : i32
      %dma_wait3A_3230 = tpu.memref_slice %arg9[%run_scoped3A_41, %dma_wait3A_3229] : memref<8x128xi32, #tpu.memory_space<vmem>> -> memref<1x128xi32, #tpu.memory_space<vmem>>
      %dma_wait3A_3231 = tpu.memref_squeeze %dma_wait3A_3230 : memref<1x128xi32, #tpu.memory_space<vmem>> -> memref<128xi32, #tpu.memory_space<vmem>>
      %dma_wait3A_3232 = tpu.memref_slice %arg3[%add3A_40] : memref<16384xi32, #tpu.memory_space<hbm>> -> memref<128xi32, #tpu.memory_space<hbm>>
      %dma_wait3A_3233 = arith.constant 0 : i32
      %dma_wait3A_3234 = tpu.memref_slice %arg9[%run_scoped3A_41, %dma_wait3A_3233] : memref<8x128xi32, #tpu.memory_space<vmem>> -> memref<1x128xi32, #tpu.memory_space<vmem>>
      %dma_wait3A_3235 = tpu.memref_squeeze %dma_wait3A_3234 : memref<1x128xi32, #tpu.memory_space<vmem>> -> memref<128xi32, #tpu.memory_space<vmem>>
      %dma_wait3A_3236 = tpu.memref_slice %arg3[%add3A_40] : memref<16384xi32, #tpu.memory_space<hbm>> -> memref<128xi32, #tpu.memory_space<hbm>>
      tpu.wait_dma2 semaphore(%run_scoped3A_3220 : memref<!tpu.dma_semaphore, #tpu.memory_space<semaphore_mem>>) src(%dma_wait3A_3236 : memref<128xi32, #tpu.memory_space<hbm>>) dst(%dma_wait3A_3235 : memref<128xi32, #tpu.memory_space<vmem>>)
      tpu.yield
    }) : () -> ()
    %add3A_42 = arith.constant 768 : i32
    %add3A_43 = arith.addi %mul3A_0, %add3A_42 : i32
    %run_scoped3A_44 = arith.constant 6 : i32
    "tpu.region"() ({
      %run_scoped3A_3220 = tpu.sem_alloc : memref<!tpu.dma_semaphore, #tpu.memory_space<semaphore_mem>>
      %dma_start3A_3221 = arith.constant 0 : i32
      %dma_start3A_3222 = tpu.memref_slice %arg9[%run_scoped3A_44, %dma_start3A_3221] : memref<8x128xi32, #tpu.memory_space<vmem>> -> memref<1x128xi32, #tpu.memory_space<vmem>>
      %dma_start3A_3223 = tpu.memref_squeeze %dma_start3A_3222 : memref<1x128xi32, #tpu.memory_space<vmem>> -> memref<128xi32, #tpu.memory_space<vmem>>
      %dma_start3A_3224 = tpu.memref_slice %arg3[%add3A_43] : memref<16384xi32, #tpu.memory_space<hbm>> -> memref<128xi32, #tpu.memory_space<hbm>>
      %dma_start3A_3225 = arith.constant 0 : i32
      %dma_start3A_3226 = tpu.memref_slice %arg9[%run_scoped3A_44, %dma_start3A_3225] : memref<8x128xi32, #tpu.memory_space<vmem>> -> memref<1x128xi32, #tpu.memory_space<vmem>>
      %dma_start3A_3227 = tpu.memref_squeeze %dma_start3A_3226 : memref<1x128xi32, #tpu.memory_space<vmem>> -> memref<128xi32, #tpu.memory_space<vmem>>
      %dma_start3A_3228 = tpu.memref_slice %arg3[%add3A_43] : memref<16384xi32, #tpu.memory_space<hbm>> -> memref<128xi32, #tpu.memory_space<hbm>>
      tpu.enqueue_dma source(%dma_start3A_3228 : memref<128xi32, #tpu.memory_space<hbm>>) target(%dma_start3A_3227 : memref<128xi32, #tpu.memory_space<vmem>>) target_semaphore(%run_scoped3A_3220 : memref<!tpu.dma_semaphore, #tpu.memory_space<semaphore_mem>>)
      %dma_wait3A_3229 = arith.constant 0 : i32
      %dma_wait3A_3230 = tpu.memref_slice %arg9[%run_scoped3A_44, %dma_wait3A_3229] : memref<8x128xi32, #tpu.memory_space<vmem>> -> memref<1x128xi32, #tpu.memory_space<vmem>>
      %dma_wait3A_3231 = tpu.memref_squeeze %dma_wait3A_3230 : memref<1x128xi32, #tpu.memory_space<vmem>> -> memref<128xi32, #tpu.memory_space<vmem>>
      %dma_wait3A_3232 = tpu.memref_slice %arg3[%add3A_43] : memref<16384xi32, #tpu.memory_space<hbm>> -> memref<128xi32, #tpu.memory_space<hbm>>
      %dma_wait3A_3233 = arith.constant 0 : i32
      %dma_wait3A_3234 = tpu.memref_slice %arg9[%run_scoped3A_44, %dma_wait3A_3233] : memref<8x128xi32, #tpu.memory_space<vmem>> -> memref<1x128xi32, #tpu.memory_space<vmem>>
      %dma_wait3A_3235 = tpu.memref_squeeze %dma_wait3A_3234 : memref<1x128xi32, #tpu.memory_space<vmem>> -> memref<128xi32, #tpu.memory_space<vmem>>
      %dma_wait3A_3236 = tpu.memref_slice %arg3[%add3A_43] : memref<16384xi32, #tpu.memory_space<hbm>> -> memref<128xi32, #tpu.memory_space<hbm>>
      tpu.wait_dma2 semaphore(%run_scoped3A_3220 : memref<!tpu.dma_semaphore, #tpu.memory_space<semaphore_mem>>) src(%dma_wait3A_3236 : memref<128xi32, #tpu.memory_space<hbm>>) dst(%dma_wait3A_3235 : memref<128xi32, #tpu.memory_space<vmem>>)
      tpu.yield
    }) : () -> ()
    %add3A_45 = arith.constant 896 : i32
    %add3A_46 = arith.addi %mul3A_0, %add3A_45 : i32
    %run_scoped3A_47 = arith.constant 7 : i32
    "tpu.region"() ({
      %run_scoped3A_3220 = tpu.sem_alloc : memref<!tpu.dma_semaphore, #tpu.memory_space<semaphore_mem>>
      %dma_start3A_3221 = arith.constant 0 : i32
      %dma_start3A_3222 = tpu.memref_slice %arg9[%run_scoped3A_47, %dma_start3A_3221] : memref<8x128xi32, #tpu.memory_space<vmem>> -> memref<1x128xi32, #tpu.memory_space<vmem>>
      %dma_start3A_3223 = tpu.memref_squeeze %dma_start3A_3222 : memref<1x128xi32, #tpu.memory_space<vmem>> -> memref<128xi32, #tpu.memory_space<vmem>>
      %dma_start3A_3224 = tpu.memref_slice %arg3[%add3A_46] : memref<16384xi32, #tpu.memory_space<hbm>> -> memref<128xi32, #tpu.memory_space<hbm>>
      %dma_start3A_3225 = arith.constant 0 : i32
      %dma_start3A_3226 = tpu.memref_slice %arg9[%run_scoped3A_47, %dma_start3A_3225] : memref<8x128xi32, #tpu.memory_space<vmem>> -> memref<1x128xi32, #tpu.memory_space<vmem>>
      %dma_start3A_3227 = tpu.memref_squeeze %dma_start3A_3226 : memref<1x128xi32, #tpu.memory_space<vmem>> -> memref<128xi32, #tpu.memory_space<vmem>>
      %dma_start3A_3228 = tpu.memref_slice %arg3[%add3A_46] : memref<16384xi32, #tpu.memory_space<hbm>> -> memref<128xi32, #tpu.memory_space<hbm>>
      tpu.enqueue_dma source(%dma_start3A_3228 : memref<128xi32, #tpu.memory_space<hbm>>) target(%dma_start3A_3227 : memref<128xi32, #tpu.memory_space<vmem>>) target_semaphore(%run_scoped3A_3220 : memref<!tpu.dma_semaphore, #tpu.memory_space<semaphore_mem>>)
      %dma_wait3A_3229 = arith.constant 0 : i32
      %dma_wait3A_3230 = tpu.memref_slice %arg9[%run_scoped3A_47, %dma_wait3A_3229] : memref<8x128xi32, #tpu.memory_space<vmem>> -> memref<1x128xi32, #tpu.memory_space<vmem>>
      %dma_wait3A_3231 = tpu.memref_squeeze %dma_wait3A_3230 : memref<1x128xi32, #tpu.memory_space<vmem>> -> memref<128xi32, #tpu.memory_space<vmem>>
      %dma_wait3A_3232 = tpu.memref_slice %arg3[%add3A_46] : memref<16384xi32, #tpu.memory_space<hbm>> -> memref<128xi32, #tpu.memory_space<hbm>>
      %dma_wait3A_3233 = arith.constant 0 : i32
      %dma_wait3A_3234 = tpu.memref_slice %arg9[%run_scoped3A_47, %dma_wait3A_3233] : memref<8x128xi32, #tpu.memory_space<vmem>> -> memref<1x128xi32, #tpu.memory_space<vmem>>
      %dma_wait3A_3235 = tpu.memref_squeeze %dma_wait3A_3234 : memref<1x128xi32, #tpu.memory_space<vmem>> -> memref<128xi32, #tpu.memory_space<vmem>>
      %dma_wait3A_3236 = tpu.memref_slice %arg3[%add3A_46] : memref<16384xi32, #tpu.memory_space<hbm>> -> memref<128xi32, #tpu.memory_space<hbm>>
      tpu.wait_dma2 semaphore(%run_scoped3A_3220 : memref<!tpu.dma_semaphore, #tpu.memory_space<semaphore_mem>>) src(%dma_wait3A_3236 : memref<128xi32, #tpu.memory_space<hbm>>) dst(%dma_wait3A_3235 : memref<128xi32, #tpu.memory_space<vmem>>)
      tpu.yield
    }) : () -> ()
    "tpu.region"() ({
      %run_scoped3A_3220 = tpu.sem_alloc : memref<!tpu.dma_semaphore, #tpu.memory_space<semaphore_mem>>
      %dma_start3A_3221 = arith.constant 0 : i32
      %dma_start3A_3222 = tpu.memref_slice %arg4[%mul3A_0, %dma_start3A_3221] : memref<16384x16xf32, #tpu.memory_space<hbm>> -> memref<1024x16xf32, #tpu.memory_space<hbm>>
      %dma_start3A_3223 = arith.constant 0 : i32
      %dma_start3A_3224 = tpu.memref_slice %arg4[%mul3A_0, %dma_start3A_3223] : memref<16384x16xf32, #tpu.memory_space<hbm>> -> memref<1024x16xf32, #tpu.memory_space<hbm>>
      tpu.enqueue_dma source(%dma_start3A_3224 : memref<1024x16xf32, #tpu.memory_space<hbm>>) target(%arg13 : memref<1024x16xf32, #tpu.memory_space<vmem>>) target_semaphore(%run_scoped3A_3220 : memref<!tpu.dma_semaphore, #tpu.memory_space<semaphore_mem>>)
      %dma_wait3A_3225 = arith.constant 0 : i32
      %dma_wait3A_3226 = tpu.memref_slice %arg4[%mul3A_0, %dma_wait3A_3225] : memref<16384x16xf32, #tpu.memory_space<hbm>> -> memref<1024x16xf32, #tpu.memory_space<hbm>>
      %dma_wait3A_3227 = arith.constant 0 : i32
      %dma_wait3A_3228 = tpu.memref_slice %arg4[%mul3A_0, %dma_wait3A_3227] : memref<16384x16xf32, #tpu.memory_space<hbm>> -> memref<1024x16xf32, #tpu.memory_space<hbm>>
      tpu.wait_dma2 semaphore(%run_scoped3A_3220 : memref<!tpu.dma_semaphore, #tpu.memory_space<semaphore_mem>>) src(%dma_wait3A_3228 : memref<1024x16xf32, #tpu.memory_space<hbm>>) dst(%arg13 : memref<1024x16xf32, #tpu.memory_space<vmem>>)
      tpu.yield
    }) : () -> ()
    %iota3A = tpu.iota {dimensions = array<i32: 0>} : vector<16xi32>
    %add3A_48 = arith.constant 0 : i32
    %add3A_49 = arith.addi %mul3A_0, %add3A_48 : i32
    %add3A_50 = arith.constant 0 : i32
    %add3A_51 = arith.addi %add3A_49, %add3A_50 : i32
    %add3A_52 = vector.broadcast %add3A_51 : i32 to vector<16xi32>
    %add3A_53 = arith.addi %iota3A, %add3A_52 : vector<16xi32>
    %swap3A = arith.constant 0 : i32
    %swap3A_54 = arith.index_cast %swap3A : i32 to index
    %swap3A_55 = arith.constant 0 : index
    %swap3A_56 = tpu.vector_load %arg12[%swap3A_54, %swap3A_55] {strides = array<i32>} : memref<8x128xi32, #tpu.memory_space<vmem>>, vector<1x16xi32>,
    %swap3A_57 = vector.shape_cast %swap3A_56 : vector<1x16xi32> to vector<16xi32>
    %swap3A_58 = vector.shape_cast %add3A_53 : vector<16xi32> to vector<1x16xi32>
    tpu.vector_store %arg12[%swap3A_54, %swap3A_55], %swap3A_58 {strides = array<i32>} : memref<8x128xi32, #tpu.memory_space<vmem>>, vector<1x16xi32>,
    %add3A_59 = arith.constant 0 : i32
    %add3A_60 = arith.addi %mul3A_0, %add3A_59 : i32
    %add3A_61 = arith.constant 16 : i32
    %add3A_62 = arith.addi %add3A_60, %add3A_61 : i32
    %add3A_63 = vector.broadcast %add3A_62 : i32 to vector<16xi32>
    %add3A_64 = arith.addi %iota3A, %add3A_63 : vector<16xi32>
    %swap3A_65 = arith.constant 0 : i32
    %swap3A_66 = arith.index_cast %swap3A_65 : i32 to index
    %swap3A_67 = arith.constant 16 : index
    %swap3A_68 = tpu.vector_load %arg12[%swap3A_66, %swap3A_67] {strides = array<i32>} : memref<8x128xi32, #tpu.memory_space<vmem>>, vector<1x16xi32>,
    %swap3A_69 = vector.shape_cast %swap3A_68 : vector<1x16xi32> to vector<16xi32>
    %swap3A_70 = vector.shape_cast %add3A_64 : vector<16xi32> to vector<1x16xi32>
    tpu.vector_store %arg12[%swap3A_66, %swap3A_67], %swap3A_70 {strides = array<i32>} : memref<8x128xi32, #tpu.memory_space<vmem>>, vector<1x16xi32>,
    %add3A_71 = arith.constant 0 : i32
    %add3A_72 = arith.addi %mul3A_0, %add3A_71 : i32
    %add3A_73 = arith.constant 32 : i32
    %add3A_74 = arith.addi %add3A_72, %add3A_73 : i32
    %add3A_75 = vector.broadcast %add3A_74 : i32 to vector<16xi32>
    %add3A_76 = arith.addi %iota3A, %add3A_75 : vector<16xi32>
    %swap3A_77 = arith.constant 0 : i32
    %swap3A_78 = arith.index_cast %swap3A_77 : i32 to index
    %swap3A_79 = arith.constant 32 : index
    %swap3A_80 = tpu.vector_load %arg12[%swap3A_78, %swap3A_79] {strides = array<i32>} : memref<8x128xi32, #tpu.memory_space<vmem>>, vector<1x16xi32>,
    %swap3A_81 = vector.shape_cast %swap3A_80 : vector<1x16xi32> to vector<16xi32>
    %swap3A_82 = vector.shape_cast %add3A_76 : vector<16xi32> to vector<1x16xi32>
    tpu.vector_store %arg12[%swap3A_78, %swap3A_79], %swap3A_82 {strides = array<i32>} : memref<8x128xi32, #tpu.memory_space<vmem>>, vector<1x16xi32>,
    %add3A_83 = arith.constant 0 : i32
    %add3A_84 = arith.addi %mul3A_0, %add3A_83 : i32
    %add3A_85 = arith.constant 48 : i32
    %add3A_86 = arith.addi %add3A_84, %add3A_85 : i32
    %add3A_87 = vector.broadcast %add3A_86 : i32 to vector<16xi32>
    %add3A_88 = arith.addi %iota3A, %add3A_87 : vector<16xi32>
    %swap3A_89 = arith.constant 0 : i32
    %swap3A_90 = arith.index_cast %swap3A_89 : i32 to index
    %swap3A_91 = arith.constant 48 : index
    %swap3A_92 = tpu.vector_load %arg12[%swap3A_90, %swap3A_91] {strides = array<i32>} : memref<8x128xi32, #tpu.memory_space<vmem>>, vector<1x16xi32>,
    %swap3A_93 = vector.shape_cast %swap3A_92 : vector<1x16xi32> to vector<16xi32>
    %swap3A_94 = vector.shape_cast %add3A_88 : vector<16xi32> to vector<1x16xi32>
    tpu.vector_store %arg12[%swap3A_90, %swap3A_91], %swap3A_94 {strides = array<i32>} : memref<8x128xi32, #tpu.memory_space<vmem>>, vector<1x16xi32>,
    %add3A_95 = arith.constant 0 : i32
    %add3A_96 = arith.addi %mul3A_0, %add3A_95 : i32
    %add3A_97 = arith.constant 64 : i32
    %add3A_98 = arith.addi %add3A_96, %add3A_97 : i32
    %add3A_99 = vector.broadcast %add3A_98 : i32 to vector<16xi32>
    %add3A_100 = arith.addi %iota3A, %add3A_99 : vector<16xi32>
    %swap3A_101 = arith.constant 0 : i32
    %swap3A_102 = arith.index_cast %swap3A_101 : i32 to index
    %swap3A_103 = arith.constant 64 : index
    %swap3A_104 = tpu.vector_load %arg12[%swap3A_102, %swap3A_103] {strides = array<i32>} : memref<8x128xi32, #tpu.memory_space<vmem>>, vector<1x16xi32>,
    %swap3A_105 = vector.shape_cast %swap3A_104 : vector<1x16xi32> to vector<16xi32>
    %swap3A_106 = vector.shape_cast %add3A_100 : vector<16xi32> to vector<1x16xi32>
    tpu.vector_store %arg12[%swap3A_102, %swap3A_103], %swap3A_106 {strides = array<i32>} : memref<8x128xi32, #tpu.memory_space<vmem>>, vector<1x16xi32>,
    %add3A_107 = arith.constant 0 : i32
    %add3A_108 = arith.addi %mul3A_0, %add3A_107 : i32
    %add3A_109 = arith.constant 80 : i32
    %add3A_110 = arith.addi %add3A_108, %add3A_109 : i32
    %add3A_111 = vector.broadcast %add3A_110 : i32 to vector<16xi32>
    %add3A_112 = arith.addi %iota3A, %add3A_111 : vector<16xi32>
    %swap3A_113 = arith.constant 0 : i32
    %swap3A_114 = arith.index_cast %swap3A_113 : i32 to index
    %swap3A_115 = arith.constant 80 : index
    %swap3A_116 = tpu.vector_load %arg12[%swap3A_114, %swap3A_115] {strides = array<i32>} : memref<8x128xi32, #tpu.memory_space<vmem>>, vector<1x16xi32>,
    %swap3A_117 = vector.shape_cast %swap3A_116 : vector<1x16xi32> to vector<16xi32>
    %swap3A_118 = vector.shape_cast %add3A_112 : vector<16xi32> to vector<1x16xi32>
    tpu.vector_store %arg12[%swap3A_114, %swap3A_115], %swap3A_118 {strides = array<i32>} : memref<8x128xi32, #tpu.memory_space<vmem>>, vector<1x16xi32>,
    %add3A_119 = arith.constant 0 : i32
    %add3A_120 = arith.addi %mul3A_0, %add3A_119 : i32
    %add3A_121 = arith.constant 96 : i32
    %add3A_122 = arith.addi %add3A_120, %add3A_121 : i32
    %add3A_123 = vector.broadcast %add3A_122 : i32 to vector<16xi32>
    %add3A_124 = arith.addi %iota3A, %add3A_123 : vector<16xi32>
    %swap3A_125 = arith.constant 0 : i32
    %swap3A_126 = arith.index_cast %swap3A_125 : i32 to index
    %swap3A_127 = arith.constant 96 : index
    %swap3A_128 = tpu.vector_load %arg12[%swap3A_126, %swap3A_127] {strides = array<i32>} : memref<8x128xi32, #tpu.memory_space<vmem>>, vector<1x16xi32>,
    %swap3A_129 = vector.shape_cast %swap3A_128 : vector<1x16xi32> to vector<16xi32>
    %swap3A_130 = vector.shape_cast %add3A_124 : vector<16xi32> to vector<1x16xi32>
    tpu.vector_store %arg12[%swap3A_126, %swap3A_127], %swap3A_130 {strides = array<i32>} : memref<8x128xi32, #tpu.memory_space<vmem>>, vector<1x16xi32>,
    %add3A_131 = arith.constant 0 : i32
    %add3A_132 = arith.addi %mul3A_0, %add3A_131 : i32
    %add3A_133 = arith.constant 112 : i32
    %add3A_134 = arith.addi %add3A_132, %add3A_133 : i32
    %add3A_135 = vector.broadcast %add3A_134 : i32 to vector<16xi32>
    %add3A_136 = arith.addi %iota3A, %add3A_135 : vector<16xi32>
    %swap3A_137 = arith.constant 0 : i32
    %swap3A_138 = arith.index_cast %swap3A_137 : i32 to index
    %swap3A_139 = arith.constant 112 : index
    %swap3A_140 = tpu.vector_load %arg12[%swap3A_138, %swap3A_139] {strides = array<i32>} : memref<8x128xi32, #tpu.memory_space<vmem>>, vector<1x16xi32>,
    %swap3A_141 = vector.shape_cast %swap3A_140 : vector<1x16xi32> to vector<16xi32>
    %swap3A_142 = vector.shape_cast %add3A_136 : vector<16xi32> to vector<1x16xi32>
    tpu.vector_store %arg12[%swap3A_138, %swap3A_139], %swap3A_142 {strides = array<i32>} : memref<8x128xi32, #tpu.memory_space<vmem>>, vector<1x16xi32>,
    %add3A_143 = arith.constant 128 : i32
    %add3A_144 = arith.addi %mul3A_0, %add3A_143 : i32
    %add3A_145 = arith.constant 0 : i32
    %add3A_146 = arith.addi %add3A_144, %add3A_145 : i32
    %add3A_147 = vector.broadcast %add3A_146 : i32 to vector<16xi32>
    %add3A_148 = arith.addi %iota3A, %add3A_147 : vector<16xi32>
    %swap3A_149 = arith.constant 1 : i32
    %swap3A_150 = arith.index_cast %swap3A_149 : i32 to index
    %swap3A_151 = arith.constant 0 : index
    %swap3A_152 = tpu.vector_load %arg12[%swap3A_150, %swap3A_151] {strides = array<i32>} : memref<8x128xi32, #tpu.memory_space<vmem>>, vector<1x16xi32>,
    %swap3A_153 = vector.shape_cast %swap3A_152 : vector<1x16xi32> to vector<16xi32>
    %swap3A_154 = vector.shape_cast %add3A_148 : vector<16xi32> to vector<1x16xi32>
    tpu.vector_store %arg12[%swap3A_150, %swap3A_151], %swap3A_154 {strides = array<i32>} : memref<8x128xi32, #tpu.memory_space<vmem>>, vector<1x16xi32>,
    %add3A_155 = arith.constant 128 : i32
    %add3A_156 = arith.addi %mul3A_0, %add3A_155 : i32
    %add3A_157 = arith.constant 16 : i32
    %add3A_158 = arith.addi %add3A_156, %add3A_157 : i32
    %add3A_159 = vector.broadcast %add3A_158 : i32 to vector<16xi32>
    %add3A_160 = arith.addi %iota3A, %add3A_159 : vector<16xi32>
    %swap3A_161 = arith.constant 1 : i32
    %swap3A_162 = arith.index_cast %swap3A_161 : i32 to index
    %swap3A_163 = arith.constant 16 : index
    %swap3A_164 = tpu.vector_load %arg12[%swap3A_162, %swap3A_163] {strides = array<i32>} : memref<8x128xi32, #tpu.memory_space<vmem>>, vector<1x16xi32>,
    %swap3A_165 = vector.shape_cast %swap3A_164 : vector<1x16xi32> to vector<16xi32>
    %swap3A_166 = vector.shape_cast %add3A_160 : vector<16xi32> to vector<1x16xi32>
    tpu.vector_store %arg12[%swap3A_162, %swap3A_163], %swap3A_166 {strides = array<i32>} : memref<8x128xi32, #tpu.memory_space<vmem>>, vector<1x16xi32>,
    %add3A_167 = arith.constant 128 : i32
    %add3A_168 = arith.addi %mul3A_0, %add3A_167 : i32
    %add3A_169 = arith.constant 32 : i32
    %add3A_170 = arith.addi %add3A_168, %add3A_169 : i32
    %add3A_171 = vector.broadcast %add3A_170 : i32 to vector<16xi32>
    %add3A_172 = arith.addi %iota3A, %add3A_171 : vector<16xi32>
    %swap3A_173 = arith.constant 1 : i32
    %swap3A_174 = arith.index_cast %swap3A_173 : i32 to index
    %swap3A_175 = arith.constant 32 : index
    %swap3A_176 = tpu.vector_load %arg12[%swap3A_174, %swap3A_175] {strides = array<i32>} : memref<8x128xi32, #tpu.memory_space<vmem>>, vector<1x16xi32>,
    %swap3A_177 = vector.shape_cast %swap3A_176 : vector<1x16xi32> to vector<16xi32>
    %swap3A_178 = vector.shape_cast %add3A_172 : vector<16xi32> to vector<1x16xi32>
    tpu.vector_store %arg12[%swap3A_174, %swap3A_175], %swap3A_178 {strides = array<i32>} : memref<8x128xi32, #tpu.memory_space<vmem>>, vector<1x16xi32>,
    %add3A_179 = arith.constant 128 : i32
    %add3A_180 = arith.addi %mul3A_0, %add3A_179 : i32
    %add3A_181 = arith.constant 48 : i32
    %add3A_182 = arith.addi %add3A_180, %add3A_181 : i32
    %add3A_183 = vector.broadcast %add3A_182 : i32 to vector<16xi32>
    %add3A_184 = arith.addi %iota3A, %add3A_183 : vector<16xi32>
    %swap3A_185 = arith.constant 1 : i32
    %swap3A_186 = arith.index_cast %swap3A_185 : i32 to index
    %swap3A_187 = arith.constant 48 : index
    %swap3A_188 = tpu.vector_load %arg12[%swap3A_186, %swap3A_187] {strides = array<i32>} : memref<8x128xi32, #tpu.memory_space<vmem>>, vector<1x16xi32>,
    %swap3A_189 = vector.shape_cast %swap3A_188 : vector<1x16xi32> to vector<16xi32>
    %swap3A_190 = vector.shape_cast %add3A_184 : vector<16xi32> to vector<1x16xi32>
    tpu.vector_store %arg12[%swap3A_186, %swap3A_187], %swap3A_190 {strides = array<i32>} : memref<8x128xi32, #tpu.memory_space<vmem>>, vector<1x16xi32>,
    %add3A_191 = arith.constant 128 : i32
    %add3A_192 = arith.addi %mul3A_0, %add3A_191 : i32
    %add3A_193 = arith.constant 64 : i32
    %add3A_194 = arith.addi %add3A_192, %add3A_193 : i32
    %add3A_195 = vector.broadcast %add3A_194 : i32 to vector<16xi32>
    %add3A_196 = arith.addi %iota3A, %add3A_195 : vector<16xi32>
    %swap3A_197 = arith.constant 1 : i32
    %swap3A_198 = arith.index_cast %swap3A_197 : i32 to index
    %swap3A_199 = arith.constant 64 : index
    %swap3A_200 = tpu.vector_load %arg12[%swap3A_198, %swap3A_199] {strides = array<i32>} : memref<8x128xi32, #tpu.memory_space<vmem>>, vector<1x16xi32>,
    %swap3A_201 = vector.shape_cast %swap3A_200 : vector<1x16xi32> to vector<16xi32>
    %swap3A_202 = vector.shape_cast %add3A_196 : vector<16xi32> to vector<1x16xi32>
    tpu.vector_store %arg12[%swap3A_198, %swap3A_199], %swap3A_202 {strides = array<i32>} : memref<8x128xi32, #tpu.memory_space<vmem>>, vector<1x16xi32>,
    %add3A_203 = arith.constant 128 : i32
    %add3A_204 = arith.addi %mul3A_0, %add3A_203 : i32
    %add3A_205 = arith.constant 80 : i32
    %add3A_206 = arith.addi %add3A_204, %add3A_205 : i32
    %add3A_207 = vector.broadcast %add3A_206 : i32 to vector<16xi32>
    %add3A_208 = arith.addi %iota3A, %add3A_207 : vector<16xi32>
    %swap3A_209 = arith.constant 1 : i32
    %swap3A_210 = arith.index_cast %swap3A_209 : i32 to index
    %swap3A_211 = arith.constant 80 : index
    %swap3A_212 = tpu.vector_load %arg12[%swap3A_210, %swap3A_211] {strides = array<i32>} : memref<8x128xi32, #tpu.memory_space<vmem>>, vector<1x16xi32>,
    %swap3A_213 = vector.shape_cast %swap3A_212 : vector<1x16xi32> to vector<16xi32>
    %swap3A_214 = vector.shape_cast %add3A_208 : vector<16xi32> to vector<1x16xi32>
    tpu.vector_store %arg12[%swap3A_210, %swap3A_211], %swap3A_214 {strides = array<i32>} : memref<8x128xi32, #tpu.memory_space<vmem>>, vector<1x16xi32>,
    %add3A_215 = arith.constant 128 : i32
    %add3A_216 = arith.addi %mul3A_0, %add3A_215 : i32
    %add3A_217 = arith.constant 96 : i32
    %add3A_218 = arith.addi %add3A_216, %add3A_217 : i32
    %add3A_219 = vector.broadcast %add3A_218 : i32 to vector<16xi32>
    %add3A_220 = arith.addi %iota3A, %add3A_219 : vector<16xi32>
    %swap3A_221 = arith.constant 1 : i32
    %swap3A_222 = arith.index_cast %swap3A_221 : i32 to index
    %swap3A_223 = arith.constant 96 : index
    %swap3A_224 = tpu.vector_load %arg12[%swap3A_222, %swap3A_223] {strides = array<i32>} : memref<8x128xi32, #tpu.memory_space<vmem>>, vector<1x16xi32>,
    %swap3A_225 = vector.shape_cast %swap3A_224 : vector<1x16xi32> to vector<16xi32>
    %swap3A_226 = vector.shape_cast %add3A_220 : vector<16xi32> to vector<1x16xi32>
    tpu.vector_store %arg12[%swap3A_222, %swap3A_223], %swap3A_226 {strides = array<i32>} : memref<8x128xi32, #tpu.memory_space<vmem>>, vector<1x16xi32>,
    %add3A_227 = arith.constant 128 : i32
    %add3A_228 = arith.addi %mul3A_0, %add3A_227 : i32
    %add3A_229 = arith.constant 112 : i32
    %add3A_230 = arith.addi %add3A_228, %add3A_229 : i32
    %add3A_231 = vector.broadcast %add3A_230 : i32 to vector<16xi32>
    %add3A_232 = arith.addi %iota3A, %add3A_231 : vector<16xi32>
    %swap3A_233 = arith.constant 1 : i32
    %swap3A_234 = arith.index_cast %swap3A_233 : i32 to index
    %swap3A_235 = arith.constant 112 : index
    %swap3A_236 = tpu.vector_load %arg12[%swap3A_234, %swap3A_235] {strides = array<i32>} : memref<8x128xi32, #tpu.memory_space<vmem>>, vector<1x16xi32>,
    %swap3A_237 = vector.shape_cast %swap3A_236 : vector<1x16xi32> to vector<16xi32>
    %swap3A_238 = vector.shape_cast %add3A_232 : vector<16xi32> to vector<1x16xi32>
    tpu.vector_store %arg12[%swap3A_234, %swap3A_235], %swap3A_238 {strides = array<i32>} : memref<8x128xi32, #tpu.memory_space<vmem>>, vector<1x16xi32>,
    %add3A_239 = arith.constant 256 : i32
    %add3A_240 = arith.addi %mul3A_0, %add3A_239 : i32
    %add3A_241 = arith.constant 0 : i32
    %add3A_242 = arith.addi %add3A_240, %add3A_241 : i32
    %add3A_243 = vector.broadcast %add3A_242 : i32 to vector<16xi32>
    %add3A_244 = arith.addi %iota3A, %add3A_243 : vector<16xi32>
    %swap3A_245 = arith.constant 2 : i32
    %swap3A_246 = arith.index_cast %swap3A_245 : i32 to index
    %swap3A_247 = arith.constant 0 : index
    %swap3A_248 = tpu.vector_load %arg12[%swap3A_246, %swap3A_247] {strides = array<i32>} : memref<8x128xi32, #tpu.memory_space<vmem>>, vector<1x16xi32>,
    %swap3A_249 = vector.shape_cast %swap3A_248 : vector<1x16xi32> to vector<16xi32>
    %swap3A_250 = vector.shape_cast %add3A_244 : vector<16xi32> to vector<1x16xi32>
    tpu.vector_store %arg12[%swap3A_246, %swap3A_247], %swap3A_250 {strides = array<i32>} : memref<8x128xi32, #tpu.memory_space<vmem>>, vector<1x16xi32>,
    %add3A_251 = arith.constant 256 : i32
    %add3A_252 = arith.addi %mul3A_0, %add3A_251 : i32
    %add3A_253 = arith.constant 16 : i32
    %add3A_254 = arith.addi %add3A_252, %add3A_253 : i32
    %add3A_255 = vector.broadcast %add3A_254 : i32 to vector<16xi32>
    %add3A_256 = arith.addi %iota3A, %add3A_255 : vector<16xi32>
    %swap3A_257 = arith.constant 2 : i32
    %swap3A_258 = arith.index_cast %swap3A_257 : i32 to index
    %swap3A_259 = arith.constant 16 : index
    %swap3A_260 = tpu.vector_load %arg12[%swap3A_258, %swap3A_259] {strides = array<i32>} : memref<8x128xi32, #tpu.memory_space<vmem>>, vector<1x16xi32>,
    %swap3A_261 = vector.shape_cast %swap3A_260 : vector<1x16xi32> to vector<16xi32>
    %swap3A_262 = vector.shape_cast %add3A_256 : vector<16xi32> to vector<1x16xi32>
    tpu.vector_store %arg12[%swap3A_258, %swap3A_259], %swap3A_262 {strides = array<i32>} : memref<8x128xi32, #tpu.memory_space<vmem>>, vector<1x16xi32>,
    %add3A_263 = arith.constant 256 : i32
    %add3A_264 = arith.addi %mul3A_0, %add3A_263 : i32
    %add3A_265 = arith.constant 32 : i32
    %add3A_266 = arith.addi %add3A_264, %add3A_265 : i32
    %add3A_267 = vector.broadcast %add3A_266 : i32 to vector<16xi32>
    %add3A_268 = arith.addi %iota3A, %add3A_267 : vector<16xi32>
    %swap3A_269 = arith.constant 2 : i32
    %swap3A_270 = arith.index_cast %swap3A_269 : i32 to index
    %swap3A_271 = arith.constant 32 : index
    %swap3A_272 = tpu.vector_load %arg12[%swap3A_270, %swap3A_271] {strides = array<i32>} : memref<8x128xi32, #tpu.memory_space<vmem>>, vector<1x16xi32>,
    %swap3A_273 = vector.shape_cast %swap3A_272 : vector<1x16xi32> to vector<16xi32>
    %swap3A_274 = vector.shape_cast %add3A_268 : vector<16xi32> to vector<1x16xi32>
    tpu.vector_store %arg12[%swap3A_270, %swap3A_271], %swap3A_274 {strides = array<i32>} : memref<8x128xi32, #tpu.memory_space<vmem>>, vector<1x16xi32>,
    %add3A_275 = arith.constant 256 : i32
    %add3A_276 = arith.addi %mul3A_0, %add3A_275 : i32
    %add3A_277 = arith.constant 48 : i32
    %add3A_278 = arith.addi %add3A_276, %add3A_277 : i32
    %add3A_279 = vector.broadcast %add3A_278 : i32 to vector<16xi32>
    %add3A_280 = arith.addi %iota3A, %add3A_279 : vector<16xi32>
    %swap3A_281 = arith.constant 2 : i32
    %swap3A_282 = arith.index_cast %swap3A_281 : i32 to index
    %swap3A_283 = arith.constant 48 : index
    %swap3A_284 = tpu.vector_load %arg12[%swap3A_282, %swap3A_283] {strides = array<i32>} : memref<8x128xi32, #tpu.memory_space<vmem>>, vector<1x16xi32>,
    %swap3A_285 = vector.shape_cast %swap3A_284 : vector<1x16xi32> to vector<16xi32>
    %swap3A_286 = vector.shape_cast %add3A_280 : vector<16xi32> to vector<1x16xi32>
    tpu.vector_store %arg12[%swap3A_282, %swap3A_283], %swap3A_286 {strides = array<i32>} : memref<8x128xi32, #tpu.memory_space<vmem>>, vector<1x16xi32>,
    %add3A_287 = arith.constant 256 : i32
    %add3A_288 = arith.addi %mul3A_0, %add3A_287 : i32
    %add3A_289 = arith.constant 64 : i32
    %add3A_290 = arith.addi %add3A_288, %add3A_289 : i32
    %add3A_291 = vector.broadcast %add3A_290 : i32 to vector<16xi32>
    %add3A_292 = arith.addi %iota3A, %add3A_291 : vector<16xi32>
    %swap3A_293 = arith.constant 2 : i32
    %swap3A_294 = arith.index_cast %swap3A_293 : i32 to index
    %swap3A_295 = arith.constant 64 : index
    %swap3A_296 = tpu.vector_load %arg12[%swap3A_294, %swap3A_295] {strides = array<i32>} : memref<8x128xi32, #tpu.memory_space<vmem>>, vector<1x16xi32>,
    %swap3A_297 = vector.shape_cast %swap3A_296 : vector<1x16xi32> to vector<16xi32>
    %swap3A_298 = vector.shape_cast %add3A_292 : vector<16xi32> to vector<1x16xi32>
    tpu.vector_store %arg12[%swap3A_294, %swap3A_295], %swap3A_298 {strides = array<i32>} : memref<8x128xi32, #tpu.memory_space<vmem>>, vector<1x16xi32>,
    %add3A_299 = arith.constant 256 : i32
    %add3A_300 = arith.addi %mul3A_0, %add3A_299 : i32
    %add3A_301 = arith.constant 80 : i32
    %add3A_302 = arith.addi %add3A_300, %add3A_301 : i32
    %add3A_303 = vector.broadcast %add3A_302 : i32 to vector<16xi32>
    %add3A_304 = arith.addi %iota3A, %add3A_303 : vector<16xi32>
    %swap3A_305 = arith.constant 2 : i32
    %swap3A_306 = arith.index_cast %swap3A_305 : i32 to index
    %swap3A_307 = arith.constant 80 : index
    %swap3A_308 = tpu.vector_load %arg12[%swap3A_306, %swap3A_307] {strides = array<i32>} : memref<8x128xi32, #tpu.memory_space<vmem>>, vector<1x16xi32>,
    %swap3A_309 = vector.shape_cast %swap3A_308 : vector<1x16xi32> to vector<16xi32>
    %swap3A_310 = vector.shape_cast %add3A_304 : vector<16xi32> to vector<1x16xi32>
    tpu.vector_store %arg12[%swap3A_306, %swap3A_307], %swap3A_310 {strides = array<i32>} : memref<8x128xi32, #tpu.memory_space<vmem>>, vector<1x16xi32>,
    %add3A_311 = arith.constant 256 : i32
    %add3A_312 = arith.addi %mul3A_0, %add3A_311 : i32
    %add3A_313 = arith.constant 96 : i32
    %add3A_314 = arith.addi %add3A_312, %add3A_313 : i32
    %add3A_315 = vector.broadcast %add3A_314 : i32 to vector<16xi32>
    %add3A_316 = arith.addi %iota3A, %add3A_315 : vector<16xi32>
    %swap3A_317 = arith.constant 2 : i32
    %swap3A_318 = arith.index_cast %swap3A_317 : i32 to index
    %swap3A_319 = arith.constant 96 : index
    %swap3A_320 = tpu.vector_load %arg12[%swap3A_318, %swap3A_319] {strides = array<i32>} : memref<8x128xi32, #tpu.memory_space<vmem>>, vector<1x16xi32>,
    %swap3A_321 = vector.shape_cast %swap3A_320 : vector<1x16xi32> to vector<16xi32>
    %swap3A_322 = vector.shape_cast %add3A_316 : vector<16xi32> to vector<1x16xi32>
    tpu.vector_store %arg12[%swap3A_318, %swap3A_319], %swap3A_322 {strides = array<i32>} : memref<8x128xi32, #tpu.memory_space<vmem>>, vector<1x16xi32>,
    %add3A_323 = arith.constant 256 : i32
    %add3A_324 = arith.addi %mul3A_0, %add3A_323 : i32
    %add3A_325 = arith.constant 112 : i32
    %add3A_326 = arith.addi %add3A_324, %add3A_325 : i32
    %add3A_327 = vector.broadcast %add3A_326 : i32 to vector<16xi32>
    %add3A_328 = arith.addi %iota3A, %add3A_327 : vector<16xi32>
    %swap3A_329 = arith.constant 2 : i32
    %swap3A_330 = arith.index_cast %swap3A_329 : i32 to index
    %swap3A_331 = arith.constant 112 : index
    %swap3A_332 = tpu.vector_load %arg12[%swap3A_330, %swap3A_331] {strides = array<i32>} : memref<8x128xi32, #tpu.memory_space<vmem>>, vector<1x16xi32>,
    %swap3A_333 = vector.shape_cast %swap3A_332 : vector<1x16xi32> to vector<16xi32>
    %swap3A_334 = vector.shape_cast %add3A_328 : vector<16xi32> to vector<1x16xi32>
    tpu.vector_store %arg12[%swap3A_330, %swap3A_331], %swap3A_334 {strides = array<i32>} : memref<8x128xi32, #tpu.memory_space<vmem>>, vector<1x16xi32>,
    %add3A_335 = arith.constant 384 : i32
    %add3A_336 = arith.addi %mul3A_0, %add3A_335 : i32
    %add3A_337 = arith.constant 0 : i32
    %add3A_338 = arith.addi %add3A_336, %add3A_337 : i32
    %add3A_339 = vector.broadcast %add3A_338 : i32 to vector<16xi32>
    %add3A_340 = arith.addi %iota3A, %add3A_339 : vector<16xi32>
    %swap3A_341 = arith.constant 3 : i32
    %swap3A_342 = arith.index_cast %swap3A_341 : i32 to index
    %swap3A_343 = arith.constant 0 : index
    %swap3A_344 = tpu.vector_load %arg12[%swap3A_342, %swap3A_343] {strides = array<i32>} : memref<8x128xi32, #tpu.memory_space<vmem>>, vector<1x16xi32>,
    %swap3A_345 = vector.shape_cast %swap3A_344 : vector<1x16xi32> to vector<16xi32>
    %swap3A_346 = vector.shape_cast %add3A_340 : vector<16xi32> to vector<1x16xi32>
    tpu.vector_store %arg12[%swap3A_342, %swap3A_343], %swap3A_346 {strides = array<i32>} : memref<8x128xi32, #tpu.memory_space<vmem>>, vector<1x16xi32>,
    %add3A_347 = arith.constant 384 : i32
    %add3A_348 = arith.addi %mul3A_0, %add3A_347 : i32
    %add3A_349 = arith.constant 16 : i32
    %add3A_350 = arith.addi %add3A_348, %add3A_349 : i32
    %add3A_351 = vector.broadcast %add3A_350 : i32 to vector<16xi32>
    %add3A_352 = arith.addi %iota3A, %add3A_351 : vector<16xi32>
    %swap3A_353 = arith.constant 3 : i32
    %swap3A_354 = arith.index_cast %swap3A_353 : i32 to index
    %swap3A_355 = arith.constant 16 : index
    %swap3A_356 = tpu.vector_load %arg12[%swap3A_354, %swap3A_355] {strides = array<i32>} : memref<8x128xi32, #tpu.memory_space<vmem>>, vector<1x16xi32>,
    %swap3A_357 = vector.shape_cast %swap3A_356 : vector<1x16xi32> to vector<16xi32>
    %swap3A_358 = vector.shape_cast %add3A_352 : vector<16xi32> to vector<1x16xi32>
    tpu.vector_store %arg12[%swap3A_354, %swap3A_355], %swap3A_358 {strides = array<i32>} : memref<8x128xi32, #tpu.memory_space<vmem>>, vector<1x16xi32>,
    %add3A_359 = arith.constant 384 : i32
    %add3A_360 = arith.addi %mul3A_0, %add3A_359 : i32
    %add3A_361 = arith.constant 32 : i32
    %add3A_362 = arith.addi %add3A_360, %add3A_361 : i32
    %add3A_363 = vector.broadcast %add3A_362 : i32 to vector<16xi32>
    %add3A_364 = arith.addi %iota3A, %add3A_363 : vector<16xi32>
    %swap3A_365 = arith.constant 3 : i32
    %swap3A_366 = arith.index_cast %swap3A_365 : i32 to index
    %swap3A_367 = arith.constant 32 : index
    %swap3A_368 = tpu.vector_load %arg12[%swap3A_366, %swap3A_367] {strides = array<i32>} : memref<8x128xi32, #tpu.memory_space<vmem>>, vector<1x16xi32>,
    %swap3A_369 = vector.shape_cast %swap3A_368 : vector<1x16xi32> to vector<16xi32>
    %swap3A_370 = vector.shape_cast %add3A_364 : vector<16xi32> to vector<1x16xi32>
    tpu.vector_store %arg12[%swap3A_366, %swap3A_367], %swap3A_370 {strides = array<i32>} : memref<8x128xi32, #tpu.memory_space<vmem>>, vector<1x16xi32>,
    %add3A_371 = arith.constant 384 : i32
    %add3A_372 = arith.addi %mul3A_0, %add3A_371 : i32
    %add3A_373 = arith.constant 48 : i32
    %add3A_374 = arith.addi %add3A_372, %add3A_373 : i32
    %add3A_375 = vector.broadcast %add3A_374 : i32 to vector<16xi32>
    %add3A_376 = arith.addi %iota3A, %add3A_375 : vector<16xi32>
    %swap3A_377 = arith.constant 3 : i32
    %swap3A_378 = arith.index_cast %swap3A_377 : i32 to index
    %swap3A_379 = arith.constant 48 : index
    %swap3A_380 = tpu.vector_load %arg12[%swap3A_378, %swap3A_379] {strides = array<i32>} : memref<8x128xi32, #tpu.memory_space<vmem>>, vector<1x16xi32>,
    %swap3A_381 = vector.shape_cast %swap3A_380 : vector<1x16xi32> to vector<16xi32>
    %swap3A_382 = vector.shape_cast %add3A_376 : vector<16xi32> to vector<1x16xi32>
    tpu.vector_store %arg12[%swap3A_378, %swap3A_379], %swap3A_382 {strides = array<i32>} : memref<8x128xi32, #tpu.memory_space<vmem>>, vector<1x16xi32>,
    %add3A_383 = arith.constant 384 : i32
    %add3A_384 = arith.addi %mul3A_0, %add3A_383 : i32
    %add3A_385 = arith.constant 64 : i32
    %add3A_386 = arith.addi %add3A_384, %add3A_385 : i32
    %add3A_387 = vector.broadcast %add3A_386 : i32 to vector<16xi32>
    %add3A_388 = arith.addi %iota3A, %add3A_387 : vector<16xi32>
    %swap3A_389 = arith.constant 3 : i32
    %swap3A_390 = arith.index_cast %swap3A_389 : i32 to index
    %swap3A_391 = arith.constant 64 : index
    %swap3A_392 = tpu.vector_load %arg12[%swap3A_390, %swap3A_391] {strides = array<i32>} : memref<8x128xi32, #tpu.memory_space<vmem>>, vector<1x16xi32>,
    %swap3A_393 = vector.shape_cast %swap3A_392 : vector<1x16xi32> to vector<16xi32>
    %swap3A_394 = vector.shape_cast %add3A_388 : vector<16xi32> to vector<1x16xi32>
    tpu.vector_store %arg12[%swap3A_390, %swap3A_391], %swap3A_394 {strides = array<i32>} : memref<8x128xi32, #tpu.memory_space<vmem>>, vector<1x16xi32>,
    %add3A_395 = arith.constant 384 : i32
    %add3A_396 = arith.addi %mul3A_0, %add3A_395 : i32
    %add3A_397 = arith.constant 80 : i32
    %add3A_398 = arith.addi %add3A_396, %add3A_397 : i32
    %add3A_399 = vector.broadcast %add3A_398 : i32 to vector<16xi32>
    %add3A_400 = arith.addi %iota3A, %add3A_399 : vector<16xi32>
    %swap3A_401 = arith.constant 3 : i32
    %swap3A_402 = arith.index_cast %swap3A_401 : i32 to index
    %swap3A_403 = arith.constant 80 : index
    %swap3A_404 = tpu.vector_load %arg12[%swap3A_402, %swap3A_403] {strides = array<i32>} : memref<8x128xi32, #tpu.memory_space<vmem>>, vector<1x16xi32>,
    %swap3A_405 = vector.shape_cast %swap3A_404 : vector<1x16xi32> to vector<16xi32>
    %swap3A_406 = vector.shape_cast %add3A_400 : vector<16xi32> to vector<1x16xi32>
    tpu.vector_store %arg12[%swap3A_402, %swap3A_403], %swap3A_406 {strides = array<i32>} : memref<8x128xi32, #tpu.memory_space<vmem>>, vector<1x16xi32>,
    %add3A_407 = arith.constant 384 : i32
    %add3A_408 = arith.addi %mul3A_0, %add3A_407 : i32
    %add3A_409 = arith.constant 96 : i32
    %add3A_410 = arith.addi %add3A_408, %add3A_409 : i32
    %add3A_411 = vector.broadcast %add3A_410 : i32 to vector<16xi32>
    %add3A_412 = arith.addi %iota3A, %add3A_411 : vector<16xi32>
    %swap3A_413 = arith.constant 3 : i32
    %swap3A_414 = arith.index_cast %swap3A_413 : i32 to index
    %swap3A_415 = arith.constant 96 : index
    %swap3A_416 = tpu.vector_load %arg12[%swap3A_414, %swap3A_415] {strides = array<i32>} : memref<8x128xi32, #tpu.memory_space<vmem>>, vector<1x16xi32>,
    %swap3A_417 = vector.shape_cast %swap3A_416 : vector<1x16xi32> to vector<16xi32>
    %swap3A_418 = vector.shape_cast %add3A_412 : vector<16xi32> to vector<1x16xi32>
    tpu.vector_store %arg12[%swap3A_414, %swap3A_415], %swap3A_418 {strides = array<i32>} : memref<8x128xi32, #tpu.memory_space<vmem>>, vector<1x16xi32>,
    %add3A_419 = arith.constant 384 : i32
    %add3A_420 = arith.addi %mul3A_0, %add3A_419 : i32
    %add3A_421 = arith.constant 112 : i32
    %add3A_422 = arith.addi %add3A_420, %add3A_421 : i32
    %add3A_423 = vector.broadcast %add3A_422 : i32 to vector<16xi32>
    %add3A_424 = arith.addi %iota3A, %add3A_423 : vector<16xi32>
    %swap3A_425 = arith.constant 3 : i32
    %swap3A_426 = arith.index_cast %swap3A_425 : i32 to index
    %swap3A_427 = arith.constant 112 : index
    %swap3A_428 = tpu.vector_load %arg12[%swap3A_426, %swap3A_427] {strides = array<i32>} : memref<8x128xi32, #tpu.memory_space<vmem>>, vector<1x16xi32>,
    %swap3A_429 = vector.shape_cast %swap3A_428 : vector<1x16xi32> to vector<16xi32>
    %swap3A_430 = vector.shape_cast %add3A_424 : vector<16xi32> to vector<1x16xi32>
    tpu.vector_store %arg12[%swap3A_426, %swap3A_427], %swap3A_430 {strides = array<i32>} : memref<8x128xi32, #tpu.memory_space<vmem>>, vector<1x16xi32>,
    %add3A_431 = arith.constant 512 : i32
    %add3A_432 = arith.addi %mul3A_0, %add3A_431 : i32
    %add3A_433 = arith.constant 0 : i32
    %add3A_434 = arith.addi %add3A_432, %add3A_433 : i32
    %add3A_435 = vector.broadcast %add3A_434 : i32 to vector<16xi32>
    %add3A_436 = arith.addi %iota3A, %add3A_435 : vector<16xi32>
    %swap3A_437 = arith.constant 4 : i32
    %swap3A_438 = arith.index_cast %swap3A_437 : i32 to index
    %swap3A_439 = arith.constant 0 : index
    %swap3A_440 = tpu.vector_load %arg12[%swap3A_438, %swap3A_439] {strides = array<i32>} : memref<8x128xi32, #tpu.memory_space<vmem>>, vector<1x16xi32>,
    %swap3A_441 = vector.shape_cast %swap3A_440 : vector<1x16xi32> to vector<16xi32>
    %swap3A_442 = vector.shape_cast %add3A_436 : vector<16xi32> to vector<1x16xi32>
    tpu.vector_store %arg12[%swap3A_438, %swap3A_439], %swap3A_442 {strides = array<i32>} : memref<8x128xi32, #tpu.memory_space<vmem>>, vector<1x16xi32>,
    %add3A_443 = arith.constant 512 : i32
    %add3A_444 = arith.addi %mul3A_0, %add3A_443 : i32
    %add3A_445 = arith.constant 16 : i32
    %add3A_446 = arith.addi %add3A_444, %add3A_445 : i32
    %add3A_447 = vector.broadcast %add3A_446 : i32 to vector<16xi32>
    %add3A_448 = arith.addi %iota3A, %add3A_447 : vector<16xi32>
    %swap3A_449 = arith.constant 4 : i32
    %swap3A_450 = arith.index_cast %swap3A_449 : i32 to index
    %swap3A_451 = arith.constant 16 : index
    %swap3A_452 = tpu.vector_load %arg12[%swap3A_450, %swap3A_451] {strides = array<i32>} : memref<8x128xi32, #tpu.memory_space<vmem>>, vector<1x16xi32>,
    %swap3A_453 = vector.shape_cast %swap3A_452 : vector<1x16xi32> to vector<16xi32>
    %swap3A_454 = vector.shape_cast %add3A_448 : vector<16xi32> to vector<1x16xi32>
    tpu.vector_store %arg12[%swap3A_450, %swap3A_451], %swap3A_454 {strides = array<i32>} : memref<8x128xi32, #tpu.memory_space<vmem>>, vector<1x16xi32>,
    %add3A_455 = arith.constant 512 : i32
    %add3A_456 = arith.addi %mul3A_0, %add3A_455 : i32
    %add3A_457 = arith.constant 32 : i32
    %add3A_458 = arith.addi %add3A_456, %add3A_457 : i32
    %add3A_459 = vector.broadcast %add3A_458 : i32 to vector<16xi32>
    %add3A_460 = arith.addi %iota3A, %add3A_459 : vector<16xi32>
    %swap3A_461 = arith.constant 4 : i32
    %swap3A_462 = arith.index_cast %swap3A_461 : i32 to index
    %swap3A_463 = arith.constant 32 : index
    %swap3A_464 = tpu.vector_load %arg12[%swap3A_462, %swap3A_463] {strides = array<i32>} : memref<8x128xi32, #tpu.memory_space<vmem>>, vector<1x16xi32>,
    %swap3A_465 = vector.shape_cast %swap3A_464 : vector<1x16xi32> to vector<16xi32>
    %swap3A_466 = vector.shape_cast %add3A_460 : vector<16xi32> to vector<1x16xi32>
    tpu.vector_store %arg12[%swap3A_462, %swap3A_463], %swap3A_466 {strides = array<i32>} : memref<8x128xi32, #tpu.memory_space<vmem>>, vector<1x16xi32>,
    %add3A_467 = arith.constant 512 : i32
    %add3A_468 = arith.addi %mul3A_0, %add3A_467 : i32
    %add3A_469 = arith.constant 48 : i32
    %add3A_470 = arith.addi %add3A_468, %add3A_469 : i32
    %add3A_471 = vector.broadcast %add3A_470 : i32 to vector<16xi32>
    %add3A_472 = arith.addi %iota3A, %add3A_471 : vector<16xi32>
    %swap3A_473 = arith.constant 4 : i32
    %swap3A_474 = arith.index_cast %swap3A_473 : i32 to index
    %swap3A_475 = arith.constant 48 : index
    %swap3A_476 = tpu.vector_load %arg12[%swap3A_474, %swap3A_475] {strides = array<i32>} : memref<8x128xi32, #tpu.memory_space<vmem>>, vector<1x16xi32>,
    %swap3A_477 = vector.shape_cast %swap3A_476 : vector<1x16xi32> to vector<16xi32>
    %swap3A_478 = vector.shape_cast %add3A_472 : vector<16xi32> to vector<1x16xi32>
    tpu.vector_store %arg12[%swap3A_474, %swap3A_475], %swap3A_478 {strides = array<i32>} : memref<8x128xi32, #tpu.memory_space<vmem>>, vector<1x16xi32>,
    %add3A_479 = arith.constant 512 : i32
    %add3A_480 = arith.addi %mul3A_0, %add3A_479 : i32
    %add3A_481 = arith.constant 64 : i32
    %add3A_482 = arith.addi %add3A_480, %add3A_481 : i32
    %add3A_483 = vector.broadcast %add3A_482 : i32 to vector<16xi32>
    %add3A_484 = arith.addi %iota3A, %add3A_483 : vector<16xi32>
    %swap3A_485 = arith.constant 4 : i32
    %swap3A_486 = arith.index_cast %swap3A_485 : i32 to index
    %swap3A_487 = arith.constant 64 : index
    %swap3A_488 = tpu.vector_load %arg12[%swap3A_486, %swap3A_487] {strides = array<i32>} : memref<8x128xi32, #tpu.memory_space<vmem>>, vector<1x16xi32>,
    %swap3A_489 = vector.shape_cast %swap3A_488 : vector<1x16xi32> to vector<16xi32>
    %swap3A_490 = vector.shape_cast %add3A_484 : vector<16xi32> to vector<1x16xi32>
    tpu.vector_store %arg12[%swap3A_486, %swap3A_487], %swap3A_490 {strides = array<i32>} : memref<8x128xi32, #tpu.memory_space<vmem>>, vector<1x16xi32>,
    %add3A_491 = arith.constant 512 : i32
    %add3A_492 = arith.addi %mul3A_0, %add3A_491 : i32
    %add3A_493 = arith.constant 80 : i32
    %add3A_494 = arith.addi %add3A_492, %add3A_493 : i32
    %add3A_495 = vector.broadcast %add3A_494 : i32 to vector<16xi32>
    %add3A_496 = arith.addi %iota3A, %add3A_495 : vector<16xi32>
    %swap3A_497 = arith.constant 4 : i32
    %swap3A_498 = arith.index_cast %swap3A_497 : i32 to index
    %swap3A_499 = arith.constant 80 : index
    %swap3A_500 = tpu.vector_load %arg12[%swap3A_498, %swap3A_499] {strides = array<i32>} : memref<8x128xi32, #tpu.memory_space<vmem>>, vector<1x16xi32>,
    %swap3A_501 = vector.shape_cast %swap3A_500 : vector<1x16xi32> to vector<16xi32>
    %swap3A_502 = vector.shape_cast %add3A_496 : vector<16xi32> to vector<1x16xi32>
    tpu.vector_store %arg12[%swap3A_498, %swap3A_499], %swap3A_502 {strides = array<i32>} : memref<8x128xi32, #tpu.memory_space<vmem>>, vector<1x16xi32>,
    %add3A_503 = arith.constant 512 : i32
    %add3A_504 = arith.addi %mul3A_0, %add3A_503 : i32
    %add3A_505 = arith.constant 96 : i32
    %add3A_506 = arith.addi %add3A_504, %add3A_505 : i32
    %add3A_507 = vector.broadcast %add3A_506 : i32 to vector<16xi32>
    %add3A_508 = arith.addi %iota3A, %add3A_507 : vector<16xi32>
    %swap3A_509 = arith.constant 4 : i32
    %swap3A_510 = arith.index_cast %swap3A_509 : i32 to index
    %swap3A_511 = arith.constant 96 : index
    %swap3A_512 = tpu.vector_load %arg12[%swap3A_510, %swap3A_511] {strides = array<i32>} : memref<8x128xi32, #tpu.memory_space<vmem>>, vector<1x16xi32>,
    %swap3A_513 = vector.shape_cast %swap3A_512 : vector<1x16xi32> to vector<16xi32>
    %swap3A_514 = vector.shape_cast %add3A_508 : vector<16xi32> to vector<1x16xi32>
    tpu.vector_store %arg12[%swap3A_510, %swap3A_511], %swap3A_514 {strides = array<i32>} : memref<8x128xi32, #tpu.memory_space<vmem>>, vector<1x16xi32>,
    %add3A_515 = arith.constant 512 : i32
    %add3A_516 = arith.addi %mul3A_0, %add3A_515 : i32
    %add3A_517 = arith.constant 112 : i32
    %add3A_518 = arith.addi %add3A_516, %add3A_517 : i32
    %add3A_519 = vector.broadcast %add3A_518 : i32 to vector<16xi32>
    %add3A_520 = arith.addi %iota3A, %add3A_519 : vector<16xi32>
    %swap3A_521 = arith.constant 4 : i32
    %swap3A_522 = arith.index_cast %swap3A_521 : i32 to index
    %swap3A_523 = arith.constant 112 : index
    %swap3A_524 = tpu.vector_load %arg12[%swap3A_522, %swap3A_523] {strides = array<i32>} : memref<8x128xi32, #tpu.memory_space<vmem>>, vector<1x16xi32>,
    %swap3A_525 = vector.shape_cast %swap3A_524 : vector<1x16xi32> to vector<16xi32>
    %swap3A_526 = vector.shape_cast %add3A_520 : vector<16xi32> to vector<1x16xi32>
    tpu.vector_store %arg12[%swap3A_522, %swap3A_523], %swap3A_526 {strides = array<i32>} : memref<8x128xi32, #tpu.memory_space<vmem>>, vector<1x16xi32>,
    %add3A_527 = arith.constant 640 : i32
    %add3A_528 = arith.addi %mul3A_0, %add3A_527 : i32
    %add3A_529 = arith.constant 0 : i32
    %add3A_530 = arith.addi %add3A_528, %add3A_529 : i32
    %add3A_531 = vector.broadcast %add3A_530 : i32 to vector<16xi32>
    %add3A_532 = arith.addi %iota3A, %add3A_531 : vector<16xi32>
    %swap3A_533 = arith.constant 5 : i32
    %swap3A_534 = arith.index_cast %swap3A_533 : i32 to index
    %swap3A_535 = arith.constant 0 : index
    %swap3A_536 = tpu.vector_load %arg12[%swap3A_534, %swap3A_535] {strides = array<i32>} : memref<8x128xi32, #tpu.memory_space<vmem>>, vector<1x16xi32>,
    %swap3A_537 = vector.shape_cast %swap3A_536 : vector<1x16xi32> to vector<16xi32>
    %swap3A_538 = vector.shape_cast %add3A_532 : vector<16xi32> to vector<1x16xi32>
    tpu.vector_store %arg12[%swap3A_534, %swap3A_535], %swap3A_538 {strides = array<i32>} : memref<8x128xi32, #tpu.memory_space<vmem>>, vector<1x16xi32>,
    %add3A_539 = arith.constant 640 : i32
    %add3A_540 = arith.addi %mul3A_0, %add3A_539 : i32
    %add3A_541 = arith.constant 16 : i32
    %add3A_542 = arith.addi %add3A_540, %add3A_541 : i32
    %add3A_543 = vector.broadcast %add3A_542 : i32 to vector<16xi32>
    %add3A_544 = arith.addi %iota3A, %add3A_543 : vector<16xi32>
    %swap3A_545 = arith.constant 5 : i32
    %swap3A_546 = arith.index_cast %swap3A_545 : i32 to index
    %swap3A_547 = arith.constant 16 : index
    %swap3A_548 = tpu.vector_load %arg12[%swap3A_546, %swap3A_547] {strides = array<i32>} : memref<8x128xi32, #tpu.memory_space<vmem>>, vector<1x16xi32>,
    %swap3A_549 = vector.shape_cast %swap3A_548 : vector<1x16xi32> to vector<16xi32>
    %swap3A_550 = vector.shape_cast %add3A_544 : vector<16xi32> to vector<1x16xi32>
    tpu.vector_store %arg12[%swap3A_546, %swap3A_547], %swap3A_550 {strides = array<i32>} : memref<8x128xi32, #tpu.memory_space<vmem>>, vector<1x16xi32>,
    %add3A_551 = arith.constant 640 : i32
    %add3A_552 = arith.addi %mul3A_0, %add3A_551 : i32
    %add3A_553 = arith.constant 32 : i32
    %add3A_554 = arith.addi %add3A_552, %add3A_553 : i32
    %add3A_555 = vector.broadcast %add3A_554 : i32 to vector<16xi32>
    %add3A_556 = arith.addi %iota3A, %add3A_555 : vector<16xi32>
    %swap3A_557 = arith.constant 5 : i32
    %swap3A_558 = arith.index_cast %swap3A_557 : i32 to index
    %swap3A_559 = arith.constant 32 : index
    %swap3A_560 = tpu.vector_load %arg12[%swap3A_558, %swap3A_559] {strides = array<i32>} : memref<8x128xi32, #tpu.memory_space<vmem>>, vector<1x16xi32>,
    %swap3A_561 = vector.shape_cast %swap3A_560 : vector<1x16xi32> to vector<16xi32>
    %swap3A_562 = vector.shape_cast %add3A_556 : vector<16xi32> to vector<1x16xi32>
    tpu.vector_store %arg12[%swap3A_558, %swap3A_559], %swap3A_562 {strides = array<i32>} : memref<8x128xi32, #tpu.memory_space<vmem>>, vector<1x16xi32>,
    %add3A_563 = arith.constant 640 : i32
    %add3A_564 = arith.addi %mul3A_0, %add3A_563 : i32
    %add3A_565 = arith.constant 48 : i32
    %add3A_566 = arith.addi %add3A_564, %add3A_565 : i32
    %add3A_567 = vector.broadcast %add3A_566 : i32 to vector<16xi32>
    %add3A_568 = arith.addi %iota3A, %add3A_567 : vector<16xi32>
    %swap3A_569 = arith.constant 5 : i32
    %swap3A_570 = arith.index_cast %swap3A_569 : i32 to index
    %swap3A_571 = arith.constant 48 : index
    %swap3A_572 = tpu.vector_load %arg12[%swap3A_570, %swap3A_571] {strides = array<i32>} : memref<8x128xi32, #tpu.memory_space<vmem>>, vector<1x16xi32>,
    %swap3A_573 = vector.shape_cast %swap3A_572 : vector<1x16xi32> to vector<16xi32>
    %swap3A_574 = vector.shape_cast %add3A_568 : vector<16xi32> to vector<1x16xi32>
    tpu.vector_store %arg12[%swap3A_570, %swap3A_571], %swap3A_574 {strides = array<i32>} : memref<8x128xi32, #tpu.memory_space<vmem>>, vector<1x16xi32>,
    %add3A_575 = arith.constant 640 : i32
    %add3A_576 = arith.addi %mul3A_0, %add3A_575 : i32
    %add3A_577 = arith.constant 64 : i32
    %add3A_578 = arith.addi %add3A_576, %add3A_577 : i32
    %add3A_579 = vector.broadcast %add3A_578 : i32 to vector<16xi32>
    %add3A_580 = arith.addi %iota3A, %add3A_579 : vector<16xi32>
    %swap3A_581 = arith.constant 5 : i32
    %swap3A_582 = arith.index_cast %swap3A_581 : i32 to index
    %swap3A_583 = arith.constant 64 : index
    %swap3A_584 = tpu.vector_load %arg12[%swap3A_582, %swap3A_583] {strides = array<i32>} : memref<8x128xi32, #tpu.memory_space<vmem>>, vector<1x16xi32>,
    %swap3A_585 = vector.shape_cast %swap3A_584 : vector<1x16xi32> to vector<16xi32>
    %swap3A_586 = vector.shape_cast %add3A_580 : vector<16xi32> to vector<1x16xi32>
    tpu.vector_store %arg12[%swap3A_582, %swap3A_583], %swap3A_586 {strides = array<i32>} : memref<8x128xi32, #tpu.memory_space<vmem>>, vector<1x16xi32>,
    %add3A_587 = arith.constant 640 : i32
    %add3A_588 = arith.addi %mul3A_0, %add3A_587 : i32
    %add3A_589 = arith.constant 80 : i32
    %add3A_590 = arith.addi %add3A_588, %add3A_589 : i32
    %add3A_591 = vector.broadcast %add3A_590 : i32 to vector<16xi32>
    %add3A_592 = arith.addi %iota3A, %add3A_591 : vector<16xi32>
    %swap3A_593 = arith.constant 5 : i32
    %swap3A_594 = arith.index_cast %swap3A_593 : i32 to index
    %swap3A_595 = arith.constant 80 : index
    %swap3A_596 = tpu.vector_load %arg12[%swap3A_594, %swap3A_595] {strides = array<i32>} : memref<8x128xi32, #tpu.memory_space<vmem>>, vector<1x16xi32>,
    %swap3A_597 = vector.shape_cast %swap3A_596 : vector<1x16xi32> to vector<16xi32>
    %swap3A_598 = vector.shape_cast %add3A_592 : vector<16xi32> to vector<1x16xi32>
    tpu.vector_store %arg12[%swap3A_594, %swap3A_595], %swap3A_598 {strides = array<i32>} : memref<8x128xi32, #tpu.memory_space<vmem>>, vector<1x16xi32>,
    %add3A_599 = arith.constant 640 : i32
    %add3A_600 = arith.addi %mul3A_0, %add3A_599 : i32
    %add3A_601 = arith.constant 96 : i32
    %add3A_602 = arith.addi %add3A_600, %add3A_601 : i32
    %add3A_603 = vector.broadcast %add3A_602 : i32 to vector<16xi32>
    %add3A_604 = arith.addi %iota3A, %add3A_603 : vector<16xi32>
    %swap3A_605 = arith.constant 5 : i32
    %swap3A_606 = arith.index_cast %swap3A_605 : i32 to index
    %swap3A_607 = arith.constant 96 : index
    %swap3A_608 = tpu.vector_load %arg12[%swap3A_606, %swap3A_607] {strides = array<i32>} : memref<8x128xi32, #tpu.memory_space<vmem>>, vector<1x16xi32>,
    %swap3A_609 = vector.shape_cast %swap3A_608 : vector<1x16xi32> to vector<16xi32>
    %swap3A_610 = vector.shape_cast %add3A_604 : vector<16xi32> to vector<1x16xi32>
    tpu.vector_store %arg12[%swap3A_606, %swap3A_607], %swap3A_610 {strides = array<i32>} : memref<8x128xi32, #tpu.memory_space<vmem>>, vector<1x16xi32>,
    %add3A_611 = arith.constant 640 : i32
    %add3A_612 = arith.addi %mul3A_0, %add3A_611 : i32
    %add3A_613 = arith.constant 112 : i32
    %add3A_614 = arith.addi %add3A_612, %add3A_613 : i32
    %add3A_615 = vector.broadcast %add3A_614 : i32 to vector<16xi32>
    %add3A_616 = arith.addi %iota3A, %add3A_615 : vector<16xi32>
    %swap3A_617 = arith.constant 5 : i32
    %swap3A_618 = arith.index_cast %swap3A_617 : i32 to index
    %swap3A_619 = arith.constant 112 : index
    %swap3A_620 = tpu.vector_load %arg12[%swap3A_618, %swap3A_619] {strides = array<i32>} : memref<8x128xi32, #tpu.memory_space<vmem>>, vector<1x16xi32>,
    %swap3A_621 = vector.shape_cast %swap3A_620 : vector<1x16xi32> to vector<16xi32>
    %swap3A_622 = vector.shape_cast %add3A_616 : vector<16xi32> to vector<1x16xi32>
    tpu.vector_store %arg12[%swap3A_618, %swap3A_619], %swap3A_622 {strides = array<i32>} : memref<8x128xi32, #tpu.memory_space<vmem>>, vector<1x16xi32>,
    %add3A_623 = arith.constant 768 : i32
    %add3A_624 = arith.addi %mul3A_0, %add3A_623 : i32
    %add3A_625 = arith.constant 0 : i32
    %add3A_626 = arith.addi %add3A_624, %add3A_625 : i32
    %add3A_627 = vector.broadcast %add3A_626 : i32 to vector<16xi32>
    %add3A_628 = arith.addi %iota3A, %add3A_627 : vector<16xi32>
    %swap3A_629 = arith.constant 6 : i32
    %swap3A_630 = arith.index_cast %swap3A_629 : i32 to index
    %swap3A_631 = arith.constant 0 : index
    %swap3A_632 = tpu.vector_load %arg12[%swap3A_630, %swap3A_631] {strides = array<i32>} : memref<8x128xi32, #tpu.memory_space<vmem>>, vector<1x16xi32>,
    %swap3A_633 = vector.shape_cast %swap3A_632 : vector<1x16xi32> to vector<16xi32>
    %swap3A_634 = vector.shape_cast %add3A_628 : vector<16xi32> to vector<1x16xi32>
    tpu.vector_store %arg12[%swap3A_630, %swap3A_631], %swap3A_634 {strides = array<i32>} : memref<8x128xi32, #tpu.memory_space<vmem>>, vector<1x16xi32>,
    %add3A_635 = arith.constant 768 : i32
    %add3A_636 = arith.addi %mul3A_0, %add3A_635 : i32
    %add3A_637 = arith.constant 16 : i32
    %add3A_638 = arith.addi %add3A_636, %add3A_637 : i32
    %add3A_639 = vector.broadcast %add3A_638 : i32 to vector<16xi32>
    %add3A_640 = arith.addi %iota3A, %add3A_639 : vector<16xi32>
    %swap3A_641 = arith.constant 6 : i32
    %swap3A_642 = arith.index_cast %swap3A_641 : i32 to index
    %swap3A_643 = arith.constant 16 : index
    %swap3A_644 = tpu.vector_load %arg12[%swap3A_642, %swap3A_643] {strides = array<i32>} : memref<8x128xi32, #tpu.memory_space<vmem>>, vector<1x16xi32>,
    %swap3A_645 = vector.shape_cast %swap3A_644 : vector<1x16xi32> to vector<16xi32>
    %swap3A_646 = vector.shape_cast %add3A_640 : vector<16xi32> to vector<1x16xi32>
    tpu.vector_store %arg12[%swap3A_642, %swap3A_643], %swap3A_646 {strides = array<i32>} : memref<8x128xi32, #tpu.memory_space<vmem>>, vector<1x16xi32>,
    %add3A_647 = arith.constant 768 : i32
    %add3A_648 = arith.addi %mul3A_0, %add3A_647 : i32
    %add3A_649 = arith.constant 32 : i32
    %add3A_650 = arith.addi %add3A_648, %add3A_649 : i32
    %add3A_651 = vector.broadcast %add3A_650 : i32 to vector<16xi32>
    %add3A_652 = arith.addi %iota3A, %add3A_651 : vector<16xi32>
    %swap3A_653 = arith.constant 6 : i32
    %swap3A_654 = arith.index_cast %swap3A_653 : i32 to index
    %swap3A_655 = arith.constant 32 : index
    %swap3A_656 = tpu.vector_load %arg12[%swap3A_654, %swap3A_655] {strides = array<i32>} : memref<8x128xi32, #tpu.memory_space<vmem>>, vector<1x16xi32>,
    %swap3A_657 = vector.shape_cast %swap3A_656 : vector<1x16xi32> to vector<16xi32>
    %swap3A_658 = vector.shape_cast %add3A_652 : vector<16xi32> to vector<1x16xi32>
    tpu.vector_store %arg12[%swap3A_654, %swap3A_655], %swap3A_658 {strides = array<i32>} : memref<8x128xi32, #tpu.memory_space<vmem>>, vector<1x16xi32>,
    %add3A_659 = arith.constant 768 : i32
    %add3A_660 = arith.addi %mul3A_0, %add3A_659 : i32
    %add3A_661 = arith.constant 48 : i32
    %add3A_662 = arith.addi %add3A_660, %add3A_661 : i32
    %add3A_663 = vector.broadcast %add3A_662 : i32 to vector<16xi32>
    %add3A_664 = arith.addi %iota3A, %add3A_663 : vector<16xi32>
    %swap3A_665 = arith.constant 6 : i32
    %swap3A_666 = arith.index_cast %swap3A_665 : i32 to index
    %swap3A_667 = arith.constant 48 : index
    %swap3A_668 = tpu.vector_load %arg12[%swap3A_666, %swap3A_667] {strides = array<i32>} : memref<8x128xi32, #tpu.memory_space<vmem>>, vector<1x16xi32>,
    %swap3A_669 = vector.shape_cast %swap3A_668 : vector<1x16xi32> to vector<16xi32>
    %swap3A_670 = vector.shape_cast %add3A_664 : vector<16xi32> to vector<1x16xi32>
    tpu.vector_store %arg12[%swap3A_666, %swap3A_667], %swap3A_670 {strides = array<i32>} : memref<8x128xi32, #tpu.memory_space<vmem>>, vector<1x16xi32>,
    %add3A_671 = arith.constant 768 : i32
    %add3A_672 = arith.addi %mul3A_0, %add3A_671 : i32
    %add3A_673 = arith.constant 64 : i32
    %add3A_674 = arith.addi %add3A_672, %add3A_673 : i32
    %add3A_675 = vector.broadcast %add3A_674 : i32 to vector<16xi32>
    %add3A_676 = arith.addi %iota3A, %add3A_675 : vector<16xi32>
    %swap3A_677 = arith.constant 6 : i32
    %swap3A_678 = arith.index_cast %swap3A_677 : i32 to index
    %swap3A_679 = arith.constant 64 : index
    %swap3A_680 = tpu.vector_load %arg12[%swap3A_678, %swap3A_679] {strides = array<i32>} : memref<8x128xi32, #tpu.memory_space<vmem>>, vector<1x16xi32>,
    %swap3A_681 = vector.shape_cast %swap3A_680 : vector<1x16xi32> to vector<16xi32>
    %swap3A_682 = vector.shape_cast %add3A_676 : vector<16xi32> to vector<1x16xi32>
    tpu.vector_store %arg12[%swap3A_678, %swap3A_679], %swap3A_682 {strides = array<i32>} : memref<8x128xi32, #tpu.memory_space<vmem>>, vector<1x16xi32>,
    %add3A_683 = arith.constant 768 : i32
    %add3A_684 = arith.addi %mul3A_0, %add3A_683 : i32
    %add3A_685 = arith.constant 80 : i32
    %add3A_686 = arith.addi %add3A_684, %add3A_685 : i32
    %add3A_687 = vector.broadcast %add3A_686 : i32 to vector<16xi32>
    %add3A_688 = arith.addi %iota3A, %add3A_687 : vector<16xi32>
    %swap3A_689 = arith.constant 6 : i32
    %swap3A_690 = arith.index_cast %swap3A_689 : i32 to index
    %swap3A_691 = arith.constant 80 : index
    %swap3A_692 = tpu.vector_load %arg12[%swap3A_690, %swap3A_691] {strides = array<i32>} : memref<8x128xi32, #tpu.memory_space<vmem>>, vector<1x16xi32>,
    %swap3A_693 = vector.shape_cast %swap3A_692 : vector<1x16xi32> to vector<16xi32>
    %swap3A_694 = vector.shape_cast %add3A_688 : vector<16xi32> to vector<1x16xi32>
    tpu.vector_store %arg12[%swap3A_690, %swap3A_691], %swap3A_694 {strides = array<i32>} : memref<8x128xi32, #tpu.memory_space<vmem>>, vector<1x16xi32>,
    %add3A_695 = arith.constant 768 : i32
    %add3A_696 = arith.addi %mul3A_0, %add3A_695 : i32
    %add3A_697 = arith.constant 96 : i32
    %add3A_698 = arith.addi %add3A_696, %add3A_697 : i32
    %add3A_699 = vector.broadcast %add3A_698 : i32 to vector<16xi32>
    %add3A_700 = arith.addi %iota3A, %add3A_699 : vector<16xi32>
    %swap3A_701 = arith.constant 6 : i32
    %swap3A_702 = arith.index_cast %swap3A_701 : i32 to index
    %swap3A_703 = arith.constant 96 : index
    %swap3A_704 = tpu.vector_load %arg12[%swap3A_702, %swap3A_703] {strides = array<i32>} : memref<8x128xi32, #tpu.memory_space<vmem>>, vector<1x16xi32>,
    %swap3A_705 = vector.shape_cast %swap3A_704 : vector<1x16xi32> to vector<16xi32>
    %swap3A_706 = vector.shape_cast %add3A_700 : vector<16xi32> to vector<1x16xi32>
    tpu.vector_store %arg12[%swap3A_702, %swap3A_703], %swap3A_706 {strides = array<i32>} : memref<8x128xi32, #tpu.memory_space<vmem>>, vector<1x16xi32>,
    %add3A_707 = arith.constant 768 : i32
    %add3A_708 = arith.addi %mul3A_0, %add3A_707 : i32
    %add3A_709 = arith.constant 112 : i32
    %add3A_710 = arith.addi %add3A_708, %add3A_709 : i32
    %add3A_711 = vector.broadcast %add3A_710 : i32 to vector<16xi32>
    %add3A_712 = arith.addi %iota3A, %add3A_711 : vector<16xi32>
    %swap3A_713 = arith.constant 6 : i32
    %swap3A_714 = arith.index_cast %swap3A_713 : i32 to index
    %swap3A_715 = arith.constant 112 : index
    %swap3A_716 = tpu.vector_load %arg12[%swap3A_714, %swap3A_715] {strides = array<i32>} : memref<8x128xi32, #tpu.memory_space<vmem>>, vector<1x16xi32>,
    %swap3A_717 = vector.shape_cast %swap3A_716 : vector<1x16xi32> to vector<16xi32>
    %swap3A_718 = vector.shape_cast %add3A_712 : vector<16xi32> to vector<1x16xi32>
    tpu.vector_store %arg12[%swap3A_714, %swap3A_715], %swap3A_718 {strides = array<i32>} : memref<8x128xi32, #tpu.memory_space<vmem>>, vector<1x16xi32>,
    %add3A_719 = arith.constant 896 : i32
    %add3A_720 = arith.addi %mul3A_0, %add3A_719 : i32
    %add3A_721 = arith.constant 0 : i32
    %add3A_722 = arith.addi %add3A_720, %add3A_721 : i32
    %add3A_723 = vector.broadcast %add3A_722 : i32 to vector<16xi32>
    %add3A_724 = arith.addi %iota3A, %add3A_723 : vector<16xi32>
    %swap3A_725 = arith.constant 7 : i32
    %swap3A_726 = arith.index_cast %swap3A_725 : i32 to index
    %swap3A_727 = arith.constant 0 : index
    %swap3A_728 = tpu.vector_load %arg12[%swap3A_726, %swap3A_727] {strides = array<i32>} : memref<8x128xi32, #tpu.memory_space<vmem>>, vector<1x16xi32>,
    %swap3A_729 = vector.shape_cast %swap3A_728 : vector<1x16xi32> to vector<16xi32>
    %swap3A_730 = vector.shape_cast %add3A_724 : vector<16xi32> to vector<1x16xi32>
    tpu.vector_store %arg12[%swap3A_726, %swap3A_727], %swap3A_730 {strides = array<i32>} : memref<8x128xi32, #tpu.memory_space<vmem>>, vector<1x16xi32>,
    %add3A_731 = arith.constant 896 : i32
    %add3A_732 = arith.addi %mul3A_0, %add3A_731 : i32
    %add3A_733 = arith.constant 16 : i32
    %add3A_734 = arith.addi %add3A_732, %add3A_733 : i32
    %add3A_735 = vector.broadcast %add3A_734 : i32 to vector<16xi32>
    %add3A_736 = arith.addi %iota3A, %add3A_735 : vector<16xi32>
    %swap3A_737 = arith.constant 7 : i32
    %swap3A_738 = arith.index_cast %swap3A_737 : i32 to index
    %swap3A_739 = arith.constant 16 : index
    %swap3A_740 = tpu.vector_load %arg12[%swap3A_738, %swap3A_739] {strides = array<i32>} : memref<8x128xi32, #tpu.memory_space<vmem>>, vector<1x16xi32>,
    %swap3A_741 = vector.shape_cast %swap3A_740 : vector<1x16xi32> to vector<16xi32>
    %swap3A_742 = vector.shape_cast %add3A_736 : vector<16xi32> to vector<1x16xi32>
    tpu.vector_store %arg12[%swap3A_738, %swap3A_739], %swap3A_742 {strides = array<i32>} : memref<8x128xi32, #tpu.memory_space<vmem>>, vector<1x16xi32>,
    %add3A_743 = arith.constant 896 : i32
    %add3A_744 = arith.addi %mul3A_0, %add3A_743 : i32
    %add3A_745 = arith.constant 32 : i32
    %add3A_746 = arith.addi %add3A_744, %add3A_745 : i32
    %add3A_747 = vector.broadcast %add3A_746 : i32 to vector<16xi32>
    %add3A_748 = arith.addi %iota3A, %add3A_747 : vector<16xi32>
    %swap3A_749 = arith.constant 7 : i32
    %swap3A_750 = arith.index_cast %swap3A_749 : i32 to index
    %swap3A_751 = arith.constant 32 : index
    %swap3A_752 = tpu.vector_load %arg12[%swap3A_750, %swap3A_751] {strides = array<i32>} : memref<8x128xi32, #tpu.memory_space<vmem>>, vector<1x16xi32>,
    %swap3A_753 = vector.shape_cast %swap3A_752 : vector<1x16xi32> to vector<16xi32>
    %swap3A_754 = vector.shape_cast %add3A_748 : vector<16xi32> to vector<1x16xi32>
    tpu.vector_store %arg12[%swap3A_750, %swap3A_751], %swap3A_754 {strides = array<i32>} : memref<8x128xi32, #tpu.memory_space<vmem>>, vector<1x16xi32>,
    %add3A_755 = arith.constant 896 : i32
    %add3A_756 = arith.addi %mul3A_0, %add3A_755 : i32
    %add3A_757 = arith.constant 48 : i32
    %add3A_758 = arith.addi %add3A_756, %add3A_757 : i32
    %add3A_759 = vector.broadcast %add3A_758 : i32 to vector<16xi32>
    %add3A_760 = arith.addi %iota3A, %add3A_759 : vector<16xi32>
    %swap3A_761 = arith.constant 7 : i32
    %swap3A_762 = arith.index_cast %swap3A_761 : i32 to index
    %swap3A_763 = arith.constant 48 : index
    %swap3A_764 = tpu.vector_load %arg12[%swap3A_762, %swap3A_763] {strides = array<i32>} : memref<8x128xi32, #tpu.memory_space<vmem>>, vector<1x16xi32>,
    %swap3A_765 = vector.shape_cast %swap3A_764 : vector<1x16xi32> to vector<16xi32>
    %swap3A_766 = vector.shape_cast %add3A_760 : vector<16xi32> to vector<1x16xi32>
    tpu.vector_store %arg12[%swap3A_762, %swap3A_763], %swap3A_766 {strides = array<i32>} : memref<8x128xi32, #tpu.memory_space<vmem>>, vector<1x16xi32>,
    %add3A_767 = arith.constant 896 : i32
    %add3A_768 = arith.addi %mul3A_0, %add3A_767 : i32
    %add3A_769 = arith.constant 64 : i32
    %add3A_770 = arith.addi %add3A_768, %add3A_769 : i32
    %add3A_771 = vector.broadcast %add3A_770 : i32 to vector<16xi32>
    %add3A_772 = arith.addi %iota3A, %add3A_771 : vector<16xi32>
    %swap3A_773 = arith.constant 7 : i32
    %swap3A_774 = arith.index_cast %swap3A_773 : i32 to index
    %swap3A_775 = arith.constant 64 : index
    %swap3A_776 = tpu.vector_load %arg12[%swap3A_774, %swap3A_775] {strides = array<i32>} : memref<8x128xi32, #tpu.memory_space<vmem>>, vector<1x16xi32>,
    %swap3A_777 = vector.shape_cast %swap3A_776 : vector<1x16xi32> to vector<16xi32>
    %swap3A_778 = vector.shape_cast %add3A_772 : vector<16xi32> to vector<1x16xi32>
    tpu.vector_store %arg12[%swap3A_774, %swap3A_775], %swap3A_778 {strides = array<i32>} : memref<8x128xi32, #tpu.memory_space<vmem>>, vector<1x16xi32>,
    %add3A_779 = arith.constant 896 : i32
    %add3A_780 = arith.addi %mul3A_0, %add3A_779 : i32
    %add3A_781 = arith.constant 80 : i32
    %add3A_782 = arith.addi %add3A_780, %add3A_781 : i32
    %add3A_783 = vector.broadcast %add3A_782 : i32 to vector<16xi32>
    %add3A_784 = arith.addi %iota3A, %add3A_783 : vector<16xi32>
    %swap3A_785 = arith.constant 7 : i32
    %swap3A_786 = arith.index_cast %swap3A_785 : i32 to index
    %swap3A_787 = arith.constant 80 : index
    %swap3A_788 = tpu.vector_load %arg12[%swap3A_786, %swap3A_787] {strides = array<i32>} : memref<8x128xi32, #tpu.memory_space<vmem>>, vector<1x16xi32>,
    %swap3A_789 = vector.shape_cast %swap3A_788 : vector<1x16xi32> to vector<16xi32>
    %swap3A_790 = vector.shape_cast %add3A_784 : vector<16xi32> to vector<1x16xi32>
    tpu.vector_store %arg12[%swap3A_786, %swap3A_787], %swap3A_790 {strides = array<i32>} : memref<8x128xi32, #tpu.memory_space<vmem>>, vector<1x16xi32>,
    %add3A_791 = arith.constant 896 : i32
    %add3A_792 = arith.addi %mul3A_0, %add3A_791 : i32
    %add3A_793 = arith.constant 96 : i32
    %add3A_794 = arith.addi %add3A_792, %add3A_793 : i32
    %add3A_795 = vector.broadcast %add3A_794 : i32 to vector<16xi32>
    %add3A_796 = arith.addi %iota3A, %add3A_795 : vector<16xi32>
    %swap3A_797 = arith.constant 7 : i32
    %swap3A_798 = arith.index_cast %swap3A_797 : i32 to index
    %swap3A_799 = arith.constant 96 : index
    %swap3A_800 = tpu.vector_load %arg12[%swap3A_798, %swap3A_799] {strides = array<i32>} : memref<8x128xi32, #tpu.memory_space<vmem>>, vector<1x16xi32>,
    %swap3A_801 = vector.shape_cast %swap3A_800 : vector<1x16xi32> to vector<16xi32>
    %swap3A_802 = vector.shape_cast %add3A_796 : vector<16xi32> to vector<1x16xi32>
    tpu.vector_store %arg12[%swap3A_798, %swap3A_799], %swap3A_802 {strides = array<i32>} : memref<8x128xi32, #tpu.memory_space<vmem>>, vector<1x16xi32>,
    %add3A_803 = arith.constant 896 : i32
    %add3A_804 = arith.addi %mul3A_0, %add3A_803 : i32
    %add3A_805 = arith.constant 112 : i32
    %add3A_806 = arith.addi %add3A_804, %add3A_805 : i32
    %add3A_807 = vector.broadcast %add3A_806 : i32 to vector<16xi32>
    %add3A_808 = arith.addi %iota3A, %add3A_807 : vector<16xi32>
    %swap3A_809 = arith.constant 7 : i32
    %swap3A_810 = arith.index_cast %swap3A_809 : i32 to index
    %swap3A_811 = arith.constant 112 : index
    %swap3A_812 = tpu.vector_load %arg12[%swap3A_810, %swap3A_811] {strides = array<i32>} : memref<8x128xi32, #tpu.memory_space<vmem>>, vector<1x16xi32>,
    %swap3A_813 = vector.shape_cast %swap3A_812 : vector<1x16xi32> to vector<16xi32>
    %swap3A_814 = vector.shape_cast %add3A_808 : vector<16xi32> to vector<1x16xi32>
    tpu.vector_store %arg12[%swap3A_810, %swap3A_811], %swap3A_814 {strides = array<i32>} : memref<8x128xi32, #tpu.memory_space<vmem>>, vector<1x16xi32>,
    %dma_start3A_815 = arith.constant 0 : i32
    %dma_start3A_816 = arith.constant 0 : i32
    %dma_start3A_817 = arith.constant 0 : i32
    %dma_start3A_818 = tpu.memref_slice %arg12[%dma_start3A_815, %dma_start3A_817] : memref<8x128xi32, #tpu.memory_space<vmem>> -> memref<1x128xi32, #tpu.memory_space<vmem>>
    %dma_start3A_819 = tpu.memref_squeeze %dma_start3A_818 : memref<1x128xi32, #tpu.memory_space<vmem>> -> memref<128xi32, #tpu.memory_space<vmem>>
    %dma_start3A_820 = arith.constant 0 : i32
    %dma_start3A_821 = tpu.memref_slice %arg9[%dma_start3A_816, %dma_start3A_820] : memref<8x128xi32, #tpu.memory_space<vmem>> -> memref<1x128xi32, #tpu.memory_space<vmem>>
    %dma_start3A_822 = tpu.memref_squeeze %dma_start3A_821 : memref<1x128xi32, #tpu.memory_space<vmem>> -> memref<128xi32, #tpu.memory_space<vmem>>
    %dma_start3A_823 = arith.constant 0 : i32
    %dma_start3A_824 = tpu.memref_slice %arg7[%dma_start3A_823] : memref<1000000xi32, #tpu.memory_space<hbm>> -> memref<1000000xi32, #tpu.memory_space<hbm>>
    tpu.enqueue_indirect_dma source(%dma_start3A_819 : memref<128xi32, #tpu.memory_space<vmem>>) target(%dma_start3A_824 : memref<1000000xi32, #tpu.memory_space<hbm>>) offsets(%dma_start3A_822 : memref<128xi32, #tpu.memory_space<vmem>>) semaphore(%arg16 : memref<!tpu.dma_semaphore, #tpu.memory_space<semaphore_mem>>)
    %dma_start3A_825 = arith.constant 1 : i32
    %dma_start3A_826 = arith.constant 1 : i32
    %dma_start3A_827 = arith.constant 0 : i32
    %dma_start3A_828 = tpu.memref_slice %arg12[%dma_start3A_825, %dma_start3A_827] : memref<8x128xi32, #tpu.memory_space<vmem>> -> memref<1x128xi32, #tpu.memory_space<vmem>>
    %dma_start3A_829 = tpu.memref_squeeze %dma_start3A_828 : memref<1x128xi32, #tpu.memory_space<vmem>> -> memref<128xi32, #tpu.memory_space<vmem>>
    %dma_start3A_830 = arith.constant 0 : i32
    %dma_start3A_831 = tpu.memref_slice %arg9[%dma_start3A_826, %dma_start3A_830] : memref<8x128xi32, #tpu.memory_space<vmem>> -> memref<1x128xi32, #tpu.memory_space<vmem>>
    %dma_start3A_832 = tpu.memref_squeeze %dma_start3A_831 : memref<1x128xi32, #tpu.memory_space<vmem>> -> memref<128xi32, #tpu.memory_space<vmem>>
    %dma_start3A_833 = arith.constant 0 : i32
    %dma_start3A_834 = tpu.memref_slice %arg7[%dma_start3A_833] : memref<1000000xi32, #tpu.memory_space<hbm>> -> memref<1000000xi32, #tpu.memory_space<hbm>>
    tpu.enqueue_indirect_dma source(%dma_start3A_829 : memref<128xi32, #tpu.memory_space<vmem>>) target(%dma_start3A_834 : memref<1000000xi32, #tpu.memory_space<hbm>>) offsets(%dma_start3A_832 : memref<128xi32, #tpu.memory_space<vmem>>) semaphore(%arg16 : memref<!tpu.dma_semaphore, #tpu.memory_space<semaphore_mem>>)
    %dma_start3A_835 = arith.constant 2 : i32
    %dma_start3A_836 = arith.constant 2 : i32
    %dma_start3A_837 = arith.constant 0 : i32
    %dma_start3A_838 = tpu.memref_slice %arg12[%dma_start3A_835, %dma_start3A_837] : memref<8x128xi32, #tpu.memory_space<vmem>> -> memref<1x128xi32, #tpu.memory_space<vmem>>
    %dma_start3A_839 = tpu.memref_squeeze %dma_start3A_838 : memref<1x128xi32, #tpu.memory_space<vmem>> -> memref<128xi32, #tpu.memory_space<vmem>>
    %dma_start3A_840 = arith.constant 0 : i32
    %dma_start3A_841 = tpu.memref_slice %arg9[%dma_start3A_836, %dma_start3A_840] : memref<8x128xi32, #tpu.memory_space<vmem>> -> memref<1x128xi32, #tpu.memory_space<vmem>>
    %dma_start3A_842 = tpu.memref_squeeze %dma_start3A_841 : memref<1x128xi32, #tpu.memory_space<vmem>> -> memref<128xi32, #tpu.memory_space<vmem>>
    %dma_start3A_843 = arith.constant 0 : i32
    %dma_start3A_844 = tpu.memref_slice %arg7[%dma_start3A_843] : memref<1000000xi32, #tpu.memory_space<hbm>> -> memref<1000000xi32, #tpu.memory_space<hbm>>
    tpu.enqueue_indirect_dma source(%dma_start3A_839 : memref<128xi32, #tpu.memory_space<vmem>>) target(%dma_start3A_844 : memref<1000000xi32, #tpu.memory_space<hbm>>) offsets(%dma_start3A_842 : memref<128xi32, #tpu.memory_space<vmem>>) semaphore(%arg16 : memref<!tpu.dma_semaphore, #tpu.memory_space<semaphore_mem>>)
    %dma_start3A_845 = arith.constant 3 : i32
    %dma_start3A_846 = arith.constant 3 : i32
    %dma_start3A_847 = arith.constant 0 : i32
    %dma_start3A_848 = tpu.memref_slice %arg12[%dma_start3A_845, %dma_start3A_847] : memref<8x128xi32, #tpu.memory_space<vmem>> -> memref<1x128xi32, #tpu.memory_space<vmem>>
    %dma_start3A_849 = tpu.memref_squeeze %dma_start3A_848 : memref<1x128xi32, #tpu.memory_space<vmem>> -> memref<128xi32, #tpu.memory_space<vmem>>
    %dma_start3A_850 = arith.constant 0 : i32
    %dma_start3A_851 = tpu.memref_slice %arg9[%dma_start3A_846, %dma_start3A_850] : memref<8x128xi32, #tpu.memory_space<vmem>> -> memref<1x128xi32, #tpu.memory_space<vmem>>
    %dma_start3A_852 = tpu.memref_squeeze %dma_start3A_851 : memref<1x128xi32, #tpu.memory_space<vmem>> -> memref<128xi32, #tpu.memory_space<vmem>>
    %dma_start3A_853 = arith.constant 0 : i32
    %dma_start3A_854 = tpu.memref_slice %arg7[%dma_start3A_853] : memref<1000000xi32, #tpu.memory_space<hbm>> -> memref<1000000xi32, #tpu.memory_space<hbm>>
    tpu.enqueue_indirect_dma source(%dma_start3A_849 : memref<128xi32, #tpu.memory_space<vmem>>) target(%dma_start3A_854 : memref<1000000xi32, #tpu.memory_space<hbm>>) offsets(%dma_start3A_852 : memref<128xi32, #tpu.memory_space<vmem>>) semaphore(%arg16 : memref<!tpu.dma_semaphore, #tpu.memory_space<semaphore_mem>>)
    %dma_start3A_855 = arith.constant 4 : i32
    %dma_start3A_856 = arith.constant 4 : i32
    %dma_start3A_857 = arith.constant 0 : i32
    %dma_start3A_858 = tpu.memref_slice %arg12[%dma_start3A_855, %dma_start3A_857] : memref<8x128xi32, #tpu.memory_space<vmem>> -> memref<1x128xi32, #tpu.memory_space<vmem>>
    %dma_start3A_859 = tpu.memref_squeeze %dma_start3A_858 : memref<1x128xi32, #tpu.memory_space<vmem>> -> memref<128xi32, #tpu.memory_space<vmem>>
    %dma_start3A_860 = arith.constant 0 : i32
    %dma_start3A_861 = tpu.memref_slice %arg9[%dma_start3A_856, %dma_start3A_860] : memref<8x128xi32, #tpu.memory_space<vmem>> -> memref<1x128xi32, #tpu.memory_space<vmem>>
    %dma_start3A_862 = tpu.memref_squeeze %dma_start3A_861 : memref<1x128xi32, #tpu.memory_space<vmem>> -> memref<128xi32, #tpu.memory_space<vmem>>
    %dma_start3A_863 = arith.constant 0 : i32
    %dma_start3A_864 = tpu.memref_slice %arg7[%dma_start3A_863] : memref<1000000xi32, #tpu.memory_space<hbm>> -> memref<1000000xi32, #tpu.memory_space<hbm>>
    tpu.enqueue_indirect_dma source(%dma_start3A_859 : memref<128xi32, #tpu.memory_space<vmem>>) target(%dma_start3A_864 : memref<1000000xi32, #tpu.memory_space<hbm>>) offsets(%dma_start3A_862 : memref<128xi32, #tpu.memory_space<vmem>>) semaphore(%arg16 : memref<!tpu.dma_semaphore, #tpu.memory_space<semaphore_mem>>)
    %dma_start3A_865 = arith.constant 5 : i32
    %dma_start3A_866 = arith.constant 5 : i32
    %dma_start3A_867 = arith.constant 0 : i32
    %dma_start3A_868 = tpu.memref_slice %arg12[%dma_start3A_865, %dma_start3A_867] : memref<8x128xi32, #tpu.memory_space<vmem>> -> memref<1x128xi32, #tpu.memory_space<vmem>>
    %dma_start3A_869 = tpu.memref_squeeze %dma_start3A_868 : memref<1x128xi32, #tpu.memory_space<vmem>> -> memref<128xi32, #tpu.memory_space<vmem>>
    %dma_start3A_870 = arith.constant 0 : i32
    %dma_start3A_871 = tpu.memref_slice %arg9[%dma_start3A_866, %dma_start3A_870] : memref<8x128xi32, #tpu.memory_space<vmem>> -> memref<1x128xi32, #tpu.memory_space<vmem>>
    %dma_start3A_872 = tpu.memref_squeeze %dma_start3A_871 : memref<1x128xi32, #tpu.memory_space<vmem>> -> memref<128xi32, #tpu.memory_space<vmem>>
    %dma_start3A_873 = arith.constant 0 : i32
    %dma_start3A_874 = tpu.memref_slice %arg7[%dma_start3A_873] : memref<1000000xi32, #tpu.memory_space<hbm>> -> memref<1000000xi32, #tpu.memory_space<hbm>>
    tpu.enqueue_indirect_dma source(%dma_start3A_869 : memref<128xi32, #tpu.memory_space<vmem>>) target(%dma_start3A_874 : memref<1000000xi32, #tpu.memory_space<hbm>>) offsets(%dma_start3A_872 : memref<128xi32, #tpu.memory_space<vmem>>) semaphore(%arg16 : memref<!tpu.dma_semaphore, #tpu.memory_space<semaphore_mem>>)
    %dma_start3A_875 = arith.constant 6 : i32
    %dma_start3A_876 = arith.constant 6 : i32
    %dma_start3A_877 = arith.constant 0 : i32
    %dma_start3A_878 = tpu.memref_slice %arg12[%dma_start3A_875, %dma_start3A_877] : memref<8x128xi32, #tpu.memory_space<vmem>> -> memref<1x128xi32, #tpu.memory_space<vmem>>
    %dma_start3A_879 = tpu.memref_squeeze %dma_start3A_878 : memref<1x128xi32, #tpu.memory_space<vmem>> -> memref<128xi32, #tpu.memory_space<vmem>>
    %dma_start3A_880 = arith.constant 0 : i32
    %dma_start3A_881 = tpu.memref_slice %arg9[%dma_start3A_876, %dma_start3A_880] : memref<8x128xi32, #tpu.memory_space<vmem>> -> memref<1x128xi32, #tpu.memory_space<vmem>>
    %dma_start3A_882 = tpu.memref_squeeze %dma_start3A_881 : memref<1x128xi32, #tpu.memory_space<vmem>> -> memref<128xi32, #tpu.memory_space<vmem>>
    %dma_start3A_883 = arith.constant 0 : i32
    %dma_start3A_884 = tpu.memref_slice %arg7[%dma_start3A_883] : memref<1000000xi32, #tpu.memory_space<hbm>> -> memref<1000000xi32, #tpu.memory_space<hbm>>
    tpu.enqueue_indirect_dma source(%dma_start3A_879 : memref<128xi32, #tpu.memory_space<vmem>>) target(%dma_start3A_884 : memref<1000000xi32, #tpu.memory_space<hbm>>) offsets(%dma_start3A_882 : memref<128xi32, #tpu.memory_space<vmem>>) semaphore(%arg16 : memref<!tpu.dma_semaphore, #tpu.memory_space<semaphore_mem>>)
    %dma_start3A_885 = arith.constant 7 : i32
    %dma_start3A_886 = arith.constant 7 : i32
    %dma_start3A_887 = arith.constant 0 : i32
    %dma_start3A_888 = tpu.memref_slice %arg12[%dma_start3A_885, %dma_start3A_887] : memref<8x128xi32, #tpu.memory_space<vmem>> -> memref<1x128xi32, #tpu.memory_space<vmem>>
    %dma_start3A_889 = tpu.memref_squeeze %dma_start3A_888 : memref<1x128xi32, #tpu.memory_space<vmem>> -> memref<128xi32, #tpu.memory_space<vmem>>
    %dma_start3A_890 = arith.constant 0 : i32
    %dma_start3A_891 = tpu.memref_slice %arg9[%dma_start3A_886, %dma_start3A_890] : memref<8x128xi32, #tpu.memory_space<vmem>> -> memref<1x128xi32, #tpu.memory_space<vmem>>
    %dma_start3A_892 = tpu.memref_squeeze %dma_start3A_891 : memref<1x128xi32, #tpu.memory_space<vmem>> -> memref<128xi32, #tpu.memory_space<vmem>>
    %dma_start3A_893 = arith.constant 0 : i32
    %dma_start3A_894 = tpu.memref_slice %arg7[%dma_start3A_893] : memref<1000000xi32, #tpu.memory_space<hbm>> -> memref<1000000xi32, #tpu.memory_space<hbm>>
    tpu.enqueue_indirect_dma source(%dma_start3A_889 : memref<128xi32, #tpu.memory_space<vmem>>) target(%dma_start3A_894 : memref<1000000xi32, #tpu.memory_space<hbm>>) offsets(%dma_start3A_892 : memref<128xi32, #tpu.memory_space<vmem>>) semaphore(%arg16 : memref<!tpu.dma_semaphore, #tpu.memory_space<semaphore_mem>>)
    %dma_start3A_895 = arith.constant 0 : i32
    %dma_start3A_896 = arith.constant 0 : i32
    %dma_start3A_897 = arith.constant 0 : i32
    %dma_start3A_898 = tpu.memref_slice %arg14[%dma_start3A_896, %dma_start3A_897] : memref<1024x16xf32, #tpu.memory_space<vmem>> -> memref<128x16xf32, #tpu.memory_space<vmem>>
    %dma_start3A_899 = arith.constant 0 : i32
    %dma_start3A_900 = tpu.memref_slice %arg9[%dma_start3A_895, %dma_start3A_899] : memref<8x128xi32, #tpu.memory_space<vmem>> -> memref<1x128xi32, #tpu.memory_space<vmem>>
    %dma_start3A_901 = tpu.memref_squeeze %dma_start3A_900 : memref<1x128xi32, #tpu.memory_space<vmem>> -> memref<128xi32, #tpu.memory_space<vmem>>
    %dma_start3A_902 = arith.constant 0 : i32
    %dma_start3A_903 = arith.constant 0 : i32
    %dma_start3A_904 = tpu.memref_slice %arg2[%dma_start3A_902, %dma_start3A_903] : memref<1000000x16xf32, #tpu.memory_space<hbm>> -> memref<1000000x16xf32, #tpu.memory_space<hbm>>
    tpu.enqueue_indirect_dma source(%dma_start3A_904 : memref<1000000x16xf32, #tpu.memory_space<hbm>>) target(%dma_start3A_898 : memref<128x16xf32, #tpu.memory_space<vmem>>) offsets(%dma_start3A_901 : memref<128xi32, #tpu.memory_space<vmem>>) semaphore(%arg16 : memref<!tpu.dma_semaphore, #tpu.memory_space<semaphore_mem>>)
    %dma_start3A_905 = arith.constant 1 : i32
    %dma_start3A_906 = arith.constant 128 : i32
    %dma_start3A_907 = arith.constant 0 : i32
    %dma_start3A_908 = tpu.memref_slice %arg14[%dma_start3A_906, %dma_start3A_907] : memref<1024x16xf32, #tpu.memory_space<vmem>> -> memref<128x16xf32, #tpu.memory_space<vmem>>
    %dma_start3A_909 = arith.constant 0 : i32
    %dma_start3A_910 = tpu.memref_slice %arg9[%dma_start3A_905, %dma_start3A_909] : memref<8x128xi32, #tpu.memory_space<vmem>> -> memref<1x128xi32, #tpu.memory_space<vmem>>
    %dma_start3A_911 = tpu.memref_squeeze %dma_start3A_910 : memref<1x128xi32, #tpu.memory_space<vmem>> -> memref<128xi32, #tpu.memory_space<vmem>>
    %dma_start3A_912 = arith.constant 0 : i32
    %dma_start3A_913 = arith.constant 0 : i32
    %dma_start3A_914 = tpu.memref_slice %arg2[%dma_start3A_912, %dma_start3A_913] : memref<1000000x16xf32, #tpu.memory_space<hbm>> -> memref<1000000x16xf32, #tpu.memory_space<hbm>>
    tpu.enqueue_indirect_dma source(%dma_start3A_914 : memref<1000000x16xf32, #tpu.memory_space<hbm>>) target(%dma_start3A_908 : memref<128x16xf32, #tpu.memory_space<vmem>>) offsets(%dma_start3A_911 : memref<128xi32, #tpu.memory_space<vmem>>) semaphore(%arg16 : memref<!tpu.dma_semaphore, #tpu.memory_space<semaphore_mem>>)
    %dma_start3A_915 = arith.constant 2 : i32
    %dma_start3A_916 = arith.constant 256 : i32
    %dma_start3A_917 = arith.constant 0 : i32
    %dma_start3A_918 = tpu.memref_slice %arg14[%dma_start3A_916, %dma_start3A_917] : memref<1024x16xf32, #tpu.memory_space<vmem>> -> memref<128x16xf32, #tpu.memory_space<vmem>>
    %dma_start3A_919 = arith.constant 0 : i32
    %dma_start3A_920 = tpu.memref_slice %arg9[%dma_start3A_915, %dma_start3A_919] : memref<8x128xi32, #tpu.memory_space<vmem>> -> memref<1x128xi32, #tpu.memory_space<vmem>>
    %dma_start3A_921 = tpu.memref_squeeze %dma_start3A_920 : memref<1x128xi32, #tpu.memory_space<vmem>> -> memref<128xi32, #tpu.memory_space<vmem>>
    %dma_start3A_922 = arith.constant 0 : i32
    %dma_start3A_923 = arith.constant 0 : i32
    %dma_start3A_924 = tpu.memref_slice %arg2[%dma_start3A_922, %dma_start3A_923] : memref<1000000x16xf32, #tpu.memory_space<hbm>> -> memref<1000000x16xf32, #tpu.memory_space<hbm>>
    tpu.enqueue_indirect_dma source(%dma_start3A_924 : memref<1000000x16xf32, #tpu.memory_space<hbm>>) target(%dma_start3A_918 : memref<128x16xf32, #tpu.memory_space<vmem>>) offsets(%dma_start3A_921 : memref<128xi32, #tpu.memory_space<vmem>>) semaphore(%arg16 : memref<!tpu.dma_semaphore, #tpu.memory_space<semaphore_mem>>)
    %dma_start3A_925 = arith.constant 3 : i32
    %dma_start3A_926 = arith.constant 384 : i32
    %dma_start3A_927 = arith.constant 0 : i32
    %dma_start3A_928 = tpu.memref_slice %arg14[%dma_start3A_926, %dma_start3A_927] : memref<1024x16xf32, #tpu.memory_space<vmem>> -> memref<128x16xf32, #tpu.memory_space<vmem>>
    %dma_start3A_929 = arith.constant 0 : i32
    %dma_start3A_930 = tpu.memref_slice %arg9[%dma_start3A_925, %dma_start3A_929] : memref<8x128xi32, #tpu.memory_space<vmem>> -> memref<1x128xi32, #tpu.memory_space<vmem>>
    %dma_start3A_931 = tpu.memref_squeeze %dma_start3A_930 : memref<1x128xi32, #tpu.memory_space<vmem>> -> memref<128xi32, #tpu.memory_space<vmem>>
    %dma_start3A_932 = arith.constant 0 : i32
    %dma_start3A_933 = arith.constant 0 : i32
    %dma_start3A_934 = tpu.memref_slice %arg2[%dma_start3A_932, %dma_start3A_933] : memref<1000000x16xf32, #tpu.memory_space<hbm>> -> memref<1000000x16xf32, #tpu.memory_space<hbm>>
    tpu.enqueue_indirect_dma source(%dma_start3A_934 : memref<1000000x16xf32, #tpu.memory_space<hbm>>) target(%dma_start3A_928 : memref<128x16xf32, #tpu.memory_space<vmem>>) offsets(%dma_start3A_931 : memref<128xi32, #tpu.memory_space<vmem>>) semaphore(%arg16 : memref<!tpu.dma_semaphore, #tpu.memory_space<semaphore_mem>>)
    %dma_start3A_935 = arith.constant 4 : i32
    %dma_start3A_936 = arith.constant 512 : i32
    %dma_start3A_937 = arith.constant 0 : i32
    %dma_start3A_938 = tpu.memref_slice %arg14[%dma_start3A_936, %dma_start3A_937] : memref<1024x16xf32, #tpu.memory_space<vmem>> -> memref<128x16xf32, #tpu.memory_space<vmem>>
    %dma_start3A_939 = arith.constant 0 : i32
    %dma_start3A_940 = tpu.memref_slice %arg9[%dma_start3A_935, %dma_start3A_939] : memref<8x128xi32, #tpu.memory_space<vmem>> -> memref<1x128xi32, #tpu.memory_space<vmem>>
    %dma_start3A_941 = tpu.memref_squeeze %dma_start3A_940 : memref<1x128xi32, #tpu.memory_space<vmem>> -> memref<128xi32, #tpu.memory_space<vmem>>
    %dma_start3A_942 = arith.constant 0 : i32
    %dma_start3A_943 = arith.constant 0 : i32
    %dma_start3A_944 = tpu.memref_slice %arg2[%dma_start3A_942, %dma_start3A_943] : memref<1000000x16xf32, #tpu.memory_space<hbm>> -> memref<1000000x16xf32, #tpu.memory_space<hbm>>
    tpu.enqueue_indirect_dma source(%dma_start3A_944 : memref<1000000x16xf32, #tpu.memory_space<hbm>>) target(%dma_start3A_938 : memref<128x16xf32, #tpu.memory_space<vmem>>) offsets(%dma_start3A_941 : memref<128xi32, #tpu.memory_space<vmem>>) semaphore(%arg16 : memref<!tpu.dma_semaphore, #tpu.memory_space<semaphore_mem>>)
    %dma_start3A_945 = arith.constant 5 : i32
    %dma_start3A_946 = arith.constant 640 : i32
    %dma_start3A_947 = arith.constant 0 : i32
    %dma_start3A_948 = tpu.memref_slice %arg14[%dma_start3A_946, %dma_start3A_947] : memref<1024x16xf32, #tpu.memory_space<vmem>> -> memref<128x16xf32, #tpu.memory_space<vmem>>
    %dma_start3A_949 = arith.constant 0 : i32
    %dma_start3A_950 = tpu.memref_slice %arg9[%dma_start3A_945, %dma_start3A_949] : memref<8x128xi32, #tpu.memory_space<vmem>> -> memref<1x128xi32, #tpu.memory_space<vmem>>
    %dma_start3A_951 = tpu.memref_squeeze %dma_start3A_950 : memref<1x128xi32, #tpu.memory_space<vmem>> -> memref<128xi32, #tpu.memory_space<vmem>>
    %dma_start3A_952 = arith.constant 0 : i32
    %dma_start3A_953 = arith.constant 0 : i32
    %dma_start3A_954 = tpu.memref_slice %arg2[%dma_start3A_952, %dma_start3A_953] : memref<1000000x16xf32, #tpu.memory_space<hbm>> -> memref<1000000x16xf32, #tpu.memory_space<hbm>>
    tpu.enqueue_indirect_dma source(%dma_start3A_954 : memref<1000000x16xf32, #tpu.memory_space<hbm>>) target(%dma_start3A_948 : memref<128x16xf32, #tpu.memory_space<vmem>>) offsets(%dma_start3A_951 : memref<128xi32, #tpu.memory_space<vmem>>) semaphore(%arg16 : memref<!tpu.dma_semaphore, #tpu.memory_space<semaphore_mem>>)
    %dma_start3A_955 = arith.constant 6 : i32
    %dma_start3A_956 = arith.constant 768 : i32
    %dma_start3A_957 = arith.constant 0 : i32
    %dma_start3A_958 = tpu.memref_slice %arg14[%dma_start3A_956, %dma_start3A_957] : memref<1024x16xf32, #tpu.memory_space<vmem>> -> memref<128x16xf32, #tpu.memory_space<vmem>>
    %dma_start3A_959 = arith.constant 0 : i32
    %dma_start3A_960 = tpu.memref_slice %arg9[%dma_start3A_955, %dma_start3A_959] : memref<8x128xi32, #tpu.memory_space<vmem>> -> memref<1x128xi32, #tpu.memory_space<vmem>>
    %dma_start3A_961 = tpu.memref_squeeze %dma_start3A_960 : memref<1x128xi32, #tpu.memory_space<vmem>> -> memref<128xi32, #tpu.memory_space<vmem>>
    %dma_start3A_962 = arith.constant 0 : i32
    %dma_start3A_963 = arith.constant 0 : i32
    %dma_start3A_964 = tpu.memref_slice %arg2[%dma_start3A_962, %dma_start3A_963] : memref<1000000x16xf32, #tpu.memory_space<hbm>> -> memref<1000000x16xf32, #tpu.memory_space<hbm>>
    tpu.enqueue_indirect_dma source(%dma_start3A_964 : memref<1000000x16xf32, #tpu.memory_space<hbm>>) target(%dma_start3A_958 : memref<128x16xf32, #tpu.memory_space<vmem>>) offsets(%dma_start3A_961 : memref<128xi32, #tpu.memory_space<vmem>>) semaphore(%arg16 : memref<!tpu.dma_semaphore, #tpu.memory_space<semaphore_mem>>)
    %dma_start3A_965 = arith.constant 7 : i32
    %dma_start3A_966 = arith.constant 896 : i32
    %dma_start3A_967 = arith.constant 0 : i32
    %dma_start3A_968 = tpu.memref_slice %arg14[%dma_start3A_966, %dma_start3A_967] : memref<1024x16xf32, #tpu.memory_space<vmem>> -> memref<128x16xf32, #tpu.memory_space<vmem>>
    %dma_start3A_969 = arith.constant 0 : i32
    %dma_start3A_970 = tpu.memref_slice %arg9[%dma_start3A_965, %dma_start3A_969] : memref<8x128xi32, #tpu.memory_space<vmem>> -> memref<1x128xi32, #tpu.memory_space<vmem>>
    %dma_start3A_971 = tpu.memref_squeeze %dma_start3A_970 : memref<1x128xi32, #tpu.memory_space<vmem>> -> memref<128xi32, #tpu.memory_space<vmem>>
    %dma_start3A_972 = arith.constant 0 : i32
    %dma_start3A_973 = arith.constant 0 : i32
    %dma_start3A_974 = tpu.memref_slice %arg2[%dma_start3A_972, %dma_start3A_973] : memref<1000000x16xf32, #tpu.memory_space<hbm>> -> memref<1000000x16xf32, #tpu.memory_space<hbm>>
    tpu.enqueue_indirect_dma source(%dma_start3A_974 : memref<1000000x16xf32, #tpu.memory_space<hbm>>) target(%dma_start3A_968 : memref<128x16xf32, #tpu.memory_space<vmem>>) offsets(%dma_start3A_971 : memref<128xi32, #tpu.memory_space<vmem>>) semaphore(%arg16 : memref<!tpu.dma_semaphore, #tpu.memory_space<semaphore_mem>>)
    %dma_wait3A = arith.constant 0 : i32
    %dma_wait3A_975 = arith.constant 0 : i32
    %dma_wait3A_976 = arith.constant 0 : i32
    %dma_wait3A_977 = tpu.memref_slice %arg12[%dma_wait3A, %dma_wait3A_976] : memref<8x128xi32, #tpu.memory_space<vmem>> -> memref<1x128xi32, #tpu.memory_space<vmem>>
    %dma_wait3A_978 = tpu.memref_squeeze %dma_wait3A_977 : memref<1x128xi32, #tpu.memory_space<vmem>> -> memref<128xi32, #tpu.memory_space<vmem>>
    %dma_wait3A_979 = arith.constant 0 : i32
    %dma_wait3A_980 = tpu.memref_slice %arg9[%dma_wait3A_975, %dma_wait3A_979] : memref<8x128xi32, #tpu.memory_space<vmem>> -> memref<1x128xi32, #tpu.memory_space<vmem>>
    %dma_wait3A_981 = tpu.memref_squeeze %dma_wait3A_980 : memref<1x128xi32, #tpu.memory_space<vmem>> -> memref<128xi32, #tpu.memory_space<vmem>>
    %dma_wait3A_982 = arith.constant 0 : i32
    %dma_wait3A_983 = tpu.memref_slice %arg7[%dma_wait3A_982] : memref<1000000xi32, #tpu.memory_space<hbm>> -> memref<1000000xi32, #tpu.memory_space<hbm>>
    tpu.wait_indirect_dma semaphore(%arg16 : memref<!tpu.dma_semaphore, #tpu.memory_space<semaphore_mem>>) src(%dma_wait3A_978 : memref<128xi32, #tpu.memory_space<vmem>>) dst(%dma_wait3A_983 : memref<1000000xi32, #tpu.memory_space<hbm>>)
    %dma_wait3A_984 = arith.constant 1 : i32
    %dma_wait3A_985 = arith.constant 1 : i32
    %dma_wait3A_986 = arith.constant 0 : i32
    %dma_wait3A_987 = tpu.memref_slice %arg12[%dma_wait3A_984, %dma_wait3A_986] : memref<8x128xi32, #tpu.memory_space<vmem>> -> memref<1x128xi32, #tpu.memory_space<vmem>>
    %dma_wait3A_988 = tpu.memref_squeeze %dma_wait3A_987 : memref<1x128xi32, #tpu.memory_space<vmem>> -> memref<128xi32, #tpu.memory_space<vmem>>
    %dma_wait3A_989 = arith.constant 0 : i32
    %dma_wait3A_990 = tpu.memref_slice %arg9[%dma_wait3A_985, %dma_wait3A_989] : memref<8x128xi32, #tpu.memory_space<vmem>> -> memref<1x128xi32, #tpu.memory_space<vmem>>
    %dma_wait3A_991 = tpu.memref_squeeze %dma_wait3A_990 : memref<1x128xi32, #tpu.memory_space<vmem>> -> memref<128xi32, #tpu.memory_space<vmem>>
    %dma_wait3A_992 = arith.constant 0 : i32
    %dma_wait3A_993 = tpu.memref_slice %arg7[%dma_wait3A_992] : memref<1000000xi32, #tpu.memory_space<hbm>> -> memref<1000000xi32, #tpu.memory_space<hbm>>
    tpu.wait_indirect_dma semaphore(%arg16 : memref<!tpu.dma_semaphore, #tpu.memory_space<semaphore_mem>>) src(%dma_wait3A_988 : memref<128xi32, #tpu.memory_space<vmem>>) dst(%dma_wait3A_993 : memref<1000000xi32, #tpu.memory_space<hbm>>)
    %dma_wait3A_994 = arith.constant 2 : i32
    %dma_wait3A_995 = arith.constant 2 : i32
    %dma_wait3A_996 = arith.constant 0 : i32
    %dma_wait3A_997 = tpu.memref_slice %arg12[%dma_wait3A_994, %dma_wait3A_996] : memref<8x128xi32, #tpu.memory_space<vmem>> -> memref<1x128xi32, #tpu.memory_space<vmem>>
    %dma_wait3A_998 = tpu.memref_squeeze %dma_wait3A_997 : memref<1x128xi32, #tpu.memory_space<vmem>> -> memref<128xi32, #tpu.memory_space<vmem>>
    %dma_wait3A_999 = arith.constant 0 : i32
    %dma_wait3A_1000 = tpu.memref_slice %arg9[%dma_wait3A_995, %dma_wait3A_999] : memref<8x128xi32, #tpu.memory_space<vmem>> -> memref<1x128xi32, #tpu.memory_space<vmem>>
    %dma_wait3A_1001 = tpu.memref_squeeze %dma_wait3A_1000 : memref<1x128xi32, #tpu.memory_space<vmem>> -> memref<128xi32, #tpu.memory_space<vmem>>
    %dma_wait3A_1002 = arith.constant 0 : i32
    %dma_wait3A_1003 = tpu.memref_slice %arg7[%dma_wait3A_1002] : memref<1000000xi32, #tpu.memory_space<hbm>> -> memref<1000000xi32, #tpu.memory_space<hbm>>
    tpu.wait_indirect_dma semaphore(%arg16 : memref<!tpu.dma_semaphore, #tpu.memory_space<semaphore_mem>>) src(%dma_wait3A_998 : memref<128xi32, #tpu.memory_space<vmem>>) dst(%dma_wait3A_1003 : memref<1000000xi32, #tpu.memory_space<hbm>>)
    %dma_wait3A_1004 = arith.constant 3 : i32
    %dma_wait3A_1005 = arith.constant 3 : i32
    %dma_wait3A_1006 = arith.constant 0 : i32
    %dma_wait3A_1007 = tpu.memref_slice %arg12[%dma_wait3A_1004, %dma_wait3A_1006] : memref<8x128xi32, #tpu.memory_space<vmem>> -> memref<1x128xi32, #tpu.memory_space<vmem>>
    %dma_wait3A_1008 = tpu.memref_squeeze %dma_wait3A_1007 : memref<1x128xi32, #tpu.memory_space<vmem>> -> memref<128xi32, #tpu.memory_space<vmem>>
    %dma_wait3A_1009 = arith.constant 0 : i32
    %dma_wait3A_1010 = tpu.memref_slice %arg9[%dma_wait3A_1005, %dma_wait3A_1009] : memref<8x128xi32, #tpu.memory_space<vmem>> -> memref<1x128xi32, #tpu.memory_space<vmem>>
    %dma_wait3A_1011 = tpu.memref_squeeze %dma_wait3A_1010 : memref<1x128xi32, #tpu.memory_space<vmem>> -> memref<128xi32, #tpu.memory_space<vmem>>
    %dma_wait3A_1012 = arith.constant 0 : i32
    %dma_wait3A_1013 = tpu.memref_slice %arg7[%dma_wait3A_1012] : memref<1000000xi32, #tpu.memory_space<hbm>> -> memref<1000000xi32, #tpu.memory_space<hbm>>
    tpu.wait_indirect_dma semaphore(%arg16 : memref<!tpu.dma_semaphore, #tpu.memory_space<semaphore_mem>>) src(%dma_wait3A_1008 : memref<128xi32, #tpu.memory_space<vmem>>) dst(%dma_wait3A_1013 : memref<1000000xi32, #tpu.memory_space<hbm>>)
    %dma_wait3A_1014 = arith.constant 4 : i32
    %dma_wait3A_1015 = arith.constant 4 : i32
    %dma_wait3A_1016 = arith.constant 0 : i32
    %dma_wait3A_1017 = tpu.memref_slice %arg12[%dma_wait3A_1014, %dma_wait3A_1016] : memref<8x128xi32, #tpu.memory_space<vmem>> -> memref<1x128xi32, #tpu.memory_space<vmem>>
    %dma_wait3A_1018 = tpu.memref_squeeze %dma_wait3A_1017 : memref<1x128xi32, #tpu.memory_space<vmem>> -> memref<128xi32, #tpu.memory_space<vmem>>
    %dma_wait3A_1019 = arith.constant 0 : i32
    %dma_wait3A_1020 = tpu.memref_slice %arg9[%dma_wait3A_1015, %dma_wait3A_1019] : memref<8x128xi32, #tpu.memory_space<vmem>> -> memref<1x128xi32, #tpu.memory_space<vmem>>
    %dma_wait3A_1021 = tpu.memref_squeeze %dma_wait3A_1020 : memref<1x128xi32, #tpu.memory_space<vmem>> -> memref<128xi32, #tpu.memory_space<vmem>>
    %dma_wait3A_1022 = arith.constant 0 : i32
    %dma_wait3A_1023 = tpu.memref_slice %arg7[%dma_wait3A_1022] : memref<1000000xi32, #tpu.memory_space<hbm>> -> memref<1000000xi32, #tpu.memory_space<hbm>>
    tpu.wait_indirect_dma semaphore(%arg16 : memref<!tpu.dma_semaphore, #tpu.memory_space<semaphore_mem>>) src(%dma_wait3A_1018 : memref<128xi32, #tpu.memory_space<vmem>>) dst(%dma_wait3A_1023 : memref<1000000xi32, #tpu.memory_space<hbm>>)
    %dma_wait3A_1024 = arith.constant 5 : i32
    %dma_wait3A_1025 = arith.constant 5 : i32
    %dma_wait3A_1026 = arith.constant 0 : i32
    %dma_wait3A_1027 = tpu.memref_slice %arg12[%dma_wait3A_1024, %dma_wait3A_1026] : memref<8x128xi32, #tpu.memory_space<vmem>> -> memref<1x128xi32, #tpu.memory_space<vmem>>
    %dma_wait3A_1028 = tpu.memref_squeeze %dma_wait3A_1027 : memref<1x128xi32, #tpu.memory_space<vmem>> -> memref<128xi32, #tpu.memory_space<vmem>>
    %dma_wait3A_1029 = arith.constant 0 : i32
    %dma_wait3A_1030 = tpu.memref_slice %arg9[%dma_wait3A_1025, %dma_wait3A_1029] : memref<8x128xi32, #tpu.memory_space<vmem>> -> memref<1x128xi32, #tpu.memory_space<vmem>>
    %dma_wait3A_1031 = tpu.memref_squeeze %dma_wait3A_1030 : memref<1x128xi32, #tpu.memory_space<vmem>> -> memref<128xi32, #tpu.memory_space<vmem>>
    %dma_wait3A_1032 = arith.constant 0 : i32
    %dma_wait3A_1033 = tpu.memref_slice %arg7[%dma_wait3A_1032] : memref<1000000xi32, #tpu.memory_space<hbm>> -> memref<1000000xi32, #tpu.memory_space<hbm>>
    tpu.wait_indirect_dma semaphore(%arg16 : memref<!tpu.dma_semaphore, #tpu.memory_space<semaphore_mem>>) src(%dma_wait3A_1028 : memref<128xi32, #tpu.memory_space<vmem>>) dst(%dma_wait3A_1033 : memref<1000000xi32, #tpu.memory_space<hbm>>)
    %dma_wait3A_1034 = arith.constant 6 : i32
    %dma_wait3A_1035 = arith.constant 6 : i32
    %dma_wait3A_1036 = arith.constant 0 : i32
    %dma_wait3A_1037 = tpu.memref_slice %arg12[%dma_wait3A_1034, %dma_wait3A_1036] : memref<8x128xi32, #tpu.memory_space<vmem>> -> memref<1x128xi32, #tpu.memory_space<vmem>>
    %dma_wait3A_1038 = tpu.memref_squeeze %dma_wait3A_1037 : memref<1x128xi32, #tpu.memory_space<vmem>> -> memref<128xi32, #tpu.memory_space<vmem>>
    %dma_wait3A_1039 = arith.constant 0 : i32
    %dma_wait3A_1040 = tpu.memref_slice %arg9[%dma_wait3A_1035, %dma_wait3A_1039] : memref<8x128xi32, #tpu.memory_space<vmem>> -> memref<1x128xi32, #tpu.memory_space<vmem>>
    %dma_wait3A_1041 = tpu.memref_squeeze %dma_wait3A_1040 : memref<1x128xi32, #tpu.memory_space<vmem>> -> memref<128xi32, #tpu.memory_space<vmem>>
    %dma_wait3A_1042 = arith.constant 0 : i32
    %dma_wait3A_1043 = tpu.memref_slice %arg7[%dma_wait3A_1042] : memref<1000000xi32, #tpu.memory_space<hbm>> -> memref<1000000xi32, #tpu.memory_space<hbm>>
    tpu.wait_indirect_dma semaphore(%arg16 : memref<!tpu.dma_semaphore, #tpu.memory_space<semaphore_mem>>) src(%dma_wait3A_1038 : memref<128xi32, #tpu.memory_space<vmem>>) dst(%dma_wait3A_1043 : memref<1000000xi32, #tpu.memory_space<hbm>>)
    %dma_wait3A_1044 = arith.constant 7 : i32
    %dma_wait3A_1045 = arith.constant 7 : i32
    %dma_wait3A_1046 = arith.constant 0 : i32
    %dma_wait3A_1047 = tpu.memref_slice %arg12[%dma_wait3A_1044, %dma_wait3A_1046] : memref<8x128xi32, #tpu.memory_space<vmem>> -> memref<1x128xi32, #tpu.memory_space<vmem>>
    %dma_wait3A_1048 = tpu.memref_squeeze %dma_wait3A_1047 : memref<1x128xi32, #tpu.memory_space<vmem>> -> memref<128xi32, #tpu.memory_space<vmem>>
    %dma_wait3A_1049 = arith.constant 0 : i32
    %dma_wait3A_1050 = tpu.memref_slice %arg9[%dma_wait3A_1045, %dma_wait3A_1049] : memref<8x128xi32, #tpu.memory_space<vmem>> -> memref<1x128xi32, #tpu.memory_space<vmem>>
    %dma_wait3A_1051 = tpu.memref_squeeze %dma_wait3A_1050 : memref<1x128xi32, #tpu.memory_space<vmem>> -> memref<128xi32, #tpu.memory_space<vmem>>
    %dma_wait3A_1052 = arith.constant 0 : i32
    %dma_wait3A_1053 = tpu.memref_slice %arg7[%dma_wait3A_1052] : memref<1000000xi32, #tpu.memory_space<hbm>> -> memref<1000000xi32, #tpu.memory_space<hbm>>
    tpu.wait_indirect_dma semaphore(%arg16 : memref<!tpu.dma_semaphore, #tpu.memory_space<semaphore_mem>>) src(%dma_wait3A_1048 : memref<128xi32, #tpu.memory_space<vmem>>) dst(%dma_wait3A_1053 : memref<1000000xi32, #tpu.memory_space<hbm>>)
    %dma_wait3A_1054 = arith.constant 0 : i32
    %dma_wait3A_1055 = arith.constant 0 : i32
    %dma_wait3A_1056 = arith.constant 0 : i32
    %dma_wait3A_1057 = tpu.memref_slice %arg14[%dma_wait3A_1055, %dma_wait3A_1056] : memref<1024x16xf32, #tpu.memory_space<vmem>> -> memref<128x16xf32, #tpu.memory_space<vmem>>
    %dma_wait3A_1058 = arith.constant 0 : i32
    %dma_wait3A_1059 = tpu.memref_slice %arg9[%dma_wait3A_1054, %dma_wait3A_1058] : memref<8x128xi32, #tpu.memory_space<vmem>> -> memref<1x128xi32, #tpu.memory_space<vmem>>
    %dma_wait3A_1060 = tpu.memref_squeeze %dma_wait3A_1059 : memref<1x128xi32, #tpu.memory_space<vmem>> -> memref<128xi32, #tpu.memory_space<vmem>>
    %dma_wait3A_1061 = arith.constant 0 : i32
    %dma_wait3A_1062 = arith.constant 0 : i32
    %dma_wait3A_1063 = tpu.memref_slice %arg2[%dma_wait3A_1061, %dma_wait3A_1062] : memref<1000000x16xf32, #tpu.memory_space<hbm>> -> memref<1000000x16xf32, #tpu.memory_space<hbm>>
    tpu.wait_indirect_dma semaphore(%arg16 : memref<!tpu.dma_semaphore, #tpu.memory_space<semaphore_mem>>) src(%dma_wait3A_1063 : memref<1000000x16xf32, #tpu.memory_space<hbm>>) dst(%dma_wait3A_1057 : memref<128x16xf32, #tpu.memory_space<vmem>>)
    %dma_wait3A_1064 = arith.constant 1 : i32
    %dma_wait3A_1065 = arith.constant 128 : i32
    %dma_wait3A_1066 = arith.constant 0 : i32
    %dma_wait3A_1067 = tpu.memref_slice %arg14[%dma_wait3A_1065, %dma_wait3A_1066] : memref<1024x16xf32, #tpu.memory_space<vmem>> -> memref<128x16xf32, #tpu.memory_space<vmem>>
    %dma_wait3A_1068 = arith.constant 0 : i32
    %dma_wait3A_1069 = tpu.memref_slice %arg9[%dma_wait3A_1064, %dma_wait3A_1068] : memref<8x128xi32, #tpu.memory_space<vmem>> -> memref<1x128xi32, #tpu.memory_space<vmem>>
    %dma_wait3A_1070 = tpu.memref_squeeze %dma_wait3A_1069 : memref<1x128xi32, #tpu.memory_space<vmem>> -> memref<128xi32, #tpu.memory_space<vmem>>
    %dma_wait3A_1071 = arith.constant 0 : i32
    %dma_wait3A_1072 = arith.constant 0 : i32
    %dma_wait3A_1073 = tpu.memref_slice %arg2[%dma_wait3A_1071, %dma_wait3A_1072] : memref<1000000x16xf32, #tpu.memory_space<hbm>> -> memref<1000000x16xf32, #tpu.memory_space<hbm>>
    tpu.wait_indirect_dma semaphore(%arg16 : memref<!tpu.dma_semaphore, #tpu.memory_space<semaphore_mem>>) src(%dma_wait3A_1073 : memref<1000000x16xf32, #tpu.memory_space<hbm>>) dst(%dma_wait3A_1067 : memref<128x16xf32, #tpu.memory_space<vmem>>)
    %dma_wait3A_1074 = arith.constant 2 : i32
    %dma_wait3A_1075 = arith.constant 256 : i32
    %dma_wait3A_1076 = arith.constant 0 : i32
    %dma_wait3A_1077 = tpu.memref_slice %arg14[%dma_wait3A_1075, %dma_wait3A_1076] : memref<1024x16xf32, #tpu.memory_space<vmem>> -> memref<128x16xf32, #tpu.memory_space<vmem>>
    %dma_wait3A_1078 = arith.constant 0 : i32
    %dma_wait3A_1079 = tpu.memref_slice %arg9[%dma_wait3A_1074, %dma_wait3A_1078] : memref<8x128xi32, #tpu.memory_space<vmem>> -> memref<1x128xi32, #tpu.memory_space<vmem>>
    %dma_wait3A_1080 = tpu.memref_squeeze %dma_wait3A_1079 : memref<1x128xi32, #tpu.memory_space<vmem>> -> memref<128xi32, #tpu.memory_space<vmem>>
    %dma_wait3A_1081 = arith.constant 0 : i32
    %dma_wait3A_1082 = arith.constant 0 : i32
    %dma_wait3A_1083 = tpu.memref_slice %arg2[%dma_wait3A_1081, %dma_wait3A_1082] : memref<1000000x16xf32, #tpu.memory_space<hbm>> -> memref<1000000x16xf32, #tpu.memory_space<hbm>>
    tpu.wait_indirect_dma semaphore(%arg16 : memref<!tpu.dma_semaphore, #tpu.memory_space<semaphore_mem>>) src(%dma_wait3A_1083 : memref<1000000x16xf32, #tpu.memory_space<hbm>>) dst(%dma_wait3A_1077 : memref<128x16xf32, #tpu.memory_space<vmem>>)
    %dma_wait3A_1084 = arith.constant 3 : i32
    %dma_wait3A_1085 = arith.constant 384 : i32
    %dma_wait3A_1086 = arith.constant 0 : i32
    %dma_wait3A_1087 = tpu.memref_slice %arg14[%dma_wait3A_1085, %dma_wait3A_1086] : memref<1024x16xf32, #tpu.memory_space<vmem>> -> memref<128x16xf32, #tpu.memory_space<vmem>>
    %dma_wait3A_1088 = arith.constant 0 : i32
    %dma_wait3A_1089 = tpu.memref_slice %arg9[%dma_wait3A_1084, %dma_wait3A_1088] : memref<8x128xi32, #tpu.memory_space<vmem>> -> memref<1x128xi32, #tpu.memory_space<vmem>>
    %dma_wait3A_1090 = tpu.memref_squeeze %dma_wait3A_1089 : memref<1x128xi32, #tpu.memory_space<vmem>> -> memref<128xi32, #tpu.memory_space<vmem>>
    %dma_wait3A_1091 = arith.constant 0 : i32
    %dma_wait3A_1092 = arith.constant 0 : i32
    %dma_wait3A_1093 = tpu.memref_slice %arg2[%dma_wait3A_1091, %dma_wait3A_1092] : memref<1000000x16xf32, #tpu.memory_space<hbm>> -> memref<1000000x16xf32, #tpu.memory_space<hbm>>
    tpu.wait_indirect_dma semaphore(%arg16 : memref<!tpu.dma_semaphore, #tpu.memory_space<semaphore_mem>>) src(%dma_wait3A_1093 : memref<1000000x16xf32, #tpu.memory_space<hbm>>) dst(%dma_wait3A_1087 : memref<128x16xf32, #tpu.memory_space<vmem>>)
    %dma_wait3A_1094 = arith.constant 4 : i32
    %dma_wait3A_1095 = arith.constant 512 : i32
    %dma_wait3A_1096 = arith.constant 0 : i32
    %dma_wait3A_1097 = tpu.memref_slice %arg14[%dma_wait3A_1095, %dma_wait3A_1096] : memref<1024x16xf32, #tpu.memory_space<vmem>> -> memref<128x16xf32, #tpu.memory_space<vmem>>
    %dma_wait3A_1098 = arith.constant 0 : i32
    %dma_wait3A_1099 = tpu.memref_slice %arg9[%dma_wait3A_1094, %dma_wait3A_1098] : memref<8x128xi32, #tpu.memory_space<vmem>> -> memref<1x128xi32, #tpu.memory_space<vmem>>
    %dma_wait3A_1100 = tpu.memref_squeeze %dma_wait3A_1099 : memref<1x128xi32, #tpu.memory_space<vmem>> -> memref<128xi32, #tpu.memory_space<vmem>>
    %dma_wait3A_1101 = arith.constant 0 : i32
    %dma_wait3A_1102 = arith.constant 0 : i32
    %dma_wait3A_1103 = tpu.memref_slice %arg2[%dma_wait3A_1101, %dma_wait3A_1102] : memref<1000000x16xf32, #tpu.memory_space<hbm>> -> memref<1000000x16xf32, #tpu.memory_space<hbm>>
    tpu.wait_indirect_dma semaphore(%arg16 : memref<!tpu.dma_semaphore, #tpu.memory_space<semaphore_mem>>) src(%dma_wait3A_1103 : memref<1000000x16xf32, #tpu.memory_space<hbm>>) dst(%dma_wait3A_1097 : memref<128x16xf32, #tpu.memory_space<vmem>>)
    %dma_wait3A_1104 = arith.constant 5 : i32
    %dma_wait3A_1105 = arith.constant 640 : i32
    %dma_wait3A_1106 = arith.constant 0 : i32
    %dma_wait3A_1107 = tpu.memref_slice %arg14[%dma_wait3A_1105, %dma_wait3A_1106] : memref<1024x16xf32, #tpu.memory_space<vmem>> -> memref<128x16xf32, #tpu.memory_space<vmem>>
    %dma_wait3A_1108 = arith.constant 0 : i32
    %dma_wait3A_1109 = tpu.memref_slice %arg9[%dma_wait3A_1104, %dma_wait3A_1108] : memref<8x128xi32, #tpu.memory_space<vmem>> -> memref<1x128xi32, #tpu.memory_space<vmem>>
    %dma_wait3A_1110 = tpu.memref_squeeze %dma_wait3A_1109 : memref<1x128xi32, #tpu.memory_space<vmem>> -> memref<128xi32, #tpu.memory_space<vmem>>
    %dma_wait3A_1111 = arith.constant 0 : i32
    %dma_wait3A_1112 = arith.constant 0 : i32
    %dma_wait3A_1113 = tpu.memref_slice %arg2[%dma_wait3A_1111, %dma_wait3A_1112] : memref<1000000x16xf32, #tpu.memory_space<hbm>> -> memref<1000000x16xf32, #tpu.memory_space<hbm>>
    tpu.wait_indirect_dma semaphore(%arg16 : memref<!tpu.dma_semaphore, #tpu.memory_space<semaphore_mem>>) src(%dma_wait3A_1113 : memref<1000000x16xf32, #tpu.memory_space<hbm>>) dst(%dma_wait3A_1107 : memref<128x16xf32, #tpu.memory_space<vmem>>)
    %dma_wait3A_1114 = arith.constant 6 : i32
    %dma_wait3A_1115 = arith.constant 768 : i32
    %dma_wait3A_1116 = arith.constant 0 : i32
    %dma_wait3A_1117 = tpu.memref_slice %arg14[%dma_wait3A_1115, %dma_wait3A_1116] : memref<1024x16xf32, #tpu.memory_space<vmem>> -> memref<128x16xf32, #tpu.memory_space<vmem>>
    %dma_wait3A_1118 = arith.constant 0 : i32
    %dma_wait3A_1119 = tpu.memref_slice %arg9[%dma_wait3A_1114, %dma_wait3A_1118] : memref<8x128xi32, #tpu.memory_space<vmem>> -> memref<1x128xi32, #tpu.memory_space<vmem>>
    %dma_wait3A_1120 = tpu.memref_squeeze %dma_wait3A_1119 : memref<1x128xi32, #tpu.memory_space<vmem>> -> memref<128xi32, #tpu.memory_space<vmem>>
    %dma_wait3A_1121 = arith.constant 0 : i32
    %dma_wait3A_1122 = arith.constant 0 : i32
    %dma_wait3A_1123 = tpu.memref_slice %arg2[%dma_wait3A_1121, %dma_wait3A_1122] : memref<1000000x16xf32, #tpu.memory_space<hbm>> -> memref<1000000x16xf32, #tpu.memory_space<hbm>>
    tpu.wait_indirect_dma semaphore(%arg16 : memref<!tpu.dma_semaphore, #tpu.memory_space<semaphore_mem>>) src(%dma_wait3A_1123 : memref<1000000x16xf32, #tpu.memory_space<hbm>>) dst(%dma_wait3A_1117 : memref<128x16xf32, #tpu.memory_space<vmem>>)
    %dma_wait3A_1124 = arith.constant 7 : i32
    %dma_wait3A_1125 = arith.constant 896 : i32
    %dma_wait3A_1126 = arith.constant 0 : i32
    %dma_wait3A_1127 = tpu.memref_slice %arg14[%dma_wait3A_1125, %dma_wait3A_1126] : memref<1024x16xf32, #tpu.memory_space<vmem>> -> memref<128x16xf32, #tpu.memory_space<vmem>>
    %dma_wait3A_1128 = arith.constant 0 : i32
    %dma_wait3A_1129 = tpu.memref_slice %arg9[%dma_wait3A_1124, %dma_wait3A_1128] : memref<8x128xi32, #tpu.memory_space<vmem>> -> memref<1x128xi32, #tpu.memory_space<vmem>>
    %dma_wait3A_1130 = tpu.memref_squeeze %dma_wait3A_1129 : memref<1x128xi32, #tpu.memory_space<vmem>> -> memref<128xi32, #tpu.memory_space<vmem>>
    %dma_wait3A_1131 = arith.constant 0 : i32
    %dma_wait3A_1132 = arith.constant 0 : i32
    %dma_wait3A_1133 = tpu.memref_slice %arg2[%dma_wait3A_1131, %dma_wait3A_1132] : memref<1000000x16xf32, #tpu.memory_space<hbm>> -> memref<1000000x16xf32, #tpu.memory_space<hbm>>
    tpu.wait_indirect_dma semaphore(%arg16 : memref<!tpu.dma_semaphore, #tpu.memory_space<semaphore_mem>>) src(%dma_wait3A_1133 : memref<1000000x16xf32, #tpu.memory_space<hbm>>) dst(%dma_wait3A_1127 : memref<128x16xf32, #tpu.memory_space<vmem>>)
    %barrier3A = arith.constant 0 : index
    tpu.barrier barrier_id(%barrier3A)
    %dma_start3A_1134 = arith.constant 0 : i32
    %dma_start3A_1135 = arith.constant 0 : i32
    %dma_start3A_1136 = arith.constant 0 : i32
    %dma_start3A_1137 = tpu.memref_slice %arg10[%dma_start3A_1135, %dma_start3A_1136] : memref<8x128xi32, #tpu.memory_space<vmem>> -> memref<1x128xi32, #tpu.memory_space<vmem>>
    %dma_start3A_1138 = tpu.memref_squeeze %dma_start3A_1137 : memref<1x128xi32, #tpu.memory_space<vmem>> -> memref<128xi32, #tpu.memory_space<vmem>>
    %dma_start3A_1139 = arith.constant 0 : i32
    %dma_start3A_1140 = tpu.memref_slice %arg9[%dma_start3A_1134, %dma_start3A_1139] : memref<8x128xi32, #tpu.memory_space<vmem>> -> memref<1x128xi32, #tpu.memory_space<vmem>>
    %dma_start3A_1141 = tpu.memref_squeeze %dma_start3A_1140 : memref<1x128xi32, #tpu.memory_space<vmem>> -> memref<128xi32, #tpu.memory_space<vmem>>
    %dma_start3A_1142 = arith.constant 0 : i32
    %dma_start3A_1143 = tpu.memref_slice %arg7[%dma_start3A_1142] : memref<1000000xi32, #tpu.memory_space<hbm>> -> memref<1000000xi32, #tpu.memory_space<hbm>>
    tpu.enqueue_indirect_dma source(%dma_start3A_1143 : memref<1000000xi32, #tpu.memory_space<hbm>>) target(%dma_start3A_1138 : memref<128xi32, #tpu.memory_space<vmem>>) offsets(%dma_start3A_1141 : memref<128xi32, #tpu.memory_space<vmem>>) semaphore(%arg16 : memref<!tpu.dma_semaphore, #tpu.memory_space<semaphore_mem>>)
    %dma_start3A_1144 = arith.constant 1 : i32
    %dma_start3A_1145 = arith.constant 1 : i32
    %dma_start3A_1146 = arith.constant 0 : i32
    %dma_start3A_1147 = tpu.memref_slice %arg10[%dma_start3A_1145, %dma_start3A_1146] : memref<8x128xi32, #tpu.memory_space<vmem>> -> memref<1x128xi32, #tpu.memory_space<vmem>>
    %dma_start3A_1148 = tpu.memref_squeeze %dma_start3A_1147 : memref<1x128xi32, #tpu.memory_space<vmem>> -> memref<128xi32, #tpu.memory_space<vmem>>
    %dma_start3A_1149 = arith.constant 0 : i32
    %dma_start3A_1150 = tpu.memref_slice %arg9[%dma_start3A_1144, %dma_start3A_1149] : memref<8x128xi32, #tpu.memory_space<vmem>> -> memref<1x128xi32, #tpu.memory_space<vmem>>
    %dma_start3A_1151 = tpu.memref_squeeze %dma_start3A_1150 : memref<1x128xi32, #tpu.memory_space<vmem>> -> memref<128xi32, #tpu.memory_space<vmem>>
    %dma_start3A_1152 = arith.constant 0 : i32
    %dma_start3A_1153 = tpu.memref_slice %arg7[%dma_start3A_1152] : memref<1000000xi32, #tpu.memory_space<hbm>> -> memref<1000000xi32, #tpu.memory_space<hbm>>
    tpu.enqueue_indirect_dma source(%dma_start3A_1153 : memref<1000000xi32, #tpu.memory_space<hbm>>) target(%dma_start3A_1148 : memref<128xi32, #tpu.memory_space<vmem>>) offsets(%dma_start3A_1151 : memref<128xi32, #tpu.memory_space<vmem>>) semaphore(%arg16 : memref<!tpu.dma_semaphore, #tpu.memory_space<semaphore_mem>>)
    %dma_start3A_1154 = arith.constant 2 : i32
    %dma_start3A_1155 = arith.constant 2 : i32
    %dma_start3A_1156 = arith.constant 0 : i32
    %dma_start3A_1157 = tpu.memref_slice %arg10[%dma_start3A_1155, %dma_start3A_1156] : memref<8x128xi32, #tpu.memory_space<vmem>> -> memref<1x128xi32, #tpu.memory_space<vmem>>
    %dma_start3A_1158 = tpu.memref_squeeze %dma_start3A_1157 : memref<1x128xi32, #tpu.memory_space<vmem>> -> memref<128xi32, #tpu.memory_space<vmem>>
    %dma_start3A_1159 = arith.constant 0 : i32
    %dma_start3A_1160 = tpu.memref_slice %arg9[%dma_start3A_1154, %dma_start3A_1159] : memref<8x128xi32, #tpu.memory_space<vmem>> -> memref<1x128xi32, #tpu.memory_space<vmem>>
    %dma_start3A_1161 = tpu.memref_squeeze %dma_start3A_1160 : memref<1x128xi32, #tpu.memory_space<vmem>> -> memref<128xi32, #tpu.memory_space<vmem>>
    %dma_start3A_1162 = arith.constant 0 : i32
    %dma_start3A_1163 = tpu.memref_slice %arg7[%dma_start3A_1162] : memref<1000000xi32, #tpu.memory_space<hbm>> -> memref<1000000xi32, #tpu.memory_space<hbm>>
    tpu.enqueue_indirect_dma source(%dma_start3A_1163 : memref<1000000xi32, #tpu.memory_space<hbm>>) target(%dma_start3A_1158 : memref<128xi32, #tpu.memory_space<vmem>>) offsets(%dma_start3A_1161 : memref<128xi32, #tpu.memory_space<vmem>>) semaphore(%arg16 : memref<!tpu.dma_semaphore, #tpu.memory_space<semaphore_mem>>)
    %dma_start3A_1164 = arith.constant 3 : i32
    %dma_start3A_1165 = arith.constant 3 : i32
    %dma_start3A_1166 = arith.constant 0 : i32
    %dma_start3A_1167 = tpu.memref_slice %arg10[%dma_start3A_1165, %dma_start3A_1166] : memref<8x128xi32, #tpu.memory_space<vmem>> -> memref<1x128xi32, #tpu.memory_space<vmem>>
    %dma_start3A_1168 = tpu.memref_squeeze %dma_start3A_1167 : memref<1x128xi32, #tpu.memory_space<vmem>> -> memref<128xi32, #tpu.memory_space<vmem>>
    %dma_start3A_1169 = arith.constant 0 : i32
    %dma_start3A_1170 = tpu.memref_slice %arg9[%dma_start3A_1164, %dma_start3A_1169] : memref<8x128xi32, #tpu.memory_space<vmem>> -> memref<1x128xi32, #tpu.memory_space<vmem>>
    %dma_start3A_1171 = tpu.memref_squeeze %dma_start3A_1170 : memref<1x128xi32, #tpu.memory_space<vmem>> -> memref<128xi32, #tpu.memory_space<vmem>>
    %dma_start3A_1172 = arith.constant 0 : i32
    %dma_start3A_1173 = tpu.memref_slice %arg7[%dma_start3A_1172] : memref<1000000xi32, #tpu.memory_space<hbm>> -> memref<1000000xi32, #tpu.memory_space<hbm>>
    tpu.enqueue_indirect_dma source(%dma_start3A_1173 : memref<1000000xi32, #tpu.memory_space<hbm>>) target(%dma_start3A_1168 : memref<128xi32, #tpu.memory_space<vmem>>) offsets(%dma_start3A_1171 : memref<128xi32, #tpu.memory_space<vmem>>) semaphore(%arg16 : memref<!tpu.dma_semaphore, #tpu.memory_space<semaphore_mem>>)
    %dma_start3A_1174 = arith.constant 4 : i32
    %dma_start3A_1175 = arith.constant 4 : i32
    %dma_start3A_1176 = arith.constant 0 : i32
    %dma_start3A_1177 = tpu.memref_slice %arg10[%dma_start3A_1175, %dma_start3A_1176] : memref<8x128xi32, #tpu.memory_space<vmem>> -> memref<1x128xi32, #tpu.memory_space<vmem>>
    %dma_start3A_1178 = tpu.memref_squeeze %dma_start3A_1177 : memref<1x128xi32, #tpu.memory_space<vmem>> -> memref<128xi32, #tpu.memory_space<vmem>>
    %dma_start3A_1179 = arith.constant 0 : i32
    %dma_start3A_1180 = tpu.memref_slice %arg9[%dma_start3A_1174, %dma_start3A_1179] : memref<8x128xi32, #tpu.memory_space<vmem>> -> memref<1x128xi32, #tpu.memory_space<vmem>>
    %dma_start3A_1181 = tpu.memref_squeeze %dma_start3A_1180 : memref<1x128xi32, #tpu.memory_space<vmem>> -> memref<128xi32, #tpu.memory_space<vmem>>
    %dma_start3A_1182 = arith.constant 0 : i32
    %dma_start3A_1183 = tpu.memref_slice %arg7[%dma_start3A_1182] : memref<1000000xi32, #tpu.memory_space<hbm>> -> memref<1000000xi32, #tpu.memory_space<hbm>>
    tpu.enqueue_indirect_dma source(%dma_start3A_1183 : memref<1000000xi32, #tpu.memory_space<hbm>>) target(%dma_start3A_1178 : memref<128xi32, #tpu.memory_space<vmem>>) offsets(%dma_start3A_1181 : memref<128xi32, #tpu.memory_space<vmem>>) semaphore(%arg16 : memref<!tpu.dma_semaphore, #tpu.memory_space<semaphore_mem>>)
    %dma_start3A_1184 = arith.constant 5 : i32
    %dma_start3A_1185 = arith.constant 5 : i32
    %dma_start3A_1186 = arith.constant 0 : i32
    %dma_start3A_1187 = tpu.memref_slice %arg10[%dma_start3A_1185, %dma_start3A_1186] : memref<8x128xi32, #tpu.memory_space<vmem>> -> memref<1x128xi32, #tpu.memory_space<vmem>>
    %dma_start3A_1188 = tpu.memref_squeeze %dma_start3A_1187 : memref<1x128xi32, #tpu.memory_space<vmem>> -> memref<128xi32, #tpu.memory_space<vmem>>
    %dma_start3A_1189 = arith.constant 0 : i32
    %dma_start3A_1190 = tpu.memref_slice %arg9[%dma_start3A_1184, %dma_start3A_1189] : memref<8x128xi32, #tpu.memory_space<vmem>> -> memref<1x128xi32, #tpu.memory_space<vmem>>
    %dma_start3A_1191 = tpu.memref_squeeze %dma_start3A_1190 : memref<1x128xi32, #tpu.memory_space<vmem>> -> memref<128xi32, #tpu.memory_space<vmem>>
    %dma_start3A_1192 = arith.constant 0 : i32
    %dma_start3A_1193 = tpu.memref_slice %arg7[%dma_start3A_1192] : memref<1000000xi32, #tpu.memory_space<hbm>> -> memref<1000000xi32, #tpu.memory_space<hbm>>
    tpu.enqueue_indirect_dma source(%dma_start3A_1193 : memref<1000000xi32, #tpu.memory_space<hbm>>) target(%dma_start3A_1188 : memref<128xi32, #tpu.memory_space<vmem>>) offsets(%dma_start3A_1191 : memref<128xi32, #tpu.memory_space<vmem>>) semaphore(%arg16 : memref<!tpu.dma_semaphore, #tpu.memory_space<semaphore_mem>>)
    %dma_start3A_1194 = arith.constant 6 : i32
    %dma_start3A_1195 = arith.constant 6 : i32
    %dma_start3A_1196 = arith.constant 0 : i32
    %dma_start3A_1197 = tpu.memref_slice %arg10[%dma_start3A_1195, %dma_start3A_1196] : memref<8x128xi32, #tpu.memory_space<vmem>> -> memref<1x128xi32, #tpu.memory_space<vmem>>
    %dma_start3A_1198 = tpu.memref_squeeze %dma_start3A_1197 : memref<1x128xi32, #tpu.memory_space<vmem>> -> memref<128xi32, #tpu.memory_space<vmem>>
    %dma_start3A_1199 = arith.constant 0 : i32
    %dma_start3A_1200 = tpu.memref_slice %arg9[%dma_start3A_1194, %dma_start3A_1199] : memref<8x128xi32, #tpu.memory_space<vmem>> -> memref<1x128xi32, #tpu.memory_space<vmem>>
    %dma_start3A_1201 = tpu.memref_squeeze %dma_start3A_1200 : memref<1x128xi32, #tpu.memory_space<vmem>> -> memref<128xi32, #tpu.memory_space<vmem>>
    %dma_start3A_1202 = arith.constant 0 : i32
    %dma_start3A_1203 = tpu.memref_slice %arg7[%dma_start3A_1202] : memref<1000000xi32, #tpu.memory_space<hbm>> -> memref<1000000xi32, #tpu.memory_space<hbm>>
    tpu.enqueue_indirect_dma source(%dma_start3A_1203 : memref<1000000xi32, #tpu.memory_space<hbm>>) target(%dma_start3A_1198 : memref<128xi32, #tpu.memory_space<vmem>>) offsets(%dma_start3A_1201 : memref<128xi32, #tpu.memory_space<vmem>>) semaphore(%arg16 : memref<!tpu.dma_semaphore, #tpu.memory_space<semaphore_mem>>)
    %dma_start3A_1204 = arith.constant 7 : i32
    %dma_start3A_1205 = arith.constant 7 : i32
    %dma_start3A_1206 = arith.constant 0 : i32
    %dma_start3A_1207 = tpu.memref_slice %arg10[%dma_start3A_1205, %dma_start3A_1206] : memref<8x128xi32, #tpu.memory_space<vmem>> -> memref<1x128xi32, #tpu.memory_space<vmem>>
    %dma_start3A_1208 = tpu.memref_squeeze %dma_start3A_1207 : memref<1x128xi32, #tpu.memory_space<vmem>> -> memref<128xi32, #tpu.memory_space<vmem>>
    %dma_start3A_1209 = arith.constant 0 : i32
    %dma_start3A_1210 = tpu.memref_slice %arg9[%dma_start3A_1204, %dma_start3A_1209] : memref<8x128xi32, #tpu.memory_space<vmem>> -> memref<1x128xi32, #tpu.memory_space<vmem>>
    %dma_start3A_1211 = tpu.memref_squeeze %dma_start3A_1210 : memref<1x128xi32, #tpu.memory_space<vmem>> -> memref<128xi32, #tpu.memory_space<vmem>>
    %dma_start3A_1212 = arith.constant 0 : i32
    %dma_start3A_1213 = tpu.memref_slice %arg7[%dma_start3A_1212] : memref<1000000xi32, #tpu.memory_space<hbm>> -> memref<1000000xi32, #tpu.memory_space<hbm>>
    tpu.enqueue_indirect_dma source(%dma_start3A_1213 : memref<1000000xi32, #tpu.memory_space<hbm>>) target(%dma_start3A_1208 : memref<128xi32, #tpu.memory_space<vmem>>) offsets(%dma_start3A_1211 : memref<128xi32, #tpu.memory_space<vmem>>) semaphore(%arg16 : memref<!tpu.dma_semaphore, #tpu.memory_space<semaphore_mem>>)
    %dma_wait3A_1214 = arith.constant 0 : i32
    %dma_wait3A_1215 = arith.constant 0 : i32
    %dma_wait3A_1216 = arith.constant 0 : i32
    %dma_wait3A_1217 = tpu.memref_slice %arg10[%dma_wait3A_1215, %dma_wait3A_1216] : memref<8x128xi32, #tpu.memory_space<vmem>> -> memref<1x128xi32, #tpu.memory_space<vmem>>
    %dma_wait3A_1218 = tpu.memref_squeeze %dma_wait3A_1217 : memref<1x128xi32, #tpu.memory_space<vmem>> -> memref<128xi32, #tpu.memory_space<vmem>>
    %dma_wait3A_1219 = arith.constant 0 : i32
    %dma_wait3A_1220 = tpu.memref_slice %arg9[%dma_wait3A_1214, %dma_wait3A_1219] : memref<8x128xi32, #tpu.memory_space<vmem>> -> memref<1x128xi32, #tpu.memory_space<vmem>>
    %dma_wait3A_1221 = tpu.memref_squeeze %dma_wait3A_1220 : memref<1x128xi32, #tpu.memory_space<vmem>> -> memref<128xi32, #tpu.memory_space<vmem>>
    %dma_wait3A_1222 = arith.constant 0 : i32
    %dma_wait3A_1223 = tpu.memref_slice %arg7[%dma_wait3A_1222] : memref<1000000xi32, #tpu.memory_space<hbm>> -> memref<1000000xi32, #tpu.memory_space<hbm>>
    tpu.wait_indirect_dma semaphore(%arg16 : memref<!tpu.dma_semaphore, #tpu.memory_space<semaphore_mem>>) src(%dma_wait3A_1223 : memref<1000000xi32, #tpu.memory_space<hbm>>) dst(%dma_wait3A_1218 : memref<128xi32, #tpu.memory_space<vmem>>)
    %dma_wait3A_1224 = arith.constant 1 : i32
    %dma_wait3A_1225 = arith.constant 1 : i32
    %dma_wait3A_1226 = arith.constant 0 : i32
    %dma_wait3A_1227 = tpu.memref_slice %arg10[%dma_wait3A_1225, %dma_wait3A_1226] : memref<8x128xi32, #tpu.memory_space<vmem>> -> memref<1x128xi32, #tpu.memory_space<vmem>>
    %dma_wait3A_1228 = tpu.memref_squeeze %dma_wait3A_1227 : memref<1x128xi32, #tpu.memory_space<vmem>> -> memref<128xi32, #tpu.memory_space<vmem>>
    %dma_wait3A_1229 = arith.constant 0 : i32
    %dma_wait3A_1230 = tpu.memref_slice %arg9[%dma_wait3A_1224, %dma_wait3A_1229] : memref<8x128xi32, #tpu.memory_space<vmem>> -> memref<1x128xi32, #tpu.memory_space<vmem>>
    %dma_wait3A_1231 = tpu.memref_squeeze %dma_wait3A_1230 : memref<1x128xi32, #tpu.memory_space<vmem>> -> memref<128xi32, #tpu.memory_space<vmem>>
    %dma_wait3A_1232 = arith.constant 0 : i32
    %dma_wait3A_1233 = tpu.memref_slice %arg7[%dma_wait3A_1232] : memref<1000000xi32, #tpu.memory_space<hbm>> -> memref<1000000xi32, #tpu.memory_space<hbm>>
    tpu.wait_indirect_dma semaphore(%arg16 : memref<!tpu.dma_semaphore, #tpu.memory_space<semaphore_mem>>) src(%dma_wait3A_1233 : memref<1000000xi32, #tpu.memory_space<hbm>>) dst(%dma_wait3A_1228 : memref<128xi32, #tpu.memory_space<vmem>>)
    %dma_wait3A_1234 = arith.constant 2 : i32
    %dma_wait3A_1235 = arith.constant 2 : i32
    %dma_wait3A_1236 = arith.constant 0 : i32
    %dma_wait3A_1237 = tpu.memref_slice %arg10[%dma_wait3A_1235, %dma_wait3A_1236] : memref<8x128xi32, #tpu.memory_space<vmem>> -> memref<1x128xi32, #tpu.memory_space<vmem>>
    %dma_wait3A_1238 = tpu.memref_squeeze %dma_wait3A_1237 : memref<1x128xi32, #tpu.memory_space<vmem>> -> memref<128xi32, #tpu.memory_space<vmem>>
    %dma_wait3A_1239 = arith.constant 0 : i32
    %dma_wait3A_1240 = tpu.memref_slice %arg9[%dma_wait3A_1234, %dma_wait3A_1239] : memref<8x128xi32, #tpu.memory_space<vmem>> -> memref<1x128xi32, #tpu.memory_space<vmem>>
    %dma_wait3A_1241 = tpu.memref_squeeze %dma_wait3A_1240 : memref<1x128xi32, #tpu.memory_space<vmem>> -> memref<128xi32, #tpu.memory_space<vmem>>
    %dma_wait3A_1242 = arith.constant 0 : i32
    %dma_wait3A_1243 = tpu.memref_slice %arg7[%dma_wait3A_1242] : memref<1000000xi32, #tpu.memory_space<hbm>> -> memref<1000000xi32, #tpu.memory_space<hbm>>
    tpu.wait_indirect_dma semaphore(%arg16 : memref<!tpu.dma_semaphore, #tpu.memory_space<semaphore_mem>>) src(%dma_wait3A_1243 : memref<1000000xi32, #tpu.memory_space<hbm>>) dst(%dma_wait3A_1238 : memref<128xi32, #tpu.memory_space<vmem>>)
    %dma_wait3A_1244 = arith.constant 3 : i32
    %dma_wait3A_1245 = arith.constant 3 : i32
    %dma_wait3A_1246 = arith.constant 0 : i32
    %dma_wait3A_1247 = tpu.memref_slice %arg10[%dma_wait3A_1245, %dma_wait3A_1246] : memref<8x128xi32, #tpu.memory_space<vmem>> -> memref<1x128xi32, #tpu.memory_space<vmem>>
    %dma_wait3A_1248 = tpu.memref_squeeze %dma_wait3A_1247 : memref<1x128xi32, #tpu.memory_space<vmem>> -> memref<128xi32, #tpu.memory_space<vmem>>
    %dma_wait3A_1249 = arith.constant 0 : i32
    %dma_wait3A_1250 = tpu.memref_slice %arg9[%dma_wait3A_1244, %dma_wait3A_1249] : memref<8x128xi32, #tpu.memory_space<vmem>> -> memref<1x128xi32, #tpu.memory_space<vmem>>
    %dma_wait3A_1251 = tpu.memref_squeeze %dma_wait3A_1250 : memref<1x128xi32, #tpu.memory_space<vmem>> -> memref<128xi32, #tpu.memory_space<vmem>>
    %dma_wait3A_1252 = arith.constant 0 : i32
    %dma_wait3A_1253 = tpu.memref_slice %arg7[%dma_wait3A_1252] : memref<1000000xi32, #tpu.memory_space<hbm>> -> memref<1000000xi32, #tpu.memory_space<hbm>>
    tpu.wait_indirect_dma semaphore(%arg16 : memref<!tpu.dma_semaphore, #tpu.memory_space<semaphore_mem>>) src(%dma_wait3A_1253 : memref<1000000xi32, #tpu.memory_space<hbm>>) dst(%dma_wait3A_1248 : memref<128xi32, #tpu.memory_space<vmem>>)
    %dma_wait3A_1254 = arith.constant 4 : i32
    %dma_wait3A_1255 = arith.constant 4 : i32
    %dma_wait3A_1256 = arith.constant 0 : i32
    %dma_wait3A_1257 = tpu.memref_slice %arg10[%dma_wait3A_1255, %dma_wait3A_1256] : memref<8x128xi32, #tpu.memory_space<vmem>> -> memref<1x128xi32, #tpu.memory_space<vmem>>
    %dma_wait3A_1258 = tpu.memref_squeeze %dma_wait3A_1257 : memref<1x128xi32, #tpu.memory_space<vmem>> -> memref<128xi32, #tpu.memory_space<vmem>>
    %dma_wait3A_1259 = arith.constant 0 : i32
    %dma_wait3A_1260 = tpu.memref_slice %arg9[%dma_wait3A_1254, %dma_wait3A_1259] : memref<8x128xi32, #tpu.memory_space<vmem>> -> memref<1x128xi32, #tpu.memory_space<vmem>>
    %dma_wait3A_1261 = tpu.memref_squeeze %dma_wait3A_1260 : memref<1x128xi32, #tpu.memory_space<vmem>> -> memref<128xi32, #tpu.memory_space<vmem>>
    %dma_wait3A_1262 = arith.constant 0 : i32
    %dma_wait3A_1263 = tpu.memref_slice %arg7[%dma_wait3A_1262] : memref<1000000xi32, #tpu.memory_space<hbm>> -> memref<1000000xi32, #tpu.memory_space<hbm>>
    tpu.wait_indirect_dma semaphore(%arg16 : memref<!tpu.dma_semaphore, #tpu.memory_space<semaphore_mem>>) src(%dma_wait3A_1263 : memref<1000000xi32, #tpu.memory_space<hbm>>) dst(%dma_wait3A_1258 : memref<128xi32, #tpu.memory_space<vmem>>)
    %dma_wait3A_1264 = arith.constant 5 : i32
    %dma_wait3A_1265 = arith.constant 5 : i32
    %dma_wait3A_1266 = arith.constant 0 : i32
    %dma_wait3A_1267 = tpu.memref_slice %arg10[%dma_wait3A_1265, %dma_wait3A_1266] : memref<8x128xi32, #tpu.memory_space<vmem>> -> memref<1x128xi32, #tpu.memory_space<vmem>>
    %dma_wait3A_1268 = tpu.memref_squeeze %dma_wait3A_1267 : memref<1x128xi32, #tpu.memory_space<vmem>> -> memref<128xi32, #tpu.memory_space<vmem>>
    %dma_wait3A_1269 = arith.constant 0 : i32
    %dma_wait3A_1270 = tpu.memref_slice %arg9[%dma_wait3A_1264, %dma_wait3A_1269] : memref<8x128xi32, #tpu.memory_space<vmem>> -> memref<1x128xi32, #tpu.memory_space<vmem>>
    %dma_wait3A_1271 = tpu.memref_squeeze %dma_wait3A_1270 : memref<1x128xi32, #tpu.memory_space<vmem>> -> memref<128xi32, #tpu.memory_space<vmem>>
    %dma_wait3A_1272 = arith.constant 0 : i32
    %dma_wait3A_1273 = tpu.memref_slice %arg7[%dma_wait3A_1272] : memref<1000000xi32, #tpu.memory_space<hbm>> -> memref<1000000xi32, #tpu.memory_space<hbm>>
    tpu.wait_indirect_dma semaphore(%arg16 : memref<!tpu.dma_semaphore, #tpu.memory_space<semaphore_mem>>) src(%dma_wait3A_1273 : memref<1000000xi32, #tpu.memory_space<hbm>>) dst(%dma_wait3A_1268 : memref<128xi32, #tpu.memory_space<vmem>>)
    %dma_wait3A_1274 = arith.constant 6 : i32
    %dma_wait3A_1275 = arith.constant 6 : i32
    %dma_wait3A_1276 = arith.constant 0 : i32
    %dma_wait3A_1277 = tpu.memref_slice %arg10[%dma_wait3A_1275, %dma_wait3A_1276] : memref<8x128xi32, #tpu.memory_space<vmem>> -> memref<1x128xi32, #tpu.memory_space<vmem>>
    %dma_wait3A_1278 = tpu.memref_squeeze %dma_wait3A_1277 : memref<1x128xi32, #tpu.memory_space<vmem>> -> memref<128xi32, #tpu.memory_space<vmem>>
    %dma_wait3A_1279 = arith.constant 0 : i32
    %dma_wait3A_1280 = tpu.memref_slice %arg9[%dma_wait3A_1274, %dma_wait3A_1279] : memref<8x128xi32, #tpu.memory_space<vmem>> -> memref<1x128xi32, #tpu.memory_space<vmem>>
    %dma_wait3A_1281 = tpu.memref_squeeze %dma_wait3A_1280 : memref<1x128xi32, #tpu.memory_space<vmem>> -> memref<128xi32, #tpu.memory_space<vmem>>
    %dma_wait3A_1282 = arith.constant 0 : i32
    %dma_wait3A_1283 = tpu.memref_slice %arg7[%dma_wait3A_1282] : memref<1000000xi32, #tpu.memory_space<hbm>> -> memref<1000000xi32, #tpu.memory_space<hbm>>
    tpu.wait_indirect_dma semaphore(%arg16 : memref<!tpu.dma_semaphore, #tpu.memory_space<semaphore_mem>>) src(%dma_wait3A_1283 : memref<1000000xi32, #tpu.memory_space<hbm>>) dst(%dma_wait3A_1278 : memref<128xi32, #tpu.memory_space<vmem>>)
    %dma_wait3A_1284 = arith.constant 7 : i32
    %dma_wait3A_1285 = arith.constant 7 : i32
    %dma_wait3A_1286 = arith.constant 0 : i32
    %dma_wait3A_1287 = tpu.memref_slice %arg10[%dma_wait3A_1285, %dma_wait3A_1286] : memref<8x128xi32, #tpu.memory_space<vmem>> -> memref<1x128xi32, #tpu.memory_space<vmem>>
    %dma_wait3A_1288 = tpu.memref_squeeze %dma_wait3A_1287 : memref<1x128xi32, #tpu.memory_space<vmem>> -> memref<128xi32, #tpu.memory_space<vmem>>
    %dma_wait3A_1289 = arith.constant 0 : i32
    %dma_wait3A_1290 = tpu.memref_slice %arg9[%dma_wait3A_1284, %dma_wait3A_1289] : memref<8x128xi32, #tpu.memory_space<vmem>> -> memref<1x128xi32, #tpu.memory_space<vmem>>
    %dma_wait3A_1291 = tpu.memref_squeeze %dma_wait3A_1290 : memref<1x128xi32, #tpu.memory_space<vmem>> -> memref<128xi32, #tpu.memory_space<vmem>>
    %dma_wait3A_1292 = arith.constant 0 : i32
    %dma_wait3A_1293 = tpu.memref_slice %arg7[%dma_wait3A_1292] : memref<1000000xi32, #tpu.memory_space<hbm>> -> memref<1000000xi32, #tpu.memory_space<hbm>>
    tpu.wait_indirect_dma semaphore(%arg16 : memref<!tpu.dma_semaphore, #tpu.memory_space<semaphore_mem>>) src(%dma_wait3A_1293 : memref<1000000xi32, #tpu.memory_space<hbm>>) dst(%dma_wait3A_1288 : memref<128xi32, #tpu.memory_space<vmem>>)
    %get3A = arith.constant 0 : i32
    %get3A_1294 = arith.index_cast %get3A : i32 to index
    %get3A_1295 = arith.constant 0 : index
    %get3A_1296 = tpu.vector_load %arg10[%get3A_1294, %get3A_1295] {strides = array<i32>} : memref<8x128xi32, #tpu.memory_space<vmem>>, vector<1x16xi32>,
    %get3A_1297 = vector.shape_cast %get3A_1296 : vector<1x16xi32> to vector<16xi32>
    %get3A_1298 = arith.constant 0 : i32
    %get3A_1299 = arith.index_cast %get3A_1298 : i32 to index
    %get3A_1300 = arith.constant 0 : index
    %get3A_1301 = tpu.vector_load %arg12[%get3A_1299, %get3A_1300] {strides = array<i32>} : memref<8x128xi32, #tpu.memory_space<vmem>>, vector<1x16xi32>,
    %get3A_1302 = vector.shape_cast %get3A_1301 : vector<1x16xi32> to vector<16xi32>
    %eq3A_1303 = arith.cmpi eq, %get3A_1297, %get3A_1302 : vector<16xi32>
    %jit3A = arith.constant 16384 : i32
    %broadcast_in_dim3A = vector.broadcast %jit3A : i32 to vector<16xi32>
    %select_n3A = arith.select %eq3A_1303, %get3A_1297, %broadcast_in_dim3A : vector<16xi1>, vector<16xi32>
    %swap3A_1304 = arith.constant 0 : i32
    %swap3A_1305 = arith.index_cast %swap3A_1304 : i32 to index
    %swap3A_1306 = arith.constant 0 : index
    %swap3A_1307 = tpu.vector_load %arg11[%swap3A_1305, %swap3A_1306] {strides = array<i32>} : memref<8x128xi32, #tpu.memory_space<vmem>>, vector<1x16xi32>,
    %swap3A_1308 = vector.shape_cast %swap3A_1307 : vector<1x16xi32> to vector<16xi32>
    %swap3A_1309 = vector.shape_cast %select_n3A : vector<16xi32> to vector<1x16xi32>
    tpu.vector_store %arg11[%swap3A_1305, %swap3A_1306], %swap3A_1309 {strides = array<i32>} : memref<8x128xi32, #tpu.memory_space<vmem>>, vector<1x16xi32>,
    %get3A_1310 = arith.constant 0 : i32
    %get3A_1311 = arith.index_cast %get3A_1310 : i32 to index
    %get3A_1312 = arith.constant 16 : index
    %get3A_1313 = tpu.vector_load %arg10[%get3A_1311, %get3A_1312] {strides = array<i32>} : memref<8x128xi32, #tpu.memory_space<vmem>>, vector<1x16xi32>,
    %get3A_1314 = vector.shape_cast %get3A_1313 : vector<1x16xi32> to vector<16xi32>
    %get3A_1315 = arith.constant 0 : i32
    %get3A_1316 = arith.index_cast %get3A_1315 : i32 to index
    %get3A_1317 = arith.constant 16 : index
    %get3A_1318 = tpu.vector_load %arg12[%get3A_1316, %get3A_1317] {strides = array<i32>} : memref<8x128xi32, #tpu.memory_space<vmem>>, vector<1x16xi32>,
    %get3A_1319 = vector.shape_cast %get3A_1318 : vector<1x16xi32> to vector<16xi32>
    %eq3A_1320 = arith.cmpi eq, %get3A_1314, %get3A_1319 : vector<16xi32>
    %jit3A_1321 = arith.constant 16384 : i32
    %broadcast_in_dim3A_1322 = vector.broadcast %jit3A_1321 : i32 to vector<16xi32>
    %select_n3A_1323 = arith.select %eq3A_1320, %get3A_1314, %broadcast_in_dim3A_1322 : vector<16xi1>, vector<16xi32>
    %swap3A_1324 = arith.constant 0 : i32
    %swap3A_1325 = arith.index_cast %swap3A_1324 : i32 to index
    %swap3A_1326 = arith.constant 16 : index
    %swap3A_1327 = tpu.vector_load %arg11[%swap3A_1325, %swap3A_1326] {strides = array<i32>} : memref<8x128xi32, #tpu.memory_space<vmem>>, vector<1x16xi32>,
    %swap3A_1328 = vector.shape_cast %swap3A_1327 : vector<1x16xi32> to vector<16xi32>
    %swap3A_1329 = vector.shape_cast %select_n3A_1323 : vector<16xi32> to vector<1x16xi32>
    tpu.vector_store %arg11[%swap3A_1325, %swap3A_1326], %swap3A_1329 {strides = array<i32>} : memref<8x128xi32, #tpu.memory_space<vmem>>, vector<1x16xi32>,
    %get3A_1330 = arith.constant 0 : i32
    %get3A_1331 = arith.index_cast %get3A_1330 : i32 to index
    %get3A_1332 = arith.constant 32 : index
    %get3A_1333 = tpu.vector_load %arg10[%get3A_1331, %get3A_1332] {strides = array<i32>} : memref<8x128xi32, #tpu.memory_space<vmem>>, vector<1x16xi32>,
    %get3A_1334 = vector.shape_cast %get3A_1333 : vector<1x16xi32> to vector<16xi32>
    %get3A_1335 = arith.constant 0 : i32
    %get3A_1336 = arith.index_cast %get3A_1335 : i32 to index
    %get3A_1337 = arith.constant 32 : index
    %get3A_1338 = tpu.vector_load %arg12[%get3A_1336, %get3A_1337] {strides = array<i32>} : memref<8x128xi32, #tpu.memory_space<vmem>>, vector<1x16xi32>,
    %get3A_1339 = vector.shape_cast %get3A_1338 : vector<1x16xi32> to vector<16xi32>
    %eq3A_1340 = arith.cmpi eq, %get3A_1334, %get3A_1339 : vector<16xi32>
    %jit3A_1341 = arith.constant 16384 : i32
    %broadcast_in_dim3A_1342 = vector.broadcast %jit3A_1341 : i32 to vector<16xi32>
    %select_n3A_1343 = arith.select %eq3A_1340, %get3A_1334, %broadcast_in_dim3A_1342 : vector<16xi1>, vector<16xi32>
    %swap3A_1344 = arith.constant 0 : i32
    %swap3A_1345 = arith.index_cast %swap3A_1344 : i32 to index
    %swap3A_1346 = arith.constant 32 : index
    %swap3A_1347 = tpu.vector_load %arg11[%swap3A_1345, %swap3A_1346] {strides = array<i32>} : memref<8x128xi32, #tpu.memory_space<vmem>>, vector<1x16xi32>,
    %swap3A_1348 = vector.shape_cast %swap3A_1347 : vector<1x16xi32> to vector<16xi32>
    %swap3A_1349 = vector.shape_cast %select_n3A_1343 : vector<16xi32> to vector<1x16xi32>
    tpu.vector_store %arg11[%swap3A_1345, %swap3A_1346], %swap3A_1349 {strides = array<i32>} : memref<8x128xi32, #tpu.memory_space<vmem>>, vector<1x16xi32>,
    %get3A_1350 = arith.constant 0 : i32
    %get3A_1351 = arith.index_cast %get3A_1350 : i32 to index
    %get3A_1352 = arith.constant 48 : index
    %get3A_1353 = tpu.vector_load %arg10[%get3A_1351, %get3A_1352] {strides = array<i32>} : memref<8x128xi32, #tpu.memory_space<vmem>>, vector<1x16xi32>,
    %get3A_1354 = vector.shape_cast %get3A_1353 : vector<1x16xi32> to vector<16xi32>
    %get3A_1355 = arith.constant 0 : i32
    %get3A_1356 = arith.index_cast %get3A_1355 : i32 to index
    %get3A_1357 = arith.constant 48 : index
    %get3A_1358 = tpu.vector_load %arg12[%get3A_1356, %get3A_1357] {strides = array<i32>} : memref<8x128xi32, #tpu.memory_space<vmem>>, vector<1x16xi32>,
    %get3A_1359 = vector.shape_cast %get3A_1358 : vector<1x16xi32> to vector<16xi32>
    %eq3A_1360 = arith.cmpi eq, %get3A_1354, %get3A_1359 : vector<16xi32>
    %jit3A_1361 = arith.constant 16384 : i32
    %broadcast_in_dim3A_1362 = vector.broadcast %jit3A_1361 : i32 to vector<16xi32>
    %select_n3A_1363 = arith.select %eq3A_1360, %get3A_1354, %broadcast_in_dim3A_1362 : vector<16xi1>, vector<16xi32>
    %swap3A_1364 = arith.constant 0 : i32
    %swap3A_1365 = arith.index_cast %swap3A_1364 : i32 to index
    %swap3A_1366 = arith.constant 48 : index
    %swap3A_1367 = tpu.vector_load %arg11[%swap3A_1365, %swap3A_1366] {strides = array<i32>} : memref<8x128xi32, #tpu.memory_space<vmem>>, vector<1x16xi32>,
    %swap3A_1368 = vector.shape_cast %swap3A_1367 : vector<1x16xi32> to vector<16xi32>
    %swap3A_1369 = vector.shape_cast %select_n3A_1363 : vector<16xi32> to vector<1x16xi32>
    tpu.vector_store %arg11[%swap3A_1365, %swap3A_1366], %swap3A_1369 {strides = array<i32>} : memref<8x128xi32, #tpu.memory_space<vmem>>, vector<1x16xi32>,
    %get3A_1370 = arith.constant 0 : i32
    %get3A_1371 = arith.index_cast %get3A_1370 : i32 to index
    %get3A_1372 = arith.constant 64 : index
    %get3A_1373 = tpu.vector_load %arg10[%get3A_1371, %get3A_1372] {strides = array<i32>} : memref<8x128xi32, #tpu.memory_space<vmem>>, vector<1x16xi32>,
    %get3A_1374 = vector.shape_cast %get3A_1373 : vector<1x16xi32> to vector<16xi32>
    %get3A_1375 = arith.constant 0 : i32
    %get3A_1376 = arith.index_cast %get3A_1375 : i32 to index
    %get3A_1377 = arith.constant 64 : index
    %get3A_1378 = tpu.vector_load %arg12[%get3A_1376, %get3A_1377] {strides = array<i32>} : memref<8x128xi32, #tpu.memory_space<vmem>>, vector<1x16xi32>,
    %get3A_1379 = vector.shape_cast %get3A_1378 : vector<1x16xi32> to vector<16xi32>
    %eq3A_1380 = arith.cmpi eq, %get3A_1374, %get3A_1379 : vector<16xi32>
    %jit3A_1381 = arith.constant 16384 : i32
    %broadcast_in_dim3A_1382 = vector.broadcast %jit3A_1381 : i32 to vector<16xi32>
    %select_n3A_1383 = arith.select %eq3A_1380, %get3A_1374, %broadcast_in_dim3A_1382 : vector<16xi1>, vector<16xi32>
    %swap3A_1384 = arith.constant 0 : i32
    %swap3A_1385 = arith.index_cast %swap3A_1384 : i32 to index
    %swap3A_1386 = arith.constant 64 : index
    %swap3A_1387 = tpu.vector_load %arg11[%swap3A_1385, %swap3A_1386] {strides = array<i32>} : memref<8x128xi32, #tpu.memory_space<vmem>>, vector<1x16xi32>,
    %swap3A_1388 = vector.shape_cast %swap3A_1387 : vector<1x16xi32> to vector<16xi32>
    %swap3A_1389 = vector.shape_cast %select_n3A_1383 : vector<16xi32> to vector<1x16xi32>
    tpu.vector_store %arg11[%swap3A_1385, %swap3A_1386], %swap3A_1389 {strides = array<i32>} : memref<8x128xi32, #tpu.memory_space<vmem>>, vector<1x16xi32>,
    %get3A_1390 = arith.constant 0 : i32
    %get3A_1391 = arith.index_cast %get3A_1390 : i32 to index
    %get3A_1392 = arith.constant 80 : index
    %get3A_1393 = tpu.vector_load %arg10[%get3A_1391, %get3A_1392] {strides = array<i32>} : memref<8x128xi32, #tpu.memory_space<vmem>>, vector<1x16xi32>,
    %get3A_1394 = vector.shape_cast %get3A_1393 : vector<1x16xi32> to vector<16xi32>
    %get3A_1395 = arith.constant 0 : i32
    %get3A_1396 = arith.index_cast %get3A_1395 : i32 to index
    %get3A_1397 = arith.constant 80 : index
    %get3A_1398 = tpu.vector_load %arg12[%get3A_1396, %get3A_1397] {strides = array<i32>} : memref<8x128xi32, #tpu.memory_space<vmem>>, vector<1x16xi32>,
    %get3A_1399 = vector.shape_cast %get3A_1398 : vector<1x16xi32> to vector<16xi32>
    %eq3A_1400 = arith.cmpi eq, %get3A_1394, %get3A_1399 : vector<16xi32>
    %jit3A_1401 = arith.constant 16384 : i32
    %broadcast_in_dim3A_1402 = vector.broadcast %jit3A_1401 : i32 to vector<16xi32>
    %select_n3A_1403 = arith.select %eq3A_1400, %get3A_1394, %broadcast_in_dim3A_1402 : vector<16xi1>, vector<16xi32>
    %swap3A_1404 = arith.constant 0 : i32
    %swap3A_1405 = arith.index_cast %swap3A_1404 : i32 to index
    %swap3A_1406 = arith.constant 80 : index
    %swap3A_1407 = tpu.vector_load %arg11[%swap3A_1405, %swap3A_1406] {strides = array<i32>} : memref<8x128xi32, #tpu.memory_space<vmem>>, vector<1x16xi32>,
    %swap3A_1408 = vector.shape_cast %swap3A_1407 : vector<1x16xi32> to vector<16xi32>
    %swap3A_1409 = vector.shape_cast %select_n3A_1403 : vector<16xi32> to vector<1x16xi32>
    tpu.vector_store %arg11[%swap3A_1405, %swap3A_1406], %swap3A_1409 {strides = array<i32>} : memref<8x128xi32, #tpu.memory_space<vmem>>, vector<1x16xi32>,
    %get3A_1410 = arith.constant 0 : i32
    %get3A_1411 = arith.index_cast %get3A_1410 : i32 to index
    %get3A_1412 = arith.constant 96 : index
    %get3A_1413 = tpu.vector_load %arg10[%get3A_1411, %get3A_1412] {strides = array<i32>} : memref<8x128xi32, #tpu.memory_space<vmem>>, vector<1x16xi32>,
    %get3A_1414 = vector.shape_cast %get3A_1413 : vector<1x16xi32> to vector<16xi32>
    %get3A_1415 = arith.constant 0 : i32
    %get3A_1416 = arith.index_cast %get3A_1415 : i32 to index
    %get3A_1417 = arith.constant 96 : index
    %get3A_1418 = tpu.vector_load %arg12[%get3A_1416, %get3A_1417] {strides = array<i32>} : memref<8x128xi32, #tpu.memory_space<vmem>>, vector<1x16xi32>,
    %get3A_1419 = vector.shape_cast %get3A_1418 : vector<1x16xi32> to vector<16xi32>
    %eq3A_1420 = arith.cmpi eq, %get3A_1414, %get3A_1419 : vector<16xi32>
    %jit3A_1421 = arith.constant 16384 : i32
    %broadcast_in_dim3A_1422 = vector.broadcast %jit3A_1421 : i32 to vector<16xi32>
    %select_n3A_1423 = arith.select %eq3A_1420, %get3A_1414, %broadcast_in_dim3A_1422 : vector<16xi1>, vector<16xi32>
    %swap3A_1424 = arith.constant 0 : i32
    %swap3A_1425 = arith.index_cast %swap3A_1424 : i32 to index
    %swap3A_1426 = arith.constant 96 : index
    %swap3A_1427 = tpu.vector_load %arg11[%swap3A_1425, %swap3A_1426] {strides = array<i32>} : memref<8x128xi32, #tpu.memory_space<vmem>>, vector<1x16xi32>,
    %swap3A_1428 = vector.shape_cast %swap3A_1427 : vector<1x16xi32> to vector<16xi32>
    %swap3A_1429 = vector.shape_cast %select_n3A_1423 : vector<16xi32> to vector<1x16xi32>
    tpu.vector_store %arg11[%swap3A_1425, %swap3A_1426], %swap3A_1429 {strides = array<i32>} : memref<8x128xi32, #tpu.memory_space<vmem>>, vector<1x16xi32>,
    %get3A_1430 = arith.constant 0 : i32
    %get3A_1431 = arith.index_cast %get3A_1430 : i32 to index
    %get3A_1432 = arith.constant 112 : index
    %get3A_1433 = tpu.vector_load %arg10[%get3A_1431, %get3A_1432] {strides = array<i32>} : memref<8x128xi32, #tpu.memory_space<vmem>>, vector<1x16xi32>,
    %get3A_1434 = vector.shape_cast %get3A_1433 : vector<1x16xi32> to vector<16xi32>
    %get3A_1435 = arith.constant 0 : i32
    %get3A_1436 = arith.index_cast %get3A_1435 : i32 to index
    %get3A_1437 = arith.constant 112 : index
    %get3A_1438 = tpu.vector_load %arg12[%get3A_1436, %get3A_1437] {strides = array<i32>} : memref<8x128xi32, #tpu.memory_space<vmem>>, vector<1x16xi32>,
    %get3A_1439 = vector.shape_cast %get3A_1438 : vector<1x16xi32> to vector<16xi32>
    %eq3A_1440 = arith.cmpi eq, %get3A_1434, %get3A_1439 : vector<16xi32>
    %jit3A_1441 = arith.constant 16384 : i32
    %broadcast_in_dim3A_1442 = vector.broadcast %jit3A_1441 : i32 to vector<16xi32>
    %select_n3A_1443 = arith.select %eq3A_1440, %get3A_1434, %broadcast_in_dim3A_1442 : vector<16xi1>, vector<16xi32>
    %swap3A_1444 = arith.constant 0 : i32
    %swap3A_1445 = arith.index_cast %swap3A_1444 : i32 to index
    %swap3A_1446 = arith.constant 112 : index
    %swap3A_1447 = tpu.vector_load %arg11[%swap3A_1445, %swap3A_1446] {strides = array<i32>} : memref<8x128xi32, #tpu.memory_space<vmem>>, vector<1x16xi32>,
    %swap3A_1448 = vector.shape_cast %swap3A_1447 : vector<1x16xi32> to vector<16xi32>
    %swap3A_1449 = vector.shape_cast %select_n3A_1443 : vector<16xi32> to vector<1x16xi32>
    tpu.vector_store %arg11[%swap3A_1445, %swap3A_1446], %swap3A_1449 {strides = array<i32>} : memref<8x128xi32, #tpu.memory_space<vmem>>, vector<1x16xi32>,
    %get3A_1450 = arith.constant 1 : i32
    %get3A_1451 = arith.index_cast %get3A_1450 : i32 to index
    %get3A_1452 = arith.constant 0 : index
    %get3A_1453 = tpu.vector_load %arg10[%get3A_1451, %get3A_1452] {strides = array<i32>} : memref<8x128xi32, #tpu.memory_space<vmem>>, vector<1x16xi32>,
    %get3A_1454 = vector.shape_cast %get3A_1453 : vector<1x16xi32> to vector<16xi32>
    %get3A_1455 = arith.constant 1 : i32
    %get3A_1456 = arith.index_cast %get3A_1455 : i32 to index
    %get3A_1457 = arith.constant 0 : index
    %get3A_1458 = tpu.vector_load %arg12[%get3A_1456, %get3A_1457] {strides = array<i32>} : memref<8x128xi32, #tpu.memory_space<vmem>>, vector<1x16xi32>,
    %get3A_1459 = vector.shape_cast %get3A_1458 : vector<1x16xi32> to vector<16xi32>
    %eq3A_1460 = arith.cmpi eq, %get3A_1454, %get3A_1459 : vector<16xi32>
    %jit3A_1461 = arith.constant 16384 : i32
    %broadcast_in_dim3A_1462 = vector.broadcast %jit3A_1461 : i32 to vector<16xi32>
    %select_n3A_1463 = arith.select %eq3A_1460, %get3A_1454, %broadcast_in_dim3A_1462 : vector<16xi1>, vector<16xi32>
    %swap3A_1464 = arith.constant 1 : i32
    %swap3A_1465 = arith.index_cast %swap3A_1464 : i32 to index
    %swap3A_1466 = arith.constant 0 : index
    %swap3A_1467 = tpu.vector_load %arg11[%swap3A_1465, %swap3A_1466] {strides = array<i32>} : memref<8x128xi32, #tpu.memory_space<vmem>>, vector<1x16xi32>,
    %swap3A_1468 = vector.shape_cast %swap3A_1467 : vector<1x16xi32> to vector<16xi32>
    %swap3A_1469 = vector.shape_cast %select_n3A_1463 : vector<16xi32> to vector<1x16xi32>
    tpu.vector_store %arg11[%swap3A_1465, %swap3A_1466], %swap3A_1469 {strides = array<i32>} : memref<8x128xi32, #tpu.memory_space<vmem>>, vector<1x16xi32>,
    %get3A_1470 = arith.constant 1 : i32
    %get3A_1471 = arith.index_cast %get3A_1470 : i32 to index
    %get3A_1472 = arith.constant 16 : index
    %get3A_1473 = tpu.vector_load %arg10[%get3A_1471, %get3A_1472] {strides = array<i32>} : memref<8x128xi32, #tpu.memory_space<vmem>>, vector<1x16xi32>,
    %get3A_1474 = vector.shape_cast %get3A_1473 : vector<1x16xi32> to vector<16xi32>
    %get3A_1475 = arith.constant 1 : i32
    %get3A_1476 = arith.index_cast %get3A_1475 : i32 to index
    %get3A_1477 = arith.constant 16 : index
    %get3A_1478 = tpu.vector_load %arg12[%get3A_1476, %get3A_1477] {strides = array<i32>} : memref<8x128xi32, #tpu.memory_space<vmem>>, vector<1x16xi32>,
    %get3A_1479 = vector.shape_cast %get3A_1478 : vector<1x16xi32> to vector<16xi32>
    %eq3A_1480 = arith.cmpi eq, %get3A_1474, %get3A_1479 : vector<16xi32>
    %jit3A_1481 = arith.constant 16384 : i32
    %broadcast_in_dim3A_1482 = vector.broadcast %jit3A_1481 : i32 to vector<16xi32>
    %select_n3A_1483 = arith.select %eq3A_1480, %get3A_1474, %broadcast_in_dim3A_1482 : vector<16xi1>, vector<16xi32>
    %swap3A_1484 = arith.constant 1 : i32
    %swap3A_1485 = arith.index_cast %swap3A_1484 : i32 to index
    %swap3A_1486 = arith.constant 16 : index
    %swap3A_1487 = tpu.vector_load %arg11[%swap3A_1485, %swap3A_1486] {strides = array<i32>} : memref<8x128xi32, #tpu.memory_space<vmem>>, vector<1x16xi32>,
    %swap3A_1488 = vector.shape_cast %swap3A_1487 : vector<1x16xi32> to vector<16xi32>
    %swap3A_1489 = vector.shape_cast %select_n3A_1483 : vector<16xi32> to vector<1x16xi32>
    tpu.vector_store %arg11[%swap3A_1485, %swap3A_1486], %swap3A_1489 {strides = array<i32>} : memref<8x128xi32, #tpu.memory_space<vmem>>, vector<1x16xi32>,
    %get3A_1490 = arith.constant 1 : i32
    %get3A_1491 = arith.index_cast %get3A_1490 : i32 to index
    %get3A_1492 = arith.constant 32 : index
    %get3A_1493 = tpu.vector_load %arg10[%get3A_1491, %get3A_1492] {strides = array<i32>} : memref<8x128xi32, #tpu.memory_space<vmem>>, vector<1x16xi32>,
    %get3A_1494 = vector.shape_cast %get3A_1493 : vector<1x16xi32> to vector<16xi32>
    %get3A_1495 = arith.constant 1 : i32
    %get3A_1496 = arith.index_cast %get3A_1495 : i32 to index
    %get3A_1497 = arith.constant 32 : index
    %get3A_1498 = tpu.vector_load %arg12[%get3A_1496, %get3A_1497] {strides = array<i32>} : memref<8x128xi32, #tpu.memory_space<vmem>>, vector<1x16xi32>,
    %get3A_1499 = vector.shape_cast %get3A_1498 : vector<1x16xi32> to vector<16xi32>
    %eq3A_1500 = arith.cmpi eq, %get3A_1494, %get3A_1499 : vector<16xi32>
    %jit3A_1501 = arith.constant 16384 : i32
    %broadcast_in_dim3A_1502 = vector.broadcast %jit3A_1501 : i32 to vector<16xi32>
    %select_n3A_1503 = arith.select %eq3A_1500, %get3A_1494, %broadcast_in_dim3A_1502 : vector<16xi1>, vector<16xi32>
    %swap3A_1504 = arith.constant 1 : i32
    %swap3A_1505 = arith.index_cast %swap3A_1504 : i32 to index
    %swap3A_1506 = arith.constant 32 : index
    %swap3A_1507 = tpu.vector_load %arg11[%swap3A_1505, %swap3A_1506] {strides = array<i32>} : memref<8x128xi32, #tpu.memory_space<vmem>>, vector<1x16xi32>,
    %swap3A_1508 = vector.shape_cast %swap3A_1507 : vector<1x16xi32> to vector<16xi32>
    %swap3A_1509 = vector.shape_cast %select_n3A_1503 : vector<16xi32> to vector<1x16xi32>
    tpu.vector_store %arg11[%swap3A_1505, %swap3A_1506], %swap3A_1509 {strides = array<i32>} : memref<8x128xi32, #tpu.memory_space<vmem>>, vector<1x16xi32>,
    %get3A_1510 = arith.constant 1 : i32
    %get3A_1511 = arith.index_cast %get3A_1510 : i32 to index
    %get3A_1512 = arith.constant 48 : index
    %get3A_1513 = tpu.vector_load %arg10[%get3A_1511, %get3A_1512] {strides = array<i32>} : memref<8x128xi32, #tpu.memory_space<vmem>>, vector<1x16xi32>,
    %get3A_1514 = vector.shape_cast %get3A_1513 : vector<1x16xi32> to vector<16xi32>
    %get3A_1515 = arith.constant 1 : i32
    %get3A_1516 = arith.index_cast %get3A_1515 : i32 to index
    %get3A_1517 = arith.constant 48 : index
    %get3A_1518 = tpu.vector_load %arg12[%get3A_1516, %get3A_1517] {strides = array<i32>} : memref<8x128xi32, #tpu.memory_space<vmem>>, vector<1x16xi32>,
    %get3A_1519 = vector.shape_cast %get3A_1518 : vector<1x16xi32> to vector<16xi32>
    %eq3A_1520 = arith.cmpi eq, %get3A_1514, %get3A_1519 : vector<16xi32>
    %jit3A_1521 = arith.constant 16384 : i32
    %broadcast_in_dim3A_1522 = vector.broadcast %jit3A_1521 : i32 to vector<16xi32>
    %select_n3A_1523 = arith.select %eq3A_1520, %get3A_1514, %broadcast_in_dim3A_1522 : vector<16xi1>, vector<16xi32>
    %swap3A_1524 = arith.constant 1 : i32
    %swap3A_1525 = arith.index_cast %swap3A_1524 : i32 to index
    %swap3A_1526 = arith.constant 48 : index
    %swap3A_1527 = tpu.vector_load %arg11[%swap3A_1525, %swap3A_1526] {strides = array<i32>} : memref<8x128xi32, #tpu.memory_space<vmem>>, vector<1x16xi32>,
    %swap3A_1528 = vector.shape_cast %swap3A_1527 : vector<1x16xi32> to vector<16xi32>
    %swap3A_1529 = vector.shape_cast %select_n3A_1523 : vector<16xi32> to vector<1x16xi32>
    tpu.vector_store %arg11[%swap3A_1525, %swap3A_1526], %swap3A_1529 {strides = array<i32>} : memref<8x128xi32, #tpu.memory_space<vmem>>, vector<1x16xi32>,
    %get3A_1530 = arith.constant 1 : i32
    %get3A_1531 = arith.index_cast %get3A_1530 : i32 to index
    %get3A_1532 = arith.constant 64 : index
    %get3A_1533 = tpu.vector_load %arg10[%get3A_1531, %get3A_1532] {strides = array<i32>} : memref<8x128xi32, #tpu.memory_space<vmem>>, vector<1x16xi32>,
    %get3A_1534 = vector.shape_cast %get3A_1533 : vector<1x16xi32> to vector<16xi32>
    %get3A_1535 = arith.constant 1 : i32
    %get3A_1536 = arith.index_cast %get3A_1535 : i32 to index
    %get3A_1537 = arith.constant 64 : index
    %get3A_1538 = tpu.vector_load %arg12[%get3A_1536, %get3A_1537] {strides = array<i32>} : memref<8x128xi32, #tpu.memory_space<vmem>>, vector<1x16xi32>,
    %get3A_1539 = vector.shape_cast %get3A_1538 : vector<1x16xi32> to vector<16xi32>
    %eq3A_1540 = arith.cmpi eq, %get3A_1534, %get3A_1539 : vector<16xi32>
    %jit3A_1541 = arith.constant 16384 : i32
    %broadcast_in_dim3A_1542 = vector.broadcast %jit3A_1541 : i32 to vector<16xi32>
    %select_n3A_1543 = arith.select %eq3A_1540, %get3A_1534, %broadcast_in_dim3A_1542 : vector<16xi1>, vector<16xi32>
    %swap3A_1544 = arith.constant 1 : i32
    %swap3A_1545 = arith.index_cast %swap3A_1544 : i32 to index
    %swap3A_1546 = arith.constant 64 : index
    %swap3A_1547 = tpu.vector_load %arg11[%swap3A_1545, %swap3A_1546] {strides = array<i32>} : memref<8x128xi32, #tpu.memory_space<vmem>>, vector<1x16xi32>,
    %swap3A_1548 = vector.shape_cast %swap3A_1547 : vector<1x16xi32> to vector<16xi32>
    %swap3A_1549 = vector.shape_cast %select_n3A_1543 : vector<16xi32> to vector<1x16xi32>
    tpu.vector_store %arg11[%swap3A_1545, %swap3A_1546], %swap3A_1549 {strides = array<i32>} : memref<8x128xi32, #tpu.memory_space<vmem>>, vector<1x16xi32>,
    %get3A_1550 = arith.constant 1 : i32
    %get3A_1551 = arith.index_cast %get3A_1550 : i32 to index
    %get3A_1552 = arith.constant 80 : index
    %get3A_1553 = tpu.vector_load %arg10[%get3A_1551, %get3A_1552] {strides = array<i32>} : memref<8x128xi32, #tpu.memory_space<vmem>>, vector<1x16xi32>,
    %get3A_1554 = vector.shape_cast %get3A_1553 : vector<1x16xi32> to vector<16xi32>
    %get3A_1555 = arith.constant 1 : i32
    %get3A_1556 = arith.index_cast %get3A_1555 : i32 to index
    %get3A_1557 = arith.constant 80 : index
    %get3A_1558 = tpu.vector_load %arg12[%get3A_1556, %get3A_1557] {strides = array<i32>} : memref<8x128xi32, #tpu.memory_space<vmem>>, vector<1x16xi32>,
    %get3A_1559 = vector.shape_cast %get3A_1558 : vector<1x16xi32> to vector<16xi32>
    %eq3A_1560 = arith.cmpi eq, %get3A_1554, %get3A_1559 : vector<16xi32>
    %jit3A_1561 = arith.constant 16384 : i32
    %broadcast_in_dim3A_1562 = vector.broadcast %jit3A_1561 : i32 to vector<16xi32>
    %select_n3A_1563 = arith.select %eq3A_1560, %get3A_1554, %broadcast_in_dim3A_1562 : vector<16xi1>, vector<16xi32>
    %swap3A_1564 = arith.constant 1 : i32
    %swap3A_1565 = arith.index_cast %swap3A_1564 : i32 to index
    %swap3A_1566 = arith.constant 80 : index
    %swap3A_1567 = tpu.vector_load %arg11[%swap3A_1565, %swap3A_1566] {strides = array<i32>} : memref<8x128xi32, #tpu.memory_space<vmem>>, vector<1x16xi32>,
    %swap3A_1568 = vector.shape_cast %swap3A_1567 : vector<1x16xi32> to vector<16xi32>
    %swap3A_1569 = vector.shape_cast %select_n3A_1563 : vector<16xi32> to vector<1x16xi32>
    tpu.vector_store %arg11[%swap3A_1565, %swap3A_1566], %swap3A_1569 {strides = array<i32>} : memref<8x128xi32, #tpu.memory_space<vmem>>, vector<1x16xi32>,
    %get3A_1570 = arith.constant 1 : i32
    %get3A_1571 = arith.index_cast %get3A_1570 : i32 to index
    %get3A_1572 = arith.constant 96 : index
    %get3A_1573 = tpu.vector_load %arg10[%get3A_1571, %get3A_1572] {strides = array<i32>} : memref<8x128xi32, #tpu.memory_space<vmem>>, vector<1x16xi32>,
    %get3A_1574 = vector.shape_cast %get3A_1573 : vector<1x16xi32> to vector<16xi32>
    %get3A_1575 = arith.constant 1 : i32
    %get3A_1576 = arith.index_cast %get3A_1575 : i32 to index
    %get3A_1577 = arith.constant 96 : index
    %get3A_1578 = tpu.vector_load %arg12[%get3A_1576, %get3A_1577] {strides = array<i32>} : memref<8x128xi32, #tpu.memory_space<vmem>>, vector<1x16xi32>,
    %get3A_1579 = vector.shape_cast %get3A_1578 : vector<1x16xi32> to vector<16xi32>
    %eq3A_1580 = arith.cmpi eq, %get3A_1574, %get3A_1579 : vector<16xi32>
    %jit3A_1581 = arith.constant 16384 : i32
    %broadcast_in_dim3A_1582 = vector.broadcast %jit3A_1581 : i32 to vector<16xi32>
    %select_n3A_1583 = arith.select %eq3A_1580, %get3A_1574, %broadcast_in_dim3A_1582 : vector<16xi1>, vector<16xi32>
    %swap3A_1584 = arith.constant 1 : i32
    %swap3A_1585 = arith.index_cast %swap3A_1584 : i32 to index
    %swap3A_1586 = arith.constant 96 : index
    %swap3A_1587 = tpu.vector_load %arg11[%swap3A_1585, %swap3A_1586] {strides = array<i32>} : memref<8x128xi32, #tpu.memory_space<vmem>>, vector<1x16xi32>,
    %swap3A_1588 = vector.shape_cast %swap3A_1587 : vector<1x16xi32> to vector<16xi32>
    %swap3A_1589 = vector.shape_cast %select_n3A_1583 : vector<16xi32> to vector<1x16xi32>
    tpu.vector_store %arg11[%swap3A_1585, %swap3A_1586], %swap3A_1589 {strides = array<i32>} : memref<8x128xi32, #tpu.memory_space<vmem>>, vector<1x16xi32>,
    %get3A_1590 = arith.constant 1 : i32
    %get3A_1591 = arith.index_cast %get3A_1590 : i32 to index
    %get3A_1592 = arith.constant 112 : index
    %get3A_1593 = tpu.vector_load %arg10[%get3A_1591, %get3A_1592] {strides = array<i32>} : memref<8x128xi32, #tpu.memory_space<vmem>>, vector<1x16xi32>,
    %get3A_1594 = vector.shape_cast %get3A_1593 : vector<1x16xi32> to vector<16xi32>
    %get3A_1595 = arith.constant 1 : i32
    %get3A_1596 = arith.index_cast %get3A_1595 : i32 to index
    %get3A_1597 = arith.constant 112 : index
    %get3A_1598 = tpu.vector_load %arg12[%get3A_1596, %get3A_1597] {strides = array<i32>} : memref<8x128xi32, #tpu.memory_space<vmem>>, vector<1x16xi32>,
    %get3A_1599 = vector.shape_cast %get3A_1598 : vector<1x16xi32> to vector<16xi32>
    %eq3A_1600 = arith.cmpi eq, %get3A_1594, %get3A_1599 : vector<16xi32>
    %jit3A_1601 = arith.constant 16384 : i32
    %broadcast_in_dim3A_1602 = vector.broadcast %jit3A_1601 : i32 to vector<16xi32>
    %select_n3A_1603 = arith.select %eq3A_1600, %get3A_1594, %broadcast_in_dim3A_1602 : vector<16xi1>, vector<16xi32>
    %swap3A_1604 = arith.constant 1 : i32
    %swap3A_1605 = arith.index_cast %swap3A_1604 : i32 to index
    %swap3A_1606 = arith.constant 112 : index
    %swap3A_1607 = tpu.vector_load %arg11[%swap3A_1605, %swap3A_1606] {strides = array<i32>} : memref<8x128xi32, #tpu.memory_space<vmem>>, vector<1x16xi32>,
    %swap3A_1608 = vector.shape_cast %swap3A_1607 : vector<1x16xi32> to vector<16xi32>
    %swap3A_1609 = vector.shape_cast %select_n3A_1603 : vector<16xi32> to vector<1x16xi32>
    tpu.vector_store %arg11[%swap3A_1605, %swap3A_1606], %swap3A_1609 {strides = array<i32>} : memref<8x128xi32, #tpu.memory_space<vmem>>, vector<1x16xi32>,
    %get3A_1610 = arith.constant 2 : i32
    %get3A_1611 = arith.index_cast %get3A_1610 : i32 to index
    %get3A_1612 = arith.constant 0 : index
    %get3A_1613 = tpu.vector_load %arg10[%get3A_1611, %get3A_1612] {strides = array<i32>} : memref<8x128xi32, #tpu.memory_space<vmem>>, vector<1x16xi32>,
    %get3A_1614 = vector.shape_cast %get3A_1613 : vector<1x16xi32> to vector<16xi32>
    %get3A_1615 = arith.constant 2 : i32
    %get3A_1616 = arith.index_cast %get3A_1615 : i32 to index
    %get3A_1617 = arith.constant 0 : index
    %get3A_1618 = tpu.vector_load %arg12[%get3A_1616, %get3A_1617] {strides = array<i32>} : memref<8x128xi32, #tpu.memory_space<vmem>>, vector<1x16xi32>,
    %get3A_1619 = vector.shape_cast %get3A_1618 : vector<1x16xi32> to vector<16xi32>
    %eq3A_1620 = arith.cmpi eq, %get3A_1614, %get3A_1619 : vector<16xi32>
    %jit3A_1621 = arith.constant 16384 : i32
    %broadcast_in_dim3A_1622 = vector.broadcast %jit3A_1621 : i32 to vector<16xi32>
    %select_n3A_1623 = arith.select %eq3A_1620, %get3A_1614, %broadcast_in_dim3A_1622 : vector<16xi1>, vector<16xi32>
    %swap3A_1624 = arith.constant 2 : i32
    %swap3A_1625 = arith.index_cast %swap3A_1624 : i32 to index
    %swap3A_1626 = arith.constant 0 : index
    %swap3A_1627 = tpu.vector_load %arg11[%swap3A_1625, %swap3A_1626] {strides = array<i32>} : memref<8x128xi32, #tpu.memory_space<vmem>>, vector<1x16xi32>,
    %swap3A_1628 = vector.shape_cast %swap3A_1627 : vector<1x16xi32> to vector<16xi32>
    %swap3A_1629 = vector.shape_cast %select_n3A_1623 : vector<16xi32> to vector<1x16xi32>
    tpu.vector_store %arg11[%swap3A_1625, %swap3A_1626], %swap3A_1629 {strides = array<i32>} : memref<8x128xi32, #tpu.memory_space<vmem>>, vector<1x16xi32>,
    %get3A_1630 = arith.constant 2 : i32
    %get3A_1631 = arith.index_cast %get3A_1630 : i32 to index
    %get3A_1632 = arith.constant 16 : index
    %get3A_1633 = tpu.vector_load %arg10[%get3A_1631, %get3A_1632] {strides = array<i32>} : memref<8x128xi32, #tpu.memory_space<vmem>>, vector<1x16xi32>,
    %get3A_1634 = vector.shape_cast %get3A_1633 : vector<1x16xi32> to vector<16xi32>
    %get3A_1635 = arith.constant 2 : i32
    %get3A_1636 = arith.index_cast %get3A_1635 : i32 to index
    %get3A_1637 = arith.constant 16 : index
    %get3A_1638 = tpu.vector_load %arg12[%get3A_1636, %get3A_1637] {strides = array<i32>} : memref<8x128xi32, #tpu.memory_space<vmem>>, vector<1x16xi32>,
    %get3A_1639 = vector.shape_cast %get3A_1638 : vector<1x16xi32> to vector<16xi32>
    %eq3A_1640 = arith.cmpi eq, %get3A_1634, %get3A_1639 : vector<16xi32>
    %jit3A_1641 = arith.constant 16384 : i32
    %broadcast_in_dim3A_1642 = vector.broadcast %jit3A_1641 : i32 to vector<16xi32>
    %select_n3A_1643 = arith.select %eq3A_1640, %get3A_1634, %broadcast_in_dim3A_1642 : vector<16xi1>, vector<16xi32>
    %swap3A_1644 = arith.constant 2 : i32
    %swap3A_1645 = arith.index_cast %swap3A_1644 : i32 to index
    %swap3A_1646 = arith.constant 16 : index
    %swap3A_1647 = tpu.vector_load %arg11[%swap3A_1645, %swap3A_1646] {strides = array<i32>} : memref<8x128xi32, #tpu.memory_space<vmem>>, vector<1x16xi32>,
    %swap3A_1648 = vector.shape_cast %swap3A_1647 : vector<1x16xi32> to vector<16xi32>
    %swap3A_1649 = vector.shape_cast %select_n3A_1643 : vector<16xi32> to vector<1x16xi32>
    tpu.vector_store %arg11[%swap3A_1645, %swap3A_1646], %swap3A_1649 {strides = array<i32>} : memref<8x128xi32, #tpu.memory_space<vmem>>, vector<1x16xi32>,
    %get3A_1650 = arith.constant 2 : i32
    %get3A_1651 = arith.index_cast %get3A_1650 : i32 to index
    %get3A_1652 = arith.constant 32 : index
    %get3A_1653 = tpu.vector_load %arg10[%get3A_1651, %get3A_1652] {strides = array<i32>} : memref<8x128xi32, #tpu.memory_space<vmem>>, vector<1x16xi32>,
    %get3A_1654 = vector.shape_cast %get3A_1653 : vector<1x16xi32> to vector<16xi32>
    %get3A_1655 = arith.constant 2 : i32
    %get3A_1656 = arith.index_cast %get3A_1655 : i32 to index
    %get3A_1657 = arith.constant 32 : index
    %get3A_1658 = tpu.vector_load %arg12[%get3A_1656, %get3A_1657] {strides = array<i32>} : memref<8x128xi32, #tpu.memory_space<vmem>>, vector<1x16xi32>,
    %get3A_1659 = vector.shape_cast %get3A_1658 : vector<1x16xi32> to vector<16xi32>
    %eq3A_1660 = arith.cmpi eq, %get3A_1654, %get3A_1659 : vector<16xi32>
    %jit3A_1661 = arith.constant 16384 : i32
    %broadcast_in_dim3A_1662 = vector.broadcast %jit3A_1661 : i32 to vector<16xi32>
    %select_n3A_1663 = arith.select %eq3A_1660, %get3A_1654, %broadcast_in_dim3A_1662 : vector<16xi1>, vector<16xi32>
    %swap3A_1664 = arith.constant 2 : i32
    %swap3A_1665 = arith.index_cast %swap3A_1664 : i32 to index
    %swap3A_1666 = arith.constant 32 : index
    %swap3A_1667 = tpu.vector_load %arg11[%swap3A_1665, %swap3A_1666] {strides = array<i32>} : memref<8x128xi32, #tpu.memory_space<vmem>>, vector<1x16xi32>,
    %swap3A_1668 = vector.shape_cast %swap3A_1667 : vector<1x16xi32> to vector<16xi32>
    %swap3A_1669 = vector.shape_cast %select_n3A_1663 : vector<16xi32> to vector<1x16xi32>
    tpu.vector_store %arg11[%swap3A_1665, %swap3A_1666], %swap3A_1669 {strides = array<i32>} : memref<8x128xi32, #tpu.memory_space<vmem>>, vector<1x16xi32>,
    %get3A_1670 = arith.constant 2 : i32
    %get3A_1671 = arith.index_cast %get3A_1670 : i32 to index
    %get3A_1672 = arith.constant 48 : index
    %get3A_1673 = tpu.vector_load %arg10[%get3A_1671, %get3A_1672] {strides = array<i32>} : memref<8x128xi32, #tpu.memory_space<vmem>>, vector<1x16xi32>,
    %get3A_1674 = vector.shape_cast %get3A_1673 : vector<1x16xi32> to vector<16xi32>
    %get3A_1675 = arith.constant 2 : i32
    %get3A_1676 = arith.index_cast %get3A_1675 : i32 to index
    %get3A_1677 = arith.constant 48 : index
    %get3A_1678 = tpu.vector_load %arg12[%get3A_1676, %get3A_1677] {strides = array<i32>} : memref<8x128xi32, #tpu.memory_space<vmem>>, vector<1x16xi32>,
    %get3A_1679 = vector.shape_cast %get3A_1678 : vector<1x16xi32> to vector<16xi32>
    %eq3A_1680 = arith.cmpi eq, %get3A_1674, %get3A_1679 : vector<16xi32>
    %jit3A_1681 = arith.constant 16384 : i32
    %broadcast_in_dim3A_1682 = vector.broadcast %jit3A_1681 : i32 to vector<16xi32>
    %select_n3A_1683 = arith.select %eq3A_1680, %get3A_1674, %broadcast_in_dim3A_1682 : vector<16xi1>, vector<16xi32>
    %swap3A_1684 = arith.constant 2 : i32
    %swap3A_1685 = arith.index_cast %swap3A_1684 : i32 to index
    %swap3A_1686 = arith.constant 48 : index
    %swap3A_1687 = tpu.vector_load %arg11[%swap3A_1685, %swap3A_1686] {strides = array<i32>} : memref<8x128xi32, #tpu.memory_space<vmem>>, vector<1x16xi32>,
    %swap3A_1688 = vector.shape_cast %swap3A_1687 : vector<1x16xi32> to vector<16xi32>
    %swap3A_1689 = vector.shape_cast %select_n3A_1683 : vector<16xi32> to vector<1x16xi32>
    tpu.vector_store %arg11[%swap3A_1685, %swap3A_1686], %swap3A_1689 {strides = array<i32>} : memref<8x128xi32, #tpu.memory_space<vmem>>, vector<1x16xi32>,
    %get3A_1690 = arith.constant 2 : i32
    %get3A_1691 = arith.index_cast %get3A_1690 : i32 to index
    %get3A_1692 = arith.constant 64 : index
    %get3A_1693 = tpu.vector_load %arg10[%get3A_1691, %get3A_1692] {strides = array<i32>} : memref<8x128xi32, #tpu.memory_space<vmem>>, vector<1x16xi32>,
    %get3A_1694 = vector.shape_cast %get3A_1693 : vector<1x16xi32> to vector<16xi32>
    %get3A_1695 = arith.constant 2 : i32
    %get3A_1696 = arith.index_cast %get3A_1695 : i32 to index
    %get3A_1697 = arith.constant 64 : index
    %get3A_1698 = tpu.vector_load %arg12[%get3A_1696, %get3A_1697] {strides = array<i32>} : memref<8x128xi32, #tpu.memory_space<vmem>>, vector<1x16xi32>,
    %get3A_1699 = vector.shape_cast %get3A_1698 : vector<1x16xi32> to vector<16xi32>
    %eq3A_1700 = arith.cmpi eq, %get3A_1694, %get3A_1699 : vector<16xi32>
    %jit3A_1701 = arith.constant 16384 : i32
    %broadcast_in_dim3A_1702 = vector.broadcast %jit3A_1701 : i32 to vector<16xi32>
    %select_n3A_1703 = arith.select %eq3A_1700, %get3A_1694, %broadcast_in_dim3A_1702 : vector<16xi1>, vector<16xi32>
    %swap3A_1704 = arith.constant 2 : i32
    %swap3A_1705 = arith.index_cast %swap3A_1704 : i32 to index
    %swap3A_1706 = arith.constant 64 : index
    %swap3A_1707 = tpu.vector_load %arg11[%swap3A_1705, %swap3A_1706] {strides = array<i32>} : memref<8x128xi32, #tpu.memory_space<vmem>>, vector<1x16xi32>,
    %swap3A_1708 = vector.shape_cast %swap3A_1707 : vector<1x16xi32> to vector<16xi32>
    %swap3A_1709 = vector.shape_cast %select_n3A_1703 : vector<16xi32> to vector<1x16xi32>
    tpu.vector_store %arg11[%swap3A_1705, %swap3A_1706], %swap3A_1709 {strides = array<i32>} : memref<8x128xi32, #tpu.memory_space<vmem>>, vector<1x16xi32>,
    %get3A_1710 = arith.constant 2 : i32
    %get3A_1711 = arith.index_cast %get3A_1710 : i32 to index
    %get3A_1712 = arith.constant 80 : index
    %get3A_1713 = tpu.vector_load %arg10[%get3A_1711, %get3A_1712] {strides = array<i32>} : memref<8x128xi32, #tpu.memory_space<vmem>>, vector<1x16xi32>,
    %get3A_1714 = vector.shape_cast %get3A_1713 : vector<1x16xi32> to vector<16xi32>
    %get3A_1715 = arith.constant 2 : i32
    %get3A_1716 = arith.index_cast %get3A_1715 : i32 to index
    %get3A_1717 = arith.constant 80 : index
    %get3A_1718 = tpu.vector_load %arg12[%get3A_1716, %get3A_1717] {strides = array<i32>} : memref<8x128xi32, #tpu.memory_space<vmem>>, vector<1x16xi32>,
    %get3A_1719 = vector.shape_cast %get3A_1718 : vector<1x16xi32> to vector<16xi32>
    %eq3A_1720 = arith.cmpi eq, %get3A_1714, %get3A_1719 : vector<16xi32>
    %jit3A_1721 = arith.constant 16384 : i32
    %broadcast_in_dim3A_1722 = vector.broadcast %jit3A_1721 : i32 to vector<16xi32>
    %select_n3A_1723 = arith.select %eq3A_1720, %get3A_1714, %broadcast_in_dim3A_1722 : vector<16xi1>, vector<16xi32>
    %swap3A_1724 = arith.constant 2 : i32
    %swap3A_1725 = arith.index_cast %swap3A_1724 : i32 to index
    %swap3A_1726 = arith.constant 80 : index
    %swap3A_1727 = tpu.vector_load %arg11[%swap3A_1725, %swap3A_1726] {strides = array<i32>} : memref<8x128xi32, #tpu.memory_space<vmem>>, vector<1x16xi32>,
    %swap3A_1728 = vector.shape_cast %swap3A_1727 : vector<1x16xi32> to vector<16xi32>
    %swap3A_1729 = vector.shape_cast %select_n3A_1723 : vector<16xi32> to vector<1x16xi32>
    tpu.vector_store %arg11[%swap3A_1725, %swap3A_1726], %swap3A_1729 {strides = array<i32>} : memref<8x128xi32, #tpu.memory_space<vmem>>, vector<1x16xi32>,
    %get3A_1730 = arith.constant 2 : i32
    %get3A_1731 = arith.index_cast %get3A_1730 : i32 to index
    %get3A_1732 = arith.constant 96 : index
    %get3A_1733 = tpu.vector_load %arg10[%get3A_1731, %get3A_1732] {strides = array<i32>} : memref<8x128xi32, #tpu.memory_space<vmem>>, vector<1x16xi32>,
    %get3A_1734 = vector.shape_cast %get3A_1733 : vector<1x16xi32> to vector<16xi32>
    %get3A_1735 = arith.constant 2 : i32
    %get3A_1736 = arith.index_cast %get3A_1735 : i32 to index
    %get3A_1737 = arith.constant 96 : index
    %get3A_1738 = tpu.vector_load %arg12[%get3A_1736, %get3A_1737] {strides = array<i32>} : memref<8x128xi32, #tpu.memory_space<vmem>>, vector<1x16xi32>,
    %get3A_1739 = vector.shape_cast %get3A_1738 : vector<1x16xi32> to vector<16xi32>
    %eq3A_1740 = arith.cmpi eq, %get3A_1734, %get3A_1739 : vector<16xi32>
    %jit3A_1741 = arith.constant 16384 : i32
    %broadcast_in_dim3A_1742 = vector.broadcast %jit3A_1741 : i32 to vector<16xi32>
    %select_n3A_1743 = arith.select %eq3A_1740, %get3A_1734, %broadcast_in_dim3A_1742 : vector<16xi1>, vector<16xi32>
    %swap3A_1744 = arith.constant 2 : i32
    %swap3A_1745 = arith.index_cast %swap3A_1744 : i32 to index
    %swap3A_1746 = arith.constant 96 : index
    %swap3A_1747 = tpu.vector_load %arg11[%swap3A_1745, %swap3A_1746] {strides = array<i32>} : memref<8x128xi32, #tpu.memory_space<vmem>>, vector<1x16xi32>,
    %swap3A_1748 = vector.shape_cast %swap3A_1747 : vector<1x16xi32> to vector<16xi32>
    %swap3A_1749 = vector.shape_cast %select_n3A_1743 : vector<16xi32> to vector<1x16xi32>
    tpu.vector_store %arg11[%swap3A_1745, %swap3A_1746], %swap3A_1749 {strides = array<i32>} : memref<8x128xi32, #tpu.memory_space<vmem>>, vector<1x16xi32>,
    %get3A_1750 = arith.constant 2 : i32
    %get3A_1751 = arith.index_cast %get3A_1750 : i32 to index
    %get3A_1752 = arith.constant 112 : index
    %get3A_1753 = tpu.vector_load %arg10[%get3A_1751, %get3A_1752] {strides = array<i32>} : memref<8x128xi32, #tpu.memory_space<vmem>>, vector<1x16xi32>,
    %get3A_1754 = vector.shape_cast %get3A_1753 : vector<1x16xi32> to vector<16xi32>
    %get3A_1755 = arith.constant 2 : i32
    %get3A_1756 = arith.index_cast %get3A_1755 : i32 to index
    %get3A_1757 = arith.constant 112 : index
    %get3A_1758 = tpu.vector_load %arg12[%get3A_1756, %get3A_1757] {strides = array<i32>} : memref<8x128xi32, #tpu.memory_space<vmem>>, vector<1x16xi32>,
    %get3A_1759 = vector.shape_cast %get3A_1758 : vector<1x16xi32> to vector<16xi32>
    %eq3A_1760 = arith.cmpi eq, %get3A_1754, %get3A_1759 : vector<16xi32>
    %jit3A_1761 = arith.constant 16384 : i32
    %broadcast_in_dim3A_1762 = vector.broadcast %jit3A_1761 : i32 to vector<16xi32>
    %select_n3A_1763 = arith.select %eq3A_1760, %get3A_1754, %broadcast_in_dim3A_1762 : vector<16xi1>, vector<16xi32>
    %swap3A_1764 = arith.constant 2 : i32
    %swap3A_1765 = arith.index_cast %swap3A_1764 : i32 to index
    %swap3A_1766 = arith.constant 112 : index
    %swap3A_1767 = tpu.vector_load %arg11[%swap3A_1765, %swap3A_1766] {strides = array<i32>} : memref<8x128xi32, #tpu.memory_space<vmem>>, vector<1x16xi32>,
    %swap3A_1768 = vector.shape_cast %swap3A_1767 : vector<1x16xi32> to vector<16xi32>
    %swap3A_1769 = vector.shape_cast %select_n3A_1763 : vector<16xi32> to vector<1x16xi32>
    tpu.vector_store %arg11[%swap3A_1765, %swap3A_1766], %swap3A_1769 {strides = array<i32>} : memref<8x128xi32, #tpu.memory_space<vmem>>, vector<1x16xi32>,
    %get3A_1770 = arith.constant 3 : i32
    %get3A_1771 = arith.index_cast %get3A_1770 : i32 to index
    %get3A_1772 = arith.constant 0 : index
    %get3A_1773 = tpu.vector_load %arg10[%get3A_1771, %get3A_1772] {strides = array<i32>} : memref<8x128xi32, #tpu.memory_space<vmem>>, vector<1x16xi32>,
    %get3A_1774 = vector.shape_cast %get3A_1773 : vector<1x16xi32> to vector<16xi32>
    %get3A_1775 = arith.constant 3 : i32
    %get3A_1776 = arith.index_cast %get3A_1775 : i32 to index
    %get3A_1777 = arith.constant 0 : index
    %get3A_1778 = tpu.vector_load %arg12[%get3A_1776, %get3A_1777] {strides = array<i32>} : memref<8x128xi32, #tpu.memory_space<vmem>>, vector<1x16xi32>,
    %get3A_1779 = vector.shape_cast %get3A_1778 : vector<1x16xi32> to vector<16xi32>
    %eq3A_1780 = arith.cmpi eq, %get3A_1774, %get3A_1779 : vector<16xi32>
    %jit3A_1781 = arith.constant 16384 : i32
    %broadcast_in_dim3A_1782 = vector.broadcast %jit3A_1781 : i32 to vector<16xi32>
    %select_n3A_1783 = arith.select %eq3A_1780, %get3A_1774, %broadcast_in_dim3A_1782 : vector<16xi1>, vector<16xi32>
    %swap3A_1784 = arith.constant 3 : i32
    %swap3A_1785 = arith.index_cast %swap3A_1784 : i32 to index
    %swap3A_1786 = arith.constant 0 : index
    %swap3A_1787 = tpu.vector_load %arg11[%swap3A_1785, %swap3A_1786] {strides = array<i32>} : memref<8x128xi32, #tpu.memory_space<vmem>>, vector<1x16xi32>,
    %swap3A_1788 = vector.shape_cast %swap3A_1787 : vector<1x16xi32> to vector<16xi32>
    %swap3A_1789 = vector.shape_cast %select_n3A_1783 : vector<16xi32> to vector<1x16xi32>
    tpu.vector_store %arg11[%swap3A_1785, %swap3A_1786], %swap3A_1789 {strides = array<i32>} : memref<8x128xi32, #tpu.memory_space<vmem>>, vector<1x16xi32>,
    %get3A_1790 = arith.constant 3 : i32
    %get3A_1791 = arith.index_cast %get3A_1790 : i32 to index
    %get3A_1792 = arith.constant 16 : index
    %get3A_1793 = tpu.vector_load %arg10[%get3A_1791, %get3A_1792] {strides = array<i32>} : memref<8x128xi32, #tpu.memory_space<vmem>>, vector<1x16xi32>,
    %get3A_1794 = vector.shape_cast %get3A_1793 : vector<1x16xi32> to vector<16xi32>
    %get3A_1795 = arith.constant 3 : i32
    %get3A_1796 = arith.index_cast %get3A_1795 : i32 to index
    %get3A_1797 = arith.constant 16 : index
    %get3A_1798 = tpu.vector_load %arg12[%get3A_1796, %get3A_1797] {strides = array<i32>} : memref<8x128xi32, #tpu.memory_space<vmem>>, vector<1x16xi32>,
    %get3A_1799 = vector.shape_cast %get3A_1798 : vector<1x16xi32> to vector<16xi32>
    %eq3A_1800 = arith.cmpi eq, %get3A_1794, %get3A_1799 : vector<16xi32>
    %jit3A_1801 = arith.constant 16384 : i32
    %broadcast_in_dim3A_1802 = vector.broadcast %jit3A_1801 : i32 to vector<16xi32>
    %select_n3A_1803 = arith.select %eq3A_1800, %get3A_1794, %broadcast_in_dim3A_1802 : vector<16xi1>, vector<16xi32>
    %swap3A_1804 = arith.constant 3 : i32
    %swap3A_1805 = arith.index_cast %swap3A_1804 : i32 to index
    %swap3A_1806 = arith.constant 16 : index
    %swap3A_1807 = tpu.vector_load %arg11[%swap3A_1805, %swap3A_1806] {strides = array<i32>} : memref<8x128xi32, #tpu.memory_space<vmem>>, vector<1x16xi32>,
    %swap3A_1808 = vector.shape_cast %swap3A_1807 : vector<1x16xi32> to vector<16xi32>
    %swap3A_1809 = vector.shape_cast %select_n3A_1803 : vector<16xi32> to vector<1x16xi32>
    tpu.vector_store %arg11[%swap3A_1805, %swap3A_1806], %swap3A_1809 {strides = array<i32>} : memref<8x128xi32, #tpu.memory_space<vmem>>, vector<1x16xi32>,
    %get3A_1810 = arith.constant 3 : i32
    %get3A_1811 = arith.index_cast %get3A_1810 : i32 to index
    %get3A_1812 = arith.constant 32 : index
    %get3A_1813 = tpu.vector_load %arg10[%get3A_1811, %get3A_1812] {strides = array<i32>} : memref<8x128xi32, #tpu.memory_space<vmem>>, vector<1x16xi32>,
    %get3A_1814 = vector.shape_cast %get3A_1813 : vector<1x16xi32> to vector<16xi32>
    %get3A_1815 = arith.constant 3 : i32
    %get3A_1816 = arith.index_cast %get3A_1815 : i32 to index
    %get3A_1817 = arith.constant 32 : index
    %get3A_1818 = tpu.vector_load %arg12[%get3A_1816, %get3A_1817] {strides = array<i32>} : memref<8x128xi32, #tpu.memory_space<vmem>>, vector<1x16xi32>,
    %get3A_1819 = vector.shape_cast %get3A_1818 : vector<1x16xi32> to vector<16xi32>
    %eq3A_1820 = arith.cmpi eq, %get3A_1814, %get3A_1819 : vector<16xi32>
    %jit3A_1821 = arith.constant 16384 : i32
    %broadcast_in_dim3A_1822 = vector.broadcast %jit3A_1821 : i32 to vector<16xi32>
    %select_n3A_1823 = arith.select %eq3A_1820, %get3A_1814, %broadcast_in_dim3A_1822 : vector<16xi1>, vector<16xi32>
    %swap3A_1824 = arith.constant 3 : i32
    %swap3A_1825 = arith.index_cast %swap3A_1824 : i32 to index
    %swap3A_1826 = arith.constant 32 : index
    %swap3A_1827 = tpu.vector_load %arg11[%swap3A_1825, %swap3A_1826] {strides = array<i32>} : memref<8x128xi32, #tpu.memory_space<vmem>>, vector<1x16xi32>,
    %swap3A_1828 = vector.shape_cast %swap3A_1827 : vector<1x16xi32> to vector<16xi32>
    %swap3A_1829 = vector.shape_cast %select_n3A_1823 : vector<16xi32> to vector<1x16xi32>
    tpu.vector_store %arg11[%swap3A_1825, %swap3A_1826], %swap3A_1829 {strides = array<i32>} : memref<8x128xi32, #tpu.memory_space<vmem>>, vector<1x16xi32>,
    %get3A_1830 = arith.constant 3 : i32
    %get3A_1831 = arith.index_cast %get3A_1830 : i32 to index
    %get3A_1832 = arith.constant 48 : index
    %get3A_1833 = tpu.vector_load %arg10[%get3A_1831, %get3A_1832] {strides = array<i32>} : memref<8x128xi32, #tpu.memory_space<vmem>>, vector<1x16xi32>,
    %get3A_1834 = vector.shape_cast %get3A_1833 : vector<1x16xi32> to vector<16xi32>
    %get3A_1835 = arith.constant 3 : i32
    %get3A_1836 = arith.index_cast %get3A_1835 : i32 to index
    %get3A_1837 = arith.constant 48 : index
    %get3A_1838 = tpu.vector_load %arg12[%get3A_1836, %get3A_1837] {strides = array<i32>} : memref<8x128xi32, #tpu.memory_space<vmem>>, vector<1x16xi32>,
    %get3A_1839 = vector.shape_cast %get3A_1838 : vector<1x16xi32> to vector<16xi32>
    %eq3A_1840 = arith.cmpi eq, %get3A_1834, %get3A_1839 : vector<16xi32>
    %jit3A_1841 = arith.constant 16384 : i32
    %broadcast_in_dim3A_1842 = vector.broadcast %jit3A_1841 : i32 to vector<16xi32>
    %select_n3A_1843 = arith.select %eq3A_1840, %get3A_1834, %broadcast_in_dim3A_1842 : vector<16xi1>, vector<16xi32>
    %swap3A_1844 = arith.constant 3 : i32
    %swap3A_1845 = arith.index_cast %swap3A_1844 : i32 to index
    %swap3A_1846 = arith.constant 48 : index
    %swap3A_1847 = tpu.vector_load %arg11[%swap3A_1845, %swap3A_1846] {strides = array<i32>} : memref<8x128xi32, #tpu.memory_space<vmem>>, vector<1x16xi32>,
    %swap3A_1848 = vector.shape_cast %swap3A_1847 : vector<1x16xi32> to vector<16xi32>
    %swap3A_1849 = vector.shape_cast %select_n3A_1843 : vector<16xi32> to vector<1x16xi32>
    tpu.vector_store %arg11[%swap3A_1845, %swap3A_1846], %swap3A_1849 {strides = array<i32>} : memref<8x128xi32, #tpu.memory_space<vmem>>, vector<1x16xi32>,
    %get3A_1850 = arith.constant 3 : i32
    %get3A_1851 = arith.index_cast %get3A_1850 : i32 to index
    %get3A_1852 = arith.constant 64 : index
    %get3A_1853 = tpu.vector_load %arg10[%get3A_1851, %get3A_1852] {strides = array<i32>} : memref<8x128xi32, #tpu.memory_space<vmem>>, vector<1x16xi32>,
    %get3A_1854 = vector.shape_cast %get3A_1853 : vector<1x16xi32> to vector<16xi32>
    %get3A_1855 = arith.constant 3 : i32
    %get3A_1856 = arith.index_cast %get3A_1855 : i32 to index
    %get3A_1857 = arith.constant 64 : index
    %get3A_1858 = tpu.vector_load %arg12[%get3A_1856, %get3A_1857] {strides = array<i32>} : memref<8x128xi32, #tpu.memory_space<vmem>>, vector<1x16xi32>,
    %get3A_1859 = vector.shape_cast %get3A_1858 : vector<1x16xi32> to vector<16xi32>
    %eq3A_1860 = arith.cmpi eq, %get3A_1854, %get3A_1859 : vector<16xi32>
    %jit3A_1861 = arith.constant 16384 : i32
    %broadcast_in_dim3A_1862 = vector.broadcast %jit3A_1861 : i32 to vector<16xi32>
    %select_n3A_1863 = arith.select %eq3A_1860, %get3A_1854, %broadcast_in_dim3A_1862 : vector<16xi1>, vector<16xi32>
    %swap3A_1864 = arith.constant 3 : i32
    %swap3A_1865 = arith.index_cast %swap3A_1864 : i32 to index
    %swap3A_1866 = arith.constant 64 : index
    %swap3A_1867 = tpu.vector_load %arg11[%swap3A_1865, %swap3A_1866] {strides = array<i32>} : memref<8x128xi32, #tpu.memory_space<vmem>>, vector<1x16xi32>,
    %swap3A_1868 = vector.shape_cast %swap3A_1867 : vector<1x16xi32> to vector<16xi32>
    %swap3A_1869 = vector.shape_cast %select_n3A_1863 : vector<16xi32> to vector<1x16xi32>
    tpu.vector_store %arg11[%swap3A_1865, %swap3A_1866], %swap3A_1869 {strides = array<i32>} : memref<8x128xi32, #tpu.memory_space<vmem>>, vector<1x16xi32>,
    %get3A_1870 = arith.constant 3 : i32
    %get3A_1871 = arith.index_cast %get3A_1870 : i32 to index
    %get3A_1872 = arith.constant 80 : index
    %get3A_1873 = tpu.vector_load %arg10[%get3A_1871, %get3A_1872] {strides = array<i32>} : memref<8x128xi32, #tpu.memory_space<vmem>>, vector<1x16xi32>,
    %get3A_1874 = vector.shape_cast %get3A_1873 : vector<1x16xi32> to vector<16xi32>
    %get3A_1875 = arith.constant 3 : i32
    %get3A_1876 = arith.index_cast %get3A_1875 : i32 to index
    %get3A_1877 = arith.constant 80 : index
    %get3A_1878 = tpu.vector_load %arg12[%get3A_1876, %get3A_1877] {strides = array<i32>} : memref<8x128xi32, #tpu.memory_space<vmem>>, vector<1x16xi32>,
    %get3A_1879 = vector.shape_cast %get3A_1878 : vector<1x16xi32> to vector<16xi32>
    %eq3A_1880 = arith.cmpi eq, %get3A_1874, %get3A_1879 : vector<16xi32>
    %jit3A_1881 = arith.constant 16384 : i32
    %broadcast_in_dim3A_1882 = vector.broadcast %jit3A_1881 : i32 to vector<16xi32>
    %select_n3A_1883 = arith.select %eq3A_1880, %get3A_1874, %broadcast_in_dim3A_1882 : vector<16xi1>, vector<16xi32>
    %swap3A_1884 = arith.constant 3 : i32
    %swap3A_1885 = arith.index_cast %swap3A_1884 : i32 to index
    %swap3A_1886 = arith.constant 80 : index
    %swap3A_1887 = tpu.vector_load %arg11[%swap3A_1885, %swap3A_1886] {strides = array<i32>} : memref<8x128xi32, #tpu.memory_space<vmem>>, vector<1x16xi32>,
    %swap3A_1888 = vector.shape_cast %swap3A_1887 : vector<1x16xi32> to vector<16xi32>
    %swap3A_1889 = vector.shape_cast %select_n3A_1883 : vector<16xi32> to vector<1x16xi32>
    tpu.vector_store %arg11[%swap3A_1885, %swap3A_1886], %swap3A_1889 {strides = array<i32>} : memref<8x128xi32, #tpu.memory_space<vmem>>, vector<1x16xi32>,
    %get3A_1890 = arith.constant 3 : i32
    %get3A_1891 = arith.index_cast %get3A_1890 : i32 to index
    %get3A_1892 = arith.constant 96 : index
    %get3A_1893 = tpu.vector_load %arg10[%get3A_1891, %get3A_1892] {strides = array<i32>} : memref<8x128xi32, #tpu.memory_space<vmem>>, vector<1x16xi32>,
    %get3A_1894 = vector.shape_cast %get3A_1893 : vector<1x16xi32> to vector<16xi32>
    %get3A_1895 = arith.constant 3 : i32
    %get3A_1896 = arith.index_cast %get3A_1895 : i32 to index
    %get3A_1897 = arith.constant 96 : index
    %get3A_1898 = tpu.vector_load %arg12[%get3A_1896, %get3A_1897] {strides = array<i32>} : memref<8x128xi32, #tpu.memory_space<vmem>>, vector<1x16xi32>,
    %get3A_1899 = vector.shape_cast %get3A_1898 : vector<1x16xi32> to vector<16xi32>
    %eq3A_1900 = arith.cmpi eq, %get3A_1894, %get3A_1899 : vector<16xi32>
    %jit3A_1901 = arith.constant 16384 : i32
    %broadcast_in_dim3A_1902 = vector.broadcast %jit3A_1901 : i32 to vector<16xi32>
    %select_n3A_1903 = arith.select %eq3A_1900, %get3A_1894, %broadcast_in_dim3A_1902 : vector<16xi1>, vector<16xi32>
    %swap3A_1904 = arith.constant 3 : i32
    %swap3A_1905 = arith.index_cast %swap3A_1904 : i32 to index
    %swap3A_1906 = arith.constant 96 : index
    %swap3A_1907 = tpu.vector_load %arg11[%swap3A_1905, %swap3A_1906] {strides = array<i32>} : memref<8x128xi32, #tpu.memory_space<vmem>>, vector<1x16xi32>,
    %swap3A_1908 = vector.shape_cast %swap3A_1907 : vector<1x16xi32> to vector<16xi32>
    %swap3A_1909 = vector.shape_cast %select_n3A_1903 : vector<16xi32> to vector<1x16xi32>
    tpu.vector_store %arg11[%swap3A_1905, %swap3A_1906], %swap3A_1909 {strides = array<i32>} : memref<8x128xi32, #tpu.memory_space<vmem>>, vector<1x16xi32>,
    %get3A_1910 = arith.constant 3 : i32
    %get3A_1911 = arith.index_cast %get3A_1910 : i32 to index
    %get3A_1912 = arith.constant 112 : index
    %get3A_1913 = tpu.vector_load %arg10[%get3A_1911, %get3A_1912] {strides = array<i32>} : memref<8x128xi32, #tpu.memory_space<vmem>>, vector<1x16xi32>,
    %get3A_1914 = vector.shape_cast %get3A_1913 : vector<1x16xi32> to vector<16xi32>
    %get3A_1915 = arith.constant 3 : i32
    %get3A_1916 = arith.index_cast %get3A_1915 : i32 to index
    %get3A_1917 = arith.constant 112 : index
    %get3A_1918 = tpu.vector_load %arg12[%get3A_1916, %get3A_1917] {strides = array<i32>} : memref<8x128xi32, #tpu.memory_space<vmem>>, vector<1x16xi32>,
    %get3A_1919 = vector.shape_cast %get3A_1918 : vector<1x16xi32> to vector<16xi32>
    %eq3A_1920 = arith.cmpi eq, %get3A_1914, %get3A_1919 : vector<16xi32>
    %jit3A_1921 = arith.constant 16384 : i32
    %broadcast_in_dim3A_1922 = vector.broadcast %jit3A_1921 : i32 to vector<16xi32>
    %select_n3A_1923 = arith.select %eq3A_1920, %get3A_1914, %broadcast_in_dim3A_1922 : vector<16xi1>, vector<16xi32>
    %swap3A_1924 = arith.constant 3 : i32
    %swap3A_1925 = arith.index_cast %swap3A_1924 : i32 to index
    %swap3A_1926 = arith.constant 112 : index
    %swap3A_1927 = tpu.vector_load %arg11[%swap3A_1925, %swap3A_1926] {strides = array<i32>} : memref<8x128xi32, #tpu.memory_space<vmem>>, vector<1x16xi32>,
    %swap3A_1928 = vector.shape_cast %swap3A_1927 : vector<1x16xi32> to vector<16xi32>
    %swap3A_1929 = vector.shape_cast %select_n3A_1923 : vector<16xi32> to vector<1x16xi32>
    tpu.vector_store %arg11[%swap3A_1925, %swap3A_1926], %swap3A_1929 {strides = array<i32>} : memref<8x128xi32, #tpu.memory_space<vmem>>, vector<1x16xi32>,
    %get3A_1930 = arith.constant 4 : i32
    %get3A_1931 = arith.index_cast %get3A_1930 : i32 to index
    %get3A_1932 = arith.constant 0 : index
    %get3A_1933 = tpu.vector_load %arg10[%get3A_1931, %get3A_1932] {strides = array<i32>} : memref<8x128xi32, #tpu.memory_space<vmem>>, vector<1x16xi32>,
    %get3A_1934 = vector.shape_cast %get3A_1933 : vector<1x16xi32> to vector<16xi32>
    %get3A_1935 = arith.constant 4 : i32
    %get3A_1936 = arith.index_cast %get3A_1935 : i32 to index
    %get3A_1937 = arith.constant 0 : index
    %get3A_1938 = tpu.vector_load %arg12[%get3A_1936, %get3A_1937] {strides = array<i32>} : memref<8x128xi32, #tpu.memory_space<vmem>>, vector<1x16xi32>,
    %get3A_1939 = vector.shape_cast %get3A_1938 : vector<1x16xi32> to vector<16xi32>
    %eq3A_1940 = arith.cmpi eq, %get3A_1934, %get3A_1939 : vector<16xi32>
    %jit3A_1941 = arith.constant 16384 : i32
    %broadcast_in_dim3A_1942 = vector.broadcast %jit3A_1941 : i32 to vector<16xi32>
    %select_n3A_1943 = arith.select %eq3A_1940, %get3A_1934, %broadcast_in_dim3A_1942 : vector<16xi1>, vector<16xi32>
    %swap3A_1944 = arith.constant 4 : i32
    %swap3A_1945 = arith.index_cast %swap3A_1944 : i32 to index
    %swap3A_1946 = arith.constant 0 : index
    %swap3A_1947 = tpu.vector_load %arg11[%swap3A_1945, %swap3A_1946] {strides = array<i32>} : memref<8x128xi32, #tpu.memory_space<vmem>>, vector<1x16xi32>,
    %swap3A_1948 = vector.shape_cast %swap3A_1947 : vector<1x16xi32> to vector<16xi32>
    %swap3A_1949 = vector.shape_cast %select_n3A_1943 : vector<16xi32> to vector<1x16xi32>
    tpu.vector_store %arg11[%swap3A_1945, %swap3A_1946], %swap3A_1949 {strides = array<i32>} : memref<8x128xi32, #tpu.memory_space<vmem>>, vector<1x16xi32>,
    %get3A_1950 = arith.constant 4 : i32
    %get3A_1951 = arith.index_cast %get3A_1950 : i32 to index
    %get3A_1952 = arith.constant 16 : index
    %get3A_1953 = tpu.vector_load %arg10[%get3A_1951, %get3A_1952] {strides = array<i32>} : memref<8x128xi32, #tpu.memory_space<vmem>>, vector<1x16xi32>,
    %get3A_1954 = vector.shape_cast %get3A_1953 : vector<1x16xi32> to vector<16xi32>
    %get3A_1955 = arith.constant 4 : i32
    %get3A_1956 = arith.index_cast %get3A_1955 : i32 to index
    %get3A_1957 = arith.constant 16 : index
    %get3A_1958 = tpu.vector_load %arg12[%get3A_1956, %get3A_1957] {strides = array<i32>} : memref<8x128xi32, #tpu.memory_space<vmem>>, vector<1x16xi32>,
    %get3A_1959 = vector.shape_cast %get3A_1958 : vector<1x16xi32> to vector<16xi32>
    %eq3A_1960 = arith.cmpi eq, %get3A_1954, %get3A_1959 : vector<16xi32>
    %jit3A_1961 = arith.constant 16384 : i32
    %broadcast_in_dim3A_1962 = vector.broadcast %jit3A_1961 : i32 to vector<16xi32>
    %select_n3A_1963 = arith.select %eq3A_1960, %get3A_1954, %broadcast_in_dim3A_1962 : vector<16xi1>, vector<16xi32>
    %swap3A_1964 = arith.constant 4 : i32
    %swap3A_1965 = arith.index_cast %swap3A_1964 : i32 to index
    %swap3A_1966 = arith.constant 16 : index
    %swap3A_1967 = tpu.vector_load %arg11[%swap3A_1965, %swap3A_1966] {strides = array<i32>} : memref<8x128xi32, #tpu.memory_space<vmem>>, vector<1x16xi32>,
    %swap3A_1968 = vector.shape_cast %swap3A_1967 : vector<1x16xi32> to vector<16xi32>
    %swap3A_1969 = vector.shape_cast %select_n3A_1963 : vector<16xi32> to vector<1x16xi32>
    tpu.vector_store %arg11[%swap3A_1965, %swap3A_1966], %swap3A_1969 {strides = array<i32>} : memref<8x128xi32, #tpu.memory_space<vmem>>, vector<1x16xi32>,
    %get3A_1970 = arith.constant 4 : i32
    %get3A_1971 = arith.index_cast %get3A_1970 : i32 to index
    %get3A_1972 = arith.constant 32 : index
    %get3A_1973 = tpu.vector_load %arg10[%get3A_1971, %get3A_1972] {strides = array<i32>} : memref<8x128xi32, #tpu.memory_space<vmem>>, vector<1x16xi32>,
    %get3A_1974 = vector.shape_cast %get3A_1973 : vector<1x16xi32> to vector<16xi32>
    %get3A_1975 = arith.constant 4 : i32
    %get3A_1976 = arith.index_cast %get3A_1975 : i32 to index
    %get3A_1977 = arith.constant 32 : index
    %get3A_1978 = tpu.vector_load %arg12[%get3A_1976, %get3A_1977] {strides = array<i32>} : memref<8x128xi32, #tpu.memory_space<vmem>>, vector<1x16xi32>,
    %get3A_1979 = vector.shape_cast %get3A_1978 : vector<1x16xi32> to vector<16xi32>
    %eq3A_1980 = arith.cmpi eq, %get3A_1974, %get3A_1979 : vector<16xi32>
    %jit3A_1981 = arith.constant 16384 : i32
    %broadcast_in_dim3A_1982 = vector.broadcast %jit3A_1981 : i32 to vector<16xi32>
    %select_n3A_1983 = arith.select %eq3A_1980, %get3A_1974, %broadcast_in_dim3A_1982 : vector<16xi1>, vector<16xi32>
    %swap3A_1984 = arith.constant 4 : i32
    %swap3A_1985 = arith.index_cast %swap3A_1984 : i32 to index
    %swap3A_1986 = arith.constant 32 : index
    %swap3A_1987 = tpu.vector_load %arg11[%swap3A_1985, %swap3A_1986] {strides = array<i32>} : memref<8x128xi32, #tpu.memory_space<vmem>>, vector<1x16xi32>,
    %swap3A_1988 = vector.shape_cast %swap3A_1987 : vector<1x16xi32> to vector<16xi32>
    %swap3A_1989 = vector.shape_cast %select_n3A_1983 : vector<16xi32> to vector<1x16xi32>
    tpu.vector_store %arg11[%swap3A_1985, %swap3A_1986], %swap3A_1989 {strides = array<i32>} : memref<8x128xi32, #tpu.memory_space<vmem>>, vector<1x16xi32>,
    %get3A_1990 = arith.constant 4 : i32
    %get3A_1991 = arith.index_cast %get3A_1990 : i32 to index
    %get3A_1992 = arith.constant 48 : index
    %get3A_1993 = tpu.vector_load %arg10[%get3A_1991, %get3A_1992] {strides = array<i32>} : memref<8x128xi32, #tpu.memory_space<vmem>>, vector<1x16xi32>,
    %get3A_1994 = vector.shape_cast %get3A_1993 : vector<1x16xi32> to vector<16xi32>
    %get3A_1995 = arith.constant 4 : i32
    %get3A_1996 = arith.index_cast %get3A_1995 : i32 to index
    %get3A_1997 = arith.constant 48 : index
    %get3A_1998 = tpu.vector_load %arg12[%get3A_1996, %get3A_1997] {strides = array<i32>} : memref<8x128xi32, #tpu.memory_space<vmem>>, vector<1x16xi32>,
    %get3A_1999 = vector.shape_cast %get3A_1998 : vector<1x16xi32> to vector<16xi32>
    %eq3A_2000 = arith.cmpi eq, %get3A_1994, %get3A_1999 : vector<16xi32>
    %jit3A_2001 = arith.constant 16384 : i32
    %broadcast_in_dim3A_2002 = vector.broadcast %jit3A_2001 : i32 to vector<16xi32>
    %select_n3A_2003 = arith.select %eq3A_2000, %get3A_1994, %broadcast_in_dim3A_2002 : vector<16xi1>, vector<16xi32>
    %swap3A_2004 = arith.constant 4 : i32
    %swap3A_2005 = arith.index_cast %swap3A_2004 : i32 to index
    %swap3A_2006 = arith.constant 48 : index
    %swap3A_2007 = tpu.vector_load %arg11[%swap3A_2005, %swap3A_2006] {strides = array<i32>} : memref<8x128xi32, #tpu.memory_space<vmem>>, vector<1x16xi32>,
    %swap3A_2008 = vector.shape_cast %swap3A_2007 : vector<1x16xi32> to vector<16xi32>
    %swap3A_2009 = vector.shape_cast %select_n3A_2003 : vector<16xi32> to vector<1x16xi32>
    tpu.vector_store %arg11[%swap3A_2005, %swap3A_2006], %swap3A_2009 {strides = array<i32>} : memref<8x128xi32, #tpu.memory_space<vmem>>, vector<1x16xi32>,
    %get3A_2010 = arith.constant 4 : i32
    %get3A_2011 = arith.index_cast %get3A_2010 : i32 to index
    %get3A_2012 = arith.constant 64 : index
    %get3A_2013 = tpu.vector_load %arg10[%get3A_2011, %get3A_2012] {strides = array<i32>} : memref<8x128xi32, #tpu.memory_space<vmem>>, vector<1x16xi32>,
    %get3A_2014 = vector.shape_cast %get3A_2013 : vector<1x16xi32> to vector<16xi32>
    %get3A_2015 = arith.constant 4 : i32
    %get3A_2016 = arith.index_cast %get3A_2015 : i32 to index
    %get3A_2017 = arith.constant 64 : index
    %get3A_2018 = tpu.vector_load %arg12[%get3A_2016, %get3A_2017] {strides = array<i32>} : memref<8x128xi32, #tpu.memory_space<vmem>>, vector<1x16xi32>,
    %get3A_2019 = vector.shape_cast %get3A_2018 : vector<1x16xi32> to vector<16xi32>
    %eq3A_2020 = arith.cmpi eq, %get3A_2014, %get3A_2019 : vector<16xi32>
    %jit3A_2021 = arith.constant 16384 : i32
    %broadcast_in_dim3A_2022 = vector.broadcast %jit3A_2021 : i32 to vector<16xi32>
    %select_n3A_2023 = arith.select %eq3A_2020, %get3A_2014, %broadcast_in_dim3A_2022 : vector<16xi1>, vector<16xi32>
    %swap3A_2024 = arith.constant 4 : i32
    %swap3A_2025 = arith.index_cast %swap3A_2024 : i32 to index
    %swap3A_2026 = arith.constant 64 : index
    %swap3A_2027 = tpu.vector_load %arg11[%swap3A_2025, %swap3A_2026] {strides = array<i32>} : memref<8x128xi32, #tpu.memory_space<vmem>>, vector<1x16xi32>,
    %swap3A_2028 = vector.shape_cast %swap3A_2027 : vector<1x16xi32> to vector<16xi32>
    %swap3A_2029 = vector.shape_cast %select_n3A_2023 : vector<16xi32> to vector<1x16xi32>
    tpu.vector_store %arg11[%swap3A_2025, %swap3A_2026], %swap3A_2029 {strides = array<i32>} : memref<8x128xi32, #tpu.memory_space<vmem>>, vector<1x16xi32>,
    %get3A_2030 = arith.constant 4 : i32
    %get3A_2031 = arith.index_cast %get3A_2030 : i32 to index
    %get3A_2032 = arith.constant 80 : index
    %get3A_2033 = tpu.vector_load %arg10[%get3A_2031, %get3A_2032] {strides = array<i32>} : memref<8x128xi32, #tpu.memory_space<vmem>>, vector<1x16xi32>,
    %get3A_2034 = vector.shape_cast %get3A_2033 : vector<1x16xi32> to vector<16xi32>
    %get3A_2035 = arith.constant 4 : i32
    %get3A_2036 = arith.index_cast %get3A_2035 : i32 to index
    %get3A_2037 = arith.constant 80 : index
    %get3A_2038 = tpu.vector_load %arg12[%get3A_2036, %get3A_2037] {strides = array<i32>} : memref<8x128xi32, #tpu.memory_space<vmem>>, vector<1x16xi32>,
    %get3A_2039 = vector.shape_cast %get3A_2038 : vector<1x16xi32> to vector<16xi32>
    %eq3A_2040 = arith.cmpi eq, %get3A_2034, %get3A_2039 : vector<16xi32>
    %jit3A_2041 = arith.constant 16384 : i32
    %broadcast_in_dim3A_2042 = vector.broadcast %jit3A_2041 : i32 to vector<16xi32>
    %select_n3A_2043 = arith.select %eq3A_2040, %get3A_2034, %broadcast_in_dim3A_2042 : vector<16xi1>, vector<16xi32>
    %swap3A_2044 = arith.constant 4 : i32
    %swap3A_2045 = arith.index_cast %swap3A_2044 : i32 to index
    %swap3A_2046 = arith.constant 80 : index
    %swap3A_2047 = tpu.vector_load %arg11[%swap3A_2045, %swap3A_2046] {strides = array<i32>} : memref<8x128xi32, #tpu.memory_space<vmem>>, vector<1x16xi32>,
    %swap3A_2048 = vector.shape_cast %swap3A_2047 : vector<1x16xi32> to vector<16xi32>
    %swap3A_2049 = vector.shape_cast %select_n3A_2043 : vector<16xi32> to vector<1x16xi32>
    tpu.vector_store %arg11[%swap3A_2045, %swap3A_2046], %swap3A_2049 {strides = array<i32>} : memref<8x128xi32, #tpu.memory_space<vmem>>, vector<1x16xi32>,
    %get3A_2050 = arith.constant 4 : i32
    %get3A_2051 = arith.index_cast %get3A_2050 : i32 to index
    %get3A_2052 = arith.constant 96 : index
    %get3A_2053 = tpu.vector_load %arg10[%get3A_2051, %get3A_2052] {strides = array<i32>} : memref<8x128xi32, #tpu.memory_space<vmem>>, vector<1x16xi32>,
    %get3A_2054 = vector.shape_cast %get3A_2053 : vector<1x16xi32> to vector<16xi32>
    %get3A_2055 = arith.constant 4 : i32
    %get3A_2056 = arith.index_cast %get3A_2055 : i32 to index
    %get3A_2057 = arith.constant 96 : index
    %get3A_2058 = tpu.vector_load %arg12[%get3A_2056, %get3A_2057] {strides = array<i32>} : memref<8x128xi32, #tpu.memory_space<vmem>>, vector<1x16xi32>,
    %get3A_2059 = vector.shape_cast %get3A_2058 : vector<1x16xi32> to vector<16xi32>
    %eq3A_2060 = arith.cmpi eq, %get3A_2054, %get3A_2059 : vector<16xi32>
    %jit3A_2061 = arith.constant 16384 : i32
    %broadcast_in_dim3A_2062 = vector.broadcast %jit3A_2061 : i32 to vector<16xi32>
    %select_n3A_2063 = arith.select %eq3A_2060, %get3A_2054, %broadcast_in_dim3A_2062 : vector<16xi1>, vector<16xi32>
    %swap3A_2064 = arith.constant 4 : i32
    %swap3A_2065 = arith.index_cast %swap3A_2064 : i32 to index
    %swap3A_2066 = arith.constant 96 : index
    %swap3A_2067 = tpu.vector_load %arg11[%swap3A_2065, %swap3A_2066] {strides = array<i32>} : memref<8x128xi32, #tpu.memory_space<vmem>>, vector<1x16xi32>,
    %swap3A_2068 = vector.shape_cast %swap3A_2067 : vector<1x16xi32> to vector<16xi32>
    %swap3A_2069 = vector.shape_cast %select_n3A_2063 : vector<16xi32> to vector<1x16xi32>
    tpu.vector_store %arg11[%swap3A_2065, %swap3A_2066], %swap3A_2069 {strides = array<i32>} : memref<8x128xi32, #tpu.memory_space<vmem>>, vector<1x16xi32>,
    %get3A_2070 = arith.constant 4 : i32
    %get3A_2071 = arith.index_cast %get3A_2070 : i32 to index
    %get3A_2072 = arith.constant 112 : index
    %get3A_2073 = tpu.vector_load %arg10[%get3A_2071, %get3A_2072] {strides = array<i32>} : memref<8x128xi32, #tpu.memory_space<vmem>>, vector<1x16xi32>,
    %get3A_2074 = vector.shape_cast %get3A_2073 : vector<1x16xi32> to vector<16xi32>
    %get3A_2075 = arith.constant 4 : i32
    %get3A_2076 = arith.index_cast %get3A_2075 : i32 to index
    %get3A_2077 = arith.constant 112 : index
    %get3A_2078 = tpu.vector_load %arg12[%get3A_2076, %get3A_2077] {strides = array<i32>} : memref<8x128xi32, #tpu.memory_space<vmem>>, vector<1x16xi32>,
    %get3A_2079 = vector.shape_cast %get3A_2078 : vector<1x16xi32> to vector<16xi32>
    %eq3A_2080 = arith.cmpi eq, %get3A_2074, %get3A_2079 : vector<16xi32>
    %jit3A_2081 = arith.constant 16384 : i32
    %broadcast_in_dim3A_2082 = vector.broadcast %jit3A_2081 : i32 to vector<16xi32>
    %select_n3A_2083 = arith.select %eq3A_2080, %get3A_2074, %broadcast_in_dim3A_2082 : vector<16xi1>, vector<16xi32>
    %swap3A_2084 = arith.constant 4 : i32
    %swap3A_2085 = arith.index_cast %swap3A_2084 : i32 to index
    %swap3A_2086 = arith.constant 112 : index
    %swap3A_2087 = tpu.vector_load %arg11[%swap3A_2085, %swap3A_2086] {strides = array<i32>} : memref<8x128xi32, #tpu.memory_space<vmem>>, vector<1x16xi32>,
    %swap3A_2088 = vector.shape_cast %swap3A_2087 : vector<1x16xi32> to vector<16xi32>
    %swap3A_2089 = vector.shape_cast %select_n3A_2083 : vector<16xi32> to vector<1x16xi32>
    tpu.vector_store %arg11[%swap3A_2085, %swap3A_2086], %swap3A_2089 {strides = array<i32>} : memref<8x128xi32, #tpu.memory_space<vmem>>, vector<1x16xi32>,
    %get3A_2090 = arith.constant 5 : i32
    %get3A_2091 = arith.index_cast %get3A_2090 : i32 to index
    %get3A_2092 = arith.constant 0 : index
    %get3A_2093 = tpu.vector_load %arg10[%get3A_2091, %get3A_2092] {strides = array<i32>} : memref<8x128xi32, #tpu.memory_space<vmem>>, vector<1x16xi32>,
    %get3A_2094 = vector.shape_cast %get3A_2093 : vector<1x16xi32> to vector<16xi32>
    %get3A_2095 = arith.constant 5 : i32
    %get3A_2096 = arith.index_cast %get3A_2095 : i32 to index
    %get3A_2097 = arith.constant 0 : index
    %get3A_2098 = tpu.vector_load %arg12[%get3A_2096, %get3A_2097] {strides = array<i32>} : memref<8x128xi32, #tpu.memory_space<vmem>>, vector<1x16xi32>,
    %get3A_2099 = vector.shape_cast %get3A_2098 : vector<1x16xi32> to vector<16xi32>
    %eq3A_2100 = arith.cmpi eq, %get3A_2094, %get3A_2099 : vector<16xi32>
    %jit3A_2101 = arith.constant 16384 : i32
    %broadcast_in_dim3A_2102 = vector.broadcast %jit3A_2101 : i32 to vector<16xi32>
    %select_n3A_2103 = arith.select %eq3A_2100, %get3A_2094, %broadcast_in_dim3A_2102 : vector<16xi1>, vector<16xi32>
    %swap3A_2104 = arith.constant 5 : i32
    %swap3A_2105 = arith.index_cast %swap3A_2104 : i32 to index
    %swap3A_2106 = arith.constant 0 : index
    %swap3A_2107 = tpu.vector_load %arg11[%swap3A_2105, %swap3A_2106] {strides = array<i32>} : memref<8x128xi32, #tpu.memory_space<vmem>>, vector<1x16xi32>,
    %swap3A_2108 = vector.shape_cast %swap3A_2107 : vector<1x16xi32> to vector<16xi32>
    %swap3A_2109 = vector.shape_cast %select_n3A_2103 : vector<16xi32> to vector<1x16xi32>
    tpu.vector_store %arg11[%swap3A_2105, %swap3A_2106], %swap3A_2109 {strides = array<i32>} : memref<8x128xi32, #tpu.memory_space<vmem>>, vector<1x16xi32>,
    %get3A_2110 = arith.constant 5 : i32
    %get3A_2111 = arith.index_cast %get3A_2110 : i32 to index
    %get3A_2112 = arith.constant 16 : index
    %get3A_2113 = tpu.vector_load %arg10[%get3A_2111, %get3A_2112] {strides = array<i32>} : memref<8x128xi32, #tpu.memory_space<vmem>>, vector<1x16xi32>,
    %get3A_2114 = vector.shape_cast %get3A_2113 : vector<1x16xi32> to vector<16xi32>
    %get3A_2115 = arith.constant 5 : i32
    %get3A_2116 = arith.index_cast %get3A_2115 : i32 to index
    %get3A_2117 = arith.constant 16 : index
    %get3A_2118 = tpu.vector_load %arg12[%get3A_2116, %get3A_2117] {strides = array<i32>} : memref<8x128xi32, #tpu.memory_space<vmem>>, vector<1x16xi32>,
    %get3A_2119 = vector.shape_cast %get3A_2118 : vector<1x16xi32> to vector<16xi32>
    %eq3A_2120 = arith.cmpi eq, %get3A_2114, %get3A_2119 : vector<16xi32>
    %jit3A_2121 = arith.constant 16384 : i32
    %broadcast_in_dim3A_2122 = vector.broadcast %jit3A_2121 : i32 to vector<16xi32>
    %select_n3A_2123 = arith.select %eq3A_2120, %get3A_2114, %broadcast_in_dim3A_2122 : vector<16xi1>, vector<16xi32>
    %swap3A_2124 = arith.constant 5 : i32
    %swap3A_2125 = arith.index_cast %swap3A_2124 : i32 to index
    %swap3A_2126 = arith.constant 16 : index
    %swap3A_2127 = tpu.vector_load %arg11[%swap3A_2125, %swap3A_2126] {strides = array<i32>} : memref<8x128xi32, #tpu.memory_space<vmem>>, vector<1x16xi32>,
    %swap3A_2128 = vector.shape_cast %swap3A_2127 : vector<1x16xi32> to vector<16xi32>
    %swap3A_2129 = vector.shape_cast %select_n3A_2123 : vector<16xi32> to vector<1x16xi32>
    tpu.vector_store %arg11[%swap3A_2125, %swap3A_2126], %swap3A_2129 {strides = array<i32>} : memref<8x128xi32, #tpu.memory_space<vmem>>, vector<1x16xi32>,
    %get3A_2130 = arith.constant 5 : i32
    %get3A_2131 = arith.index_cast %get3A_2130 : i32 to index
    %get3A_2132 = arith.constant 32 : index
    %get3A_2133 = tpu.vector_load %arg10[%get3A_2131, %get3A_2132] {strides = array<i32>} : memref<8x128xi32, #tpu.memory_space<vmem>>, vector<1x16xi32>,
    %get3A_2134 = vector.shape_cast %get3A_2133 : vector<1x16xi32> to vector<16xi32>
    %get3A_2135 = arith.constant 5 : i32
    %get3A_2136 = arith.index_cast %get3A_2135 : i32 to index
    %get3A_2137 = arith.constant 32 : index
    %get3A_2138 = tpu.vector_load %arg12[%get3A_2136, %get3A_2137] {strides = array<i32>} : memref<8x128xi32, #tpu.memory_space<vmem>>, vector<1x16xi32>,
    %get3A_2139 = vector.shape_cast %get3A_2138 : vector<1x16xi32> to vector<16xi32>
    %eq3A_2140 = arith.cmpi eq, %get3A_2134, %get3A_2139 : vector<16xi32>
    %jit3A_2141 = arith.constant 16384 : i32
    %broadcast_in_dim3A_2142 = vector.broadcast %jit3A_2141 : i32 to vector<16xi32>
    %select_n3A_2143 = arith.select %eq3A_2140, %get3A_2134, %broadcast_in_dim3A_2142 : vector<16xi1>, vector<16xi32>
    %swap3A_2144 = arith.constant 5 : i32
    %swap3A_2145 = arith.index_cast %swap3A_2144 : i32 to index
    %swap3A_2146 = arith.constant 32 : index
    %swap3A_2147 = tpu.vector_load %arg11[%swap3A_2145, %swap3A_2146] {strides = array<i32>} : memref<8x128xi32, #tpu.memory_space<vmem>>, vector<1x16xi32>,
    %swap3A_2148 = vector.shape_cast %swap3A_2147 : vector<1x16xi32> to vector<16xi32>
    %swap3A_2149 = vector.shape_cast %select_n3A_2143 : vector<16xi32> to vector<1x16xi32>
    tpu.vector_store %arg11[%swap3A_2145, %swap3A_2146], %swap3A_2149 {strides = array<i32>} : memref<8x128xi32, #tpu.memory_space<vmem>>, vector<1x16xi32>,
    %get3A_2150 = arith.constant 5 : i32
    %get3A_2151 = arith.index_cast %get3A_2150 : i32 to index
    %get3A_2152 = arith.constant 48 : index
    %get3A_2153 = tpu.vector_load %arg10[%get3A_2151, %get3A_2152] {strides = array<i32>} : memref<8x128xi32, #tpu.memory_space<vmem>>, vector<1x16xi32>,
    %get3A_2154 = vector.shape_cast %get3A_2153 : vector<1x16xi32> to vector<16xi32>
    %get3A_2155 = arith.constant 5 : i32
    %get3A_2156 = arith.index_cast %get3A_2155 : i32 to index
    %get3A_2157 = arith.constant 48 : index
    %get3A_2158 = tpu.vector_load %arg12[%get3A_2156, %get3A_2157] {strides = array<i32>} : memref<8x128xi32, #tpu.memory_space<vmem>>, vector<1x16xi32>,
    %get3A_2159 = vector.shape_cast %get3A_2158 : vector<1x16xi32> to vector<16xi32>
    %eq3A_2160 = arith.cmpi eq, %get3A_2154, %get3A_2159 : vector<16xi32>
    %jit3A_2161 = arith.constant 16384 : i32
    %broadcast_in_dim3A_2162 = vector.broadcast %jit3A_2161 : i32 to vector<16xi32>
    %select_n3A_2163 = arith.select %eq3A_2160, %get3A_2154, %broadcast_in_dim3A_2162 : vector<16xi1>, vector<16xi32>
    %swap3A_2164 = arith.constant 5 : i32
    %swap3A_2165 = arith.index_cast %swap3A_2164 : i32 to index
    %swap3A_2166 = arith.constant 48 : index
    %swap3A_2167 = tpu.vector_load %arg11[%swap3A_2165, %swap3A_2166] {strides = array<i32>} : memref<8x128xi32, #tpu.memory_space<vmem>>, vector<1x16xi32>,
    %swap3A_2168 = vector.shape_cast %swap3A_2167 : vector<1x16xi32> to vector<16xi32>
    %swap3A_2169 = vector.shape_cast %select_n3A_2163 : vector<16xi32> to vector<1x16xi32>
    tpu.vector_store %arg11[%swap3A_2165, %swap3A_2166], %swap3A_2169 {strides = array<i32>} : memref<8x128xi32, #tpu.memory_space<vmem>>, vector<1x16xi32>,
    %get3A_2170 = arith.constant 5 : i32
    %get3A_2171 = arith.index_cast %get3A_2170 : i32 to index
    %get3A_2172 = arith.constant 64 : index
    %get3A_2173 = tpu.vector_load %arg10[%get3A_2171, %get3A_2172] {strides = array<i32>} : memref<8x128xi32, #tpu.memory_space<vmem>>, vector<1x16xi32>,
    %get3A_2174 = vector.shape_cast %get3A_2173 : vector<1x16xi32> to vector<16xi32>
    %get3A_2175 = arith.constant 5 : i32
    %get3A_2176 = arith.index_cast %get3A_2175 : i32 to index
    %get3A_2177 = arith.constant 64 : index
    %get3A_2178 = tpu.vector_load %arg12[%get3A_2176, %get3A_2177] {strides = array<i32>} : memref<8x128xi32, #tpu.memory_space<vmem>>, vector<1x16xi32>,
    %get3A_2179 = vector.shape_cast %get3A_2178 : vector<1x16xi32> to vector<16xi32>
    %eq3A_2180 = arith.cmpi eq, %get3A_2174, %get3A_2179 : vector<16xi32>
    %jit3A_2181 = arith.constant 16384 : i32
    %broadcast_in_dim3A_2182 = vector.broadcast %jit3A_2181 : i32 to vector<16xi32>
    %select_n3A_2183 = arith.select %eq3A_2180, %get3A_2174, %broadcast_in_dim3A_2182 : vector<16xi1>, vector<16xi32>
    %swap3A_2184 = arith.constant 5 : i32
    %swap3A_2185 = arith.index_cast %swap3A_2184 : i32 to index
    %swap3A_2186 = arith.constant 64 : index
    %swap3A_2187 = tpu.vector_load %arg11[%swap3A_2185, %swap3A_2186] {strides = array<i32>} : memref<8x128xi32, #tpu.memory_space<vmem>>, vector<1x16xi32>,
    %swap3A_2188 = vector.shape_cast %swap3A_2187 : vector<1x16xi32> to vector<16xi32>
    %swap3A_2189 = vector.shape_cast %select_n3A_2183 : vector<16xi32> to vector<1x16xi32>
    tpu.vector_store %arg11[%swap3A_2185, %swap3A_2186], %swap3A_2189 {strides = array<i32>} : memref<8x128xi32, #tpu.memory_space<vmem>>, vector<1x16xi32>,
    %get3A_2190 = arith.constant 5 : i32
    %get3A_2191 = arith.index_cast %get3A_2190 : i32 to index
    %get3A_2192 = arith.constant 80 : index
    %get3A_2193 = tpu.vector_load %arg10[%get3A_2191, %get3A_2192] {strides = array<i32>} : memref<8x128xi32, #tpu.memory_space<vmem>>, vector<1x16xi32>,
    %get3A_2194 = vector.shape_cast %get3A_2193 : vector<1x16xi32> to vector<16xi32>
    %get3A_2195 = arith.constant 5 : i32
    %get3A_2196 = arith.index_cast %get3A_2195 : i32 to index
    %get3A_2197 = arith.constant 80 : index
    %get3A_2198 = tpu.vector_load %arg12[%get3A_2196, %get3A_2197] {strides = array<i32>} : memref<8x128xi32, #tpu.memory_space<vmem>>, vector<1x16xi32>,
    %get3A_2199 = vector.shape_cast %get3A_2198 : vector<1x16xi32> to vector<16xi32>
    %eq3A_2200 = arith.cmpi eq, %get3A_2194, %get3A_2199 : vector<16xi32>
    %jit3A_2201 = arith.constant 16384 : i32
    %broadcast_in_dim3A_2202 = vector.broadcast %jit3A_2201 : i32 to vector<16xi32>
    %select_n3A_2203 = arith.select %eq3A_2200, %get3A_2194, %broadcast_in_dim3A_2202 : vector<16xi1>, vector<16xi32>
    %swap3A_2204 = arith.constant 5 : i32
    %swap3A_2205 = arith.index_cast %swap3A_2204 : i32 to index
    %swap3A_2206 = arith.constant 80 : index
    %swap3A_2207 = tpu.vector_load %arg11[%swap3A_2205, %swap3A_2206] {strides = array<i32>} : memref<8x128xi32, #tpu.memory_space<vmem>>, vector<1x16xi32>,
    %swap3A_2208 = vector.shape_cast %swap3A_2207 : vector<1x16xi32> to vector<16xi32>
    %swap3A_2209 = vector.shape_cast %select_n3A_2203 : vector<16xi32> to vector<1x16xi32>
    tpu.vector_store %arg11[%swap3A_2205, %swap3A_2206], %swap3A_2209 {strides = array<i32>} : memref<8x128xi32, #tpu.memory_space<vmem>>, vector<1x16xi32>,
    %get3A_2210 = arith.constant 5 : i32
    %get3A_2211 = arith.index_cast %get3A_2210 : i32 to index
    %get3A_2212 = arith.constant 96 : index
    %get3A_2213 = tpu.vector_load %arg10[%get3A_2211, %get3A_2212] {strides = array<i32>} : memref<8x128xi32, #tpu.memory_space<vmem>>, vector<1x16xi32>,
    %get3A_2214 = vector.shape_cast %get3A_2213 : vector<1x16xi32> to vector<16xi32>
    %get3A_2215 = arith.constant 5 : i32
    %get3A_2216 = arith.index_cast %get3A_2215 : i32 to index
    %get3A_2217 = arith.constant 96 : index
    %get3A_2218 = tpu.vector_load %arg12[%get3A_2216, %get3A_2217] {strides = array<i32>} : memref<8x128xi32, #tpu.memory_space<vmem>>, vector<1x16xi32>,
    %get3A_2219 = vector.shape_cast %get3A_2218 : vector<1x16xi32> to vector<16xi32>
    %eq3A_2220 = arith.cmpi eq, %get3A_2214, %get3A_2219 : vector<16xi32>
    %jit3A_2221 = arith.constant 16384 : i32
    %broadcast_in_dim3A_2222 = vector.broadcast %jit3A_2221 : i32 to vector<16xi32>
    %select_n3A_2223 = arith.select %eq3A_2220, %get3A_2214, %broadcast_in_dim3A_2222 : vector<16xi1>, vector<16xi32>
    %swap3A_2224 = arith.constant 5 : i32
    %swap3A_2225 = arith.index_cast %swap3A_2224 : i32 to index
    %swap3A_2226 = arith.constant 96 : index
    %swap3A_2227 = tpu.vector_load %arg11[%swap3A_2225, %swap3A_2226] {strides = array<i32>} : memref<8x128xi32, #tpu.memory_space<vmem>>, vector<1x16xi32>,
    %swap3A_2228 = vector.shape_cast %swap3A_2227 : vector<1x16xi32> to vector<16xi32>
    %swap3A_2229 = vector.shape_cast %select_n3A_2223 : vector<16xi32> to vector<1x16xi32>
    tpu.vector_store %arg11[%swap3A_2225, %swap3A_2226], %swap3A_2229 {strides = array<i32>} : memref<8x128xi32, #tpu.memory_space<vmem>>, vector<1x16xi32>,
    %get3A_2230 = arith.constant 5 : i32
    %get3A_2231 = arith.index_cast %get3A_2230 : i32 to index
    %get3A_2232 = arith.constant 112 : index
    %get3A_2233 = tpu.vector_load %arg10[%get3A_2231, %get3A_2232] {strides = array<i32>} : memref<8x128xi32, #tpu.memory_space<vmem>>, vector<1x16xi32>,
    %get3A_2234 = vector.shape_cast %get3A_2233 : vector<1x16xi32> to vector<16xi32>
    %get3A_2235 = arith.constant 5 : i32
    %get3A_2236 = arith.index_cast %get3A_2235 : i32 to index
    %get3A_2237 = arith.constant 112 : index
    %get3A_2238 = tpu.vector_load %arg12[%get3A_2236, %get3A_2237] {strides = array<i32>} : memref<8x128xi32, #tpu.memory_space<vmem>>, vector<1x16xi32>,
    %get3A_2239 = vector.shape_cast %get3A_2238 : vector<1x16xi32> to vector<16xi32>
    %eq3A_2240 = arith.cmpi eq, %get3A_2234, %get3A_2239 : vector<16xi32>
    %jit3A_2241 = arith.constant 16384 : i32
    %broadcast_in_dim3A_2242 = vector.broadcast %jit3A_2241 : i32 to vector<16xi32>
    %select_n3A_2243 = arith.select %eq3A_2240, %get3A_2234, %broadcast_in_dim3A_2242 : vector<16xi1>, vector<16xi32>
    %swap3A_2244 = arith.constant 5 : i32
    %swap3A_2245 = arith.index_cast %swap3A_2244 : i32 to index
    %swap3A_2246 = arith.constant 112 : index
    %swap3A_2247 = tpu.vector_load %arg11[%swap3A_2245, %swap3A_2246] {strides = array<i32>} : memref<8x128xi32, #tpu.memory_space<vmem>>, vector<1x16xi32>,
    %swap3A_2248 = vector.shape_cast %swap3A_2247 : vector<1x16xi32> to vector<16xi32>
    %swap3A_2249 = vector.shape_cast %select_n3A_2243 : vector<16xi32> to vector<1x16xi32>
    tpu.vector_store %arg11[%swap3A_2245, %swap3A_2246], %swap3A_2249 {strides = array<i32>} : memref<8x128xi32, #tpu.memory_space<vmem>>, vector<1x16xi32>,
    %get3A_2250 = arith.constant 6 : i32
    %get3A_2251 = arith.index_cast %get3A_2250 : i32 to index
    %get3A_2252 = arith.constant 0 : index
    %get3A_2253 = tpu.vector_load %arg10[%get3A_2251, %get3A_2252] {strides = array<i32>} : memref<8x128xi32, #tpu.memory_space<vmem>>, vector<1x16xi32>,
    %get3A_2254 = vector.shape_cast %get3A_2253 : vector<1x16xi32> to vector<16xi32>
    %get3A_2255 = arith.constant 6 : i32
    %get3A_2256 = arith.index_cast %get3A_2255 : i32 to index
    %get3A_2257 = arith.constant 0 : index
    %get3A_2258 = tpu.vector_load %arg12[%get3A_2256, %get3A_2257] {strides = array<i32>} : memref<8x128xi32, #tpu.memory_space<vmem>>, vector<1x16xi32>,
    %get3A_2259 = vector.shape_cast %get3A_2258 : vector<1x16xi32> to vector<16xi32>
    %eq3A_2260 = arith.cmpi eq, %get3A_2254, %get3A_2259 : vector<16xi32>
    %jit3A_2261 = arith.constant 16384 : i32
    %broadcast_in_dim3A_2262 = vector.broadcast %jit3A_2261 : i32 to vector<16xi32>
    %select_n3A_2263 = arith.select %eq3A_2260, %get3A_2254, %broadcast_in_dim3A_2262 : vector<16xi1>, vector<16xi32>
    %swap3A_2264 = arith.constant 6 : i32
    %swap3A_2265 = arith.index_cast %swap3A_2264 : i32 to index
    %swap3A_2266 = arith.constant 0 : index
    %swap3A_2267 = tpu.vector_load %arg11[%swap3A_2265, %swap3A_2266] {strides = array<i32>} : memref<8x128xi32, #tpu.memory_space<vmem>>, vector<1x16xi32>,
    %swap3A_2268 = vector.shape_cast %swap3A_2267 : vector<1x16xi32> to vector<16xi32>
    %swap3A_2269 = vector.shape_cast %select_n3A_2263 : vector<16xi32> to vector<1x16xi32>
    tpu.vector_store %arg11[%swap3A_2265, %swap3A_2266], %swap3A_2269 {strides = array<i32>} : memref<8x128xi32, #tpu.memory_space<vmem>>, vector<1x16xi32>,
    %get3A_2270 = arith.constant 6 : i32
    %get3A_2271 = arith.index_cast %get3A_2270 : i32 to index
    %get3A_2272 = arith.constant 16 : index
    %get3A_2273 = tpu.vector_load %arg10[%get3A_2271, %get3A_2272] {strides = array<i32>} : memref<8x128xi32, #tpu.memory_space<vmem>>, vector<1x16xi32>,
    %get3A_2274 = vector.shape_cast %get3A_2273 : vector<1x16xi32> to vector<16xi32>
    %get3A_2275 = arith.constant 6 : i32
    %get3A_2276 = arith.index_cast %get3A_2275 : i32 to index
    %get3A_2277 = arith.constant 16 : index
    %get3A_2278 = tpu.vector_load %arg12[%get3A_2276, %get3A_2277] {strides = array<i32>} : memref<8x128xi32, #tpu.memory_space<vmem>>, vector<1x16xi32>,
    %get3A_2279 = vector.shape_cast %get3A_2278 : vector<1x16xi32> to vector<16xi32>
    %eq3A_2280 = arith.cmpi eq, %get3A_2274, %get3A_2279 : vector<16xi32>
    %jit3A_2281 = arith.constant 16384 : i32
    %broadcast_in_dim3A_2282 = vector.broadcast %jit3A_2281 : i32 to vector<16xi32>
    %select_n3A_2283 = arith.select %eq3A_2280, %get3A_2274, %broadcast_in_dim3A_2282 : vector<16xi1>, vector<16xi32>
    %swap3A_2284 = arith.constant 6 : i32
    %swap3A_2285 = arith.index_cast %swap3A_2284 : i32 to index
    %swap3A_2286 = arith.constant 16 : index
    %swap3A_2287 = tpu.vector_load %arg11[%swap3A_2285, %swap3A_2286] {strides = array<i32>} : memref<8x128xi32, #tpu.memory_space<vmem>>, vector<1x16xi32>,
    %swap3A_2288 = vector.shape_cast %swap3A_2287 : vector<1x16xi32> to vector<16xi32>
    %swap3A_2289 = vector.shape_cast %select_n3A_2283 : vector<16xi32> to vector<1x16xi32>
    tpu.vector_store %arg11[%swap3A_2285, %swap3A_2286], %swap3A_2289 {strides = array<i32>} : memref<8x128xi32, #tpu.memory_space<vmem>>, vector<1x16xi32>,
    %get3A_2290 = arith.constant 6 : i32
    %get3A_2291 = arith.index_cast %get3A_2290 : i32 to index
    %get3A_2292 = arith.constant 32 : index
    %get3A_2293 = tpu.vector_load %arg10[%get3A_2291, %get3A_2292] {strides = array<i32>} : memref<8x128xi32, #tpu.memory_space<vmem>>, vector<1x16xi32>,
    %get3A_2294 = vector.shape_cast %get3A_2293 : vector<1x16xi32> to vector<16xi32>
    %get3A_2295 = arith.constant 6 : i32
    %get3A_2296 = arith.index_cast %get3A_2295 : i32 to index
    %get3A_2297 = arith.constant 32 : index
    %get3A_2298 = tpu.vector_load %arg12[%get3A_2296, %get3A_2297] {strides = array<i32>} : memref<8x128xi32, #tpu.memory_space<vmem>>, vector<1x16xi32>,
    %get3A_2299 = vector.shape_cast %get3A_2298 : vector<1x16xi32> to vector<16xi32>
    %eq3A_2300 = arith.cmpi eq, %get3A_2294, %get3A_2299 : vector<16xi32>
    %jit3A_2301 = arith.constant 16384 : i32
    %broadcast_in_dim3A_2302 = vector.broadcast %jit3A_2301 : i32 to vector<16xi32>
    %select_n3A_2303 = arith.select %eq3A_2300, %get3A_2294, %broadcast_in_dim3A_2302 : vector<16xi1>, vector<16xi32>
    %swap3A_2304 = arith.constant 6 : i32
    %swap3A_2305 = arith.index_cast %swap3A_2304 : i32 to index
    %swap3A_2306 = arith.constant 32 : index
    %swap3A_2307 = tpu.vector_load %arg11[%swap3A_2305, %swap3A_2306] {strides = array<i32>} : memref<8x128xi32, #tpu.memory_space<vmem>>, vector<1x16xi32>,
    %swap3A_2308 = vector.shape_cast %swap3A_2307 : vector<1x16xi32> to vector<16xi32>
    %swap3A_2309 = vector.shape_cast %select_n3A_2303 : vector<16xi32> to vector<1x16xi32>
    tpu.vector_store %arg11[%swap3A_2305, %swap3A_2306], %swap3A_2309 {strides = array<i32>} : memref<8x128xi32, #tpu.memory_space<vmem>>, vector<1x16xi32>,
    %get3A_2310 = arith.constant 6 : i32
    %get3A_2311 = arith.index_cast %get3A_2310 : i32 to index
    %get3A_2312 = arith.constant 48 : index
    %get3A_2313 = tpu.vector_load %arg10[%get3A_2311, %get3A_2312] {strides = array<i32>} : memref<8x128xi32, #tpu.memory_space<vmem>>, vector<1x16xi32>,
    %get3A_2314 = vector.shape_cast %get3A_2313 : vector<1x16xi32> to vector<16xi32>
    %get3A_2315 = arith.constant 6 : i32
    %get3A_2316 = arith.index_cast %get3A_2315 : i32 to index
    %get3A_2317 = arith.constant 48 : index
    %get3A_2318 = tpu.vector_load %arg12[%get3A_2316, %get3A_2317] {strides = array<i32>} : memref<8x128xi32, #tpu.memory_space<vmem>>, vector<1x16xi32>,
    %get3A_2319 = vector.shape_cast %get3A_2318 : vector<1x16xi32> to vector<16xi32>
    %eq3A_2320 = arith.cmpi eq, %get3A_2314, %get3A_2319 : vector<16xi32>
    %jit3A_2321 = arith.constant 16384 : i32
    %broadcast_in_dim3A_2322 = vector.broadcast %jit3A_2321 : i32 to vector<16xi32>
    %select_n3A_2323 = arith.select %eq3A_2320, %get3A_2314, %broadcast_in_dim3A_2322 : vector<16xi1>, vector<16xi32>
    %swap3A_2324 = arith.constant 6 : i32
    %swap3A_2325 = arith.index_cast %swap3A_2324 : i32 to index
    %swap3A_2326 = arith.constant 48 : index
    %swap3A_2327 = tpu.vector_load %arg11[%swap3A_2325, %swap3A_2326] {strides = array<i32>} : memref<8x128xi32, #tpu.memory_space<vmem>>, vector<1x16xi32>,
    %swap3A_2328 = vector.shape_cast %swap3A_2327 : vector<1x16xi32> to vector<16xi32>
    %swap3A_2329 = vector.shape_cast %select_n3A_2323 : vector<16xi32> to vector<1x16xi32>
    tpu.vector_store %arg11[%swap3A_2325, %swap3A_2326], %swap3A_2329 {strides = array<i32>} : memref<8x128xi32, #tpu.memory_space<vmem>>, vector<1x16xi32>,
    %get3A_2330 = arith.constant 6 : i32
    %get3A_2331 = arith.index_cast %get3A_2330 : i32 to index
    %get3A_2332 = arith.constant 64 : index
    %get3A_2333 = tpu.vector_load %arg10[%get3A_2331, %get3A_2332] {strides = array<i32>} : memref<8x128xi32, #tpu.memory_space<vmem>>, vector<1x16xi32>,
    %get3A_2334 = vector.shape_cast %get3A_2333 : vector<1x16xi32> to vector<16xi32>
    %get3A_2335 = arith.constant 6 : i32
    %get3A_2336 = arith.index_cast %get3A_2335 : i32 to index
    %get3A_2337 = arith.constant 64 : index
    %get3A_2338 = tpu.vector_load %arg12[%get3A_2336, %get3A_2337] {strides = array<i32>} : memref<8x128xi32, #tpu.memory_space<vmem>>, vector<1x16xi32>,
    %get3A_2339 = vector.shape_cast %get3A_2338 : vector<1x16xi32> to vector<16xi32>
    %eq3A_2340 = arith.cmpi eq, %get3A_2334, %get3A_2339 : vector<16xi32>
    %jit3A_2341 = arith.constant 16384 : i32
    %broadcast_in_dim3A_2342 = vector.broadcast %jit3A_2341 : i32 to vector<16xi32>
    %select_n3A_2343 = arith.select %eq3A_2340, %get3A_2334, %broadcast_in_dim3A_2342 : vector<16xi1>, vector<16xi32>
    %swap3A_2344 = arith.constant 6 : i32
    %swap3A_2345 = arith.index_cast %swap3A_2344 : i32 to index
    %swap3A_2346 = arith.constant 64 : index
    %swap3A_2347 = tpu.vector_load %arg11[%swap3A_2345, %swap3A_2346] {strides = array<i32>} : memref<8x128xi32, #tpu.memory_space<vmem>>, vector<1x16xi32>,
    %swap3A_2348 = vector.shape_cast %swap3A_2347 : vector<1x16xi32> to vector<16xi32>
    %swap3A_2349 = vector.shape_cast %select_n3A_2343 : vector<16xi32> to vector<1x16xi32>
    tpu.vector_store %arg11[%swap3A_2345, %swap3A_2346], %swap3A_2349 {strides = array<i32>} : memref<8x128xi32, #tpu.memory_space<vmem>>, vector<1x16xi32>,
    %get3A_2350 = arith.constant 6 : i32
    %get3A_2351 = arith.index_cast %get3A_2350 : i32 to index
    %get3A_2352 = arith.constant 80 : index
    %get3A_2353 = tpu.vector_load %arg10[%get3A_2351, %get3A_2352] {strides = array<i32>} : memref<8x128xi32, #tpu.memory_space<vmem>>, vector<1x16xi32>,
    %get3A_2354 = vector.shape_cast %get3A_2353 : vector<1x16xi32> to vector<16xi32>
    %get3A_2355 = arith.constant 6 : i32
    %get3A_2356 = arith.index_cast %get3A_2355 : i32 to index
    %get3A_2357 = arith.constant 80 : index
    %get3A_2358 = tpu.vector_load %arg12[%get3A_2356, %get3A_2357] {strides = array<i32>} : memref<8x128xi32, #tpu.memory_space<vmem>>, vector<1x16xi32>,
    %get3A_2359 = vector.shape_cast %get3A_2358 : vector<1x16xi32> to vector<16xi32>
    %eq3A_2360 = arith.cmpi eq, %get3A_2354, %get3A_2359 : vector<16xi32>
    %jit3A_2361 = arith.constant 16384 : i32
    %broadcast_in_dim3A_2362 = vector.broadcast %jit3A_2361 : i32 to vector<16xi32>
    %select_n3A_2363 = arith.select %eq3A_2360, %get3A_2354, %broadcast_in_dim3A_2362 : vector<16xi1>, vector<16xi32>
    %swap3A_2364 = arith.constant 6 : i32
    %swap3A_2365 = arith.index_cast %swap3A_2364 : i32 to index
    %swap3A_2366 = arith.constant 80 : index
    %swap3A_2367 = tpu.vector_load %arg11[%swap3A_2365, %swap3A_2366] {strides = array<i32>} : memref<8x128xi32, #tpu.memory_space<vmem>>, vector<1x16xi32>,
    %swap3A_2368 = vector.shape_cast %swap3A_2367 : vector<1x16xi32> to vector<16xi32>
    %swap3A_2369 = vector.shape_cast %select_n3A_2363 : vector<16xi32> to vector<1x16xi32>
    tpu.vector_store %arg11[%swap3A_2365, %swap3A_2366], %swap3A_2369 {strides = array<i32>} : memref<8x128xi32, #tpu.memory_space<vmem>>, vector<1x16xi32>,
    %get3A_2370 = arith.constant 6 : i32
    %get3A_2371 = arith.index_cast %get3A_2370 : i32 to index
    %get3A_2372 = arith.constant 96 : index
    %get3A_2373 = tpu.vector_load %arg10[%get3A_2371, %get3A_2372] {strides = array<i32>} : memref<8x128xi32, #tpu.memory_space<vmem>>, vector<1x16xi32>,
    %get3A_2374 = vector.shape_cast %get3A_2373 : vector<1x16xi32> to vector<16xi32>
    %get3A_2375 = arith.constant 6 : i32
    %get3A_2376 = arith.index_cast %get3A_2375 : i32 to index
    %get3A_2377 = arith.constant 96 : index
    %get3A_2378 = tpu.vector_load %arg12[%get3A_2376, %get3A_2377] {strides = array<i32>} : memref<8x128xi32, #tpu.memory_space<vmem>>, vector<1x16xi32>,
    %get3A_2379 = vector.shape_cast %get3A_2378 : vector<1x16xi32> to vector<16xi32>
    %eq3A_2380 = arith.cmpi eq, %get3A_2374, %get3A_2379 : vector<16xi32>
    %jit3A_2381 = arith.constant 16384 : i32
    %broadcast_in_dim3A_2382 = vector.broadcast %jit3A_2381 : i32 to vector<16xi32>
    %select_n3A_2383 = arith.select %eq3A_2380, %get3A_2374, %broadcast_in_dim3A_2382 : vector<16xi1>, vector<16xi32>
    %swap3A_2384 = arith.constant 6 : i32
    %swap3A_2385 = arith.index_cast %swap3A_2384 : i32 to index
    %swap3A_2386 = arith.constant 96 : index
    %swap3A_2387 = tpu.vector_load %arg11[%swap3A_2385, %swap3A_2386] {strides = array<i32>} : memref<8x128xi32, #tpu.memory_space<vmem>>, vector<1x16xi32>,
    %swap3A_2388 = vector.shape_cast %swap3A_2387 : vector<1x16xi32> to vector<16xi32>
    %swap3A_2389 = vector.shape_cast %select_n3A_2383 : vector<16xi32> to vector<1x16xi32>
    tpu.vector_store %arg11[%swap3A_2385, %swap3A_2386], %swap3A_2389 {strides = array<i32>} : memref<8x128xi32, #tpu.memory_space<vmem>>, vector<1x16xi32>,
    %get3A_2390 = arith.constant 6 : i32
    %get3A_2391 = arith.index_cast %get3A_2390 : i32 to index
    %get3A_2392 = arith.constant 112 : index
    %get3A_2393 = tpu.vector_load %arg10[%get3A_2391, %get3A_2392] {strides = array<i32>} : memref<8x128xi32, #tpu.memory_space<vmem>>, vector<1x16xi32>,
    %get3A_2394 = vector.shape_cast %get3A_2393 : vector<1x16xi32> to vector<16xi32>
    %get3A_2395 = arith.constant 6 : i32
    %get3A_2396 = arith.index_cast %get3A_2395 : i32 to index
    %get3A_2397 = arith.constant 112 : index
    %get3A_2398 = tpu.vector_load %arg12[%get3A_2396, %get3A_2397] {strides = array<i32>} : memref<8x128xi32, #tpu.memory_space<vmem>>, vector<1x16xi32>,
    %get3A_2399 = vector.shape_cast %get3A_2398 : vector<1x16xi32> to vector<16xi32>
    %eq3A_2400 = arith.cmpi eq, %get3A_2394, %get3A_2399 : vector<16xi32>
    %jit3A_2401 = arith.constant 16384 : i32
    %broadcast_in_dim3A_2402 = vector.broadcast %jit3A_2401 : i32 to vector<16xi32>
    %select_n3A_2403 = arith.select %eq3A_2400, %get3A_2394, %broadcast_in_dim3A_2402 : vector<16xi1>, vector<16xi32>
    %swap3A_2404 = arith.constant 6 : i32
    %swap3A_2405 = arith.index_cast %swap3A_2404 : i32 to index
    %swap3A_2406 = arith.constant 112 : index
    %swap3A_2407 = tpu.vector_load %arg11[%swap3A_2405, %swap3A_2406] {strides = array<i32>} : memref<8x128xi32, #tpu.memory_space<vmem>>, vector<1x16xi32>,
    %swap3A_2408 = vector.shape_cast %swap3A_2407 : vector<1x16xi32> to vector<16xi32>
    %swap3A_2409 = vector.shape_cast %select_n3A_2403 : vector<16xi32> to vector<1x16xi32>
    tpu.vector_store %arg11[%swap3A_2405, %swap3A_2406], %swap3A_2409 {strides = array<i32>} : memref<8x128xi32, #tpu.memory_space<vmem>>, vector<1x16xi32>,
    %get3A_2410 = arith.constant 7 : i32
    %get3A_2411 = arith.index_cast %get3A_2410 : i32 to index
    %get3A_2412 = arith.constant 0 : index
    %get3A_2413 = tpu.vector_load %arg10[%get3A_2411, %get3A_2412] {strides = array<i32>} : memref<8x128xi32, #tpu.memory_space<vmem>>, vector<1x16xi32>,
    %get3A_2414 = vector.shape_cast %get3A_2413 : vector<1x16xi32> to vector<16xi32>
    %get3A_2415 = arith.constant 7 : i32
    %get3A_2416 = arith.index_cast %get3A_2415 : i32 to index
    %get3A_2417 = arith.constant 0 : index
    %get3A_2418 = tpu.vector_load %arg12[%get3A_2416, %get3A_2417] {strides = array<i32>} : memref<8x128xi32, #tpu.memory_space<vmem>>, vector<1x16xi32>,
    %get3A_2419 = vector.shape_cast %get3A_2418 : vector<1x16xi32> to vector<16xi32>
    %eq3A_2420 = arith.cmpi eq, %get3A_2414, %get3A_2419 : vector<16xi32>
    %jit3A_2421 = arith.constant 16384 : i32
    %broadcast_in_dim3A_2422 = vector.broadcast %jit3A_2421 : i32 to vector<16xi32>
    %select_n3A_2423 = arith.select %eq3A_2420, %get3A_2414, %broadcast_in_dim3A_2422 : vector<16xi1>, vector<16xi32>
    %swap3A_2424 = arith.constant 7 : i32
    %swap3A_2425 = arith.index_cast %swap3A_2424 : i32 to index
    %swap3A_2426 = arith.constant 0 : index
    %swap3A_2427 = tpu.vector_load %arg11[%swap3A_2425, %swap3A_2426] {strides = array<i32>} : memref<8x128xi32, #tpu.memory_space<vmem>>, vector<1x16xi32>,
    %swap3A_2428 = vector.shape_cast %swap3A_2427 : vector<1x16xi32> to vector<16xi32>
    %swap3A_2429 = vector.shape_cast %select_n3A_2423 : vector<16xi32> to vector<1x16xi32>
    tpu.vector_store %arg11[%swap3A_2425, %swap3A_2426], %swap3A_2429 {strides = array<i32>} : memref<8x128xi32, #tpu.memory_space<vmem>>, vector<1x16xi32>,
    %get3A_2430 = arith.constant 7 : i32
    %get3A_2431 = arith.index_cast %get3A_2430 : i32 to index
    %get3A_2432 = arith.constant 16 : index
    %get3A_2433 = tpu.vector_load %arg10[%get3A_2431, %get3A_2432] {strides = array<i32>} : memref<8x128xi32, #tpu.memory_space<vmem>>, vector<1x16xi32>,
    %get3A_2434 = vector.shape_cast %get3A_2433 : vector<1x16xi32> to vector<16xi32>
    %get3A_2435 = arith.constant 7 : i32
    %get3A_2436 = arith.index_cast %get3A_2435 : i32 to index
    %get3A_2437 = arith.constant 16 : index
    %get3A_2438 = tpu.vector_load %arg12[%get3A_2436, %get3A_2437] {strides = array<i32>} : memref<8x128xi32, #tpu.memory_space<vmem>>, vector<1x16xi32>,
    %get3A_2439 = vector.shape_cast %get3A_2438 : vector<1x16xi32> to vector<16xi32>
    %eq3A_2440 = arith.cmpi eq, %get3A_2434, %get3A_2439 : vector<16xi32>
    %jit3A_2441 = arith.constant 16384 : i32
    %broadcast_in_dim3A_2442 = vector.broadcast %jit3A_2441 : i32 to vector<16xi32>
    %select_n3A_2443 = arith.select %eq3A_2440, %get3A_2434, %broadcast_in_dim3A_2442 : vector<16xi1>, vector<16xi32>
    %swap3A_2444 = arith.constant 7 : i32
    %swap3A_2445 = arith.index_cast %swap3A_2444 : i32 to index
    %swap3A_2446 = arith.constant 16 : index
    %swap3A_2447 = tpu.vector_load %arg11[%swap3A_2445, %swap3A_2446] {strides = array<i32>} : memref<8x128xi32, #tpu.memory_space<vmem>>, vector<1x16xi32>,
    %swap3A_2448 = vector.shape_cast %swap3A_2447 : vector<1x16xi32> to vector<16xi32>
    %swap3A_2449 = vector.shape_cast %select_n3A_2443 : vector<16xi32> to vector<1x16xi32>
    tpu.vector_store %arg11[%swap3A_2445, %swap3A_2446], %swap3A_2449 {strides = array<i32>} : memref<8x128xi32, #tpu.memory_space<vmem>>, vector<1x16xi32>,
    %get3A_2450 = arith.constant 7 : i32
    %get3A_2451 = arith.index_cast %get3A_2450 : i32 to index
    %get3A_2452 = arith.constant 32 : index
    %get3A_2453 = tpu.vector_load %arg10[%get3A_2451, %get3A_2452] {strides = array<i32>} : memref<8x128xi32, #tpu.memory_space<vmem>>, vector<1x16xi32>,
    %get3A_2454 = vector.shape_cast %get3A_2453 : vector<1x16xi32> to vector<16xi32>
    %get3A_2455 = arith.constant 7 : i32
    %get3A_2456 = arith.index_cast %get3A_2455 : i32 to index
    %get3A_2457 = arith.constant 32 : index
    %get3A_2458 = tpu.vector_load %arg12[%get3A_2456, %get3A_2457] {strides = array<i32>} : memref<8x128xi32, #tpu.memory_space<vmem>>, vector<1x16xi32>,
    %get3A_2459 = vector.shape_cast %get3A_2458 : vector<1x16xi32> to vector<16xi32>
    %eq3A_2460 = arith.cmpi eq, %get3A_2454, %get3A_2459 : vector<16xi32>
    %jit3A_2461 = arith.constant 16384 : i32
    %broadcast_in_dim3A_2462 = vector.broadcast %jit3A_2461 : i32 to vector<16xi32>
    %select_n3A_2463 = arith.select %eq3A_2460, %get3A_2454, %broadcast_in_dim3A_2462 : vector<16xi1>, vector<16xi32>
    %swap3A_2464 = arith.constant 7 : i32
    %swap3A_2465 = arith.index_cast %swap3A_2464 : i32 to index
    %swap3A_2466 = arith.constant 32 : index
    %swap3A_2467 = tpu.vector_load %arg11[%swap3A_2465, %swap3A_2466] {strides = array<i32>} : memref<8x128xi32, #tpu.memory_space<vmem>>, vector<1x16xi32>,
    %swap3A_2468 = vector.shape_cast %swap3A_2467 : vector<1x16xi32> to vector<16xi32>
    %swap3A_2469 = vector.shape_cast %select_n3A_2463 : vector<16xi32> to vector<1x16xi32>
    tpu.vector_store %arg11[%swap3A_2465, %swap3A_2466], %swap3A_2469 {strides = array<i32>} : memref<8x128xi32, #tpu.memory_space<vmem>>, vector<1x16xi32>,
    %get3A_2470 = arith.constant 7 : i32
    %get3A_2471 = arith.index_cast %get3A_2470 : i32 to index
    %get3A_2472 = arith.constant 48 : index
    %get3A_2473 = tpu.vector_load %arg10[%get3A_2471, %get3A_2472] {strides = array<i32>} : memref<8x128xi32, #tpu.memory_space<vmem>>, vector<1x16xi32>,
    %get3A_2474 = vector.shape_cast %get3A_2473 : vector<1x16xi32> to vector<16xi32>
    %get3A_2475 = arith.constant 7 : i32
    %get3A_2476 = arith.index_cast %get3A_2475 : i32 to index
    %get3A_2477 = arith.constant 48 : index
    %get3A_2478 = tpu.vector_load %arg12[%get3A_2476, %get3A_2477] {strides = array<i32>} : memref<8x128xi32, #tpu.memory_space<vmem>>, vector<1x16xi32>,
    %get3A_2479 = vector.shape_cast %get3A_2478 : vector<1x16xi32> to vector<16xi32>
    %eq3A_2480 = arith.cmpi eq, %get3A_2474, %get3A_2479 : vector<16xi32>
    %jit3A_2481 = arith.constant 16384 : i32
    %broadcast_in_dim3A_2482 = vector.broadcast %jit3A_2481 : i32 to vector<16xi32>
    %select_n3A_2483 = arith.select %eq3A_2480, %get3A_2474, %broadcast_in_dim3A_2482 : vector<16xi1>, vector<16xi32>
    %swap3A_2484 = arith.constant 7 : i32
    %swap3A_2485 = arith.index_cast %swap3A_2484 : i32 to index
    %swap3A_2486 = arith.constant 48 : index
    %swap3A_2487 = tpu.vector_load %arg11[%swap3A_2485, %swap3A_2486] {strides = array<i32>} : memref<8x128xi32, #tpu.memory_space<vmem>>, vector<1x16xi32>,
    %swap3A_2488 = vector.shape_cast %swap3A_2487 : vector<1x16xi32> to vector<16xi32>
    %swap3A_2489 = vector.shape_cast %select_n3A_2483 : vector<16xi32> to vector<1x16xi32>
    tpu.vector_store %arg11[%swap3A_2485, %swap3A_2486], %swap3A_2489 {strides = array<i32>} : memref<8x128xi32, #tpu.memory_space<vmem>>, vector<1x16xi32>,
    %get3A_2490 = arith.constant 7 : i32
    %get3A_2491 = arith.index_cast %get3A_2490 : i32 to index
    %get3A_2492 = arith.constant 64 : index
    %get3A_2493 = tpu.vector_load %arg10[%get3A_2491, %get3A_2492] {strides = array<i32>} : memref<8x128xi32, #tpu.memory_space<vmem>>, vector<1x16xi32>,
    %get3A_2494 = vector.shape_cast %get3A_2493 : vector<1x16xi32> to vector<16xi32>
    %get3A_2495 = arith.constant 7 : i32
    %get3A_2496 = arith.index_cast %get3A_2495 : i32 to index
    %get3A_2497 = arith.constant 64 : index
    %get3A_2498 = tpu.vector_load %arg12[%get3A_2496, %get3A_2497] {strides = array<i32>} : memref<8x128xi32, #tpu.memory_space<vmem>>, vector<1x16xi32>,
    %get3A_2499 = vector.shape_cast %get3A_2498 : vector<1x16xi32> to vector<16xi32>
    %eq3A_2500 = arith.cmpi eq, %get3A_2494, %get3A_2499 : vector<16xi32>
    %jit3A_2501 = arith.constant 16384 : i32
    %broadcast_in_dim3A_2502 = vector.broadcast %jit3A_2501 : i32 to vector<16xi32>
    %select_n3A_2503 = arith.select %eq3A_2500, %get3A_2494, %broadcast_in_dim3A_2502 : vector<16xi1>, vector<16xi32>
    %swap3A_2504 = arith.constant 7 : i32
    %swap3A_2505 = arith.index_cast %swap3A_2504 : i32 to index
    %swap3A_2506 = arith.constant 64 : index
    %swap3A_2507 = tpu.vector_load %arg11[%swap3A_2505, %swap3A_2506] {strides = array<i32>} : memref<8x128xi32, #tpu.memory_space<vmem>>, vector<1x16xi32>,
    %swap3A_2508 = vector.shape_cast %swap3A_2507 : vector<1x16xi32> to vector<16xi32>
    %swap3A_2509 = vector.shape_cast %select_n3A_2503 : vector<16xi32> to vector<1x16xi32>
    tpu.vector_store %arg11[%swap3A_2505, %swap3A_2506], %swap3A_2509 {strides = array<i32>} : memref<8x128xi32, #tpu.memory_space<vmem>>, vector<1x16xi32>,
    %get3A_2510 = arith.constant 7 : i32
    %get3A_2511 = arith.index_cast %get3A_2510 : i32 to index
    %get3A_2512 = arith.constant 80 : index
    %get3A_2513 = tpu.vector_load %arg10[%get3A_2511, %get3A_2512] {strides = array<i32>} : memref<8x128xi32, #tpu.memory_space<vmem>>, vector<1x16xi32>,
    %get3A_2514 = vector.shape_cast %get3A_2513 : vector<1x16xi32> to vector<16xi32>
    %get3A_2515 = arith.constant 7 : i32
    %get3A_2516 = arith.index_cast %get3A_2515 : i32 to index
    %get3A_2517 = arith.constant 80 : index
    %get3A_2518 = tpu.vector_load %arg12[%get3A_2516, %get3A_2517] {strides = array<i32>} : memref<8x128xi32, #tpu.memory_space<vmem>>, vector<1x16xi32>,
    %get3A_2519 = vector.shape_cast %get3A_2518 : vector<1x16xi32> to vector<16xi32>
    %eq3A_2520 = arith.cmpi eq, %get3A_2514, %get3A_2519 : vector<16xi32>
    %jit3A_2521 = arith.constant 16384 : i32
    %broadcast_in_dim3A_2522 = vector.broadcast %jit3A_2521 : i32 to vector<16xi32>
    %select_n3A_2523 = arith.select %eq3A_2520, %get3A_2514, %broadcast_in_dim3A_2522 : vector<16xi1>, vector<16xi32>
    %swap3A_2524 = arith.constant 7 : i32
    %swap3A_2525 = arith.index_cast %swap3A_2524 : i32 to index
    %swap3A_2526 = arith.constant 80 : index
    %swap3A_2527 = tpu.vector_load %arg11[%swap3A_2525, %swap3A_2526] {strides = array<i32>} : memref<8x128xi32, #tpu.memory_space<vmem>>, vector<1x16xi32>,
    %swap3A_2528 = vector.shape_cast %swap3A_2527 : vector<1x16xi32> to vector<16xi32>
    %swap3A_2529 = vector.shape_cast %select_n3A_2523 : vector<16xi32> to vector<1x16xi32>
    tpu.vector_store %arg11[%swap3A_2525, %swap3A_2526], %swap3A_2529 {strides = array<i32>} : memref<8x128xi32, #tpu.memory_space<vmem>>, vector<1x16xi32>,
    %get3A_2530 = arith.constant 7 : i32
    %get3A_2531 = arith.index_cast %get3A_2530 : i32 to index
    %get3A_2532 = arith.constant 96 : index
    %get3A_2533 = tpu.vector_load %arg10[%get3A_2531, %get3A_2532] {strides = array<i32>} : memref<8x128xi32, #tpu.memory_space<vmem>>, vector<1x16xi32>,
    %get3A_2534 = vector.shape_cast %get3A_2533 : vector<1x16xi32> to vector<16xi32>
    %get3A_2535 = arith.constant 7 : i32
    %get3A_2536 = arith.index_cast %get3A_2535 : i32 to index
    %get3A_2537 = arith.constant 96 : index
    %get3A_2538 = tpu.vector_load %arg12[%get3A_2536, %get3A_2537] {strides = array<i32>} : memref<8x128xi32, #tpu.memory_space<vmem>>, vector<1x16xi32>,
    %get3A_2539 = vector.shape_cast %get3A_2538 : vector<1x16xi32> to vector<16xi32>
    %eq3A_2540 = arith.cmpi eq, %get3A_2534, %get3A_2539 : vector<16xi32>
    %jit3A_2541 = arith.constant 16384 : i32
    %broadcast_in_dim3A_2542 = vector.broadcast %jit3A_2541 : i32 to vector<16xi32>
    %select_n3A_2543 = arith.select %eq3A_2540, %get3A_2534, %broadcast_in_dim3A_2542 : vector<16xi1>, vector<16xi32>
    %swap3A_2544 = arith.constant 7 : i32
    %swap3A_2545 = arith.index_cast %swap3A_2544 : i32 to index
    %swap3A_2546 = arith.constant 96 : index
    %swap3A_2547 = tpu.vector_load %arg11[%swap3A_2545, %swap3A_2546] {strides = array<i32>} : memref<8x128xi32, #tpu.memory_space<vmem>>, vector<1x16xi32>,
    %swap3A_2548 = vector.shape_cast %swap3A_2547 : vector<1x16xi32> to vector<16xi32>
    %swap3A_2549 = vector.shape_cast %select_n3A_2543 : vector<16xi32> to vector<1x16xi32>
    tpu.vector_store %arg11[%swap3A_2545, %swap3A_2546], %swap3A_2549 {strides = array<i32>} : memref<8x128xi32, #tpu.memory_space<vmem>>, vector<1x16xi32>,
    %get3A_2550 = arith.constant 7 : i32
    %get3A_2551 = arith.index_cast %get3A_2550 : i32 to index
    %get3A_2552 = arith.constant 112 : index
    %get3A_2553 = tpu.vector_load %arg10[%get3A_2551, %get3A_2552] {strides = array<i32>} : memref<8x128xi32, #tpu.memory_space<vmem>>, vector<1x16xi32>,
    %get3A_2554 = vector.shape_cast %get3A_2553 : vector<1x16xi32> to vector<16xi32>
    %get3A_2555 = arith.constant 7 : i32
    %get3A_2556 = arith.index_cast %get3A_2555 : i32 to index
    %get3A_2557 = arith.constant 112 : index
    %get3A_2558 = tpu.vector_load %arg12[%get3A_2556, %get3A_2557] {strides = array<i32>} : memref<8x128xi32, #tpu.memory_space<vmem>>, vector<1x16xi32>,
    %get3A_2559 = vector.shape_cast %get3A_2558 : vector<1x16xi32> to vector<16xi32>
    %eq3A_2560 = arith.cmpi eq, %get3A_2554, %get3A_2559 : vector<16xi32>
    %jit3A_2561 = arith.constant 16384 : i32
    %broadcast_in_dim3A_2562 = vector.broadcast %jit3A_2561 : i32 to vector<16xi32>
    %select_n3A_2563 = arith.select %eq3A_2560, %get3A_2554, %broadcast_in_dim3A_2562 : vector<16xi1>, vector<16xi32>
    %swap3A_2564 = arith.constant 7 : i32
    %swap3A_2565 = arith.index_cast %swap3A_2564 : i32 to index
    %swap3A_2566 = arith.constant 112 : index
    %swap3A_2567 = tpu.vector_load %arg11[%swap3A_2565, %swap3A_2566] {strides = array<i32>} : memref<8x128xi32, #tpu.memory_space<vmem>>, vector<1x16xi32>,
    %swap3A_2568 = vector.shape_cast %swap3A_2567 : vector<1x16xi32> to vector<16xi32>
    %swap3A_2569 = vector.shape_cast %select_n3A_2563 : vector<16xi32> to vector<1x16xi32>
    tpu.vector_store %arg11[%swap3A_2565, %swap3A_2566], %swap3A_2569 {strides = array<i32>} : memref<8x128xi32, #tpu.memory_space<vmem>>, vector<1x16xi32>,
    %dma_start3A_2570 = arith.constant 0 : i32
    %dma_start3A_2571 = arith.constant 0 : i32
    %dma_start3A_2572 = arith.constant 0 : i32
    %dma_start3A_2573 = tpu.memref_slice %arg13[%dma_start3A_2571, %dma_start3A_2572] : memref<1024x16xf32, #tpu.memory_space<vmem>> -> memref<128x16xf32, #tpu.memory_space<vmem>>
    %dma_start3A_2574 = arith.constant 0 : i32
    %dma_start3A_2575 = tpu.memref_slice %arg10[%dma_start3A_2570, %dma_start3A_2574] : memref<8x128xi32, #tpu.memory_space<vmem>> -> memref<1x128xi32, #tpu.memory_space<vmem>>
    %dma_start3A_2576 = tpu.memref_squeeze %dma_start3A_2575 : memref<1x128xi32, #tpu.memory_space<vmem>> -> memref<128xi32, #tpu.memory_space<vmem>>
    %dma_start3A_2577 = arith.constant 0 : i32
    %dma_start3A_2578 = arith.constant 0 : i32
    %dma_start3A_2579 = tpu.memref_slice %arg8[%dma_start3A_2577, %dma_start3A_2578] : memref<16512x16xf32, #tpu.memory_space<vmem_shared>> -> memref<16512x16xf32, #tpu.memory_space<vmem_shared>>
    tpu.enqueue_indirect_dma source(%dma_start3A_2573 : memref<128x16xf32, #tpu.memory_space<vmem>>) target(%dma_start3A_2579 : memref<16512x16xf32, #tpu.memory_space<vmem_shared>>) offsets(%dma_start3A_2576 : memref<128xi32, #tpu.memory_space<vmem>>) semaphore(%arg16 : memref<!tpu.dma_semaphore, #tpu.memory_space<semaphore_mem>>) {add = true}
    %dma_start3A_2580 = arith.constant 1 : i32
    %dma_start3A_2581 = arith.constant 128 : i32
    %dma_start3A_2582 = arith.constant 0 : i32
    %dma_start3A_2583 = tpu.memref_slice %arg13[%dma_start3A_2581, %dma_start3A_2582] : memref<1024x16xf32, #tpu.memory_space<vmem>> -> memref<128x16xf32, #tpu.memory_space<vmem>>
    %dma_start3A_2584 = arith.constant 0 : i32
    %dma_start3A_2585 = tpu.memref_slice %arg10[%dma_start3A_2580, %dma_start3A_2584] : memref<8x128xi32, #tpu.memory_space<vmem>> -> memref<1x128xi32, #tpu.memory_space<vmem>>
    %dma_start3A_2586 = tpu.memref_squeeze %dma_start3A_2585 : memref<1x128xi32, #tpu.memory_space<vmem>> -> memref<128xi32, #tpu.memory_space<vmem>>
    %dma_start3A_2587 = arith.constant 0 : i32
    %dma_start3A_2588 = arith.constant 0 : i32
    %dma_start3A_2589 = tpu.memref_slice %arg8[%dma_start3A_2587, %dma_start3A_2588] : memref<16512x16xf32, #tpu.memory_space<vmem_shared>> -> memref<16512x16xf32, #tpu.memory_space<vmem_shared>>
    tpu.enqueue_indirect_dma source(%dma_start3A_2583 : memref<128x16xf32, #tpu.memory_space<vmem>>) target(%dma_start3A_2589 : memref<16512x16xf32, #tpu.memory_space<vmem_shared>>) offsets(%dma_start3A_2586 : memref<128xi32, #tpu.memory_space<vmem>>) semaphore(%arg16 : memref<!tpu.dma_semaphore, #tpu.memory_space<semaphore_mem>>) {add = true}
    %dma_start3A_2590 = arith.constant 2 : i32
    %dma_start3A_2591 = arith.constant 256 : i32
    %dma_start3A_2592 = arith.constant 0 : i32
    %dma_start3A_2593 = tpu.memref_slice %arg13[%dma_start3A_2591, %dma_start3A_2592] : memref<1024x16xf32, #tpu.memory_space<vmem>> -> memref<128x16xf32, #tpu.memory_space<vmem>>
    %dma_start3A_2594 = arith.constant 0 : i32
    %dma_start3A_2595 = tpu.memref_slice %arg10[%dma_start3A_2590, %dma_start3A_2594] : memref<8x128xi32, #tpu.memory_space<vmem>> -> memref<1x128xi32, #tpu.memory_space<vmem>>
    %dma_start3A_2596 = tpu.memref_squeeze %dma_start3A_2595 : memref<1x128xi32, #tpu.memory_space<vmem>> -> memref<128xi32, #tpu.memory_space<vmem>>
    %dma_start3A_2597 = arith.constant 0 : i32
    %dma_start3A_2598 = arith.constant 0 : i32
    %dma_start3A_2599 = tpu.memref_slice %arg8[%dma_start3A_2597, %dma_start3A_2598] : memref<16512x16xf32, #tpu.memory_space<vmem_shared>> -> memref<16512x16xf32, #tpu.memory_space<vmem_shared>>
    tpu.enqueue_indirect_dma source(%dma_start3A_2593 : memref<128x16xf32, #tpu.memory_space<vmem>>) target(%dma_start3A_2599 : memref<16512x16xf32, #tpu.memory_space<vmem_shared>>) offsets(%dma_start3A_2596 : memref<128xi32, #tpu.memory_space<vmem>>) semaphore(%arg16 : memref<!tpu.dma_semaphore, #tpu.memory_space<semaphore_mem>>) {add = true}
    %dma_start3A_2600 = arith.constant 3 : i32
    %dma_start3A_2601 = arith.constant 384 : i32
    %dma_start3A_2602 = arith.constant 0 : i32
    %dma_start3A_2603 = tpu.memref_slice %arg13[%dma_start3A_2601, %dma_start3A_2602] : memref<1024x16xf32, #tpu.memory_space<vmem>> -> memref<128x16xf32, #tpu.memory_space<vmem>>
    %dma_start3A_2604 = arith.constant 0 : i32
    %dma_start3A_2605 = tpu.memref_slice %arg10[%dma_start3A_2600, %dma_start3A_2604] : memref<8x128xi32, #tpu.memory_space<vmem>> -> memref<1x128xi32, #tpu.memory_space<vmem>>
    %dma_start3A_2606 = tpu.memref_squeeze %dma_start3A_2605 : memref<1x128xi32, #tpu.memory_space<vmem>> -> memref<128xi32, #tpu.memory_space<vmem>>
    %dma_start3A_2607 = arith.constant 0 : i32
    %dma_start3A_2608 = arith.constant 0 : i32
    %dma_start3A_2609 = tpu.memref_slice %arg8[%dma_start3A_2607, %dma_start3A_2608] : memref<16512x16xf32, #tpu.memory_space<vmem_shared>> -> memref<16512x16xf32, #tpu.memory_space<vmem_shared>>
    tpu.enqueue_indirect_dma source(%dma_start3A_2603 : memref<128x16xf32, #tpu.memory_space<vmem>>) target(%dma_start3A_2609 : memref<16512x16xf32, #tpu.memory_space<vmem_shared>>) offsets(%dma_start3A_2606 : memref<128xi32, #tpu.memory_space<vmem>>) semaphore(%arg16 : memref<!tpu.dma_semaphore, #tpu.memory_space<semaphore_mem>>) {add = true}
    %dma_start3A_2610 = arith.constant 4 : i32
    %dma_start3A_2611 = arith.constant 512 : i32
    %dma_start3A_2612 = arith.constant 0 : i32
    %dma_start3A_2613 = tpu.memref_slice %arg13[%dma_start3A_2611, %dma_start3A_2612] : memref<1024x16xf32, #tpu.memory_space<vmem>> -> memref<128x16xf32, #tpu.memory_space<vmem>>
    %dma_start3A_2614 = arith.constant 0 : i32
    %dma_start3A_2615 = tpu.memref_slice %arg10[%dma_start3A_2610, %dma_start3A_2614] : memref<8x128xi32, #tpu.memory_space<vmem>> -> memref<1x128xi32, #tpu.memory_space<vmem>>
    %dma_start3A_2616 = tpu.memref_squeeze %dma_start3A_2615 : memref<1x128xi32, #tpu.memory_space<vmem>> -> memref<128xi32, #tpu.memory_space<vmem>>
    %dma_start3A_2617 = arith.constant 0 : i32
    %dma_start3A_2618 = arith.constant 0 : i32
    %dma_start3A_2619 = tpu.memref_slice %arg8[%dma_start3A_2617, %dma_start3A_2618] : memref<16512x16xf32, #tpu.memory_space<vmem_shared>> -> memref<16512x16xf32, #tpu.memory_space<vmem_shared>>
    tpu.enqueue_indirect_dma source(%dma_start3A_2613 : memref<128x16xf32, #tpu.memory_space<vmem>>) target(%dma_start3A_2619 : memref<16512x16xf32, #tpu.memory_space<vmem_shared>>) offsets(%dma_start3A_2616 : memref<128xi32, #tpu.memory_space<vmem>>) semaphore(%arg16 : memref<!tpu.dma_semaphore, #tpu.memory_space<semaphore_mem>>) {add = true}
    %dma_start3A_2620 = arith.constant 5 : i32
    %dma_start3A_2621 = arith.constant 640 : i32
    %dma_start3A_2622 = arith.constant 0 : i32
    %dma_start3A_2623 = tpu.memref_slice %arg13[%dma_start3A_2621, %dma_start3A_2622] : memref<1024x16xf32, #tpu.memory_space<vmem>> -> memref<128x16xf32, #tpu.memory_space<vmem>>
    %dma_start3A_2624 = arith.constant 0 : i32
    %dma_start3A_2625 = tpu.memref_slice %arg10[%dma_start3A_2620, %dma_start3A_2624] : memref<8x128xi32, #tpu.memory_space<vmem>> -> memref<1x128xi32, #tpu.memory_space<vmem>>
    %dma_start3A_2626 = tpu.memref_squeeze %dma_start3A_2625 : memref<1x128xi32, #tpu.memory_space<vmem>> -> memref<128xi32, #tpu.memory_space<vmem>>
    %dma_start3A_2627 = arith.constant 0 : i32
    %dma_start3A_2628 = arith.constant 0 : i32
    %dma_start3A_2629 = tpu.memref_slice %arg8[%dma_start3A_2627, %dma_start3A_2628] : memref<16512x16xf32, #tpu.memory_space<vmem_shared>> -> memref<16512x16xf32, #tpu.memory_space<vmem_shared>>
    tpu.enqueue_indirect_dma source(%dma_start3A_2623 : memref<128x16xf32, #tpu.memory_space<vmem>>) target(%dma_start3A_2629 : memref<16512x16xf32, #tpu.memory_space<vmem_shared>>) offsets(%dma_start3A_2626 : memref<128xi32, #tpu.memory_space<vmem>>) semaphore(%arg16 : memref<!tpu.dma_semaphore, #tpu.memory_space<semaphore_mem>>) {add = true}
    %dma_start3A_2630 = arith.constant 6 : i32
    %dma_start3A_2631 = arith.constant 768 : i32
    %dma_start3A_2632 = arith.constant 0 : i32
    %dma_start3A_2633 = tpu.memref_slice %arg13[%dma_start3A_2631, %dma_start3A_2632] : memref<1024x16xf32, #tpu.memory_space<vmem>> -> memref<128x16xf32, #tpu.memory_space<vmem>>
    %dma_start3A_2634 = arith.constant 0 : i32
    %dma_start3A_2635 = tpu.memref_slice %arg10[%dma_start3A_2630, %dma_start3A_2634] : memref<8x128xi32, #tpu.memory_space<vmem>> -> memref<1x128xi32, #tpu.memory_space<vmem>>
    %dma_start3A_2636 = tpu.memref_squeeze %dma_start3A_2635 : memref<1x128xi32, #tpu.memory_space<vmem>> -> memref<128xi32, #tpu.memory_space<vmem>>
    %dma_start3A_2637 = arith.constant 0 : i32
    %dma_start3A_2638 = arith.constant 0 : i32
    %dma_start3A_2639 = tpu.memref_slice %arg8[%dma_start3A_2637, %dma_start3A_2638] : memref<16512x16xf32, #tpu.memory_space<vmem_shared>> -> memref<16512x16xf32, #tpu.memory_space<vmem_shared>>
    tpu.enqueue_indirect_dma source(%dma_start3A_2633 : memref<128x16xf32, #tpu.memory_space<vmem>>) target(%dma_start3A_2639 : memref<16512x16xf32, #tpu.memory_space<vmem_shared>>) offsets(%dma_start3A_2636 : memref<128xi32, #tpu.memory_space<vmem>>) semaphore(%arg16 : memref<!tpu.dma_semaphore, #tpu.memory_space<semaphore_mem>>) {add = true}
    %dma_start3A_2640 = arith.constant 7 : i32
    %dma_start3A_2641 = arith.constant 896 : i32
    %dma_start3A_2642 = arith.constant 0 : i32
    %dma_start3A_2643 = tpu.memref_slice %arg13[%dma_start3A_2641, %dma_start3A_2642] : memref<1024x16xf32, #tpu.memory_space<vmem>> -> memref<128x16xf32, #tpu.memory_space<vmem>>
    %dma_start3A_2644 = arith.constant 0 : i32
    %dma_start3A_2645 = tpu.memref_slice %arg10[%dma_start3A_2640, %dma_start3A_2644] : memref<8x128xi32, #tpu.memory_space<vmem>> -> memref<1x128xi32, #tpu.memory_space<vmem>>
    %dma_start3A_2646 = tpu.memref_squeeze %dma_start3A_2645 : memref<1x128xi32, #tpu.memory_space<vmem>> -> memref<128xi32, #tpu.memory_space<vmem>>
    %dma_start3A_2647 = arith.constant 0 : i32
    %dma_start3A_2648 = arith.constant 0 : i32
    %dma_start3A_2649 = tpu.memref_slice %arg8[%dma_start3A_2647, %dma_start3A_2648] : memref<16512x16xf32, #tpu.memory_space<vmem_shared>> -> memref<16512x16xf32, #tpu.memory_space<vmem_shared>>
    tpu.enqueue_indirect_dma source(%dma_start3A_2643 : memref<128x16xf32, #tpu.memory_space<vmem>>) target(%dma_start3A_2649 : memref<16512x16xf32, #tpu.memory_space<vmem_shared>>) offsets(%dma_start3A_2646 : memref<128xi32, #tpu.memory_space<vmem>>) semaphore(%arg16 : memref<!tpu.dma_semaphore, #tpu.memory_space<semaphore_mem>>) {add = true}
    %dma_start3A_2650 = arith.constant 0 : i32
    %dma_start3A_2651 = arith.constant 0 : i32
    %dma_start3A_2652 = arith.constant 0 : i32
    %dma_start3A_2653 = tpu.memref_slice %arg14[%dma_start3A_2651, %dma_start3A_2652] : memref<1024x16xf32, #tpu.memory_space<vmem>> -> memref<128x16xf32, #tpu.memory_space<vmem>>
    %dma_start3A_2654 = arith.constant 0 : i32
    %dma_start3A_2655 = tpu.memref_slice %arg11[%dma_start3A_2650, %dma_start3A_2654] : memref<8x128xi32, #tpu.memory_space<vmem>> -> memref<1x128xi32, #tpu.memory_space<vmem>>
    %dma_start3A_2656 = tpu.memref_squeeze %dma_start3A_2655 : memref<1x128xi32, #tpu.memory_space<vmem>> -> memref<128xi32, #tpu.memory_space<vmem>>
    %dma_start3A_2657 = arith.constant 0 : i32
    %dma_start3A_2658 = arith.constant 0 : i32
    %dma_start3A_2659 = tpu.memref_slice %arg8[%dma_start3A_2657, %dma_start3A_2658] : memref<16512x16xf32, #tpu.memory_space<vmem_shared>> -> memref<16512x16xf32, #tpu.memory_space<vmem_shared>>
    tpu.enqueue_indirect_dma source(%dma_start3A_2653 : memref<128x16xf32, #tpu.memory_space<vmem>>) target(%dma_start3A_2659 : memref<16512x16xf32, #tpu.memory_space<vmem_shared>>) offsets(%dma_start3A_2656 : memref<128xi32, #tpu.memory_space<vmem>>) semaphore(%arg16 : memref<!tpu.dma_semaphore, #tpu.memory_space<semaphore_mem>>) {add = true}
    %dma_start3A_2660 = arith.constant 1 : i32
    %dma_start3A_2661 = arith.constant 128 : i32
    %dma_start3A_2662 = arith.constant 0 : i32
    %dma_start3A_2663 = tpu.memref_slice %arg14[%dma_start3A_2661, %dma_start3A_2662] : memref<1024x16xf32, #tpu.memory_space<vmem>> -> memref<128x16xf32, #tpu.memory_space<vmem>>
    %dma_start3A_2664 = arith.constant 0 : i32
    %dma_start3A_2665 = tpu.memref_slice %arg11[%dma_start3A_2660, %dma_start3A_2664] : memref<8x128xi32, #tpu.memory_space<vmem>> -> memref<1x128xi32, #tpu.memory_space<vmem>>
    %dma_start3A_2666 = tpu.memref_squeeze %dma_start3A_2665 : memref<1x128xi32, #tpu.memory_space<vmem>> -> memref<128xi32, #tpu.memory_space<vmem>>
    %dma_start3A_2667 = arith.constant 0 : i32
    %dma_start3A_2668 = arith.constant 0 : i32
    %dma_start3A_2669 = tpu.memref_slice %arg8[%dma_start3A_2667, %dma_start3A_2668] : memref<16512x16xf32, #tpu.memory_space<vmem_shared>> -> memref<16512x16xf32, #tpu.memory_space<vmem_shared>>
    tpu.enqueue_indirect_dma source(%dma_start3A_2663 : memref<128x16xf32, #tpu.memory_space<vmem>>) target(%dma_start3A_2669 : memref<16512x16xf32, #tpu.memory_space<vmem_shared>>) offsets(%dma_start3A_2666 : memref<128xi32, #tpu.memory_space<vmem>>) semaphore(%arg16 : memref<!tpu.dma_semaphore, #tpu.memory_space<semaphore_mem>>) {add = true}
    %dma_start3A_2670 = arith.constant 2 : i32
    %dma_start3A_2671 = arith.constant 256 : i32
    %dma_start3A_2672 = arith.constant 0 : i32
    %dma_start3A_2673 = tpu.memref_slice %arg14[%dma_start3A_2671, %dma_start3A_2672] : memref<1024x16xf32, #tpu.memory_space<vmem>> -> memref<128x16xf32, #tpu.memory_space<vmem>>
    %dma_start3A_2674 = arith.constant 0 : i32
    %dma_start3A_2675 = tpu.memref_slice %arg11[%dma_start3A_2670, %dma_start3A_2674] : memref<8x128xi32, #tpu.memory_space<vmem>> -> memref<1x128xi32, #tpu.memory_space<vmem>>
    %dma_start3A_2676 = tpu.memref_squeeze %dma_start3A_2675 : memref<1x128xi32, #tpu.memory_space<vmem>> -> memref<128xi32, #tpu.memory_space<vmem>>
    %dma_start3A_2677 = arith.constant 0 : i32
    %dma_start3A_2678 = arith.constant 0 : i32
    %dma_start3A_2679 = tpu.memref_slice %arg8[%dma_start3A_2677, %dma_start3A_2678] : memref<16512x16xf32, #tpu.memory_space<vmem_shared>> -> memref<16512x16xf32, #tpu.memory_space<vmem_shared>>
    tpu.enqueue_indirect_dma source(%dma_start3A_2673 : memref<128x16xf32, #tpu.memory_space<vmem>>) target(%dma_start3A_2679 : memref<16512x16xf32, #tpu.memory_space<vmem_shared>>) offsets(%dma_start3A_2676 : memref<128xi32, #tpu.memory_space<vmem>>) semaphore(%arg16 : memref<!tpu.dma_semaphore, #tpu.memory_space<semaphore_mem>>) {add = true}
    %dma_start3A_2680 = arith.constant 3 : i32
    %dma_start3A_2681 = arith.constant 384 : i32
    %dma_start3A_2682 = arith.constant 0 : i32
    %dma_start3A_2683 = tpu.memref_slice %arg14[%dma_start3A_2681, %dma_start3A_2682] : memref<1024x16xf32, #tpu.memory_space<vmem>> -> memref<128x16xf32, #tpu.memory_space<vmem>>
    %dma_start3A_2684 = arith.constant 0 : i32
    %dma_start3A_2685 = tpu.memref_slice %arg11[%dma_start3A_2680, %dma_start3A_2684] : memref<8x128xi32, #tpu.memory_space<vmem>> -> memref<1x128xi32, #tpu.memory_space<vmem>>
    %dma_start3A_2686 = tpu.memref_squeeze %dma_start3A_2685 : memref<1x128xi32, #tpu.memory_space<vmem>> -> memref<128xi32, #tpu.memory_space<vmem>>
    %dma_start3A_2687 = arith.constant 0 : i32
    %dma_start3A_2688 = arith.constant 0 : i32
    %dma_start3A_2689 = tpu.memref_slice %arg8[%dma_start3A_2687, %dma_start3A_2688] : memref<16512x16xf32, #tpu.memory_space<vmem_shared>> -> memref<16512x16xf32, #tpu.memory_space<vmem_shared>>
    tpu.enqueue_indirect_dma source(%dma_start3A_2683 : memref<128x16xf32, #tpu.memory_space<vmem>>) target(%dma_start3A_2689 : memref<16512x16xf32, #tpu.memory_space<vmem_shared>>) offsets(%dma_start3A_2686 : memref<128xi32, #tpu.memory_space<vmem>>) semaphore(%arg16 : memref<!tpu.dma_semaphore, #tpu.memory_space<semaphore_mem>>) {add = true}
    %dma_start3A_2690 = arith.constant 4 : i32
    %dma_start3A_2691 = arith.constant 512 : i32
    %dma_start3A_2692 = arith.constant 0 : i32
    %dma_start3A_2693 = tpu.memref_slice %arg14[%dma_start3A_2691, %dma_start3A_2692] : memref<1024x16xf32, #tpu.memory_space<vmem>> -> memref<128x16xf32, #tpu.memory_space<vmem>>
    %dma_start3A_2694 = arith.constant 0 : i32
    %dma_start3A_2695 = tpu.memref_slice %arg11[%dma_start3A_2690, %dma_start3A_2694] : memref<8x128xi32, #tpu.memory_space<vmem>> -> memref<1x128xi32, #tpu.memory_space<vmem>>
    %dma_start3A_2696 = tpu.memref_squeeze %dma_start3A_2695 : memref<1x128xi32, #tpu.memory_space<vmem>> -> memref<128xi32, #tpu.memory_space<vmem>>
    %dma_start3A_2697 = arith.constant 0 : i32
    %dma_start3A_2698 = arith.constant 0 : i32
    %dma_start3A_2699 = tpu.memref_slice %arg8[%dma_start3A_2697, %dma_start3A_2698] : memref<16512x16xf32, #tpu.memory_space<vmem_shared>> -> memref<16512x16xf32, #tpu.memory_space<vmem_shared>>
    tpu.enqueue_indirect_dma source(%dma_start3A_2693 : memref<128x16xf32, #tpu.memory_space<vmem>>) target(%dma_start3A_2699 : memref<16512x16xf32, #tpu.memory_space<vmem_shared>>) offsets(%dma_start3A_2696 : memref<128xi32, #tpu.memory_space<vmem>>) semaphore(%arg16 : memref<!tpu.dma_semaphore, #tpu.memory_space<semaphore_mem>>) {add = true}
    %dma_start3A_2700 = arith.constant 5 : i32
    %dma_start3A_2701 = arith.constant 640 : i32
    %dma_start3A_2702 = arith.constant 0 : i32
    %dma_start3A_2703 = tpu.memref_slice %arg14[%dma_start3A_2701, %dma_start3A_2702] : memref<1024x16xf32, #tpu.memory_space<vmem>> -> memref<128x16xf32, #tpu.memory_space<vmem>>
    %dma_start3A_2704 = arith.constant 0 : i32
    %dma_start3A_2705 = tpu.memref_slice %arg11[%dma_start3A_2700, %dma_start3A_2704] : memref<8x128xi32, #tpu.memory_space<vmem>> -> memref<1x128xi32, #tpu.memory_space<vmem>>
    %dma_start3A_2706 = tpu.memref_squeeze %dma_start3A_2705 : memref<1x128xi32, #tpu.memory_space<vmem>> -> memref<128xi32, #tpu.memory_space<vmem>>
    %dma_start3A_2707 = arith.constant 0 : i32
    %dma_start3A_2708 = arith.constant 0 : i32
    %dma_start3A_2709 = tpu.memref_slice %arg8[%dma_start3A_2707, %dma_start3A_2708] : memref<16512x16xf32, #tpu.memory_space<vmem_shared>> -> memref<16512x16xf32, #tpu.memory_space<vmem_shared>>
    tpu.enqueue_indirect_dma source(%dma_start3A_2703 : memref<128x16xf32, #tpu.memory_space<vmem>>) target(%dma_start3A_2709 : memref<16512x16xf32, #tpu.memory_space<vmem_shared>>) offsets(%dma_start3A_2706 : memref<128xi32, #tpu.memory_space<vmem>>) semaphore(%arg16 : memref<!tpu.dma_semaphore, #tpu.memory_space<semaphore_mem>>) {add = true}
    %dma_start3A_2710 = arith.constant 6 : i32
    %dma_start3A_2711 = arith.constant 768 : i32
    %dma_start3A_2712 = arith.constant 0 : i32
    %dma_start3A_2713 = tpu.memref_slice %arg14[%dma_start3A_2711, %dma_start3A_2712] : memref<1024x16xf32, #tpu.memory_space<vmem>> -> memref<128x16xf32, #tpu.memory_space<vmem>>
    %dma_start3A_2714 = arith.constant 0 : i32
    %dma_start3A_2715 = tpu.memref_slice %arg11[%dma_start3A_2710, %dma_start3A_2714] : memref<8x128xi32, #tpu.memory_space<vmem>> -> memref<1x128xi32, #tpu.memory_space<vmem>>
    %dma_start3A_2716 = tpu.memref_squeeze %dma_start3A_2715 : memref<1x128xi32, #tpu.memory_space<vmem>> -> memref<128xi32, #tpu.memory_space<vmem>>
    %dma_start3A_2717 = arith.constant 0 : i32
    %dma_start3A_2718 = arith.constant 0 : i32
    %dma_start3A_2719 = tpu.memref_slice %arg8[%dma_start3A_2717, %dma_start3A_2718] : memref<16512x16xf32, #tpu.memory_space<vmem_shared>> -> memref<16512x16xf32, #tpu.memory_space<vmem_shared>>
    tpu.enqueue_indirect_dma source(%dma_start3A_2713 : memref<128x16xf32, #tpu.memory_space<vmem>>) target(%dma_start3A_2719 : memref<16512x16xf32, #tpu.memory_space<vmem_shared>>) offsets(%dma_start3A_2716 : memref<128xi32, #tpu.memory_space<vmem>>) semaphore(%arg16 : memref<!tpu.dma_semaphore, #tpu.memory_space<semaphore_mem>>) {add = true}
    %dma_start3A_2720 = arith.constant 7 : i32
    %dma_start3A_2721 = arith.constant 896 : i32
    %dma_start3A_2722 = arith.constant 0 : i32
    %dma_start3A_2723 = tpu.memref_slice %arg14[%dma_start3A_2721, %dma_start3A_2722] : memref<1024x16xf32, #tpu.memory_space<vmem>> -> memref<128x16xf32, #tpu.memory_space<vmem>>
    %dma_start3A_2724 = arith.constant 0 : i32
    %dma_start3A_2725 = tpu.memref_slice %arg11[%dma_start3A_2720, %dma_start3A_2724] : memref<8x128xi32, #tpu.memory_space<vmem>> -> memref<1x128xi32, #tpu.memory_space<vmem>>
    %dma_start3A_2726 = tpu.memref_squeeze %dma_start3A_2725 : memref<1x128xi32, #tpu.memory_space<vmem>> -> memref<128xi32, #tpu.memory_space<vmem>>
    %dma_start3A_2727 = arith.constant 0 : i32
    %dma_start3A_2728 = arith.constant 0 : i32
    %dma_start3A_2729 = tpu.memref_slice %arg8[%dma_start3A_2727, %dma_start3A_2728] : memref<16512x16xf32, #tpu.memory_space<vmem_shared>> -> memref<16512x16xf32, #tpu.memory_space<vmem_shared>>
    tpu.enqueue_indirect_dma source(%dma_start3A_2723 : memref<128x16xf32, #tpu.memory_space<vmem>>) target(%dma_start3A_2729 : memref<16512x16xf32, #tpu.memory_space<vmem_shared>>) offsets(%dma_start3A_2726 : memref<128xi32, #tpu.memory_space<vmem>>) semaphore(%arg16 : memref<!tpu.dma_semaphore, #tpu.memory_space<semaphore_mem>>) {add = true}
    %dma_wait3A_2730 = arith.constant 0 : i32
    %dma_wait3A_2731 = arith.constant 0 : i32
    %dma_wait3A_2732 = arith.constant 0 : i32
    %dma_wait3A_2733 = tpu.memref_slice %arg13[%dma_wait3A_2731, %dma_wait3A_2732] : memref<1024x16xf32, #tpu.memory_space<vmem>> -> memref<128x16xf32, #tpu.memory_space<vmem>>
    %dma_wait3A_2734 = arith.constant 0 : i32
    %dma_wait3A_2735 = tpu.memref_slice %arg10[%dma_wait3A_2730, %dma_wait3A_2734] : memref<8x128xi32, #tpu.memory_space<vmem>> -> memref<1x128xi32, #tpu.memory_space<vmem>>
    %dma_wait3A_2736 = tpu.memref_squeeze %dma_wait3A_2735 : memref<1x128xi32, #tpu.memory_space<vmem>> -> memref<128xi32, #tpu.memory_space<vmem>>
    %dma_wait3A_2737 = arith.constant 0 : i32
    %dma_wait3A_2738 = arith.constant 0 : i32
    %dma_wait3A_2739 = tpu.memref_slice %arg8[%dma_wait3A_2737, %dma_wait3A_2738] : memref<16512x16xf32, #tpu.memory_space<vmem_shared>> -> memref<16512x16xf32, #tpu.memory_space<vmem_shared>>
    tpu.wait_indirect_dma semaphore(%arg16 : memref<!tpu.dma_semaphore, #tpu.memory_space<semaphore_mem>>) src(%dma_wait3A_2733 : memref<128x16xf32, #tpu.memory_space<vmem>>) dst(%dma_wait3A_2739 : memref<16512x16xf32, #tpu.memory_space<vmem_shared>>)
    %dma_wait3A_2740 = arith.constant 1 : i32
    %dma_wait3A_2741 = arith.constant 128 : i32
    %dma_wait3A_2742 = arith.constant 0 : i32
    %dma_wait3A_2743 = tpu.memref_slice %arg13[%dma_wait3A_2741, %dma_wait3A_2742] : memref<1024x16xf32, #tpu.memory_space<vmem>> -> memref<128x16xf32, #tpu.memory_space<vmem>>
    %dma_wait3A_2744 = arith.constant 0 : i32
    %dma_wait3A_2745 = tpu.memref_slice %arg10[%dma_wait3A_2740, %dma_wait3A_2744] : memref<8x128xi32, #tpu.memory_space<vmem>> -> memref<1x128xi32, #tpu.memory_space<vmem>>
    %dma_wait3A_2746 = tpu.memref_squeeze %dma_wait3A_2745 : memref<1x128xi32, #tpu.memory_space<vmem>> -> memref<128xi32, #tpu.memory_space<vmem>>
    %dma_wait3A_2747 = arith.constant 0 : i32
    %dma_wait3A_2748 = arith.constant 0 : i32
    %dma_wait3A_2749 = tpu.memref_slice %arg8[%dma_wait3A_2747, %dma_wait3A_2748] : memref<16512x16xf32, #tpu.memory_space<vmem_shared>> -> memref<16512x16xf32, #tpu.memory_space<vmem_shared>>
    tpu.wait_indirect_dma semaphore(%arg16 : memref<!tpu.dma_semaphore, #tpu.memory_space<semaphore_mem>>) src(%dma_wait3A_2743 : memref<128x16xf32, #tpu.memory_space<vmem>>) dst(%dma_wait3A_2749 : memref<16512x16xf32, #tpu.memory_space<vmem_shared>>)
    %dma_wait3A_2750 = arith.constant 2 : i32
    %dma_wait3A_2751 = arith.constant 256 : i32
    %dma_wait3A_2752 = arith.constant 0 : i32
    %dma_wait3A_2753 = tpu.memref_slice %arg13[%dma_wait3A_2751, %dma_wait3A_2752] : memref<1024x16xf32, #tpu.memory_space<vmem>> -> memref<128x16xf32, #tpu.memory_space<vmem>>
    %dma_wait3A_2754 = arith.constant 0 : i32
    %dma_wait3A_2755 = tpu.memref_slice %arg10[%dma_wait3A_2750, %dma_wait3A_2754] : memref<8x128xi32, #tpu.memory_space<vmem>> -> memref<1x128xi32, #tpu.memory_space<vmem>>
    %dma_wait3A_2756 = tpu.memref_squeeze %dma_wait3A_2755 : memref<1x128xi32, #tpu.memory_space<vmem>> -> memref<128xi32, #tpu.memory_space<vmem>>
    %dma_wait3A_2757 = arith.constant 0 : i32
    %dma_wait3A_2758 = arith.constant 0 : i32
    %dma_wait3A_2759 = tpu.memref_slice %arg8[%dma_wait3A_2757, %dma_wait3A_2758] : memref<16512x16xf32, #tpu.memory_space<vmem_shared>> -> memref<16512x16xf32, #tpu.memory_space<vmem_shared>>
    tpu.wait_indirect_dma semaphore(%arg16 : memref<!tpu.dma_semaphore, #tpu.memory_space<semaphore_mem>>) src(%dma_wait3A_2753 : memref<128x16xf32, #tpu.memory_space<vmem>>) dst(%dma_wait3A_2759 : memref<16512x16xf32, #tpu.memory_space<vmem_shared>>)
    %dma_wait3A_2760 = arith.constant 3 : i32
    %dma_wait3A_2761 = arith.constant 384 : i32
    %dma_wait3A_2762 = arith.constant 0 : i32
    %dma_wait3A_2763 = tpu.memref_slice %arg13[%dma_wait3A_2761, %dma_wait3A_2762] : memref<1024x16xf32, #tpu.memory_space<vmem>> -> memref<128x16xf32, #tpu.memory_space<vmem>>
    %dma_wait3A_2764 = arith.constant 0 : i32
    %dma_wait3A_2765 = tpu.memref_slice %arg10[%dma_wait3A_2760, %dma_wait3A_2764] : memref<8x128xi32, #tpu.memory_space<vmem>> -> memref<1x128xi32, #tpu.memory_space<vmem>>
    %dma_wait3A_2766 = tpu.memref_squeeze %dma_wait3A_2765 : memref<1x128xi32, #tpu.memory_space<vmem>> -> memref<128xi32, #tpu.memory_space<vmem>>
    %dma_wait3A_2767 = arith.constant 0 : i32
    %dma_wait3A_2768 = arith.constant 0 : i32
    %dma_wait3A_2769 = tpu.memref_slice %arg8[%dma_wait3A_2767, %dma_wait3A_2768] : memref<16512x16xf32, #tpu.memory_space<vmem_shared>> -> memref<16512x16xf32, #tpu.memory_space<vmem_shared>>
    tpu.wait_indirect_dma semaphore(%arg16 : memref<!tpu.dma_semaphore, #tpu.memory_space<semaphore_mem>>) src(%dma_wait3A_2763 : memref<128x16xf32, #tpu.memory_space<vmem>>) dst(%dma_wait3A_2769 : memref<16512x16xf32, #tpu.memory_space<vmem_shared>>)
    %dma_wait3A_2770 = arith.constant 4 : i32
    %dma_wait3A_2771 = arith.constant 512 : i32
    %dma_wait3A_2772 = arith.constant 0 : i32
    %dma_wait3A_2773 = tpu.memref_slice %arg13[%dma_wait3A_2771, %dma_wait3A_2772] : memref<1024x16xf32, #tpu.memory_space<vmem>> -> memref<128x16xf32, #tpu.memory_space<vmem>>
    %dma_wait3A_2774 = arith.constant 0 : i32
    %dma_wait3A_2775 = tpu.memref_slice %arg10[%dma_wait3A_2770, %dma_wait3A_2774] : memref<8x128xi32, #tpu.memory_space<vmem>> -> memref<1x128xi32, #tpu.memory_space<vmem>>
    %dma_wait3A_2776 = tpu.memref_squeeze %dma_wait3A_2775 : memref<1x128xi32, #tpu.memory_space<vmem>> -> memref<128xi32, #tpu.memory_space<vmem>>
    %dma_wait3A_2777 = arith.constant 0 : i32
    %dma_wait3A_2778 = arith.constant 0 : i32
    %dma_wait3A_2779 = tpu.memref_slice %arg8[%dma_wait3A_2777, %dma_wait3A_2778] : memref<16512x16xf32, #tpu.memory_space<vmem_shared>> -> memref<16512x16xf32, #tpu.memory_space<vmem_shared>>
    tpu.wait_indirect_dma semaphore(%arg16 : memref<!tpu.dma_semaphore, #tpu.memory_space<semaphore_mem>>) src(%dma_wait3A_2773 : memref<128x16xf32, #tpu.memory_space<vmem>>) dst(%dma_wait3A_2779 : memref<16512x16xf32, #tpu.memory_space<vmem_shared>>)
    %dma_wait3A_2780 = arith.constant 5 : i32
    %dma_wait3A_2781 = arith.constant 640 : i32
    %dma_wait3A_2782 = arith.constant 0 : i32
    %dma_wait3A_2783 = tpu.memref_slice %arg13[%dma_wait3A_2781, %dma_wait3A_2782] : memref<1024x16xf32, #tpu.memory_space<vmem>> -> memref<128x16xf32, #tpu.memory_space<vmem>>
    %dma_wait3A_2784 = arith.constant 0 : i32
    %dma_wait3A_2785 = tpu.memref_slice %arg10[%dma_wait3A_2780, %dma_wait3A_2784] : memref<8x128xi32, #tpu.memory_space<vmem>> -> memref<1x128xi32, #tpu.memory_space<vmem>>
    %dma_wait3A_2786 = tpu.memref_squeeze %dma_wait3A_2785 : memref<1x128xi32, #tpu.memory_space<vmem>> -> memref<128xi32, #tpu.memory_space<vmem>>
    %dma_wait3A_2787 = arith.constant 0 : i32
    %dma_wait3A_2788 = arith.constant 0 : i32
    %dma_wait3A_2789 = tpu.memref_slice %arg8[%dma_wait3A_2787, %dma_wait3A_2788] : memref<16512x16xf32, #tpu.memory_space<vmem_shared>> -> memref<16512x16xf32, #tpu.memory_space<vmem_shared>>
    tpu.wait_indirect_dma semaphore(%arg16 : memref<!tpu.dma_semaphore, #tpu.memory_space<semaphore_mem>>) src(%dma_wait3A_2783 : memref<128x16xf32, #tpu.memory_space<vmem>>) dst(%dma_wait3A_2789 : memref<16512x16xf32, #tpu.memory_space<vmem_shared>>)
    %dma_wait3A_2790 = arith.constant 6 : i32
    %dma_wait3A_2791 = arith.constant 768 : i32
    %dma_wait3A_2792 = arith.constant 0 : i32
    %dma_wait3A_2793 = tpu.memref_slice %arg13[%dma_wait3A_2791, %dma_wait3A_2792] : memref<1024x16xf32, #tpu.memory_space<vmem>> -> memref<128x16xf32, #tpu.memory_space<vmem>>
    %dma_wait3A_2794 = arith.constant 0 : i32
    %dma_wait3A_2795 = tpu.memref_slice %arg10[%dma_wait3A_2790, %dma_wait3A_2794] : memref<8x128xi32, #tpu.memory_space<vmem>> -> memref<1x128xi32, #tpu.memory_space<vmem>>
    %dma_wait3A_2796 = tpu.memref_squeeze %dma_wait3A_2795 : memref<1x128xi32, #tpu.memory_space<vmem>> -> memref<128xi32, #tpu.memory_space<vmem>>
    %dma_wait3A_2797 = arith.constant 0 : i32
    %dma_wait3A_2798 = arith.constant 0 : i32
    %dma_wait3A_2799 = tpu.memref_slice %arg8[%dma_wait3A_2797, %dma_wait3A_2798] : memref<16512x16xf32, #tpu.memory_space<vmem_shared>> -> memref<16512x16xf32, #tpu.memory_space<vmem_shared>>
    tpu.wait_indirect_dma semaphore(%arg16 : memref<!tpu.dma_semaphore, #tpu.memory_space<semaphore_mem>>) src(%dma_wait3A_2793 : memref<128x16xf32, #tpu.memory_space<vmem>>) dst(%dma_wait3A_2799 : memref<16512x16xf32, #tpu.memory_space<vmem_shared>>)
    %dma_wait3A_2800 = arith.constant 7 : i32
    %dma_wait3A_2801 = arith.constant 896 : i32
    %dma_wait3A_2802 = arith.constant 0 : i32
    %dma_wait3A_2803 = tpu.memref_slice %arg13[%dma_wait3A_2801, %dma_wait3A_2802] : memref<1024x16xf32, #tpu.memory_space<vmem>> -> memref<128x16xf32, #tpu.memory_space<vmem>>
    %dma_wait3A_2804 = arith.constant 0 : i32
    %dma_wait3A_2805 = tpu.memref_slice %arg10[%dma_wait3A_2800, %dma_wait3A_2804] : memref<8x128xi32, #tpu.memory_space<vmem>> -> memref<1x128xi32, #tpu.memory_space<vmem>>
    %dma_wait3A_2806 = tpu.memref_squeeze %dma_wait3A_2805 : memref<1x128xi32, #tpu.memory_space<vmem>> -> memref<128xi32, #tpu.memory_space<vmem>>
    %dma_wait3A_2807 = arith.constant 0 : i32
    %dma_wait3A_2808 = arith.constant 0 : i32
    %dma_wait3A_2809 = tpu.memref_slice %arg8[%dma_wait3A_2807, %dma_wait3A_2808] : memref<16512x16xf32, #tpu.memory_space<vmem_shared>> -> memref<16512x16xf32, #tpu.memory_space<vmem_shared>>
    tpu.wait_indirect_dma semaphore(%arg16 : memref<!tpu.dma_semaphore, #tpu.memory_space<semaphore_mem>>) src(%dma_wait3A_2803 : memref<128x16xf32, #tpu.memory_space<vmem>>) dst(%dma_wait3A_2809 : memref<16512x16xf32, #tpu.memory_space<vmem_shared>>)
    %dma_wait3A_2810 = arith.constant 0 : i32
    %dma_wait3A_2811 = arith.constant 0 : i32
    %dma_wait3A_2812 = arith.constant 0 : i32
    %dma_wait3A_2813 = tpu.memref_slice %arg14[%dma_wait3A_2811, %dma_wait3A_2812] : memref<1024x16xf32, #tpu.memory_space<vmem>> -> memref<128x16xf32, #tpu.memory_space<vmem>>
    %dma_wait3A_2814 = arith.constant 0 : i32
    %dma_wait3A_2815 = tpu.memref_slice %arg11[%dma_wait3A_2810, %dma_wait3A_2814] : memref<8x128xi32, #tpu.memory_space<vmem>> -> memref<1x128xi32, #tpu.memory_space<vmem>>
    %dma_wait3A_2816 = tpu.memref_squeeze %dma_wait3A_2815 : memref<1x128xi32, #tpu.memory_space<vmem>> -> memref<128xi32, #tpu.memory_space<vmem>>
    %dma_wait3A_2817 = arith.constant 0 : i32
    %dma_wait3A_2818 = arith.constant 0 : i32
    %dma_wait3A_2819 = tpu.memref_slice %arg8[%dma_wait3A_2817, %dma_wait3A_2818] : memref<16512x16xf32, #tpu.memory_space<vmem_shared>> -> memref<16512x16xf32, #tpu.memory_space<vmem_shared>>
    tpu.wait_indirect_dma semaphore(%arg16 : memref<!tpu.dma_semaphore, #tpu.memory_space<semaphore_mem>>) src(%dma_wait3A_2813 : memref<128x16xf32, #tpu.memory_space<vmem>>) dst(%dma_wait3A_2819 : memref<16512x16xf32, #tpu.memory_space<vmem_shared>>)
    %dma_wait3A_2820 = arith.constant 1 : i32
    %dma_wait3A_2821 = arith.constant 128 : i32
    %dma_wait3A_2822 = arith.constant 0 : i32
    %dma_wait3A_2823 = tpu.memref_slice %arg14[%dma_wait3A_2821, %dma_wait3A_2822] : memref<1024x16xf32, #tpu.memory_space<vmem>> -> memref<128x16xf32, #tpu.memory_space<vmem>>
    %dma_wait3A_2824 = arith.constant 0 : i32
    %dma_wait3A_2825 = tpu.memref_slice %arg11[%dma_wait3A_2820, %dma_wait3A_2824] : memref<8x128xi32, #tpu.memory_space<vmem>> -> memref<1x128xi32, #tpu.memory_space<vmem>>
    %dma_wait3A_2826 = tpu.memref_squeeze %dma_wait3A_2825 : memref<1x128xi32, #tpu.memory_space<vmem>> -> memref<128xi32, #tpu.memory_space<vmem>>
    %dma_wait3A_2827 = arith.constant 0 : i32
    %dma_wait3A_2828 = arith.constant 0 : i32
    %dma_wait3A_2829 = tpu.memref_slice %arg8[%dma_wait3A_2827, %dma_wait3A_2828] : memref<16512x16xf32, #tpu.memory_space<vmem_shared>> -> memref<16512x16xf32, #tpu.memory_space<vmem_shared>>
    tpu.wait_indirect_dma semaphore(%arg16 : memref<!tpu.dma_semaphore, #tpu.memory_space<semaphore_mem>>) src(%dma_wait3A_2823 : memref<128x16xf32, #tpu.memory_space<vmem>>) dst(%dma_wait3A_2829 : memref<16512x16xf32, #tpu.memory_space<vmem_shared>>)
    %dma_wait3A_2830 = arith.constant 2 : i32
    %dma_wait3A_2831 = arith.constant 256 : i32
    %dma_wait3A_2832 = arith.constant 0 : i32
    %dma_wait3A_2833 = tpu.memref_slice %arg14[%dma_wait3A_2831, %dma_wait3A_2832] : memref<1024x16xf32, #tpu.memory_space<vmem>> -> memref<128x16xf32, #tpu.memory_space<vmem>>
    %dma_wait3A_2834 = arith.constant 0 : i32
    %dma_wait3A_2835 = tpu.memref_slice %arg11[%dma_wait3A_2830, %dma_wait3A_2834] : memref<8x128xi32, #tpu.memory_space<vmem>> -> memref<1x128xi32, #tpu.memory_space<vmem>>
    %dma_wait3A_2836 = tpu.memref_squeeze %dma_wait3A_2835 : memref<1x128xi32, #tpu.memory_space<vmem>> -> memref<128xi32, #tpu.memory_space<vmem>>
    %dma_wait3A_2837 = arith.constant 0 : i32
    %dma_wait3A_2838 = arith.constant 0 : i32
    %dma_wait3A_2839 = tpu.memref_slice %arg8[%dma_wait3A_2837, %dma_wait3A_2838] : memref<16512x16xf32, #tpu.memory_space<vmem_shared>> -> memref<16512x16xf32, #tpu.memory_space<vmem_shared>>
    tpu.wait_indirect_dma semaphore(%arg16 : memref<!tpu.dma_semaphore, #tpu.memory_space<semaphore_mem>>) src(%dma_wait3A_2833 : memref<128x16xf32, #tpu.memory_space<vmem>>) dst(%dma_wait3A_2839 : memref<16512x16xf32, #tpu.memory_space<vmem_shared>>)
    %dma_wait3A_2840 = arith.constant 3 : i32
    %dma_wait3A_2841 = arith.constant 384 : i32
    %dma_wait3A_2842 = arith.constant 0 : i32
    %dma_wait3A_2843 = tpu.memref_slice %arg14[%dma_wait3A_2841, %dma_wait3A_2842] : memref<1024x16xf32, #tpu.memory_space<vmem>> -> memref<128x16xf32, #tpu.memory_space<vmem>>
    %dma_wait3A_2844 = arith.constant 0 : i32
    %dma_wait3A_2845 = tpu.memref_slice %arg11[%dma_wait3A_2840, %dma_wait3A_2844] : memref<8x128xi32, #tpu.memory_space<vmem>> -> memref<1x128xi32, #tpu.memory_space<vmem>>
    %dma_wait3A_2846 = tpu.memref_squeeze %dma_wait3A_2845 : memref<1x128xi32, #tpu.memory_space<vmem>> -> memref<128xi32, #tpu.memory_space<vmem>>
    %dma_wait3A_2847 = arith.constant 0 : i32
    %dma_wait3A_2848 = arith.constant 0 : i32
    %dma_wait3A_2849 = tpu.memref_slice %arg8[%dma_wait3A_2847, %dma_wait3A_2848] : memref<16512x16xf32, #tpu.memory_space<vmem_shared>> -> memref<16512x16xf32, #tpu.memory_space<vmem_shared>>
    tpu.wait_indirect_dma semaphore(%arg16 : memref<!tpu.dma_semaphore, #tpu.memory_space<semaphore_mem>>) src(%dma_wait3A_2843 : memref<128x16xf32, #tpu.memory_space<vmem>>) dst(%dma_wait3A_2849 : memref<16512x16xf32, #tpu.memory_space<vmem_shared>>)
    %dma_wait3A_2850 = arith.constant 4 : i32
    %dma_wait3A_2851 = arith.constant 512 : i32
    %dma_wait3A_2852 = arith.constant 0 : i32
    %dma_wait3A_2853 = tpu.memref_slice %arg14[%dma_wait3A_2851, %dma_wait3A_2852] : memref<1024x16xf32, #tpu.memory_space<vmem>> -> memref<128x16xf32, #tpu.memory_space<vmem>>
    %dma_wait3A_2854 = arith.constant 0 : i32
    %dma_wait3A_2855 = tpu.memref_slice %arg11[%dma_wait3A_2850, %dma_wait3A_2854] : memref<8x128xi32, #tpu.memory_space<vmem>> -> memref<1x128xi32, #tpu.memory_space<vmem>>
    %dma_wait3A_2856 = tpu.memref_squeeze %dma_wait3A_2855 : memref<1x128xi32, #tpu.memory_space<vmem>> -> memref<128xi32, #tpu.memory_space<vmem>>
    %dma_wait3A_2857 = arith.constant 0 : i32
    %dma_wait3A_2858 = arith.constant 0 : i32
    %dma_wait3A_2859 = tpu.memref_slice %arg8[%dma_wait3A_2857, %dma_wait3A_2858] : memref<16512x16xf32, #tpu.memory_space<vmem_shared>> -> memref<16512x16xf32, #tpu.memory_space<vmem_shared>>
    tpu.wait_indirect_dma semaphore(%arg16 : memref<!tpu.dma_semaphore, #tpu.memory_space<semaphore_mem>>) src(%dma_wait3A_2853 : memref<128x16xf32, #tpu.memory_space<vmem>>) dst(%dma_wait3A_2859 : memref<16512x16xf32, #tpu.memory_space<vmem_shared>>)
    %dma_wait3A_2860 = arith.constant 5 : i32
    %dma_wait3A_2861 = arith.constant 640 : i32
    %dma_wait3A_2862 = arith.constant 0 : i32
    %dma_wait3A_2863 = tpu.memref_slice %arg14[%dma_wait3A_2861, %dma_wait3A_2862] : memref<1024x16xf32, #tpu.memory_space<vmem>> -> memref<128x16xf32, #tpu.memory_space<vmem>>
    %dma_wait3A_2864 = arith.constant 0 : i32
    %dma_wait3A_2865 = tpu.memref_slice %arg11[%dma_wait3A_2860, %dma_wait3A_2864] : memref<8x128xi32, #tpu.memory_space<vmem>> -> memref<1x128xi32, #tpu.memory_space<vmem>>
    %dma_wait3A_2866 = tpu.memref_squeeze %dma_wait3A_2865 : memref<1x128xi32, #tpu.memory_space<vmem>> -> memref<128xi32, #tpu.memory_space<vmem>>
    %dma_wait3A_2867 = arith.constant 0 : i32
    %dma_wait3A_2868 = arith.constant 0 : i32
    %dma_wait3A_2869 = tpu.memref_slice %arg8[%dma_wait3A_2867, %dma_wait3A_2868] : memref<16512x16xf32, #tpu.memory_space<vmem_shared>> -> memref<16512x16xf32, #tpu.memory_space<vmem_shared>>
    tpu.wait_indirect_dma semaphore(%arg16 : memref<!tpu.dma_semaphore, #tpu.memory_space<semaphore_mem>>) src(%dma_wait3A_2863 : memref<128x16xf32, #tpu.memory_space<vmem>>) dst(%dma_wait3A_2869 : memref<16512x16xf32, #tpu.memory_space<vmem_shared>>)
    %dma_wait3A_2870 = arith.constant 6 : i32
    %dma_wait3A_2871 = arith.constant 768 : i32
    %dma_wait3A_2872 = arith.constant 0 : i32
    %dma_wait3A_2873 = tpu.memref_slice %arg14[%dma_wait3A_2871, %dma_wait3A_2872] : memref<1024x16xf32, #tpu.memory_space<vmem>> -> memref<128x16xf32, #tpu.memory_space<vmem>>
    %dma_wait3A_2874 = arith.constant 0 : i32
    %dma_wait3A_2875 = tpu.memref_slice %arg11[%dma_wait3A_2870, %dma_wait3A_2874] : memref<8x128xi32, #tpu.memory_space<vmem>> -> memref<1x128xi32, #tpu.memory_space<vmem>>
    %dma_wait3A_2876 = tpu.memref_squeeze %dma_wait3A_2875 : memref<1x128xi32, #tpu.memory_space<vmem>> -> memref<128xi32, #tpu.memory_space<vmem>>
    %dma_wait3A_2877 = arith.constant 0 : i32
    %dma_wait3A_2878 = arith.constant 0 : i32
    %dma_wait3A_2879 = tpu.memref_slice %arg8[%dma_wait3A_2877, %dma_wait3A_2878] : memref<16512x16xf32, #tpu.memory_space<vmem_shared>> -> memref<16512x16xf32, #tpu.memory_space<vmem_shared>>
    tpu.wait_indirect_dma semaphore(%arg16 : memref<!tpu.dma_semaphore, #tpu.memory_space<semaphore_mem>>) src(%dma_wait3A_2873 : memref<128x16xf32, #tpu.memory_space<vmem>>) dst(%dma_wait3A_2879 : memref<16512x16xf32, #tpu.memory_space<vmem_shared>>)
    %dma_wait3A_2880 = arith.constant 7 : i32
    %dma_wait3A_2881 = arith.constant 896 : i32
    %dma_wait3A_2882 = arith.constant 0 : i32
    %dma_wait3A_2883 = tpu.memref_slice %arg14[%dma_wait3A_2881, %dma_wait3A_2882] : memref<1024x16xf32, #tpu.memory_space<vmem>> -> memref<128x16xf32, #tpu.memory_space<vmem>>
    %dma_wait3A_2884 = arith.constant 0 : i32
    %dma_wait3A_2885 = tpu.memref_slice %arg11[%dma_wait3A_2880, %dma_wait3A_2884] : memref<8x128xi32, #tpu.memory_space<vmem>> -> memref<1x128xi32, #tpu.memory_space<vmem>>
    %dma_wait3A_2886 = tpu.memref_squeeze %dma_wait3A_2885 : memref<1x128xi32, #tpu.memory_space<vmem>> -> memref<128xi32, #tpu.memory_space<vmem>>
    %dma_wait3A_2887 = arith.constant 0 : i32
    %dma_wait3A_2888 = arith.constant 0 : i32
    %dma_wait3A_2889 = tpu.memref_slice %arg8[%dma_wait3A_2887, %dma_wait3A_2888] : memref<16512x16xf32, #tpu.memory_space<vmem_shared>> -> memref<16512x16xf32, #tpu.memory_space<vmem_shared>>
    tpu.wait_indirect_dma semaphore(%arg16 : memref<!tpu.dma_semaphore, #tpu.memory_space<semaphore_mem>>) src(%dma_wait3A_2883 : memref<128x16xf32, #tpu.memory_space<vmem>>) dst(%dma_wait3A_2889 : memref<16512x16xf32, #tpu.memory_space<vmem_shared>>)
    %barrier3A_2890 = arith.constant 0 : index
    tpu.barrier barrier_id(%barrier3A_2890)
    %dma_start3A_2891 = arith.constant 0 : i32
    %dma_start3A_2892 = arith.constant 0 : i32
    %dma_start3A_2893 = arith.constant 0 : i32
    %dma_start3A_2894 = tpu.memref_slice %arg15[%dma_start3A_2892, %dma_start3A_2893] : memref<1024x16xf32, #tpu.memory_space<vmem>> -> memref<128x16xf32, #tpu.memory_space<vmem>>
    %dma_start3A_2895 = arith.constant 0 : i32
    %dma_start3A_2896 = tpu.memref_slice %arg10[%dma_start3A_2891, %dma_start3A_2895] : memref<8x128xi32, #tpu.memory_space<vmem>> -> memref<1x128xi32, #tpu.memory_space<vmem>>
    %dma_start3A_2897 = tpu.memref_squeeze %dma_start3A_2896 : memref<1x128xi32, #tpu.memory_space<vmem>> -> memref<128xi32, #tpu.memory_space<vmem>>
    %dma_start3A_2898 = arith.constant 0 : i32
    %dma_start3A_2899 = arith.constant 0 : i32
    %dma_start3A_2900 = tpu.memref_slice %arg8[%dma_start3A_2898, %dma_start3A_2899] : memref<16512x16xf32, #tpu.memory_space<vmem_shared>> -> memref<16512x16xf32, #tpu.memory_space<vmem_shared>>
    tpu.enqueue_indirect_dma source(%dma_start3A_2900 : memref<16512x16xf32, #tpu.memory_space<vmem_shared>>) target(%dma_start3A_2894 : memref<128x16xf32, #tpu.memory_space<vmem>>) offsets(%dma_start3A_2897 : memref<128xi32, #tpu.memory_space<vmem>>) semaphore(%arg16 : memref<!tpu.dma_semaphore, #tpu.memory_space<semaphore_mem>>)
    %dma_start3A_2901 = arith.constant 1 : i32
    %dma_start3A_2902 = arith.constant 128 : i32
    %dma_start3A_2903 = arith.constant 0 : i32
    %dma_start3A_2904 = tpu.memref_slice %arg15[%dma_start3A_2902, %dma_start3A_2903] : memref<1024x16xf32, #tpu.memory_space<vmem>> -> memref<128x16xf32, #tpu.memory_space<vmem>>
    %dma_start3A_2905 = arith.constant 0 : i32
    %dma_start3A_2906 = tpu.memref_slice %arg10[%dma_start3A_2901, %dma_start3A_2905] : memref<8x128xi32, #tpu.memory_space<vmem>> -> memref<1x128xi32, #tpu.memory_space<vmem>>
    %dma_start3A_2907 = tpu.memref_squeeze %dma_start3A_2906 : memref<1x128xi32, #tpu.memory_space<vmem>> -> memref<128xi32, #tpu.memory_space<vmem>>
    %dma_start3A_2908 = arith.constant 0 : i32
    %dma_start3A_2909 = arith.constant 0 : i32
    %dma_start3A_2910 = tpu.memref_slice %arg8[%dma_start3A_2908, %dma_start3A_2909] : memref<16512x16xf32, #tpu.memory_space<vmem_shared>> -> memref<16512x16xf32, #tpu.memory_space<vmem_shared>>
    tpu.enqueue_indirect_dma source(%dma_start3A_2910 : memref<16512x16xf32, #tpu.memory_space<vmem_shared>>) target(%dma_start3A_2904 : memref<128x16xf32, #tpu.memory_space<vmem>>) offsets(%dma_start3A_2907 : memref<128xi32, #tpu.memory_space<vmem>>) semaphore(%arg16 : memref<!tpu.dma_semaphore, #tpu.memory_space<semaphore_mem>>)
    %dma_start3A_2911 = arith.constant 2 : i32
    %dma_start3A_2912 = arith.constant 256 : i32
    %dma_start3A_2913 = arith.constant 0 : i32
    %dma_start3A_2914 = tpu.memref_slice %arg15[%dma_start3A_2912, %dma_start3A_2913] : memref<1024x16xf32, #tpu.memory_space<vmem>> -> memref<128x16xf32, #tpu.memory_space<vmem>>
    %dma_start3A_2915 = arith.constant 0 : i32
    %dma_start3A_2916 = tpu.memref_slice %arg10[%dma_start3A_2911, %dma_start3A_2915] : memref<8x128xi32, #tpu.memory_space<vmem>> -> memref<1x128xi32, #tpu.memory_space<vmem>>
    %dma_start3A_2917 = tpu.memref_squeeze %dma_start3A_2916 : memref<1x128xi32, #tpu.memory_space<vmem>> -> memref<128xi32, #tpu.memory_space<vmem>>
    %dma_start3A_2918 = arith.constant 0 : i32
    %dma_start3A_2919 = arith.constant 0 : i32
    %dma_start3A_2920 = tpu.memref_slice %arg8[%dma_start3A_2918, %dma_start3A_2919] : memref<16512x16xf32, #tpu.memory_space<vmem_shared>> -> memref<16512x16xf32, #tpu.memory_space<vmem_shared>>
    tpu.enqueue_indirect_dma source(%dma_start3A_2920 : memref<16512x16xf32, #tpu.memory_space<vmem_shared>>) target(%dma_start3A_2914 : memref<128x16xf32, #tpu.memory_space<vmem>>) offsets(%dma_start3A_2917 : memref<128xi32, #tpu.memory_space<vmem>>) semaphore(%arg16 : memref<!tpu.dma_semaphore, #tpu.memory_space<semaphore_mem>>)
    %dma_start3A_2921 = arith.constant 3 : i32
    %dma_start3A_2922 = arith.constant 384 : i32
    %dma_start3A_2923 = arith.constant 0 : i32
    %dma_start3A_2924 = tpu.memref_slice %arg15[%dma_start3A_2922, %dma_start3A_2923] : memref<1024x16xf32, #tpu.memory_space<vmem>> -> memref<128x16xf32, #tpu.memory_space<vmem>>
    %dma_start3A_2925 = arith.constant 0 : i32
    %dma_start3A_2926 = tpu.memref_slice %arg10[%dma_start3A_2921, %dma_start3A_2925] : memref<8x128xi32, #tpu.memory_space<vmem>> -> memref<1x128xi32, #tpu.memory_space<vmem>>
    %dma_start3A_2927 = tpu.memref_squeeze %dma_start3A_2926 : memref<1x128xi32, #tpu.memory_space<vmem>> -> memref<128xi32, #tpu.memory_space<vmem>>
    %dma_start3A_2928 = arith.constant 0 : i32
    %dma_start3A_2929 = arith.constant 0 : i32
    %dma_start3A_2930 = tpu.memref_slice %arg8[%dma_start3A_2928, %dma_start3A_2929] : memref<16512x16xf32, #tpu.memory_space<vmem_shared>> -> memref<16512x16xf32, #tpu.memory_space<vmem_shared>>
    tpu.enqueue_indirect_dma source(%dma_start3A_2930 : memref<16512x16xf32, #tpu.memory_space<vmem_shared>>) target(%dma_start3A_2924 : memref<128x16xf32, #tpu.memory_space<vmem>>) offsets(%dma_start3A_2927 : memref<128xi32, #tpu.memory_space<vmem>>) semaphore(%arg16 : memref<!tpu.dma_semaphore, #tpu.memory_space<semaphore_mem>>)
    %dma_start3A_2931 = arith.constant 4 : i32
    %dma_start3A_2932 = arith.constant 512 : i32
    %dma_start3A_2933 = arith.constant 0 : i32
    %dma_start3A_2934 = tpu.memref_slice %arg15[%dma_start3A_2932, %dma_start3A_2933] : memref<1024x16xf32, #tpu.memory_space<vmem>> -> memref<128x16xf32, #tpu.memory_space<vmem>>
    %dma_start3A_2935 = arith.constant 0 : i32
    %dma_start3A_2936 = tpu.memref_slice %arg10[%dma_start3A_2931, %dma_start3A_2935] : memref<8x128xi32, #tpu.memory_space<vmem>> -> memref<1x128xi32, #tpu.memory_space<vmem>>
    %dma_start3A_2937 = tpu.memref_squeeze %dma_start3A_2936 : memref<1x128xi32, #tpu.memory_space<vmem>> -> memref<128xi32, #tpu.memory_space<vmem>>
    %dma_start3A_2938 = arith.constant 0 : i32
    %dma_start3A_2939 = arith.constant 0 : i32
    %dma_start3A_2940 = tpu.memref_slice %arg8[%dma_start3A_2938, %dma_start3A_2939] : memref<16512x16xf32, #tpu.memory_space<vmem_shared>> -> memref<16512x16xf32, #tpu.memory_space<vmem_shared>>
    tpu.enqueue_indirect_dma source(%dma_start3A_2940 : memref<16512x16xf32, #tpu.memory_space<vmem_shared>>) target(%dma_start3A_2934 : memref<128x16xf32, #tpu.memory_space<vmem>>) offsets(%dma_start3A_2937 : memref<128xi32, #tpu.memory_space<vmem>>) semaphore(%arg16 : memref<!tpu.dma_semaphore, #tpu.memory_space<semaphore_mem>>)
    %dma_start3A_2941 = arith.constant 5 : i32
    %dma_start3A_2942 = arith.constant 640 : i32
    %dma_start3A_2943 = arith.constant 0 : i32
    %dma_start3A_2944 = tpu.memref_slice %arg15[%dma_start3A_2942, %dma_start3A_2943] : memref<1024x16xf32, #tpu.memory_space<vmem>> -> memref<128x16xf32, #tpu.memory_space<vmem>>
    %dma_start3A_2945 = arith.constant 0 : i32
    %dma_start3A_2946 = tpu.memref_slice %arg10[%dma_start3A_2941, %dma_start3A_2945] : memref<8x128xi32, #tpu.memory_space<vmem>> -> memref<1x128xi32, #tpu.memory_space<vmem>>
    %dma_start3A_2947 = tpu.memref_squeeze %dma_start3A_2946 : memref<1x128xi32, #tpu.memory_space<vmem>> -> memref<128xi32, #tpu.memory_space<vmem>>
    %dma_start3A_2948 = arith.constant 0 : i32
    %dma_start3A_2949 = arith.constant 0 : i32
    %dma_start3A_2950 = tpu.memref_slice %arg8[%dma_start3A_2948, %dma_start3A_2949] : memref<16512x16xf32, #tpu.memory_space<vmem_shared>> -> memref<16512x16xf32, #tpu.memory_space<vmem_shared>>
    tpu.enqueue_indirect_dma source(%dma_start3A_2950 : memref<16512x16xf32, #tpu.memory_space<vmem_shared>>) target(%dma_start3A_2944 : memref<128x16xf32, #tpu.memory_space<vmem>>) offsets(%dma_start3A_2947 : memref<128xi32, #tpu.memory_space<vmem>>) semaphore(%arg16 : memref<!tpu.dma_semaphore, #tpu.memory_space<semaphore_mem>>)
    %dma_start3A_2951 = arith.constant 6 : i32
    %dma_start3A_2952 = arith.constant 768 : i32
    %dma_start3A_2953 = arith.constant 0 : i32
    %dma_start3A_2954 = tpu.memref_slice %arg15[%dma_start3A_2952, %dma_start3A_2953] : memref<1024x16xf32, #tpu.memory_space<vmem>> -> memref<128x16xf32, #tpu.memory_space<vmem>>
    %dma_start3A_2955 = arith.constant 0 : i32
    %dma_start3A_2956 = tpu.memref_slice %arg10[%dma_start3A_2951, %dma_start3A_2955] : memref<8x128xi32, #tpu.memory_space<vmem>> -> memref<1x128xi32, #tpu.memory_space<vmem>>
    %dma_start3A_2957 = tpu.memref_squeeze %dma_start3A_2956 : memref<1x128xi32, #tpu.memory_space<vmem>> -> memref<128xi32, #tpu.memory_space<vmem>>
    %dma_start3A_2958 = arith.constant 0 : i32
    %dma_start3A_2959 = arith.constant 0 : i32
    %dma_start3A_2960 = tpu.memref_slice %arg8[%dma_start3A_2958, %dma_start3A_2959] : memref<16512x16xf32, #tpu.memory_space<vmem_shared>> -> memref<16512x16xf32, #tpu.memory_space<vmem_shared>>
    tpu.enqueue_indirect_dma source(%dma_start3A_2960 : memref<16512x16xf32, #tpu.memory_space<vmem_shared>>) target(%dma_start3A_2954 : memref<128x16xf32, #tpu.memory_space<vmem>>) offsets(%dma_start3A_2957 : memref<128xi32, #tpu.memory_space<vmem>>) semaphore(%arg16 : memref<!tpu.dma_semaphore, #tpu.memory_space<semaphore_mem>>)
    %dma_start3A_2961 = arith.constant 7 : i32
    %dma_start3A_2962 = arith.constant 896 : i32
    %dma_start3A_2963 = arith.constant 0 : i32
    %dma_start3A_2964 = tpu.memref_slice %arg15[%dma_start3A_2962, %dma_start3A_2963] : memref<1024x16xf32, #tpu.memory_space<vmem>> -> memref<128x16xf32, #tpu.memory_space<vmem>>
    %dma_start3A_2965 = arith.constant 0 : i32
    %dma_start3A_2966 = tpu.memref_slice %arg10[%dma_start3A_2961, %dma_start3A_2965] : memref<8x128xi32, #tpu.memory_space<vmem>> -> memref<1x128xi32, #tpu.memory_space<vmem>>
    %dma_start3A_2967 = tpu.memref_squeeze %dma_start3A_2966 : memref<1x128xi32, #tpu.memory_space<vmem>> -> memref<128xi32, #tpu.memory_space<vmem>>
    %dma_start3A_2968 = arith.constant 0 : i32
    %dma_start3A_2969 = arith.constant 0 : i32
    %dma_start3A_2970 = tpu.memref_slice %arg8[%dma_start3A_2968, %dma_start3A_2969] : memref<16512x16xf32, #tpu.memory_space<vmem_shared>> -> memref<16512x16xf32, #tpu.memory_space<vmem_shared>>
    tpu.enqueue_indirect_dma source(%dma_start3A_2970 : memref<16512x16xf32, #tpu.memory_space<vmem_shared>>) target(%dma_start3A_2964 : memref<128x16xf32, #tpu.memory_space<vmem>>) offsets(%dma_start3A_2967 : memref<128xi32, #tpu.memory_space<vmem>>) semaphore(%arg16 : memref<!tpu.dma_semaphore, #tpu.memory_space<semaphore_mem>>)
    %dma_wait3A_2971 = arith.constant 0 : i32
    %dma_wait3A_2972 = arith.constant 0 : i32
    %dma_wait3A_2973 = arith.constant 0 : i32
    %dma_wait3A_2974 = tpu.memref_slice %arg15[%dma_wait3A_2972, %dma_wait3A_2973] : memref<1024x16xf32, #tpu.memory_space<vmem>> -> memref<128x16xf32, #tpu.memory_space<vmem>>
    %dma_wait3A_2975 = arith.constant 0 : i32
    %dma_wait3A_2976 = tpu.memref_slice %arg10[%dma_wait3A_2971, %dma_wait3A_2975] : memref<8x128xi32, #tpu.memory_space<vmem>> -> memref<1x128xi32, #tpu.memory_space<vmem>>
    %dma_wait3A_2977 = tpu.memref_squeeze %dma_wait3A_2976 : memref<1x128xi32, #tpu.memory_space<vmem>> -> memref<128xi32, #tpu.memory_space<vmem>>
    %dma_wait3A_2978 = arith.constant 0 : i32
    %dma_wait3A_2979 = arith.constant 0 : i32
    %dma_wait3A_2980 = tpu.memref_slice %arg8[%dma_wait3A_2978, %dma_wait3A_2979] : memref<16512x16xf32, #tpu.memory_space<vmem_shared>> -> memref<16512x16xf32, #tpu.memory_space<vmem_shared>>
    tpu.wait_indirect_dma semaphore(%arg16 : memref<!tpu.dma_semaphore, #tpu.memory_space<semaphore_mem>>) src(%dma_wait3A_2980 : memref<16512x16xf32, #tpu.memory_space<vmem_shared>>) dst(%dma_wait3A_2974 : memref<128x16xf32, #tpu.memory_space<vmem>>)
    %dma_wait3A_2981 = arith.constant 1 : i32
    %dma_wait3A_2982 = arith.constant 128 : i32
    %dma_wait3A_2983 = arith.constant 0 : i32
    %dma_wait3A_2984 = tpu.memref_slice %arg15[%dma_wait3A_2982, %dma_wait3A_2983] : memref<1024x16xf32, #tpu.memory_space<vmem>> -> memref<128x16xf32, #tpu.memory_space<vmem>>
    %dma_wait3A_2985 = arith.constant 0 : i32
    %dma_wait3A_2986 = tpu.memref_slice %arg10[%dma_wait3A_2981, %dma_wait3A_2985] : memref<8x128xi32, #tpu.memory_space<vmem>> -> memref<1x128xi32, #tpu.memory_space<vmem>>
    %dma_wait3A_2987 = tpu.memref_squeeze %dma_wait3A_2986 : memref<1x128xi32, #tpu.memory_space<vmem>> -> memref<128xi32, #tpu.memory_space<vmem>>
    %dma_wait3A_2988 = arith.constant 0 : i32
    %dma_wait3A_2989 = arith.constant 0 : i32
    %dma_wait3A_2990 = tpu.memref_slice %arg8[%dma_wait3A_2988, %dma_wait3A_2989] : memref<16512x16xf32, #tpu.memory_space<vmem_shared>> -> memref<16512x16xf32, #tpu.memory_space<vmem_shared>>
    tpu.wait_indirect_dma semaphore(%arg16 : memref<!tpu.dma_semaphore, #tpu.memory_space<semaphore_mem>>) src(%dma_wait3A_2990 : memref<16512x16xf32, #tpu.memory_space<vmem_shared>>) dst(%dma_wait3A_2984 : memref<128x16xf32, #tpu.memory_space<vmem>>)
    %dma_wait3A_2991 = arith.constant 2 : i32
    %dma_wait3A_2992 = arith.constant 256 : i32
    %dma_wait3A_2993 = arith.constant 0 : i32
    %dma_wait3A_2994 = tpu.memref_slice %arg15[%dma_wait3A_2992, %dma_wait3A_2993] : memref<1024x16xf32, #tpu.memory_space<vmem>> -> memref<128x16xf32, #tpu.memory_space<vmem>>
    %dma_wait3A_2995 = arith.constant 0 : i32
    %dma_wait3A_2996 = tpu.memref_slice %arg10[%dma_wait3A_2991, %dma_wait3A_2995] : memref<8x128xi32, #tpu.memory_space<vmem>> -> memref<1x128xi32, #tpu.memory_space<vmem>>
    %dma_wait3A_2997 = tpu.memref_squeeze %dma_wait3A_2996 : memref<1x128xi32, #tpu.memory_space<vmem>> -> memref<128xi32, #tpu.memory_space<vmem>>
    %dma_wait3A_2998 = arith.constant 0 : i32
    %dma_wait3A_2999 = arith.constant 0 : i32
    %dma_wait3A_3000 = tpu.memref_slice %arg8[%dma_wait3A_2998, %dma_wait3A_2999] : memref<16512x16xf32, #tpu.memory_space<vmem_shared>> -> memref<16512x16xf32, #tpu.memory_space<vmem_shared>>
    tpu.wait_indirect_dma semaphore(%arg16 : memref<!tpu.dma_semaphore, #tpu.memory_space<semaphore_mem>>) src(%dma_wait3A_3000 : memref<16512x16xf32, #tpu.memory_space<vmem_shared>>) dst(%dma_wait3A_2994 : memref<128x16xf32, #tpu.memory_space<vmem>>)
    %dma_wait3A_3001 = arith.constant 3 : i32
    %dma_wait3A_3002 = arith.constant 384 : i32
    %dma_wait3A_3003 = arith.constant 0 : i32
    %dma_wait3A_3004 = tpu.memref_slice %arg15[%dma_wait3A_3002, %dma_wait3A_3003] : memref<1024x16xf32, #tpu.memory_space<vmem>> -> memref<128x16xf32, #tpu.memory_space<vmem>>
    %dma_wait3A_3005 = arith.constant 0 : i32
    %dma_wait3A_3006 = tpu.memref_slice %arg10[%dma_wait3A_3001, %dma_wait3A_3005] : memref<8x128xi32, #tpu.memory_space<vmem>> -> memref<1x128xi32, #tpu.memory_space<vmem>>
    %dma_wait3A_3007 = tpu.memref_squeeze %dma_wait3A_3006 : memref<1x128xi32, #tpu.memory_space<vmem>> -> memref<128xi32, #tpu.memory_space<vmem>>
    %dma_wait3A_3008 = arith.constant 0 : i32
    %dma_wait3A_3009 = arith.constant 0 : i32
    %dma_wait3A_3010 = tpu.memref_slice %arg8[%dma_wait3A_3008, %dma_wait3A_3009] : memref<16512x16xf32, #tpu.memory_space<vmem_shared>> -> memref<16512x16xf32, #tpu.memory_space<vmem_shared>>
    tpu.wait_indirect_dma semaphore(%arg16 : memref<!tpu.dma_semaphore, #tpu.memory_space<semaphore_mem>>) src(%dma_wait3A_3010 : memref<16512x16xf32, #tpu.memory_space<vmem_shared>>) dst(%dma_wait3A_3004 : memref<128x16xf32, #tpu.memory_space<vmem>>)
    %dma_wait3A_3011 = arith.constant 4 : i32
    %dma_wait3A_3012 = arith.constant 512 : i32
    %dma_wait3A_3013 = arith.constant 0 : i32
    %dma_wait3A_3014 = tpu.memref_slice %arg15[%dma_wait3A_3012, %dma_wait3A_3013] : memref<1024x16xf32, #tpu.memory_space<vmem>> -> memref<128x16xf32, #tpu.memory_space<vmem>>
    %dma_wait3A_3015 = arith.constant 0 : i32
    %dma_wait3A_3016 = tpu.memref_slice %arg10[%dma_wait3A_3011, %dma_wait3A_3015] : memref<8x128xi32, #tpu.memory_space<vmem>> -> memref<1x128xi32, #tpu.memory_space<vmem>>
    %dma_wait3A_3017 = tpu.memref_squeeze %dma_wait3A_3016 : memref<1x128xi32, #tpu.memory_space<vmem>> -> memref<128xi32, #tpu.memory_space<vmem>>
    %dma_wait3A_3018 = arith.constant 0 : i32
    %dma_wait3A_3019 = arith.constant 0 : i32
    %dma_wait3A_3020 = tpu.memref_slice %arg8[%dma_wait3A_3018, %dma_wait3A_3019] : memref<16512x16xf32, #tpu.memory_space<vmem_shared>> -> memref<16512x16xf32, #tpu.memory_space<vmem_shared>>
    tpu.wait_indirect_dma semaphore(%arg16 : memref<!tpu.dma_semaphore, #tpu.memory_space<semaphore_mem>>) src(%dma_wait3A_3020 : memref<16512x16xf32, #tpu.memory_space<vmem_shared>>) dst(%dma_wait3A_3014 : memref<128x16xf32, #tpu.memory_space<vmem>>)
    %dma_wait3A_3021 = arith.constant 5 : i32
    %dma_wait3A_3022 = arith.constant 640 : i32
    %dma_wait3A_3023 = arith.constant 0 : i32
    %dma_wait3A_3024 = tpu.memref_slice %arg15[%dma_wait3A_3022, %dma_wait3A_3023] : memref<1024x16xf32, #tpu.memory_space<vmem>> -> memref<128x16xf32, #tpu.memory_space<vmem>>
    %dma_wait3A_3025 = arith.constant 0 : i32
    %dma_wait3A_3026 = tpu.memref_slice %arg10[%dma_wait3A_3021, %dma_wait3A_3025] : memref<8x128xi32, #tpu.memory_space<vmem>> -> memref<1x128xi32, #tpu.memory_space<vmem>>
    %dma_wait3A_3027 = tpu.memref_squeeze %dma_wait3A_3026 : memref<1x128xi32, #tpu.memory_space<vmem>> -> memref<128xi32, #tpu.memory_space<vmem>>
    %dma_wait3A_3028 = arith.constant 0 : i32
    %dma_wait3A_3029 = arith.constant 0 : i32
    %dma_wait3A_3030 = tpu.memref_slice %arg8[%dma_wait3A_3028, %dma_wait3A_3029] : memref<16512x16xf32, #tpu.memory_space<vmem_shared>> -> memref<16512x16xf32, #tpu.memory_space<vmem_shared>>
    tpu.wait_indirect_dma semaphore(%arg16 : memref<!tpu.dma_semaphore, #tpu.memory_space<semaphore_mem>>) src(%dma_wait3A_3030 : memref<16512x16xf32, #tpu.memory_space<vmem_shared>>) dst(%dma_wait3A_3024 : memref<128x16xf32, #tpu.memory_space<vmem>>)
    %dma_wait3A_3031 = arith.constant 6 : i32
    %dma_wait3A_3032 = arith.constant 768 : i32
    %dma_wait3A_3033 = arith.constant 0 : i32
    %dma_wait3A_3034 = tpu.memref_slice %arg15[%dma_wait3A_3032, %dma_wait3A_3033] : memref<1024x16xf32, #tpu.memory_space<vmem>> -> memref<128x16xf32, #tpu.memory_space<vmem>>
    %dma_wait3A_3035 = arith.constant 0 : i32
    %dma_wait3A_3036 = tpu.memref_slice %arg10[%dma_wait3A_3031, %dma_wait3A_3035] : memref<8x128xi32, #tpu.memory_space<vmem>> -> memref<1x128xi32, #tpu.memory_space<vmem>>
    %dma_wait3A_3037 = tpu.memref_squeeze %dma_wait3A_3036 : memref<1x128xi32, #tpu.memory_space<vmem>> -> memref<128xi32, #tpu.memory_space<vmem>>
    %dma_wait3A_3038 = arith.constant 0 : i32
    %dma_wait3A_3039 = arith.constant 0 : i32
    %dma_wait3A_3040 = tpu.memref_slice %arg8[%dma_wait3A_3038, %dma_wait3A_3039] : memref<16512x16xf32, #tpu.memory_space<vmem_shared>> -> memref<16512x16xf32, #tpu.memory_space<vmem_shared>>
    tpu.wait_indirect_dma semaphore(%arg16 : memref<!tpu.dma_semaphore, #tpu.memory_space<semaphore_mem>>) src(%dma_wait3A_3040 : memref<16512x16xf32, #tpu.memory_space<vmem_shared>>) dst(%dma_wait3A_3034 : memref<128x16xf32, #tpu.memory_space<vmem>>)
    %dma_wait3A_3041 = arith.constant 7 : i32
    %dma_wait3A_3042 = arith.constant 896 : i32
    %dma_wait3A_3043 = arith.constant 0 : i32
    %dma_wait3A_3044 = tpu.memref_slice %arg15[%dma_wait3A_3042, %dma_wait3A_3043] : memref<1024x16xf32, #tpu.memory_space<vmem>> -> memref<128x16xf32, #tpu.memory_space<vmem>>
    %dma_wait3A_3045 = arith.constant 0 : i32
    %dma_wait3A_3046 = tpu.memref_slice %arg10[%dma_wait3A_3041, %dma_wait3A_3045] : memref<8x128xi32, #tpu.memory_space<vmem>> -> memref<1x128xi32, #tpu.memory_space<vmem>>
    %dma_wait3A_3047 = tpu.memref_squeeze %dma_wait3A_3046 : memref<1x128xi32, #tpu.memory_space<vmem>> -> memref<128xi32, #tpu.memory_space<vmem>>
    %dma_wait3A_3048 = arith.constant 0 : i32
    %dma_wait3A_3049 = arith.constant 0 : i32
    %dma_wait3A_3050 = tpu.memref_slice %arg8[%dma_wait3A_3048, %dma_wait3A_3049] : memref<16512x16xf32, #tpu.memory_space<vmem_shared>> -> memref<16512x16xf32, #tpu.memory_space<vmem_shared>>
    tpu.wait_indirect_dma semaphore(%arg16 : memref<!tpu.dma_semaphore, #tpu.memory_space<semaphore_mem>>) src(%dma_wait3A_3050 : memref<16512x16xf32, #tpu.memory_space<vmem_shared>>) dst(%dma_wait3A_3044 : memref<128x16xf32, #tpu.memory_space<vmem>>)
    %dma_wait3A_3051 = arith.constant 0 : i32
    %dma_wait3A_3052 = tpu.memref_slice %arg6[%add3A_7, %dma_wait3A_3051] : memref<1000000x16xf32, #tpu.memory_space<hbm>> -> memref<31248x16xf32, #tpu.memory_space<hbm>>
    %dma_wait3A_3053 = arith.constant 0 : i32
    %dma_wait3A_3054 = tpu.memref_slice %arg2[%add3A_3, %dma_wait3A_3053] : memref<1000000x16xf32, #tpu.memory_space<hbm>> -> memref<31248x16xf32, #tpu.memory_space<hbm>>
    tpu.wait_dma2 semaphore(%arg17 : memref<!tpu.dma_semaphore, #tpu.memory_space<semaphore_mem>>) src(%dma_wait3A_3054 : memref<31248x16xf32, #tpu.memory_space<hbm>>) dst(%dma_wait3A_3052 : memref<31248x16xf32, #tpu.memory_space<hbm>>)
    %dma_wait3A_3055 = arith.constant 0 : i32
    %dma_wait3A_3056 = tpu.memref_slice %arg6[%add3A_18, %dma_wait3A_3055] : memref<1000000x16xf32, #tpu.memory_space<hbm>> -> memref<31248x16xf32, #tpu.memory_space<hbm>>
    %dma_wait3A_3057 = arith.constant 0 : i32
    %dma_wait3A_3058 = tpu.memref_slice %arg2[%add3A_14, %dma_wait3A_3057] : memref<1000000x16xf32, #tpu.memory_space<hbm>> -> memref<31248x16xf32, #tpu.memory_space<hbm>>
    tpu.wait_dma2 semaphore(%arg17 : memref<!tpu.dma_semaphore, #tpu.memory_space<semaphore_mem>>) src(%dma_wait3A_3058 : memref<31248x16xf32, #tpu.memory_space<hbm>>) dst(%dma_wait3A_3056 : memref<31248x16xf32, #tpu.memory_space<hbm>>)
    %barrier3A_3059 = arith.constant 0 : index
    tpu.barrier barrier_id(%barrier3A_3059)
    %dma_start3A_3060 = arith.constant 0 : i32
    %dma_start3A_3061 = arith.constant 0 : i32
    %dma_start3A_3062 = arith.constant 0 : i32
    %dma_start3A_3063 = tpu.memref_slice %arg15[%dma_start3A_3061, %dma_start3A_3062] : memref<1024x16xf32, #tpu.memory_space<vmem>> -> memref<128x16xf32, #tpu.memory_space<vmem>>
    %dma_start3A_3064 = arith.constant 0 : i32
    %dma_start3A_3065 = tpu.memref_slice %arg9[%dma_start3A_3060, %dma_start3A_3064] : memref<8x128xi32, #tpu.memory_space<vmem>> -> memref<1x128xi32, #tpu.memory_space<vmem>>
    %dma_start3A_3066 = tpu.memref_squeeze %dma_start3A_3065 : memref<1x128xi32, #tpu.memory_space<vmem>> -> memref<128xi32, #tpu.memory_space<vmem>>
    %dma_start3A_3067 = arith.constant 0 : i32
    %dma_start3A_3068 = arith.constant 0 : i32
    %dma_start3A_3069 = tpu.memref_slice %arg6[%dma_start3A_3067, %dma_start3A_3068] : memref<1000000x16xf32, #tpu.memory_space<hbm>> -> memref<1000000x16xf32, #tpu.memory_space<hbm>>
    tpu.enqueue_indirect_dma source(%dma_start3A_3063 : memref<128x16xf32, #tpu.memory_space<vmem>>) target(%dma_start3A_3069 : memref<1000000x16xf32, #tpu.memory_space<hbm>>) offsets(%dma_start3A_3066 : memref<128xi32, #tpu.memory_space<vmem>>) semaphore(%arg16 : memref<!tpu.dma_semaphore, #tpu.memory_space<semaphore_mem>>)
    %dma_start3A_3070 = arith.constant 1 : i32
    %dma_start3A_3071 = arith.constant 128 : i32
    %dma_start3A_3072 = arith.constant 0 : i32
    %dma_start3A_3073 = tpu.memref_slice %arg15[%dma_start3A_3071, %dma_start3A_3072] : memref<1024x16xf32, #tpu.memory_space<vmem>> -> memref<128x16xf32, #tpu.memory_space<vmem>>
    %dma_start3A_3074 = arith.constant 0 : i32
    %dma_start3A_3075 = tpu.memref_slice %arg9[%dma_start3A_3070, %dma_start3A_3074] : memref<8x128xi32, #tpu.memory_space<vmem>> -> memref<1x128xi32, #tpu.memory_space<vmem>>
    %dma_start3A_3076 = tpu.memref_squeeze %dma_start3A_3075 : memref<1x128xi32, #tpu.memory_space<vmem>> -> memref<128xi32, #tpu.memory_space<vmem>>
    %dma_start3A_3077 = arith.constant 0 : i32
    %dma_start3A_3078 = arith.constant 0 : i32
    %dma_start3A_3079 = tpu.memref_slice %arg6[%dma_start3A_3077, %dma_start3A_3078] : memref<1000000x16xf32, #tpu.memory_space<hbm>> -> memref<1000000x16xf32, #tpu.memory_space<hbm>>
    tpu.enqueue_indirect_dma source(%dma_start3A_3073 : memref<128x16xf32, #tpu.memory_space<vmem>>) target(%dma_start3A_3079 : memref<1000000x16xf32, #tpu.memory_space<hbm>>) offsets(%dma_start3A_3076 : memref<128xi32, #tpu.memory_space<vmem>>) semaphore(%arg16 : memref<!tpu.dma_semaphore, #tpu.memory_space<semaphore_mem>>)
    %dma_start3A_3080 = arith.constant 2 : i32
    %dma_start3A_3081 = arith.constant 256 : i32
    %dma_start3A_3082 = arith.constant 0 : i32
    %dma_start3A_3083 = tpu.memref_slice %arg15[%dma_start3A_3081, %dma_start3A_3082] : memref<1024x16xf32, #tpu.memory_space<vmem>> -> memref<128x16xf32, #tpu.memory_space<vmem>>
    %dma_start3A_3084 = arith.constant 0 : i32
    %dma_start3A_3085 = tpu.memref_slice %arg9[%dma_start3A_3080, %dma_start3A_3084] : memref<8x128xi32, #tpu.memory_space<vmem>> -> memref<1x128xi32, #tpu.memory_space<vmem>>
    %dma_start3A_3086 = tpu.memref_squeeze %dma_start3A_3085 : memref<1x128xi32, #tpu.memory_space<vmem>> -> memref<128xi32, #tpu.memory_space<vmem>>
    %dma_start3A_3087 = arith.constant 0 : i32
    %dma_start3A_3088 = arith.constant 0 : i32
    %dma_start3A_3089 = tpu.memref_slice %arg6[%dma_start3A_3087, %dma_start3A_3088] : memref<1000000x16xf32, #tpu.memory_space<hbm>> -> memref<1000000x16xf32, #tpu.memory_space<hbm>>
    tpu.enqueue_indirect_dma source(%dma_start3A_3083 : memref<128x16xf32, #tpu.memory_space<vmem>>) target(%dma_start3A_3089 : memref<1000000x16xf32, #tpu.memory_space<hbm>>) offsets(%dma_start3A_3086 : memref<128xi32, #tpu.memory_space<vmem>>) semaphore(%arg16 : memref<!tpu.dma_semaphore, #tpu.memory_space<semaphore_mem>>)
    %dma_start3A_3090 = arith.constant 3 : i32
    %dma_start3A_3091 = arith.constant 384 : i32
    %dma_start3A_3092 = arith.constant 0 : i32
    %dma_start3A_3093 = tpu.memref_slice %arg15[%dma_start3A_3091, %dma_start3A_3092] : memref<1024x16xf32, #tpu.memory_space<vmem>> -> memref<128x16xf32, #tpu.memory_space<vmem>>
    %dma_start3A_3094 = arith.constant 0 : i32
    %dma_start3A_3095 = tpu.memref_slice %arg9[%dma_start3A_3090, %dma_start3A_3094] : memref<8x128xi32, #tpu.memory_space<vmem>> -> memref<1x128xi32, #tpu.memory_space<vmem>>
    %dma_start3A_3096 = tpu.memref_squeeze %dma_start3A_3095 : memref<1x128xi32, #tpu.memory_space<vmem>> -> memref<128xi32, #tpu.memory_space<vmem>>
    %dma_start3A_3097 = arith.constant 0 : i32
    %dma_start3A_3098 = arith.constant 0 : i32
    %dma_start3A_3099 = tpu.memref_slice %arg6[%dma_start3A_3097, %dma_start3A_3098] : memref<1000000x16xf32, #tpu.memory_space<hbm>> -> memref<1000000x16xf32, #tpu.memory_space<hbm>>
    tpu.enqueue_indirect_dma source(%dma_start3A_3093 : memref<128x16xf32, #tpu.memory_space<vmem>>) target(%dma_start3A_3099 : memref<1000000x16xf32, #tpu.memory_space<hbm>>) offsets(%dma_start3A_3096 : memref<128xi32, #tpu.memory_space<vmem>>) semaphore(%arg16 : memref<!tpu.dma_semaphore, #tpu.memory_space<semaphore_mem>>)
    %dma_start3A_3100 = arith.constant 4 : i32
    %dma_start3A_3101 = arith.constant 512 : i32
    %dma_start3A_3102 = arith.constant 0 : i32
    %dma_start3A_3103 = tpu.memref_slice %arg15[%dma_start3A_3101, %dma_start3A_3102] : memref<1024x16xf32, #tpu.memory_space<vmem>> -> memref<128x16xf32, #tpu.memory_space<vmem>>
    %dma_start3A_3104 = arith.constant 0 : i32
    %dma_start3A_3105 = tpu.memref_slice %arg9[%dma_start3A_3100, %dma_start3A_3104] : memref<8x128xi32, #tpu.memory_space<vmem>> -> memref<1x128xi32, #tpu.memory_space<vmem>>
    %dma_start3A_3106 = tpu.memref_squeeze %dma_start3A_3105 : memref<1x128xi32, #tpu.memory_space<vmem>> -> memref<128xi32, #tpu.memory_space<vmem>>
    %dma_start3A_3107 = arith.constant 0 : i32
    %dma_start3A_3108 = arith.constant 0 : i32
    %dma_start3A_3109 = tpu.memref_slice %arg6[%dma_start3A_3107, %dma_start3A_3108] : memref<1000000x16xf32, #tpu.memory_space<hbm>> -> memref<1000000x16xf32, #tpu.memory_space<hbm>>
    tpu.enqueue_indirect_dma source(%dma_start3A_3103 : memref<128x16xf32, #tpu.memory_space<vmem>>) target(%dma_start3A_3109 : memref<1000000x16xf32, #tpu.memory_space<hbm>>) offsets(%dma_start3A_3106 : memref<128xi32, #tpu.memory_space<vmem>>) semaphore(%arg16 : memref<!tpu.dma_semaphore, #tpu.memory_space<semaphore_mem>>)
    %dma_start3A_3110 = arith.constant 5 : i32
    %dma_start3A_3111 = arith.constant 640 : i32
    %dma_start3A_3112 = arith.constant 0 : i32
    %dma_start3A_3113 = tpu.memref_slice %arg15[%dma_start3A_3111, %dma_start3A_3112] : memref<1024x16xf32, #tpu.memory_space<vmem>> -> memref<128x16xf32, #tpu.memory_space<vmem>>
    %dma_start3A_3114 = arith.constant 0 : i32
    %dma_start3A_3115 = tpu.memref_slice %arg9[%dma_start3A_3110, %dma_start3A_3114] : memref<8x128xi32, #tpu.memory_space<vmem>> -> memref<1x128xi32, #tpu.memory_space<vmem>>
    %dma_start3A_3116 = tpu.memref_squeeze %dma_start3A_3115 : memref<1x128xi32, #tpu.memory_space<vmem>> -> memref<128xi32, #tpu.memory_space<vmem>>
    %dma_start3A_3117 = arith.constant 0 : i32
    %dma_start3A_3118 = arith.constant 0 : i32
    %dma_start3A_3119 = tpu.memref_slice %arg6[%dma_start3A_3117, %dma_start3A_3118] : memref<1000000x16xf32, #tpu.memory_space<hbm>> -> memref<1000000x16xf32, #tpu.memory_space<hbm>>
    tpu.enqueue_indirect_dma source(%dma_start3A_3113 : memref<128x16xf32, #tpu.memory_space<vmem>>) target(%dma_start3A_3119 : memref<1000000x16xf32, #tpu.memory_space<hbm>>) offsets(%dma_start3A_3116 : memref<128xi32, #tpu.memory_space<vmem>>) semaphore(%arg16 : memref<!tpu.dma_semaphore, #tpu.memory_space<semaphore_mem>>)
    %dma_start3A_3120 = arith.constant 6 : i32
    %dma_start3A_3121 = arith.constant 768 : i32
    %dma_start3A_3122 = arith.constant 0 : i32
    %dma_start3A_3123 = tpu.memref_slice %arg15[%dma_start3A_3121, %dma_start3A_3122] : memref<1024x16xf32, #tpu.memory_space<vmem>> -> memref<128x16xf32, #tpu.memory_space<vmem>>
    %dma_start3A_3124 = arith.constant 0 : i32
    %dma_start3A_3125 = tpu.memref_slice %arg9[%dma_start3A_3120, %dma_start3A_3124] : memref<8x128xi32, #tpu.memory_space<vmem>> -> memref<1x128xi32, #tpu.memory_space<vmem>>
    %dma_start3A_3126 = tpu.memref_squeeze %dma_start3A_3125 : memref<1x128xi32, #tpu.memory_space<vmem>> -> memref<128xi32, #tpu.memory_space<vmem>>
    %dma_start3A_3127 = arith.constant 0 : i32
    %dma_start3A_3128 = arith.constant 0 : i32
    %dma_start3A_3129 = tpu.memref_slice %arg6[%dma_start3A_3127, %dma_start3A_3128] : memref<1000000x16xf32, #tpu.memory_space<hbm>> -> memref<1000000x16xf32, #tpu.memory_space<hbm>>
    tpu.enqueue_indirect_dma source(%dma_start3A_3123 : memref<128x16xf32, #tpu.memory_space<vmem>>) target(%dma_start3A_3129 : memref<1000000x16xf32, #tpu.memory_space<hbm>>) offsets(%dma_start3A_3126 : memref<128xi32, #tpu.memory_space<vmem>>) semaphore(%arg16 : memref<!tpu.dma_semaphore, #tpu.memory_space<semaphore_mem>>)
    %dma_start3A_3130 = arith.constant 7 : i32
    %dma_start3A_3131 = arith.constant 896 : i32
    %dma_start3A_3132 = arith.constant 0 : i32
    %dma_start3A_3133 = tpu.memref_slice %arg15[%dma_start3A_3131, %dma_start3A_3132] : memref<1024x16xf32, #tpu.memory_space<vmem>> -> memref<128x16xf32, #tpu.memory_space<vmem>>
    %dma_start3A_3134 = arith.constant 0 : i32
    %dma_start3A_3135 = tpu.memref_slice %arg9[%dma_start3A_3130, %dma_start3A_3134] : memref<8x128xi32, #tpu.memory_space<vmem>> -> memref<1x128xi32, #tpu.memory_space<vmem>>
    %dma_start3A_3136 = tpu.memref_squeeze %dma_start3A_3135 : memref<1x128xi32, #tpu.memory_space<vmem>> -> memref<128xi32, #tpu.memory_space<vmem>>
    %dma_start3A_3137 = arith.constant 0 : i32
    %dma_start3A_3138 = arith.constant 0 : i32
    %dma_start3A_3139 = tpu.memref_slice %arg6[%dma_start3A_3137, %dma_start3A_3138] : memref<1000000x16xf32, #tpu.memory_space<hbm>> -> memref<1000000x16xf32, #tpu.memory_space<hbm>>
    tpu.enqueue_indirect_dma source(%dma_start3A_3133 : memref<128x16xf32, #tpu.memory_space<vmem>>) target(%dma_start3A_3139 : memref<1000000x16xf32, #tpu.memory_space<hbm>>) offsets(%dma_start3A_3136 : memref<128xi32, #tpu.memory_space<vmem>>) semaphore(%arg16 : memref<!tpu.dma_semaphore, #tpu.memory_space<semaphore_mem>>)
    %dma_wait3A_3140 = arith.constant 0 : i32
    %dma_wait3A_3141 = arith.constant 0 : i32
    %dma_wait3A_3142 = arith.constant 0 : i32
    %dma_wait3A_3143 = tpu.memref_slice %arg15[%dma_wait3A_3141, %dma_wait3A_3142] : memref<1024x16xf32, #tpu.memory_space<vmem>> -> memref<128x16xf32, #tpu.memory_space<vmem>>
    %dma_wait3A_3144 = arith.constant 0 : i32
    %dma_wait3A_3145 = tpu.memref_slice %arg9[%dma_wait3A_3140, %dma_wait3A_3144] : memref<8x128xi32, #tpu.memory_space<vmem>> -> memref<1x128xi32, #tpu.memory_space<vmem>>
    %dma_wait3A_3146 = tpu.memref_squeeze %dma_wait3A_3145 : memref<1x128xi32, #tpu.memory_space<vmem>> -> memref<128xi32, #tpu.memory_space<vmem>>
    %dma_wait3A_3147 = arith.constant 0 : i32
    %dma_wait3A_3148 = arith.constant 0 : i32
    %dma_wait3A_3149 = tpu.memref_slice %arg6[%dma_wait3A_3147, %dma_wait3A_3148] : memref<1000000x16xf32, #tpu.memory_space<hbm>> -> memref<1000000x16xf32, #tpu.memory_space<hbm>>
    tpu.wait_indirect_dma semaphore(%arg16 : memref<!tpu.dma_semaphore, #tpu.memory_space<semaphore_mem>>) src(%dma_wait3A_3143 : memref<128x16xf32, #tpu.memory_space<vmem>>) dst(%dma_wait3A_3149 : memref<1000000x16xf32, #tpu.memory_space<hbm>>)
    %dma_wait3A_3150 = arith.constant 1 : i32
    %dma_wait3A_3151 = arith.constant 128 : i32
    %dma_wait3A_3152 = arith.constant 0 : i32
    %dma_wait3A_3153 = tpu.memref_slice %arg15[%dma_wait3A_3151, %dma_wait3A_3152] : memref<1024x16xf32, #tpu.memory_space<vmem>> -> memref<128x16xf32, #tpu.memory_space<vmem>>
    %dma_wait3A_3154 = arith.constant 0 : i32
    %dma_wait3A_3155 = tpu.memref_slice %arg9[%dma_wait3A_3150, %dma_wait3A_3154] : memref<8x128xi32, #tpu.memory_space<vmem>> -> memref<1x128xi32, #tpu.memory_space<vmem>>
    %dma_wait3A_3156 = tpu.memref_squeeze %dma_wait3A_3155 : memref<1x128xi32, #tpu.memory_space<vmem>> -> memref<128xi32, #tpu.memory_space<vmem>>
    %dma_wait3A_3157 = arith.constant 0 : i32
    %dma_wait3A_3158 = arith.constant 0 : i32
    %dma_wait3A_3159 = tpu.memref_slice %arg6[%dma_wait3A_3157, %dma_wait3A_3158] : memref<1000000x16xf32, #tpu.memory_space<hbm>> -> memref<1000000x16xf32, #tpu.memory_space<hbm>>
    tpu.wait_indirect_dma semaphore(%arg16 : memref<!tpu.dma_semaphore, #tpu.memory_space<semaphore_mem>>) src(%dma_wait3A_3153 : memref<128x16xf32, #tpu.memory_space<vmem>>) dst(%dma_wait3A_3159 : memref<1000000x16xf32, #tpu.memory_space<hbm>>)
    %dma_wait3A_3160 = arith.constant 2 : i32
    %dma_wait3A_3161 = arith.constant 256 : i32
    %dma_wait3A_3162 = arith.constant 0 : i32
    %dma_wait3A_3163 = tpu.memref_slice %arg15[%dma_wait3A_3161, %dma_wait3A_3162] : memref<1024x16xf32, #tpu.memory_space<vmem>> -> memref<128x16xf32, #tpu.memory_space<vmem>>
    %dma_wait3A_3164 = arith.constant 0 : i32
    %dma_wait3A_3165 = tpu.memref_slice %arg9[%dma_wait3A_3160, %dma_wait3A_3164] : memref<8x128xi32, #tpu.memory_space<vmem>> -> memref<1x128xi32, #tpu.memory_space<vmem>>
    %dma_wait3A_3166 = tpu.memref_squeeze %dma_wait3A_3165 : memref<1x128xi32, #tpu.memory_space<vmem>> -> memref<128xi32, #tpu.memory_space<vmem>>
    %dma_wait3A_3167 = arith.constant 0 : i32
    %dma_wait3A_3168 = arith.constant 0 : i32
    %dma_wait3A_3169 = tpu.memref_slice %arg6[%dma_wait3A_3167, %dma_wait3A_3168] : memref<1000000x16xf32, #tpu.memory_space<hbm>> -> memref<1000000x16xf32, #tpu.memory_space<hbm>>
    tpu.wait_indirect_dma semaphore(%arg16 : memref<!tpu.dma_semaphore, #tpu.memory_space<semaphore_mem>>) src(%dma_wait3A_3163 : memref<128x16xf32, #tpu.memory_space<vmem>>) dst(%dma_wait3A_3169 : memref<1000000x16xf32, #tpu.memory_space<hbm>>)
    %dma_wait3A_3170 = arith.constant 3 : i32
    %dma_wait3A_3171 = arith.constant 384 : i32
    %dma_wait3A_3172 = arith.constant 0 : i32
    %dma_wait3A_3173 = tpu.memref_slice %arg15[%dma_wait3A_3171, %dma_wait3A_3172] : memref<1024x16xf32, #tpu.memory_space<vmem>> -> memref<128x16xf32, #tpu.memory_space<vmem>>
    %dma_wait3A_3174 = arith.constant 0 : i32
    %dma_wait3A_3175 = tpu.memref_slice %arg9[%dma_wait3A_3170, %dma_wait3A_3174] : memref<8x128xi32, #tpu.memory_space<vmem>> -> memref<1x128xi32, #tpu.memory_space<vmem>>
    %dma_wait3A_3176 = tpu.memref_squeeze %dma_wait3A_3175 : memref<1x128xi32, #tpu.memory_space<vmem>> -> memref<128xi32, #tpu.memory_space<vmem>>
    %dma_wait3A_3177 = arith.constant 0 : i32
    %dma_wait3A_3178 = arith.constant 0 : i32
    %dma_wait3A_3179 = tpu.memref_slice %arg6[%dma_wait3A_3177, %dma_wait3A_3178] : memref<1000000x16xf32, #tpu.memory_space<hbm>> -> memref<1000000x16xf32, #tpu.memory_space<hbm>>
    tpu.wait_indirect_dma semaphore(%arg16 : memref<!tpu.dma_semaphore, #tpu.memory_space<semaphore_mem>>) src(%dma_wait3A_3173 : memref<128x16xf32, #tpu.memory_space<vmem>>) dst(%dma_wait3A_3179 : memref<1000000x16xf32, #tpu.memory_space<hbm>>)
    %dma_wait3A_3180 = arith.constant 4 : i32
    %dma_wait3A_3181 = arith.constant 512 : i32
    %dma_wait3A_3182 = arith.constant 0 : i32
    %dma_wait3A_3183 = tpu.memref_slice %arg15[%dma_wait3A_3181, %dma_wait3A_3182] : memref<1024x16xf32, #tpu.memory_space<vmem>> -> memref<128x16xf32, #tpu.memory_space<vmem>>
    %dma_wait3A_3184 = arith.constant 0 : i32
    %dma_wait3A_3185 = tpu.memref_slice %arg9[%dma_wait3A_3180, %dma_wait3A_3184] : memref<8x128xi32, #tpu.memory_space<vmem>> -> memref<1x128xi32, #tpu.memory_space<vmem>>
    %dma_wait3A_3186 = tpu.memref_squeeze %dma_wait3A_3185 : memref<1x128xi32, #tpu.memory_space<vmem>> -> memref<128xi32, #tpu.memory_space<vmem>>
    %dma_wait3A_3187 = arith.constant 0 : i32
    %dma_wait3A_3188 = arith.constant 0 : i32
    %dma_wait3A_3189 = tpu.memref_slice %arg6[%dma_wait3A_3187, %dma_wait3A_3188] : memref<1000000x16xf32, #tpu.memory_space<hbm>> -> memref<1000000x16xf32, #tpu.memory_space<hbm>>
    tpu.wait_indirect_dma semaphore(%arg16 : memref<!tpu.dma_semaphore, #tpu.memory_space<semaphore_mem>>) src(%dma_wait3A_3183 : memref<128x16xf32, #tpu.memory_space<vmem>>) dst(%dma_wait3A_3189 : memref<1000000x16xf32, #tpu.memory_space<hbm>>)
    %dma_wait3A_3190 = arith.constant 5 : i32
    %dma_wait3A_3191 = arith.constant 640 : i32
    %dma_wait3A_3192 = arith.constant 0 : i32
    %dma_wait3A_3193 = tpu.memref_slice %arg15[%dma_wait3A_3191, %dma_wait3A_3192] : memref<1024x16xf32, #tpu.memory_space<vmem>> -> memref<128x16xf32, #tpu.memory_space<vmem>>
    %dma_wait3A_3194 = arith.constant 0 : i32
    %dma_wait3A_3195 = tpu.memref_slice %arg9[%dma_wait3A_3190, %dma_wait3A_3194] : memref<8x128xi32, #tpu.memory_space<vmem>> -> memref<1x128xi32, #tpu.memory_space<vmem>>
    %dma_wait3A_3196 = tpu.memref_squeeze %dma_wait3A_3195 : memref<1x128xi32, #tpu.memory_space<vmem>> -> memref<128xi32, #tpu.memory_space<vmem>>
    %dma_wait3A_3197 = arith.constant 0 : i32
    %dma_wait3A_3198 = arith.constant 0 : i32
    %dma_wait3A_3199 = tpu.memref_slice %arg6[%dma_wait3A_3197, %dma_wait3A_3198] : memref<1000000x16xf32, #tpu.memory_space<hbm>> -> memref<1000000x16xf32, #tpu.memory_space<hbm>>
    tpu.wait_indirect_dma semaphore(%arg16 : memref<!tpu.dma_semaphore, #tpu.memory_space<semaphore_mem>>) src(%dma_wait3A_3193 : memref<128x16xf32, #tpu.memory_space<vmem>>) dst(%dma_wait3A_3199 : memref<1000000x16xf32, #tpu.memory_space<hbm>>)
    %dma_wait3A_3200 = arith.constant 6 : i32
    %dma_wait3A_3201 = arith.constant 768 : i32
    %dma_wait3A_3202 = arith.constant 0 : i32
    %dma_wait3A_3203 = tpu.memref_slice %arg15[%dma_wait3A_3201, %dma_wait3A_3202] : memref<1024x16xf32, #tpu.memory_space<vmem>> -> memref<128x16xf32, #tpu.memory_space<vmem>>
    %dma_wait3A_3204 = arith.constant 0 : i32
    %dma_wait3A_3205 = tpu.memref_slice %arg9[%dma_wait3A_3200, %dma_wait3A_3204] : memref<8x128xi32, #tpu.memory_space<vmem>> -> memref<1x128xi32, #tpu.memory_space<vmem>>
    %dma_wait3A_3206 = tpu.memref_squeeze %dma_wait3A_3205 : memref<1x128xi32, #tpu.memory_space<vmem>> -> memref<128xi32, #tpu.memory_space<vmem>>
    %dma_wait3A_3207 = arith.constant 0 : i32
    %dma_wait3A_3208 = arith.constant 0 : i32
    %dma_wait3A_3209 = tpu.memref_slice %arg6[%dma_wait3A_3207, %dma_wait3A_3208] : memref<1000000x16xf32, #tpu.memory_space<hbm>> -> memref<1000000x16xf32, #tpu.memory_space<hbm>>
    tpu.wait_indirect_dma semaphore(%arg16 : memref<!tpu.dma_semaphore, #tpu.memory_space<semaphore_mem>>) src(%dma_wait3A_3203 : memref<128x16xf32, #tpu.memory_space<vmem>>) dst(%dma_wait3A_3209 : memref<1000000x16xf32, #tpu.memory_space<hbm>>)
    %dma_wait3A_3210 = arith.constant 7 : i32
    %dma_wait3A_3211 = arith.constant 896 : i32
    %dma_wait3A_3212 = arith.constant 0 : i32
    %dma_wait3A_3213 = tpu.memref_slice %arg15[%dma_wait3A_3211, %dma_wait3A_3212] : memref<1024x16xf32, #tpu.memory_space<vmem>> -> memref<128x16xf32, #tpu.memory_space<vmem>>
    %dma_wait3A_3214 = arith.constant 0 : i32
    %dma_wait3A_3215 = tpu.memref_slice %arg9[%dma_wait3A_3210, %dma_wait3A_3214] : memref<8x128xi32, #tpu.memory_space<vmem>> -> memref<1x128xi32, #tpu.memory_space<vmem>>
    %dma_wait3A_3216 = tpu.memref_squeeze %dma_wait3A_3215 : memref<1x128xi32, #tpu.memory_space<vmem>> -> memref<128xi32, #tpu.memory_space<vmem>>
    %dma_wait3A_3217 = arith.constant 0 : i32
    %dma_wait3A_3218 = arith.constant 0 : i32
    %dma_wait3A_3219 = tpu.memref_slice %arg6[%dma_wait3A_3217, %dma_wait3A_3218] : memref<1000000x16xf32, #tpu.memory_space<hbm>> -> memref<1000000x16xf32, #tpu.memory_space<hbm>>
    tpu.wait_indirect_dma semaphore(%arg16 : memref<!tpu.dma_semaphore, #tpu.memory_space<semaphore_mem>>) src(%dma_wait3A_3213 : memref<128x16xf32, #tpu.memory_space<vmem>>) dst(%dma_wait3A_3219 : memref<1000000x16xf32, #tpu.memory_space<hbm>>)
    return
  }
}

</mosaic_0001>

<sc_bundles>
// kernel: _scatter_add.3.cloned.1.call-start
scs
__scs_entry_jumppad:
0x0: {  	(pc) =	sbr.rel $0x88, $3  }
0x1: {  	(tag) =	ssettag $0x0;
	lr =	simm.s32 $0x1  }
0x2: {  	[smem:$0x3F9E] =	sst lr;
	_ =	strace $0xD0000000  }
0x3: {  	_ = 	snop  }
0x4: {  	_ = 	snop  }
0x5: {  	_ = 	snop  }
0x6: {  	_ = 	snop  }
0x7: {  	_ = 	snop  }
__scs_overlays_trampoline_lowered:
0x8: {  	[smem:$0x3FAD] =	sst s0  }
0x9: {  	[smem:$0x3FAE] =	sst s1  }
0xa: {  	[smem:$0x3FAF] =	sst s2  }
0xb: {  	[smem:$0x3FB0] =	sst s3  }
0xc: {  	[smem:$0x3FB1] =	sst s4  }
0xd: {  	[smem:$0x3FB2] =	sst s5  }
0xe: {  	[smem:$0x3FB3] =	sst s6  }
0xf: {  	[smem:$0x3FB4] =	sst s7  }
0x10: {  	[smem:$0x3FB5] =	sst s8  }
0x11: {  	[smem:$0x3FB6] =	sst s9;
	s0 =	simm.s32 @!p0 $0x0  }
0x12: {  	s1 =	sld [smem:$0x3F9C];
	s0 =	simm.s32 @p0 $0x1  }
0x13: {  	[smem:$0x3FB7] =	sst s0;
	s0 =	simm.s32 @!p1 $0x0  }
0x14: {  	s2 =	sld [smem:$0x3F9B];
	s0 =	simm.s32 @p1 $0x1  }
0x15: {  	[smem:$0x3FB8] =	sst s0;
	s0 =	simm.s32 @!p2 $0x0  }
0x16: {  	s3 =	sld [smem:$0x3FDB];
	s0 =	simm.s32 @p2 $0x1  }
0x17: {  	s4 =	simm.s32 $0x1BF5;
	[smem:$0x3FBA] =	sst s0  }
0x18: {  	s0 =	sld [smem:$0x3F9D];
	_ =	swait.ge [sflag:s4], $0x0  }
0x19: {  	s7 =	sld [smem:$0x3F9E]  }
0x1a: {  	s8 =	sadd.s32 $0xFFFFE003, lr  }
0x1b: {  	s9 =	sadd.s32 $0xFFFFFEF7, lr;
	s5 =	simm.s32 $0xFFFFFFFF;
	p2 =	slt.u32 s8, $0xFFFFF086  }
0x1c: {  	p1 =	slt.u32 s9, $0xF7A;
	s5 =	simm.s32 @!p2 $0x0  }
0x1d: {  	s5 =	simm.s32 @p1 $0x1;
	p0 =	seq.s32 s7, s2  }
0x1e: {  	s7 =	smul.u32 @!p0 $0xF7A, s2;
	p2 =	seq.s32 @!p0 s5, $0x0  }
0x1f: {  	s9 =	smul.u32 $0xF7A, s1;
	s8 =	simm.s32 @!p0 $0x1BF5;
	p2 =	por !p2, p0  }
0x20: {  	[sflag:s8] =	ssyncset.s32 @!p0 $0xFFFFF086;
	s6 =	sadd.s32 @!p0 s3, s7;
	s7 =	simm.s32 @!p0 $0x108  }
0x21: {  	s3 =	sadd.s32 s3, s9;
	s6 =	sadd.s32 @!p0 $0x88, s6;
	s7 =	simm.s32 @p2 $0x1082  }
0x22: {  	[simem:s7], [sflag:s8] =	dma.local @!p0 [hbm:s6], $0xF7A  }
0x23: {  	s9 =	sor.u32 $0xD0000000, s2;
	s6 =	simm.s32 $0x108;
	_ =	swait.ge @!p0 [sflag:s8], $0x0  }
0x24: {  	s3 =	sadd.s32 $0x88, s3;
	s6 =	simm.s32 @!p1 $0x1082;
	[sflag:s4] =	ssyncset.s32 $0xFFFFF086  }
0x25: {  	[simem:s6], [sflag:s4] =	dma.local [hbm:s3], $0xF7A  }
0x26: {  	[smem:$0x3F9E] =	sst s1;
	(tag) =	ssettag s2;
	_ =	strace s9  }
0x27: {  	s1 =	sld [smem:$0x3FAE]  }
0x28: {  	s2 =	sld [smem:$0x3FAF]  }
0x29: {  	s4 =	sld [smem:$0x3FB1]  }
0x2a: {  	p0 =	seq.s32 s5, $0x0;
	s5 =	sld [smem:$0x3FB2]  }
0x2b: {  	s6 =	sld [smem:$0x3FB3]  }
0x2c: {  	s7 =	sld [smem:$0x3FB4]  }
0x2d: {  	s3 =	simm.s32 $0x108;
	s8 =	sld [smem:$0x3FB5]  }
0x2e: {  	s3 =	simm.s32 @!p0 $0x1082;
	s9 =	sld [smem:$0x3FB6]  }
0x2f: {  	lr =	sadd.s32 s0, s3;
	s0 =	sld [smem:$0x3FAD]  }
0x30: {  	s3 =	sld [smem:$0x3FB0]  }
0x31: {  	[smem:$0x3FB9] =	sst s10  }
0x32: {  	s10 =	sld [smem:$0x3FB7];
	_ =	sdelay $0x3  }
0x33: {  	p0 =	seq.s32 s10, $0x1;
	s10 =	sld [smem:$0x3FB9];
	_ =	sdelay $0x3  }
0x34: {  	[smem:$0x3FB9] =	sst s10  }
0x35: {  	s10 =	sld [smem:$0x3FB8];
	_ =	sdelay $0x3  }
0x36: {  	p1 =	seq.s32 s10, $0x1;
	s10 =	sld [smem:$0x3FB9];
	_ =	sdelay $0x3  }
0x37: {  	[smem:$0x3FB9] =	sst s10  }
0x38: {  	s10 =	sld [smem:$0x3FBA]  }
0x39: {  	_ = 	snop;
	(pc) =	sbr.ind lr, $3  }
0x3a: {  	_ = 	snop  }
0x3b: {  	_ = 	snop  }
0x3c: {  	p2 =	seq.s32 s10, $0x1;
	s10 =	sld [smem:$0x3FB9]  }
0x3d: {  	_ =	shalt  }
0x3e: {  	_ =	shalt  }
0x3f: {  	_ =	shalt  }
0x40: {  	_ =	shalt  }
0x41: {  	_ =	shalt  }
0x42: {  	_ =	shalt  }
0x43: {  	_ =	shalt  }
0x44: {  	_ =	shalt  }
0x45: {  	_ =	shalt  }
0x46: {  	_ =	shalt  }
0x47: {  	_ =	shalt  }
0x48: {  	_ =	shalt  }
0x49: {  	_ =	shalt  }
0x4a: {  	_ =	shalt  }
0x4b: {  	_ =	shalt  }
0x4c: {  	_ =	shalt  }
0x4d: {  	_ =	shalt  }
0x4e: {  	_ =	shalt  }
0x4f: {  	_ =	shalt  }
0x50: {  	_ =	shalt  }
0x51: {  	_ =	shalt  }
0x52: {  	_ =	shalt  }
0x53: {  	_ =	shalt  }
0x54: {  	_ =	shalt  }
0x55: {  	_ =	shalt  }
0x56: {  	_ =	shalt  }
0x57: {  	_ =	shalt  }
0x58: {  	_ =	shalt  }
0x59: {  	_ =	shalt  }
0x5a: {  	_ =	shalt  }
0x5b: {  	_ =	shalt  }
0x5c: {  	_ =	shalt  }
0x5d: {  	_ =	shalt  }
0x5e: {  	_ =	shalt  }
0x5f: {  	_ =	shalt  }
0x60: {  	_ =	shalt  }
0x61: {  	_ =	shalt  }
0x62: {  	_ =	shalt  }
0x63: {  	_ =	shalt  }
0x64: {  	_ =	shalt  }
0x65: {  	_ =	shalt  }
0x66: {  	_ =	shalt  }
0x67: {  	_ =	shalt  }
0x68: {  	_ =	shalt  }
0x69: {  	_ =	shalt  }
0x6a: {  	_ =	shalt  }
0x6b: {  	_ =	shalt  }
0x6c: {  	_ =	shalt  }
0x6d: {  	_ =	shalt  }
0x6e: {  	_ =	shalt  }
0x6f: {  	_ =	shalt  }
0x70: {  	_ =	shalt  }
0x71: {  	_ =	shalt  }
0x72: {  	_ =	shalt  }
0x73: {  	_ =	shalt  }
0x74: {  	_ =	shalt  }
0x75: {  	_ =	shalt  }
0x76: {  	_ =	shalt  }
0x77: {  	_ =	shalt  }
0x78: {  	_ =	shalt  }
0x79: {  	_ =	shalt  }
0x7a: {  	_ =	shalt  }
0x7b: {  	_ =	shalt  }
0x7c: {  	_ =	shalt  }
0x7d: {  	_ =	shalt  }
0x7e: {  	_ =	shalt  }
0x7f: {  	_ =	shalt  }
0x80: {  	_ =	shalt  }
0x81: {  	_ =	shalt  }
0x82: {  	_ =	shalt  }
0x83: {  	_ =	shalt  }
0x84: {  	_ =	shalt  }
0x85: {  	_ =	shalt  }
0x86: {  	_ =	shalt  }
0x87: {  	_ =	shalt  }
.Lfunc_end0:
.L_simem_size_0:
called_computation.1_lowered:
.L_overlay_start_0:
0x88: {  	s0 =	sld [smem:$0x3FD9]  }
0x89: {  	s1 =	sld [smem:$0x3FFE];
	_ =	sdelay $0x3  }
0x8a: {  	s0 =	sadd.s32 s1, s0  }
0x8b: {  	[smem:$0x3FC5] =	sst s0  }
0x8c: {  	_ = 	snop  }
0x8d: {  	s0 =	sld [smem:$0x3FC8]  }
0x8e: {  	s16 =	sld [smem:$0x3FD0];
	(tm) =	ssettm $0x1  }
0x8f: {  	s2 =	sld [smem:$0x3FFB];
	_ =	sdelay $0x3  }
0x90: {  	_ =	strace s2  }
0x91: {  	s2 =	sld [smem:$0x3FFC];
	_ =	sdelay $0x3  }
0x92: {  	_ =	strace s2  }
0x93: {  	s2 =	sld [smem:$0x3FFD];
	_ =	sdelay $0x3  }
0x94: {  	_ =	strace s2  }
0x95: {  	_ =	strace $0x8FFFFFFF  }
0x96: {  	s17 =	sld [smem:$0x3FDB];
	_ =	sdelay $0x1  }
0x97: {  	s3 =	simm.s32 $_scs_section_size  }
0x98: {  	s4 =	simm.s32 $_size__tile_overlayer_lowered;
	s5 =	simm.s32 $_tile_overlayer_lowered  }
0x99: {  	s20 =	simm.s32 $0x1BFF;
	s19 =	sshll.u32 s5, $0x1;
	s2 =	sadd.s32 s3, s17  }
0x9a: {  	s6 =	simm.s32 $0x0;
	s18 =	sshll.u32 s4, $0x1;
	s4 =	sadd.s32 s19, s2  }
0x9b: {  	[timem:s6], [sflag:s20] =	dma.local [hbm:s4], s18  }
0x9c: {  	_ =	swait.ge [sflag:s20], s18  }
0x9d: {  	s3 =	ssub.s32 $0x0, s18;
	[sflag:s20] =	ssyncset.done $0x0  }
0x9e: {  	[sflag:s20] =	ssyncadd.s32 s3;
	_ =	sdelay $0x1  }
0x9f: {  	s21 =	simm.s32 $0x1B8B  }
0xa0: {  	_ =	swait.ge [sflag:s21], $0x1  }
0xa1: {  	[sflag:s21] =	ssyncset.done $0x0  }
0xa2: {  	s23 =	simm.s32 $0x1B8E;
	s22 =	sld [smem:$0x3FFE];
	[sflag:s21] =	ssyncadd.s32 $0xFFFFFFFF  }
0xa3: {  	s24 =	simm.s32 $execute0_lowered;
	[smem:$0x3FD2] =	sst s23  }
0xa4: {  	s4 =	sshll.u32 s24, $0x1;
	_ =	strace $0x80000046;
	[dreg:$0x1] =	wrdreg $0xFFFFFFFF  }
0xa5: {  	s25 =	simm.s32 $_size_execute0_lowered;
	s2 =	sadd.s32 s2, s4;
	[dreg:$0x0] =	wrdreg $0x0  }
0xa6: {  	s4 =	sshll.u32 s25, $0x1;
	[dreg:$0x2] =	wrdreg s2  }
0xa7: {  	[dreg:$0x3] =	wrdreg s4  }
0xa8: {  	[dreg:$0x4] =	wrdreg $0xC0  }
0xa9: {  	_ =	task [dreg:s6], $0x5FFFF  }
0xaa: {  	[dreg:$0x1] =	wrdreg $0xFFFFFFFF  }
0xab: {  	[dreg:$0x0] =	wrdreg $0x60  }
0xac: {  	[dreg:$0x2] =	wrdreg s16  }
0xad: {  	[dreg:$0x3] =	wrdreg s0  }
0xae: {  	[dreg:$0x4] =	wrdreg s22  }
0xaf: {  	[dreg:$0x5] =	wrdreg $0x0  }
0xb0: {  	[dreg:$0x6] =	wrdreg $0x9  }
0xb1: {  	_ =	task.clear_ibuf [dreg:s6], $0x7FFFF;
	_ =	strace $0x90000046  }
0xb2: {  	s26 =	simm.s32 $0x9;
	_ =	strace $0x80000048  }
0xb3: {  	_ =	swait.ge [sflag:s26], $0x1  }
0xb4: {  	[sflag:s26] =	ssyncadd.s32 $0xFFFFFFFF  }
0xb5: {  	_ =	strace $0x90000048  }
0xb6: {  	_ =	sfence  }
0xb7: {  	s28 =	sld [smem:$0x0];
	_ =	sdelay $0x1  }
0xb8: {  	s29 =	srdreg.scid  }
0xb9: {  	s30 =	sshll.u32 s29, $0xD;
	s31 =	sshrl.u32 s29, $0x2  }
0xba: {  	s1 =	sand.u32 $0x1, s29;
	s2 =	sand.u32 $0x4000, s30;
	s0 =	sadd.s32 s31, s28  }
0xbb: {  	s1 =	sor.u32 s2, s1;
	s0 =	sshll.u32 s0, $0x11  }
0xbc: {  	s0 =	sor.u32 s0, s1  }
0xbd: {  	s0 =	sadd.s32 $0x8F2B, s0  }
0xbe: {  	[sflag:s0] =	ssyncadd.remote.s32 $0x1  }
0xbf: {  	_ =	sfence.sel $0xFFFF  }
0xc0: {  	[dreg:$0x0] =	wrdreg $0xFFFFFFFF;
	(pc) =	sbr.abs _section_cstart, $3  }
0xc1: {  	[dreg:$0x1] =	wrdreg $0xFFFFFFFF  }
0xc2: {  	_ =	task.clear_ibuf [dreg:s6], $0x2FFFF;
	_ =	strace $0x9FFFFFFF  }
0xc3: {  	(tm) =	ssettm $0x7FFFFFFF  }
tec
execute0_lowered:
.L_overlay_start_1:
0x0: {  	(tag) =	ssettag $0x1  }
0x1: {  	s13 =	rddreg [dreg:$0x0]  }
0x2: {  	s10 =	rddreg [dreg:$0x1]  }
0x3: {  	s12 =	rddreg [dreg:$0x2];
	s11 =	stileid.u32  }
0x4: {  	s2 =	rddreg [dreg:$0x3];
	s3 =	smul.u32 $0x1E840, s11  }
0x5: {  	s0 =	rddreg [dreg:$0x4];
	s21 =	simm.s32 $0x0;
	s4 =	smul.u32 $0xF4200, s11  }
0x6: {  	[smem:$0x7FF] =	sst s21;
	s1 =	sadd.s32 $0x28000, s12;
	s6 =	sshll.u32 s11, $0x6  }
0x7: {  	_ =	strace $0x80000047;
	s7 =	sor.u32 $0x1C02, s6;
	s4 =	sshrl.u32 s4, $0x3  }
0x8: {  	s5 =	sadd.s32 s1, s3;
	s3 =	sadd.s32 s13, s3;
	s4 =	sadd.s32 $0xF420, s4  }
0x9: {  	[hbm:s5], [sflag:s7] =	dma.local [hbm:s3], $0xF420  }
0xa: {  	p0 =	sne.s32 s11, $0x0;
	s8 =	sadd.s32 s1, s4;
	s4 =	sadd.s32 s13, s4  }
0xb: {  	[hbm:s8], [sflag:s7] =	dma.local [hbm:s4], $0xF420  }
0xc: {  	s3 =	sadd.s32 @!p0 $0x1E8400, s13;
	s4 =	sadd.s32 @!p0 $0x1E8400, s1  }
0xd: {  	[hbm:s4], [sflag:s7] =	dma.local @!p0 [hbm:s3], $0x80  }
0xe: {  	s3 =	simm.s32 @!p0 $0x2  }
0xf: {  	s23 =	simm.s32 $0x3;
	s5 =	sshll.u32 s11, $0xE;
	_ =	swait.ge @!p0 [sflag:s3], $0x80  }
0x10: {  	s8 =	sor.u32 $0x1C03, s6;
	s4 =	sadd.s32 s5, s2;
	[sflag:s3] =	ssyncset.done @!p0 $0x0  }
0x11: {  	s7 =	sadd.s32 $0x8E00, s12;
	s4 =	sshrl.u32 s4, $0x3;
	[sflag:s3] =	ssyncadd.s32 @!p0 $0xFFFFFF80  }
0x12: {  	[spmem:s4], [sflag:s8] =	dma.local [hbm:s7], $0x800  }
0x13: {  	_ =	swait.ge [sflag:s23], $0x800  }
0x14: {  	s14 =	sshll.u32 s11, $0xA;
	s9 =	sshll.u32 s11, $0x7;
	[sflag:s23] =	ssyncset.done $0x0  }
0x15: {  	s15 =	sadd.s32 s10, s9;
	s3 =	simm.s32 $0x4080;
	[sflag:s23] =	ssyncadd.s32 $0xFFFFF800  }
0x16: {  	[tilespmem:s3], [sflag:$0x3] =	stream.linear.gather [hbm4b:s15+s21], $0x80, $0x38;
	[tilespmem:$0x11080] =	vst v63  }
0x17: {  	s22 =	sor.u32 $0x80, s14;
	_ =	swait.ge [sflag:s23], $0x80  }
0x18: {  	s16 =	sshrl.u32 s22, $0x3;
	[sflag:s23] =	ssyncset.done $0x0  }
0x19: {  	s17 =	sadd.s32 s10, s16;
	s4 =	simm.s32 $0x4100;
	[sflag:s23] =	ssyncadd.s32 $0xFFFFFF80  }
0x1a: {  	[tilespmem:s4], [sflag:$0x3] =	stream.linear.gather [hbm4b:s17+s21], $0x80, $0x38;
	[tilespmem:$0x11080] =	vst v63  }
0x1b: {  	s20 =	sor.u32 $0x100, s14;
	_ =	swait.ge [sflag:s23], $0x80  }
0x1c: {  	s18 =	sshrl.u32 s20, $0x3;
	[sflag:s23] =	ssyncset.done $0x0  }
0x1d: {  	s19 =	sadd.s32 s10, s18;
	s5 =	simm.s32 $0x4180;
	[sflag:s23] =	ssyncadd.s32 $0xFFFFFF80  }
0x1e: {  	[tilespmem:s5], [sflag:$0x3] =	stream.linear.gather [hbm4b:s19+s21], $0x80, $0x38;
	[tilespmem:$0x11080] =	vst v63  }
0x1f: {  	s19 =	sor.u32 $0x180, s14;
	_ =	swait.ge [sflag:s23], $0x80  }
0x20: {  	s24 =	sshrl.u32 s19, $0x3;
	[sflag:s23] =	ssyncset.done $0x0  }
0x21: {  	s6 =	simm.s32 $0x4200;
	s25 =	sadd.s32 s10, s24;
	[sflag:s23] =	ssyncadd.s32 $0xFFFFFF80  }
0x22: {  	[tilespmem:s6], [sflag:$0x3] =	stream.linear.gather [hbm4b:s25+s21], $0x80, $0x38;
	[tilespmem:$0x11080] =	vst v63  }
0x23: {  	s18 =	sor.u32 $0x200, s14;
	_ =	swait.ge [sflag:s23], $0x80  }
0x24: {  	s26 =	sshrl.u32 s18, $0x3;
	[sflag:s23] =	ssyncset.done $0x0  }
0x25: {  	s28 =	sadd.s32 s10, s26;
	s7 =	simm.s32 $0x4280;
	[sflag:s23] =	ssyncadd.s32 $0xFFFFFF80  }
0x26: {  	[tilespmem:s7], [sflag:$0x3] =	stream.linear.gather [hbm4b:s28+s21], $0x80, $0x38;
	[tilespmem:$0x11080] =	vst v63  }
0x27: {  	s17 =	sor.u32 $0x280, s14;
	_ =	swait.ge [sflag:s23], $0x80  }
0x28: {  	s29 =	sshrl.u32 s17, $0x3;
	[sflag:s23] =	ssyncset.done $0x0  }
0x29: {  	s8 =	simm.s32 $0x4300;
	s9 =	sadd.s32 s10, s29;
	[sflag:s23] =	ssyncadd.s32 $0xFFFFFF80  }
0x2a: {  	[tilespmem:s8], [sflag:$0x3] =	stream.linear.gather [hbm4b:s9+s21], $0x80, $0x38;
	[tilespmem:$0x11080] =	vst v63  }
0x2b: {  	s16 =	sor.u32 $0x300, s14;
	_ =	swait.ge [sflag:s23], $0x80  }
0x2c: {  	s30 =	sshrl.u32 s16, $0x3;
	[sflag:s23] =	ssyncset.done $0x0  }
0x2d: {  	s15 =	sadd.s32 s10, s30;
	s9 =	simm.s32 $0x4380;
	[sflag:s23] =	ssyncadd.s32 $0xFFFFFF80  }
0x2e: {  	[tilespmem:s9], [sflag:$0x3] =	stream.linear.gather [hbm4b:s15+s21], $0x80, $0x38;
	[tilespmem:$0x11080] =	vst v63  }
0x2f: {  	s15 =	sor.u32 $0x380, s14;
	_ =	swait.ge [sflag:s23], $0x80  }
0x30: {  	s24 =	sshrl.u32 s15, $0x3;
	[sflag:s23] =	ssyncset.done $0x0  }
0x31: {  	s24 =	sadd.s32 s10, s24;
	s10 =	simm.s32 $0x4400;
	[sflag:s23] =	ssyncadd.s32 $0xFFFFFF80  }
0x32: {  	[tilespmem:s10], [sflag:$0x3] =	stream.linear.gather [hbm4b:s24+s21], $0x80, $0x38;
	[tilespmem:$0x11080] =	vst v63  }
0x33: {  	s11 =	sshll.u32 s11, $0xB;
	_ =	swait.ge [sflag:s23], $0x80  }
0x34: {  	s11 =	sadd.s32 s11, s12;
	[sflag:s23] =	ssyncset.done $0x0  }
0x35: {  	s31 =	sadd.s32 $0xE00, s11;
	s11 =	simm.s32 $0x5080;
	[sflag:s23] =	ssyncadd.s32 $0xFFFFFF80  }
0x36: {  	[tilespmem:s11], [sflag:$0x3] =	stream.linear.gather [hbm4b:s31+s21], $0x4000, $0x38;
	[tilespmem:$0x11080] =	vst v63  }
0x37: {  	_ =	swait.ge [sflag:s23], $0x4000  }
0x38: {  	v0 =	vlaneseq.u32;
	[sflag:s23] =	ssyncset.done $0x0  }
0x39: {  	v1 =	vor.u32 s14, v0;
	s24 =	sor.u32 $0x10, s14;
	[sflag:s23] =	ssyncadd.s32 $0xFFFFC000  }
0x3a: {  	s25 =	sor.u32 $0x20, s14;
	v2 =	vor.u32 s24, v0;
	[tilespmem:$0x4C80] =	vst v1  }
0x3b: {  	s26 =	sor.u32 $0x30, s14;
	v7 =	vor.u32 s25, v0;
	[tilespmem:$0x4C90] =	vst v2  }
0x3c: {  	v8 =	vor.u32 s26, v0;
	s28 =	sor.u32 $0x40, s14;
	[tilespmem:$0x4CA0] =	vst v7  }
0x3d: {  	s29 =	sor.u32 $0x50, s14;
	v9 =	vor.u32 s28, v0;
	[tilespmem:$0x4CB0] =	vst v8  }
0x3e: {  	s30 =	sor.u32 $0x60, s14;
	v10 =	vor.u32 s29, v0;
	[tilespmem:$0x4CC0] =	vst v9  }
0x3f: {  	v11 =	vor.u32 s30, v0;
	s31 =	sor.u32 $0x70, s14;
	[tilespmem:$0x4CD0] =	vst v10  }
0x40: {  	v12 =	vor.u32 s31, v0;
	[tilespmem:$0x4CE0] =	vst v11  }
0x41: {  	v13 =	vor.u32 s22, v0;
	s24 =	sor.u32 $0xA0, s14;
	[tilespmem:$0x4CF0] =	vst v12  }
0x42: {  	s25 =	sor.u32 $0xB0, s14;
	v15 =	vor.u32 s24, v0;
	[tilespmem:$0x4D00] =	vst v13  }
0x43: {  	s26 =	sor.u32 $0xC0, s14;
	v16 =	vor.u32 s25, v0;
	[tilespmem:$0x4D20] =	vst v15  }
0x44: {  	v17 =	vor.u32 s26, v0;
	s28 =	sor.u32 $0xD0, s14;
	[tilespmem:$0x4D30] =	vst v16  }
0x45: {  	s29 =	sor.u32 $0xE0, s14;
	v18 =	vor.u32 s28, v0;
	[tilespmem:$0x4D40] =	vst v17  }
0x46: {  	s30 =	sor.u32 $0xF0, s14;
	v19 =	vor.u32 s29, v0;
	[tilespmem:$0x4D50] =	vst v18  }
0x47: {  	v20 =	vor.u32 s30, v0;
	[tilespmem:$0x4D60] =	vst v19  }
0x48: {  	v21 =	vor.u32 s20, v0;
	s31 =	sor.u32 $0x110, s14;
	[tilespmem:$0x4D70] =	vst v20  }
0x49: {  	s21 =	sor.u32 $0x120, s14;
	v22 =	vor.u32 s31, v0;
	[tilespmem:$0x4D80] =	vst v21  }
0x4a: {  	s22 =	sor.u32 $0x130, s14;
	v23 =	vor.u32 s21, v0;
	[tilespmem:$0x4D90] =	vst v22  }
0x4b: {  	v24 =	vor.u32 s22, v0;
	s24 =	sor.u32 $0x150, s14;
	[tilespmem:$0x4DA0] =	vst v23  }
0x4c: {  	s25 =	sor.u32 $0x160, s14;
	v26 =	vor.u32 s24, v0;
	[tilespmem:$0x4DB0] =	vst v24  }
0x4d: {  	s26 =	sor.u32 $0x170, s14;
	v27 =	vor.u32 s25, v0;
	[tilespmem:$0x4DD0] =	vst v26  }
0x4e: {  	v28 =	vor.u32 s26, v0;
	[tilespmem:$0x4DE0] =	vst v27  }
0x4f: {  	v29 =	vor.u32 s19, v0;
	s28 =	sor.u32 $0x190, s14;
	[tilespmem:$0x4DF0] =	vst v28  }
0x50: {  	s29 =	sor.u32 $0x1A0, s14;
	v30 =	vor.u32 s28, v0;
	[tilespmem:$0x4E00] =	vst v29  }
0x51: {  	s30 =	sor.u32 $0x1B0, s14;
	v31 =	vor.u32 s29, v0;
	[tilespmem:$0x4E10] =	vst v30  }
0x52: {  	v32 =	vor.u32 s30, v0;
	s31 =	sor.u32 $0x1C0, s14;
	[tilespmem:$0x4E20] =	vst v31  }
0x53: {  	s20 =	sor.u32 $0x1D0, s14;
	v33 =	vor.u32 s31, v0;
	[tilespmem:$0x4E30] =	vst v32  }
0x54: {  	v34 =	vor.u32 s20, v0;
	s21 =	sor.u32 $0x1E0, s14;
	[tilespmem:$0x4E40] =	vst v33  }
0x55: {  	s22 =	sor.u32 $0x1F0, s14;
	v35 =	vor.u32 s21, v0;
	[tilespmem:$0x4E50] =	vst v34  }
0x56: {  	v36 =	vor.u32 s22, v0;
	[tilespmem:$0x4E60] =	vst v35  }
0x57: {  	v37 =	vor.u32 s18, v0;
	s24 =	sor.u32 $0x220, s14;
	[tilespmem:$0x4E70] =	vst v36  }
0x58: {  	s25 =	sor.u32 $0x230, s14;
	v39 =	vor.u32 s24, v0;
	[tilespmem:$0x4E80] =	vst v37  }
0x59: {  	s26 =	sor.u32 $0x240, s14;
	v40 =	vor.u32 s25, v0;
	[tilespmem:$0x4EA0] =	vst v39  }
0x5a: {  	v41 =	vor.u32 s26, v0;
	s28 =	sor.u32 $0x250, s14;
	[tilespmem:$0x4EB0] =	vst v40  }
0x5b: {  	s29 =	sor.u32 $0x260, s14;
	v42 =	vor.u32 s28, v0;
	[tilespmem:$0x4EC0] =	vst v41  }
0x5c: {  	s30 =	sor.u32 $0x270, s14;
	v43 =	vor.u32 s29, v0;
	[tilespmem:$0x4ED0] =	vst v42  }
0x5d: {  	v44 =	vor.u32 s30, v0;
	[tilespmem:$0x4EE0] =	vst v43  }
0x5e: {  	s18 =	sor.u32 $0x2A0, s14;
	v45 =	vor.u32 s17, v0;
	[tilespmem:$0x4EF0] =	vst v44  }
0x5f: {  	v47 =	vor.u32 s18, v0;
	s19 =	sor.u32 $0x2B0, s14;
	[tilespmem:$0x4F00] =	vst v45  }
0x60: {  	s20 =	sor.u32 $0x2C0, s14;
	v48 =	vor.u32 s19, v0;
	[tilespmem:$0x4F20] =	vst v47  }
0x61: {  	v49 =	vor.u32 s20, v0;
	s21 =	sor.u32 $0x2D0, s14;
	[tilespmem:$0x4F30] =	vst v48  }
0x62: {  	s22 =	sor.u32 $0x2E0, s14;
	v50 =	vor.u32 s21, v0;
	[tilespmem:$0x4F40] =	vst v49  }
0x63: {  	v51 =	vor.u32 s22, v0;
	[tilespmem:$0x4F50] =	vst v50  }
0x64: {  	v53 =	vor.u32 s16, v0;
	s24 =	sor.u32 $0x310, s14;
	[tilespmem:$0x4F60] =	vst v51  }
0x65: {  	s25 =	sor.u32 $0x320, s14;
	v54 =	vor.u32 s24, v0;
	[tilespmem:$0x4F80] =	vst v53  }
0x66: {  	s26 =	sor.u32 $0x330, s14;
	v55 =	vor.u32 s25, v0;
	[tilespmem:$0x4F90] =	vst v54  }
0x67: {  	v56 =	vor.u32 s26, v0;
	s28 =	sor.u32 $0x340, s14;
	[tilespmem:$0x4FA0] =	vst v55  }
0x68: {  	s29 =	sor.u32 $0x350, s14;
	v57 =	vor.u32 s28, v0;
	[tilespmem:$0x4FB0] =	vst v56  }
0x69: {  	s30 =	sor.u32 $0x360, s14;
	v58 =	vor.u32 s29, v0;
	[tilespmem:$0x4FC0] =	vst v57  }
0x6a: {  	v59 =	vor.u32 s30, v0;
	[tilespmem:$0x4FD0] =	vst v58  }
0x6b: {  	s16 =	sor.u32 $0x390, s14;
	v61 =	vor.u32 s15, v0;
	[tilespmem:$0x4FE0] =	vst v59  }
0x6c: {  	v62 =	vor.u32 s16, v0;
	s17 =	sor.u32 $0x3A0, s14;
	[tilespmem:$0x5000] =	vst v61  }
0x6d: {  	s18 =	sor.u32 $0x3B0, s14;
	v63 =	vor.u32 s17, v0;
	[tilespmem:$0x5010] =	vst v62  }
0x6e: {  	v4 =	vor.u32 s18, v0;
	s19 =	sor.u32 $0x3C0, s14;
	[tilespmem:$0x5020] =	vst v63  }
0x6f: {  	s20 =	sor.u32 $0x3D0, s14;
	v5 =	vor.u32 s19, v0;
	[tilespmem:$0x5030] =	vst v4  }
0x70: {  	v6 =	vor.u32 s20, v0;
	s23 =	sor.u32 $0x90, s14;
	[tilespmem:$0x5040] =	vst v5  }
0x71: {  	s31 =	sor.u32 $0x290, s14;
	v14 =	vor.u32 s23, v0;
	[tilespmem:$0x5050] =	vst v6  }
0x72: {  	s21 =	sor.u32 $0x3E0, s14;
	v46 =	vor.u32 s31, v0;
	[tilespmem:$0x4D10] =	vst v14  }
0x73: {  	s23 =	sor.u32 $0x140, s14;
	v7 =	vor.u32 s21, v0;
	[tilespmem:$0x4F10] =	vst v46  }
0x74: {  	s31 =	sor.u32 $0x370, s14;
	v25 =	vor.u32 s23, v0;
	[tilespmem:$0x5060] =	vst v7  }
0x75: {  	s23 =	sor.u32 $0x210, s14;
	v60 =	vor.u32 s31, v0;
	[tilespmem:$0x4DC0] =	vst v25  }
0x76: {  	v38 =	vor.u32 s23, v0;
	s23 =	sor.u32 $0x2F0, s14;
	[tilespmem:$0x4FF0] =	vst v60  }
0x77: {  	s14 =	sor.u32 $0x3F0, s14;
	[tilespmem:$0x4E90] =	vst v38;
	v52 =	vor.u32 s23, v0  }
0x78: {  	v0 =	vor.u32 s14, v0;
	[tilespmem:$0x4F70] =	vst v52  }
0x79: {  	s22 =	simm.s32 $0x4C80;
	s31 =	sadd.s32 $0x9600, s12;
	s12 =	simm.s32 $0x80;
	[tilespmem:$0x5070] =	vst v0  }
0x7a: {  	[hbm4b:s31+s12] =	stream.indirect.scatter [tilespmem:s22], [sflag:$0x1], $0x1, s3, s12, $0xb8;
	[tilespmem:$0x11080] =	vst v63  }
0x7b: {  	s23 =	simm.s32 $0x4D00  }
0x7c: {  	[hbm4b:s31+s12] =	stream.indirect.scatter [tilespmem:s23], [sflag:$0x1], $0x1, s4, s12, $0xb8;
	[tilespmem:$0x11080] =	vst v63  }
0x7d: {  	s24 =	simm.s32 $0x4D80  }
0x7e: {  	[hbm4b:s31+s12] =	stream.indirect.scatter [tilespmem:s24], [sflag:$0x1], $0x1, s5, s12, $0xb8;
	[tilespmem:$0x11080] =	vst v63  }
0x7f: {  	s25 =	simm.s32 $0x4E00  }
0x80: {  	[hbm4b:s31+s12] =	stream.indirect.scatter [tilespmem:s25], [sflag:$0x1], $0x1, s6, s12, $0xb8;
	[tilespmem:$0x11080] =	vst v63  }
0x81: {  	s26 =	simm.s32 $0x4E80  }
0x82: {  	[hbm4b:s31+s12] =	stream.indirect.scatter [tilespmem:s26], [sflag:$0x1], $0x1, s7, s12, $0xb8;
	[tilespmem:$0x11080] =	vst v63  }
0x83: {  	s28 =	simm.s32 $0x4F00  }
0x84: {  	[hbm4b:s31+s12] =	stream.indirect.scatter [tilespmem:s28], [sflag:$0x1], $0x1, s8, s12, $0xb8;
	[tilespmem:$0x11080] =	vst v63  }
0x85: {  	s29 =	simm.s32 $0x4F80  }
0x86: {  	[hbm4b:s31+s12] =	stream.indirect.scatter [tilespmem:s29], [sflag:$0x1], $0x1, s9, s12, $0xb8;
	[tilespmem:$0x11080] =	vst v63  }
0x87: {  	s30 =	simm.s32 $0x5000  }
0x88: {  	[hbm4b:s31+s12] =	stream.indirect.scatter [tilespmem:s30], [sflag:$0x1], $0x1, s10, s12, $0xb8;
	[tilespmem:$0x11080] =	vst v63  }
0x89: {  	s14 =	simm.s32 $0x9080  }
0x8a: {  	[tilespmem:s14], [sflag:$0x1] =	stream.indirect.gather [hbm4b:s13+s12], $0x10, s3, s12, $0xb8;
	[tilespmem:$0x11080] =	vst v63  }
0x8b: {  	s15 =	simm.s32 $0x9880  }
0x8c: {  	[tilespmem:s15], [sflag:$0x1] =	stream.indirect.gather [hbm4b:s13+s12], $0x10, s4, s12, $0xb8;
	[tilespmem:$0x11080] =	vst v63  }
0x8d: {  	s16 =	simm.s32 $0xA080  }
0x8e: {  	[tilespmem:s16], [sflag:$0x1] =	stream.indirect.gather [hbm4b:s13+s12], $0x10, s5, s12, $0xb8;
	[tilespmem:$0x11080] =	vst v63  }
0x8f: {  	s17 =	simm.s32 $0xA880  }
0x90: {  	[tilespmem:s17], [sflag:$0x1] =	stream.indirect.gather [hbm4b:s13+s12], $0x10, s6, s12, $0xb8;
	[tilespmem:$0x11080] =	vst v63  }
0x91: {  	s18 =	simm.s32 $0xB080  }
0x92: {  	[tilespmem:s18], [sflag:$0x1] =	stream.indirect.gather [hbm4b:s13+s12], $0x10, s7, s12, $0xb8;
	[tilespmem:$0x11080] =	vst v63  }
0x93: {  	s19 =	simm.s32 $0xB880  }
0x94: {  	[tilespmem:s19], [sflag:$0x1] =	stream.indirect.gather [hbm4b:s13+s12], $0x10, s8, s12, $0xb8;
	[tilespmem:$0x11080] =	vst v63  }
0x95: {  	s20 =	simm.s32 $0xC080  }
0x96: {  	[tilespmem:s20], [sflag:$0x1] =	stream.indirect.gather [hbm4b:s13+s12], $0x10, s9, s12, $0xb8;
	[tilespmem:$0x11080] =	vst v63  }
0x97: {  	s21 =	simm.s32 $0xC880  }
0x98: {  	[tilespmem:s21], [sflag:$0x1] =	stream.indirect.gather [hbm4b:s13+s12], $0x10, s10, s12, $0xb8;
	[tilespmem:$0x11080] =	vst v63  }
0x99: {  	s13 =	simm.s32 $0x1  }
0x9a: {  	_ =	swait.ge [sflag:s13], $0x80  }
0x9b: {  	[sflag:s13] =	ssyncset.done $0x0  }
0x9c: {  	[sflag:s13] =	ssyncadd.s32 $0xFFFFFF80  }
0x9d: {  	_ =	swait.ge [sflag:s13], $0x80  }
0x9e: {  	[sflag:s13] =	ssyncset.done $0x0  }
0x9f: {  	[sflag:s13] =	ssyncadd.s32 $0xFFFFFF80  }
0xa0: {  	_ =	swait.ge [sflag:s13], $0x80  }
0xa1: {  	[sflag:s13] =	ssyncset.done $0x0  }
0xa2: {  	[sflag:s13] =	ssyncadd.s32 $0xFFFFFF80  }
0xa3: {  	_ =	swait.ge [sflag:s13], $0x80  }
0xa4: {  	[sflag:s13] =	ssyncset.done $0x0  }
0xa5: {  	[sflag:s13] =	ssyncadd.s32 $0xFFFFFF80  }
0xa6: {  	_ =	swait.ge [sflag:s13], $0x80  }
0xa7: {  	[sflag:s13] =	ssyncset.done $0x0  }
0xa8: {  	[sflag:s13] =	ssyncadd.s32 $0xFFFFFF80  }
0xa9: {  	_ =	swait.ge [sflag:s13], $0x80  }
0xaa: {  	[sflag:s13] =	ssyncset.done $0x0  }
0xab: {  	[sflag:s13] =	ssyncadd.s32 $0xFFFFFF80  }
0xac: {  	_ =	swait.ge [sflag:s13], $0x80  }
0xad: {  	[sflag:s13] =	ssyncset.done $0x0  }
0xae: {  	[sflag:s13] =	ssyncadd.s32 $0xFFFFFF80  }
0xaf: {  	_ =	swait.ge [sflag:s13], $0x80  }
0xb0: {  	[sflag:s13] =	ssyncset.done $0x0  }
0xb1: {  	[sflag:s13] =	ssyncadd.s32 $0xFFFFFF80  }
0xb2: {  	_ =	swait.ge [sflag:s13], $0x800  }
0xb3: {  	[sflag:s13] =	ssyncset.done $0x0  }
0xb4: {  	[sflag:s13] =	ssyncadd.s32 $0xFFFFF800  }
0xb5: {  	_ =	swait.ge [sflag:s13], $0x800  }
0xb6: {  	[sflag:s13] =	ssyncset.done $0x0  }
0xb7: {  	[sflag:s13] =	ssyncadd.s32 $0xFFFFF800  }
0xb8: {  	_ =	swait.ge [sflag:s13], $0x800  }
0xb9: {  	[sflag:s13] =	ssyncset.done $0x0  }
0xba: {  	[sflag:s13] =	ssyncadd.s32 $0xFFFFF800  }
0xbb: {  	_ =	swait.ge [sflag:s13], $0x800  }
0xbc: {  	[sflag:s13] =	ssyncset.done $0x0  }
0xbd: {  	[sflag:s13] =	ssyncadd.s32 $0xFFFFF800  }
0xbe: {  	_ =	swait.ge [sflag:s13], $0x800  }
0xbf: {  	[sflag:s13] =	ssyncset.done $0x0  }
0xc0: {  	[sflag:s13] =	ssyncadd.s32 $0xFFFFF800  }
0xc1: {  	_ =	swait.ge [sflag:s13], $0x800  }
0xc2: {  	[sflag:s13] =	ssyncset.done $0x0  }
0xc3: {  	[sflag:s13] =	ssyncadd.s32 $0xFFFFF800  }
0xc4: {  	_ =	swait.ge [sflag:s13], $0x800  }
0xc5: {  	[sflag:s13] =	ssyncset.done $0x0  }
0xc6: {  	[sflag:s13] =	ssyncadd.s32 $0xFFFFF800  }
0xc7: {  	_ =	swait.ge [sflag:s13], $0x800  }
0xc8: {  	[sflag:s13] =	ssyncset.done $0x0  }
0xc9: {  	[sflag:s13] =	ssyncadd.s32 $0xFFFFF800  }
0xca: {  	s22 =	simm.s32 $0x4480;
	[bflag:$0x0] =	sbarrier.arrive $0xFFFF  }
0xcb: {  	[tilespmem:s22], [sflag:$0x1] =	stream.indirect.gather [hbm4b:s31+s12], $0x1, s3, s12, $0xb8;
	[tilespmem:$0x11080] =	vst v63  }
0xcc: {  	s23 =	simm.s32 $0x4500  }
0xcd: {  	[tilespmem:s23], [sflag:$0x1] =	stream.indirect.gather [hbm4b:s31+s12], $0x1, s4, s12, $0xb8;
	[tilespmem:$0x11080] =	vst v63  }
0xce: {  	s24 =	simm.s32 $0x4580  }
0xcf: {  	[tilespmem:s24], [sflag:$0x1] =	stream.indirect.gather [hbm4b:s31+s12], $0x1, s5, s12, $0xb8;
	[tilespmem:$0x11080] =	vst v63  }
0xd0: {  	s25 =	simm.s32 $0x4600  }
0xd1: {  	[tilespmem:s25], [sflag:$0x1] =	stream.indirect.gather [hbm4b:s31+s12], $0x1, s6, s12, $0xb8;
	[tilespmem:$0x11080] =	vst v63  }
0xd2: {  	s26 =	simm.s32 $0x4680  }
0xd3: {  	[tilespmem:s26], [sflag:$0x1] =	stream.indirect.gather [hbm4b:s31+s12], $0x1, s7, s12, $0xb8;
	[tilespmem:$0x11080] =	vst v63  }
0xd4: {  	s28 =	simm.s32 $0x4700  }
0xd5: {  	[tilespmem:s28], [sflag:$0x1] =	stream.indirect.gather [hbm4b:s31+s12], $0x1, s8, s12, $0xb8;
	[tilespmem:$0x11080] =	vst v63  }
0xd6: {  	s29 =	simm.s32 $0x4780  }
0xd7: {  	[tilespmem:s29], [sflag:$0x1] =	stream.indirect.gather [hbm4b:s31+s12], $0x1, s9, s12, $0xb8;
	[tilespmem:$0x11080] =	vst v63  }
0xd8: {  	s30 =	simm.s32 $0x4800  }
0xd9: {  	[tilespmem:s30], [sflag:$0x1] =	stream.indirect.gather [hbm4b:s31+s12], $0x1, s10, s12, $0xb8;
	[tilespmem:$0x11080] =	vst v63  }
0xda: {  	_ =	swait.ge [sflag:s13], $0x80  }
0xdb: {  	[sflag:s13] =	ssyncset.done $0x0  }
0xdc: {  	[sflag:s13] =	ssyncadd.s32 $0xFFFFFF80  }
0xdd: {  	_ =	swait.ge [sflag:s13], $0x80  }
0xde: {  	[sflag:s13] =	ssyncset.done $0x0  }
0xdf: {  	[sflag:s13] =	ssyncadd.s32 $0xFFFFFF80  }
0xe0: {  	_ =	swait.ge [sflag:s13], $0x80  }
0xe1: {  	[sflag:s13] =	ssyncset.done $0x0  }
0xe2: {  	[sflag:s13] =	ssyncadd.s32 $0xFFFFFF80  }
0xe3: {  	_ =	swait.ge [sflag:s13], $0x80  }
0xe4: {  	[sflag:s13] =	ssyncset.done $0x0  }
0xe5: {  	[sflag:s13] =	ssyncadd.s32 $0xFFFFFF80  }
0xe6: {  	_ =	swait.ge [sflag:s13], $0x80  }
0xe7: {  	[sflag:s13] =	ssyncset.done $0x0  }
0xe8: {  	[sflag:s13] =	ssyncadd.s32 $0xFFFFFF80  }
0xe9: {  	_ =	swait.ge [sflag:s13], $0x80  }
0xea: {  	[sflag:s13] =	ssyncset.done $0x0  }
0xeb: {  	[sflag:s13] =	ssyncadd.s32 $0xFFFFFF80  }
0xec: {  	_ =	swait.ge [sflag:s13], $0x80  }
0xed: {  	[sflag:s13] =	ssyncset.done $0x0  }
0xee: {  	[sflag:s13] =	ssyncadd.s32 $0xFFFFFF80  }
0xef: {  	_ =	swait.ge [sflag:s13], $0x80  }
0xf0: {  	[sflag:s13] =	ssyncset.done $0x0  }
0xf1: {  	[sflag:s13] =	ssyncadd.s32 $0xFFFFFF80  }
0xf2: {  	v1 =	vld [tilespmem:$0x4480]  }
0xf3: {  	v4 =	vld [tilespmem:$0x4C80]  }
0xf4: {  	v5 =	vld [tilespmem:$0x4490]  }
0xf5: {  	v10 =	vld [tilespmem:$0x4C90]  }
0xf6: {  	v11 =	vld [tilespmem:$0x44A0]  }
0xf7: {  	v14 =	vld [tilespmem:$0x4CA0]  }
0xf8: {  	v15 =	vld [tilespmem:$0x44B0]  }
0xf9: {  	v16 =	vld [tilespmem:$0x4CB0]  }
0xfa: {  	v17 =	vld [tilespmem:$0x44C0]  }
0xfb: {  	v18 =	vld [tilespmem:$0x4CC0]  }
0xfc: {  	v19 =	vld [tilespmem:$0x44D0]  }
0xfd: {  	v20 =	vld [tilespmem:$0x4CD0]  }
0xfe: {  	v21 =	vld [tilespmem:$0x44E0]  }
0xff: {  	v22 =	vld [tilespmem:$0x4CE0]  }
0x100: {  	v23 =	vld [tilespmem:$0x44F0]  }
0x101: {  	v24 =	vld [tilespmem:$0x4CF0]  }
0x102: {  	v25 =	vld [tilespmem:$0x4500]  }
0x103: {  	v26 =	vld [tilespmem:$0x4D00]  }
0x104: {  	v27 =	vld [tilespmem:$0x4510]  }
0x105: {  	v28 =	vld [tilespmem:$0x4D10]  }
0x106: {  	v29 =	vld [tilespmem:$0x4520]  }
0x107: {  	v30 =	vld [tilespmem:$0x4D20]  }
0x108: {  	v31 =	vld [tilespmem:$0x4530]  }
0x109: {  	v32 =	vld [tilespmem:$0x4D30]  }
0x10a: {  	v33 =	vld [tilespmem:$0x4540]  }
0x10b: {  	v34 =	vld [tilespmem:$0x4D40]  }
0x10c: {  	v35 =	vld [tilespmem:$0x4550]  }
0x10d: {  	v36 =	vld [tilespmem:$0x4D50]  }
0x10e: {  	v37 =	vld [tilespmem:$0x4560]  }
0x10f: {  	v38 =	vld [tilespmem:$0x4D60]  }
0x110: {  	v39 =	vld [tilespmem:$0x4570]  }
0x111: {  	v40 =	vld [tilespmem:$0x4D70]  }
0x112: {  	v41 =	vld [tilespmem:$0x4580]  }
0x113: {  	v42 =	vld [tilespmem:$0x4D80]  }
0x114: {  	v43 =	vld [tilespmem:$0x4590]  }
0x115: {  	v44 =	vld [tilespmem:$0x4D90]  }
0x116: {  	v45 =	vld [tilespmem:$0x45A0]  }
0x117: {  	v46 =	vld [tilespmem:$0x4DA0]  }
0x118: {  	v47 =	vld [tilespmem:$0x45B0]  }
0x119: {  	v48 =	vld [tilespmem:$0x4DB0]  }
0x11a: {  	v49 =	vld [tilespmem:$0x45C0]  }
0x11b: {  	v50 =	vld [tilespmem:$0x4DC0]  }
0x11c: {  	v51 =	vld [tilespmem:$0x45D0]  }
0x11d: {  	v52 =	vld [tilespmem:$0x4DD0]  }
0x11e: {  	v53 =	vld [tilespmem:$0x45E0]  }
0x11f: {  	v54 =	vld [tilespmem:$0x4DE0]  }
0x120: {  	v55 =	vld [tilespmem:$0x45F0]  }
0x121: {  	v56 =	vld [tilespmem:$0x4DF0]  }
0x122: {  	v57 =	vld [tilespmem:$0x4600]  }
0x123: {  	v58 =	vld [tilespmem:$0x4E00]  }
0x124: {  	v59 =	vld [tilespmem:$0x4610]  }
0x125: {  	v60 =	vld [tilespmem:$0x4E10]  }
0x126: {  	v61 =	vld [tilespmem:$0x4620]  }
0x127: {  	v62 =	vld [tilespmem:$0x4E20]  }
0x128: {  	v63 =	vld [tilespmem:$0x4630]  }
0x129: {  	v9 =	vld [tilespmem:$0x4E30]  }
0x12a: {  	v0 =	vld [tilespmem:$0x4640]  }
0x12b: {  	v13 =	vld [tilespmem:$0x4E40]  }
0x12c: {  	v12 =	vld [tilespmem:$0x4650]  }
0x12d: {  	v8 =	vld [tilespmem:$0x4E50]  }
0x12e: {  	v6 =	vld [tilespmem:$0x4E60]  }
0x12f: {  	v7 =	vld [tilespmem:$0x4E70]  }
0x130: {  	v3 =	vld [tilespmem:$0x4680]  }
0x131: {  	v2 =	vld [tilespmem:$0x4690]  }
0x132: {  	[tilespmem:$0x1FFB0] =	vst v8;
	v8 =	vld [tilespmem:$0x4660]  }
0x133: {  	[tilespmem:$0x1FFC0] =	vst v6;
	v6 =	vld [tilespmem:$0x4670]  }
0x134: {  	[tilespmem:$0x1FFD0] =	vst v7;
	v7 =	vld [tilespmem:$0x4E80]  }
0x135: {  	vm0 =	veq.s32 v1, v4;
	v4 =	vld [tilespmem:$0x4EA0]  }
0x136: {  	vm14 =	veq.s32 v11, v14;
	v14 =	vld [tilespmem:$0x4EC0]  }
0x137: {  	vm1 =	veq.s32 v5, v10;
	vm4 =	veq.s32 v17, v18;
	v10 =	vnsel vm0, $0x4000, v1;
	v1 =	vld [tilespmem:$0x46B0]  }
0x138: {  	vm5 =	veq.s32 v19, v20;
	v18 =	vnsel vm4, $0x4000, v17;
	v17 =	vld [tilespmem:$0x46E0]  }
0x139: {  	vm6 =	veq.s32 v21, v22;
	v20 =	vnsel vm5, $0x4000, v19;
	v19 =	vld [tilespmem:$0x46F0]  }
0x13a: {  	vm7 =	veq.s32 v23, v24;
	v22 =	vnsel vm6, $0x4000, v21;
	v21 =	vld [tilespmem:$0x4700]  }
0x13b: {  	vm15 =	veq.s32 v15, v16;
	vm8 =	veq.s32 v25, v26;
	v24 =	vnsel vm7, $0x4000, v23;
	v23 =	vld [tilespmem:$0x4710]  }
0x13c: {  	vm9 =	veq.s32 v27, v28;
	v5 =	vnsel vm1, $0x4000, v5;
	v26 =	vnsel vm8, $0x4000, v25;
	v25 =	vld [tilespmem:$0x4720];
	[tilespmem:$0x4880] =	vst v10  }
0x13d: {  	vm10 =	veq.s32 v29, v30;
	v11 =	vnsel vm14, $0x4000, v11;
	v28 =	vnsel vm9, $0x4000, v27;
	v27 =	vld [tilespmem:$0x4730];
	[tilespmem:$0x4890] =	vst v5  }
0x13e: {  	vm11 =	veq.s32 v31, v32;
	v16 =	vnsel vm15, $0x4000, v15;
	v30 =	vnsel vm10, $0x4000, v29;
	v29 =	vld [tilespmem:$0x4740];
	[tilespmem:$0x48A0] =	vst v11  }
0x13f: {  	vm12 =	veq.s32 v33, v34;
	v32 =	vnsel vm11, $0x4000, v31;
	v31 =	vld [tilespmem:$0x4750];
	[tilespmem:$0x48B0] =	vst v16  }
0x140: {  	vm13 =	veq.s32 v35, v36;
	v34 =	vnsel vm12, $0x4000, v33;
	v33 =	vld [tilespmem:$0x4760];
	[tilespmem:$0x48C0] =	vst v18  }
0x141: {  	v36 =	vnsel vm13, $0x4000, v35;
	v35 =	vld [tilespmem:$0x4770];
	[tilespmem:$0x48D0] =	vst v20  }
0x142: {  	v15 =	vld [tilespmem:$0x4790];
	[tilespmem:$0x48E0] =	vst v22  }
0x143: {  	v10 =	vld [tilespmem:$0x4EB0];
	[tilespmem:$0x48F0] =	vst v24  }
0x144: {  	v5 =	vld [tilespmem:$0x46C0];
	[tilespmem:$0x4900] =	vst v26  }
0x145: {  	v11 =	vld [tilespmem:$0x46D0];
	[tilespmem:$0x4910] =	vst v28  }
0x146: {  	v16 =	vld [tilespmem:$0x4ED0];
	[tilespmem:$0x4920] =	vst v30  }
0x147: {  	v18 =	vld [tilespmem:$0x4EE0];
	[tilespmem:$0x4930] =	vst v32  }
0x148: {  	vm14 =	veq.s32 v37, v38;
	v20 =	vld [tilespmem:$0x4EF0];
	[tilespmem:$0x4940] =	vst v34  }
0x149: {  	vm15 =	veq.s32 v39, v40;
	v22 =	vld [tilespmem:$0x4F00];
	[tilespmem:$0x4950] =	vst v36;
	v38 =	vnsel vm14, $0x4000, v37  }
0x14a: {  	vm4 =	veq.s32 v41, v42;
	v24 =	vld [tilespmem:$0x4F10];
	v40 =	vnsel vm15, $0x4000, v39;
	[tilespmem:$0x4960] =	vst v38  }
0x14b: {  	vm5 =	veq.s32 v43, v44;
	v26 =	vld [tilespmem:$0x4F20];
	v42 =	vnsel vm4, $0x4000, v41;
	[tilespmem:$0x4970] =	vst v40  }
0x14c: {  	vm6 =	veq.s32 v45, v46;
	v44 =	vnsel vm5, $0x4000, v43;
	v28 =	vld [tilespmem:$0x4F30];
	[tilespmem:$0x4980] =	vst v42  }
0x14d: {  	vm7 =	veq.s32 v47, v48;
	v46 =	vnsel vm6, $0x4000, v45;
	v30 =	vld [tilespmem:$0x4F40];
	[tilespmem:$0x4990] =	vst v44  }
0x14e: {  	vm8 =	veq.s32 v49, v50;
	v48 =	vnsel vm7, $0x4000, v47;
	v32 =	vld [tilespmem:$0x4F50];
	[tilespmem:$0x49A0] =	vst v46  }
0x14f: {  	vm9 =	veq.s32 v51, v52;
	v50 =	vnsel vm8, $0x4000, v49;
	v34 =	vld [tilespmem:$0x4F60];
	[tilespmem:$0x49B0] =	vst v48  }
0x150: {  	vm10 =	veq.s32 v53, v54;
	v52 =	vnsel vm9, $0x4000, v51;
	v36 =	vld [tilespmem:$0x4F70];
	[tilespmem:$0x49C0] =	vst v50  }
0x151: {  	vm11 =	veq.s32 v55, v56;
	v54 =	vnsel vm10, $0x4000, v53;
	vm15 =	veq.s32 v63, v9;
	v9 =	vld [tilespmem:$0x4780];
	[tilespmem:$0x49D0] =	vst v52  }
0x152: {  	vm12 =	veq.s32 v57, v58;
	v56 =	vnsel vm11, $0x4000, v55;
	vm4 =	veq.s32 v0, v13;
	v13 =	vld [tilespmem:$0x4F80];
	[tilespmem:$0x49E0] =	vst v54  }
0x153: {  	vm13 =	veq.s32 v59, v60;
	v58 =	vnsel vm12, $0x4000, v57;
	v41 =	vld [tilespmem:$0x1FFD0];
	[tilespmem:$0x49F0] =	vst v56  }
0x154: {  	v60 =	vnsel vm13, $0x4000, v59;
	vm14 =	veq.s32 v61, v62;
	v39 =	vld [tilespmem:$0x4F90];
	[tilespmem:$0x4A00] =	vst v58  }
0x155: {  	v47 =	vld [tilespmem:$0x47B0];
	[tilespmem:$0x4A10] =	vst v60;
	v61 =	vnsel vm14, $0x4000, v61  }
0x156: {  	v49 =	vld [tilespmem:$0x4FB0];
	v62 =	vnsel vm15, $0x4000, v63;
	[tilespmem:$0x4A20] =	vst v61  }
0x157: {  	v51 =	vld [tilespmem:$0x47C0];
	v0 =	vnsel vm4, $0x4000, v0;
	[tilespmem:$0x4A30] =	vst v62  }
0x158: {  	v53 =	vld [tilespmem:$0x4FC0];
	[tilespmem:$0x4A40] =	vst v0;
	vm7 =	veq.s32 v6, v41  }
0x159: {  	v55 =	vld [tilespmem:$0x47D0];
	[tilespmem:$0x1FFE0] =	vst v7;
	vm11 =	veq.s32 v1, v10;
	v42 =	vnsel vm7, $0x4000, v6  }
0x15a: {  	v63 =	vld [tilespmem:$0x1FFB0];
	vm12 =	veq.s32 v5, v14;
	v52 =	vnsel vm11, $0x4000, v1;
	[tilespmem:$0x4A70] =	vst v42  }
0x15b: {  	v38 =	vld [tilespmem:$0x1FFC0];
	vm13 =	veq.s32 v11, v16;
	v54 =	vnsel vm12, $0x4000, v5;
	[tilespmem:$0x4AB0] =	vst v52  }
0x15c: {  	v7 =	vld [tilespmem:$0x4E90];
	vm14 =	veq.s32 v17, v18;
	v56 =	vnsel vm13, $0x4000, v11;
	[tilespmem:$0x4AC0] =	vst v54  }
0x15d: {  	v57 =	vld [tilespmem:$0x4FD0];
	vm15 =	veq.s32 v19, v20;
	v58 =	vnsel vm14, $0x4000, v17;
	[tilespmem:$0x4AD0] =	vst v56  }
0x15e: {  	v59 =	vld [tilespmem:$0x47E0];
	vm4 =	veq.s32 v21, v22;
	v60 =	vnsel vm15, $0x4000, v19;
	[tilespmem:$0x4AE0] =	vst v58  }
0x15f: {  	v44 =	vld [tilespmem:$0x4FA0];
	v62 =	vnsel vm4, $0x4000, v21;
	[tilespmem:$0x4AF0] =	vst v60  }
0x160: {  	v61 =	vld [tilespmem:$0x4FE0];
	vm5 =	veq.s32 v12, v63;
	[tilespmem:$0x4B00] =	vst v62  }
0x161: {  	v43 =	vld [tilespmem:$0x1FFE0];
	vm6 =	veq.s32 v8, v38;
	v37 =	vnsel vm5, $0x4000, v12;
	[tilespmem:$0x1FFF0] =	vst v7  }
0x162: {  	v41 =	vld [tilespmem:$0x5030];
	vm7 =	veq.s32 v27, v28;
	v40 =	vnsel vm6, $0x4000, v8;
	[tilespmem:$0x4A50] =	vst v37  }
0x163: {  	v63 =	vld [tilespmem:$0x47F0];
	vm11 =	veq.s32 v35, v36;
	v27 =	vnsel vm7, $0x4000, v27;
	[tilespmem:$0x4A60] =	vst v40  }
0x164: {  	v28 =	vld [tilespmem:$0x5000];
	vm12 =	veq.s32 v9, v13;
	v36 =	vnsel vm11, $0x4000, v35;
	[tilespmem:$0x4B30] =	vst v27  }
0x165: {  	vm13 =	veq.s32 v15, v39;
	v39 =	vld [tilespmem:$0x4830];
	vm5 =	veq.s32 v23, v24;
	v38 =	vnsel vm12, $0x4000, v9;
	[tilespmem:$0x4B70] =	vst v36  }
0x166: {  	v8 =	vld [tilespmem:$0x47A0];
	vm6 =	veq.s32 v25, v26;
	v23 =	vnsel vm5, $0x4000, v23;
	[tilespmem:$0x4B80] =	vst v38  }
0x167: {  	v24 =	vld [tilespmem:$0x4FF0];
	v25 =	vnsel vm6, $0x4000, v25;
	[tilespmem:$0x4B10] =	vst v23  }
0x168: {  	v26 =	vld [tilespmem:$0x4800];
	v40 =	vnsel vm13, $0x4000, v15;
	vm8 =	veq.s32 v3, v43;
	[tilespmem:$0x4B20] =	vst v25  }
0x169: {  	v7 =	vld [tilespmem:$0x46A0];
	[tilespmem:$0x4B90] =	vst v40;
	v45 =	vnsel vm8, $0x4000, v3;
	vm8 =	veq.s32 v29, v30  }
0x16a: {  	vm15 =	veq.s32 v47, v49;
	v49 =	vld [tilespmem:$0x5050];
	[tilespmem:$0x4A80] =	vst v45;
	v29 =	vnsel vm8, $0x4000, v29  }
0x16b: {  	v46 =	vld [tilespmem:$0x1FFF0];
	[tilespmem:$0x4B40] =	vst v29;
	vm14 =	veq.s32 v8, v44;
	v44 =	vnsel vm15, $0x4000, v47  }
0x16c: {  	vm4 =	veq.s32 v51, v53;
	v53 =	vld [tilespmem:$0x5060];
	vm7 =	veq.s32 v63, v24;
	v42 =	vnsel vm14, $0x4000, v8;
	[tilespmem:$0x4BB0] =	vst v44  }
0x16d: {  	v37 =	vld [tilespmem:$0x5020];
	vm8 =	veq.s32 v26, v28;
	v52 =	vnsel vm7, $0x4000, v63;
	[tilespmem:$0x4BA0] =	vst v42  }
0x16e: {  	vm5 =	veq.s32 v55, v57;
	v57 =	vld [tilespmem:$0x5070];
	vm10 =	veq.s32 v7, v4;
	v54 =	vnsel vm8, $0x4000, v26;
	[tilespmem:$0x4BF0] =	vst v52  }
0x16f: {  	v43 =	vld [tilespmem:$0x4840];
	v50 =	vnsel vm10, $0x4000, v7;
	[tilespmem:$0x4C00] =	vst v54  }
0x170: {  	v30 =	vld [tilespmem:$0x4810];
	vm9 =	veq.s32 v2, v46;
	v46 =	vnsel vm4, $0x4000, v51;
	[tilespmem:$0x4AA0] =	vst v50  }
0x171: {  	v45 =	vld [tilespmem:$0x5040];
	vm10 =	veq.s32 v33, v34;
	v48 =	vnsel vm9, $0x4000, v2;
	[tilespmem:$0x4BC0] =	vst v46  }
0x172: {  	vm6 =	veq.s32 v59, v61;
	v47 =	vld [tilespmem:$0x4850];
	v33 =	vnsel vm10, $0x4000, v33;
	[tilespmem:$0x4A90] =	vst v48  }
0x173: {  	vm11 =	veq.s32 v39, v41;
	v34 =	vld [tilespmem:$0x4820];
	v50 =	vnsel vm6, $0x4000, v59;
	[tilespmem:$0x4B60] =	vst v33  }
0x174: {  	v51 =	vld [tilespmem:$0x4860];
	vm9 =	veq.s32 v31, v32;
	v59 =	vnsel vm11, $0x4000, v39;
	[tilespmem:$0x4BE0] =	vst v50  }
0x175: {  	v32 =	vld [tilespmem:$0x5010];
	v31 =	vnsel vm9, $0x4000, v31;
	[tilespmem:$0x4C30] =	vst v59  }
0x176: {  	v48 =	vnsel vm5, $0x4000, v55;
	v55 =	vld [tilespmem:$0x4870];
	vm12 =	veq.s32 v43, v45;
	[tilespmem:$0x4B50] =	vst v31  }
0x177: {  	[tilespmem:$0x4BD0] =	vst v48;
	v60 =	vnsel vm12, $0x4000, v43;
	vm13 =	veq.s32 v47, v49  }
0x178: {  	[tilespmem:$0x4C40] =	vst v60;
	v61 =	vnsel vm13, $0x4000, v47;
	vm10 =	veq.s32 v34, v37  }
0x179: {  	vm14 =	veq.s32 v51, v53;
	[tilespmem:$0x4C50] =	vst v61;
	v58 =	vnsel vm10, $0x4000, v34  }
0x17a: {  	vm9 =	veq.s32 v30, v32;
	v62 =	vnsel vm14, $0x4000, v51;
	[tilespmem:$0x4C20] =	vst v58  }
0x17b: {  	v56 =	vnsel vm9, $0x4000, v30;
	vm15 =	veq.s32 v55, v57;
	[tilespmem:$0x4C60] =	vst v62  }
0x17c: {  	[tilespmem:$0x4C10] =	vst v56;
	v63 =	vnsel vm15, $0x4000, v55  }
0x17d: {  	[tilespmem:$0x4C70] =	vst v63  }
0x17e: {  	[spmem:s2] =	stream.indirect.scatter.add.f32 [tilespmem:s11], [sflag:$0x1], $0x10, s22, s12, $0xb8;
	[tilespmem:$0x11080] =	vst v63  }
0x17f: {  	s31 =	simm.s32 $0x5880  }
0x180: {  	[spmem:s2] =	stream.indirect.scatter.add.f32 [tilespmem:s31], [sflag:$0x1], $0x10, s23, s12, $0xb8;
	[tilespmem:$0x11080] =	vst v63  }
0x181: {  	s31 =	simm.s32 $0x6080  }
0x182: {  	[spmem:s2] =	stream.indirect.scatter.add.f32 [tilespmem:s31], [sflag:$0x1], $0x10, s24, s12, $0xb8;
	[tilespmem:$0x11080] =	vst v63  }
0x183: {  	s31 =	simm.s32 $0x6880  }
0x184: {  	[spmem:s2] =	stream.indirect.scatter.add.f32 [tilespmem:s31], [sflag:$0x1], $0x10, s25, s12, $0xb8;
	[tilespmem:$0x11080] =	vst v63  }
0x185: {  	s31 =	simm.s32 $0x7080  }
0x186: {  	[spmem:s2] =	stream.indirect.scatter.add.f32 [tilespmem:s31], [sflag:$0x1], $0x10, s26, s12, $0xb8;
	[tilespmem:$0x11080] =	vst v63  }
0x187: {  	s31 =	simm.s32 $0x7880  }
0x188: {  	[spmem:s2] =	stream.indirect.scatter.add.f32 [tilespmem:s31], [sflag:$0x1], $0x10, s28, s12, $0xb8;
	[tilespmem:$0x11080] =	vst v63  }
0x189: {  	s31 =	simm.s32 $0x8080  }
0x18a: {  	[spmem:s2] =	stream.indirect.scatter.add.f32 [tilespmem:s31], [sflag:$0x1], $0x10, s29, s12, $0xb8;
	[tilespmem:$0x11080] =	vst v63  }
0x18b: {  	s31 =	simm.s32 $0x8880  }
0x18c: {  	[spmem:s2] =	stream.indirect.scatter.add.f32 [tilespmem:s31], [sflag:$0x1], $0x10, s30, s12, $0xb8;
	[tilespmem:$0x11080] =	vst v63  }
0x18d: {  	s31 =	simm.s32 $0x4880  }
0x18e: {  	[spmem:s2] =	stream.indirect.scatter.add.f32 [tilespmem:s14], [sflag:$0x1], $0x10, s31, s12, $0xb8;
	[tilespmem:$0x11080] =	vst v63  }
0x18f: {  	s14 =	simm.s32 $0x4900  }
0x190: {  	[spmem:s2] =	stream.indirect.scatter.add.f32 [tilespmem:s15], [sflag:$0x1], $0x10, s14, s12, $0xb8;
	[tilespmem:$0x11080] =	vst v63  }
0x191: {  	s15 =	simm.s32 $0x4980  }
0x192: {  	[spmem:s2] =	stream.indirect.scatter.add.f32 [tilespmem:s16], [sflag:$0x1], $0x10, s15, s12, $0xb8;
	[tilespmem:$0x11080] =	vst v63  }
0x193: {  	s16 =	simm.s32 $0x4A00  }
0x194: {  	[spmem:s2] =	stream.indirect.scatter.add.f32 [tilespmem:s17], [sflag:$0x1], $0x10, s16, s12, $0xb8;
	[tilespmem:$0x11080] =	vst v63  }
0x195: {  	s17 =	simm.s32 $0x4A80  }
0x196: {  	[spmem:s2] =	stream.indirect.scatter.add.f32 [tilespmem:s18], [sflag:$0x1], $0x10, s17, s12, $0xb8;
	[tilespmem:$0x11080] =	vst v63  }
0x197: {  	s18 =	simm.s32 $0x4B00  }
0x198: {  	[spmem:s2] =	stream.indirect.scatter.add.f32 [tilespmem:s19], [sflag:$0x1], $0x10, s18, s12, $0xb8;
	[tilespmem:$0x11080] =	vst v63  }
0x199: {  	s19 =	simm.s32 $0x4B80  }
0x19a: {  	[spmem:s2] =	stream.indirect.scatter.add.f32 [tilespmem:s20], [sflag:$0x1], $0x10, s19, s12, $0xb8;
	[tilespmem:$0x11080] =	vst v63  }
0x19b: {  	s20 =	simm.s32 $0x4C00  }
0x19c: {  	[spmem:s2] =	stream.indirect.scatter.add.f32 [tilespmem:s21], [sflag:$0x1], $0x10, s20, s12, $0xb8;
	[tilespmem:$0x11080] =	vst v63  }
0x19d: {  	_ =	swait.ge [sflag:s13], $0x800  }
0x19e: {  	[sflag:s13] =	ssyncset.done $0x0  }
0x19f: {  	[sflag:s13] =	ssyncadd.s32 $0xFFFFF800  }
0x1a0: {  	_ =	swait.ge [sflag:s13], $0x800  }
0x1a1: {  	[sflag:s13] =	ssyncset.done $0x0  }
0x1a2: {  	[sflag:s13] =	ssyncadd.s32 $0xFFFFF800  }
0x1a3: {  	_ =	swait.ge [sflag:s13], $0x800  }
0x1a4: {  	[sflag:s13] =	ssyncset.done $0x0  }
0x1a5: {  	[sflag:s13] =	ssyncadd.s32 $0xFFFFF800  }
0x1a6: {  	_ =	swait.ge [sflag:s13], $0x800  }
0x1a7: {  	[sflag:s13] =	ssyncset.done $0x0  }
0x1a8: {  	[sflag:s13] =	ssyncadd.s32 $0xFFFFF800  }
0x1a9: {  	_ =	swait.ge [sflag:s13], $0x800  }
0x1aa: {  	[sflag:s13] =	ssyncset.done $0x0  }
0x1ab: {  	[sflag:s13] =	ssyncadd.s32 $0xFFFFF800  }
0x1ac: {  	_ =	swait.ge [sflag:s13], $0x800  }
0x1ad: {  	[sflag:s13] =	ssyncset.done $0x0  }
0x1ae: {  	[sflag:s13] =	ssyncadd.s32 $0xFFFFF800  }
0x1af: {  	_ =	swait.ge [sflag:s13], $0x800  }
0x1b0: {  	[sflag:s13] =	ssyncset.done $0x0  }
0x1b1: {  	[sflag:s13] =	ssyncadd.s32 $0xFFFFF800  }
0x1b2: {  	_ =	swait.ge [sflag:s13], $0x800  }
0x1b3: {  	[sflag:s13] =	ssyncset.done $0x0  }
0x1b4: {  	[sflag:s13] =	ssyncadd.s32 $0xFFFFF800  }
0x1b5: {  	_ =	swait.ge [sflag:s13], $0x800  }
0x1b6: {  	[sflag:s13] =	ssyncset.done $0x0  }
0x1b7: {  	[sflag:s13] =	ssyncadd.s32 $0xFFFFF800  }
0x1b8: {  	_ =	swait.ge [sflag:s13], $0x800  }
0x1b9: {  	[sflag:s13] =	ssyncset.done $0x0  }
0x1ba: {  	[sflag:s13] =	ssyncadd.s32 $0xFFFFF800  }
0x1bb: {  	_ =	swait.ge [sflag:s13], $0x800  }
0x1bc: {  	[sflag:s13] =	ssyncset.done $0x0  }
0x1bd: {  	[sflag:s13] =	ssyncadd.s32 $0xFFFFF800  }
0x1be: {  	_ =	swait.ge [sflag:s13], $0x800  }
0x1bf: {  	[sflag:s13] =	ssyncset.done $0x0  }
0x1c0: {  	[sflag:s13] =	ssyncadd.s32 $0xFFFFF800  }
0x1c1: {  	_ =	swait.ge [sflag:s13], $0x800  }
0x1c2: {  	[sflag:s13] =	ssyncset.done $0x0  }
0x1c3: {  	[sflag:s13] =	ssyncadd.s32 $0xFFFFF800  }
0x1c4: {  	_ =	swait.ge [sflag:s13], $0x800  }
0x1c5: {  	[sflag:s13] =	ssyncset.done $0x0  }
0x1c6: {  	[sflag:s13] =	ssyncadd.s32 $0xFFFFF800  }
0x1c7: {  	_ =	swait.ge [sflag:s13], $0x800  }
0x1c8: {  	[sflag:s13] =	ssyncset.done $0x0  }
0x1c9: {  	[sflag:s13] =	ssyncadd.s32 $0xFFFFF800  }
0x1ca: {  	_ =	swait.ge [sflag:s13], $0x800  }
0x1cb: {  	[sflag:s13] =	ssyncset.done $0x0  }
0x1cc: {  	[sflag:s13] =	ssyncadd.s32 $0xFFFFF800  }
0x1cd: {  	s21 =	simm.s32 $0xD080;
	[bflag:$0x0] =	sbarrier.arrive $0xFFFF  }
0x1ce: {  	[tilespmem:s21], [sflag:$0x1] =	stream.indirect.gather [spmem:s2], $0x10, s22, s12, $0xb8;
	[tilespmem:$0x11080] =	vst v63  }
0x1cf: {  	s22 =	simm.s32 $0xD880  }
0x1d0: {  	[tilespmem:s22], [sflag:$0x1] =	stream.indirect.gather [spmem:s2], $0x10, s23, s12, $0xb8;
	[tilespmem:$0x11080] =	vst v63  }
0x1d1: {  	s23 =	simm.s32 $0xE080  }
0x1d2: {  	[tilespmem:s23], [sflag:$0x1] =	stream.indirect.gather [spmem:s2], $0x10, s24, s12, $0xb8;
	[tilespmem:$0x11080] =	vst v63  }
0x1d3: {  	s24 =	simm.s32 $0xE880  }
0x1d4: {  	[tilespmem:s24], [sflag:$0x1] =	stream.indirect.gather [spmem:s2], $0x10, s25, s12, $0xb8;
	[tilespmem:$0x11080] =	vst v63  }
0x1d5: {  	s25 =	simm.s32 $0xF080  }
0x1d6: {  	[tilespmem:s25], [sflag:$0x1] =	stream.indirect.gather [spmem:s2], $0x10, s26, s12, $0xb8;
	[tilespmem:$0x11080] =	vst v63  }
0x1d7: {  	s26 =	simm.s32 $0xF880  }
0x1d8: {  	[tilespmem:s26], [sflag:$0x1] =	stream.indirect.gather [spmem:s2], $0x10, s28, s12, $0xb8;
	[tilespmem:$0x11080] =	vst v63  }
0x1d9: {  	s28 =	simm.s32 $0x10080  }
0x1da: {  	[tilespmem:s28], [sflag:$0x1] =	stream.indirect.gather [spmem:s2], $0x10, s29, s12, $0xb8;
	[tilespmem:$0x11080] =	vst v63  }
0x1db: {  	s29 =	simm.s32 $0x10880  }
0x1dc: {  	[tilespmem:s29], [sflag:$0x1] =	stream.indirect.gather [spmem:s2], $0x10, s30, s12, $0xb8;
	[tilespmem:$0x11080] =	vst v63  }
0x1dd: {  	_ =	swait.ge [sflag:s13], $0x800  }
0x1de: {  	[sflag:s13] =	ssyncset.done $0x0  }
0x1df: {  	[sflag:s13] =	ssyncadd.s32 $0xFFFFF800  }
0x1e0: {  	_ =	swait.ge [sflag:s13], $0x800  }
0x1e1: {  	[sflag:s13] =	ssyncset.done $0x0  }
0x1e2: {  	[sflag:s13] =	ssyncadd.s32 $0xFFFFF800  }
0x1e3: {  	_ =	swait.ge [sflag:s13], $0x800  }
0x1e4: {  	[sflag:s13] =	ssyncset.done $0x0  }
0x1e5: {  	[sflag:s13] =	ssyncadd.s32 $0xFFFFF800  }
0x1e6: {  	_ =	swait.ge [sflag:s13], $0x800  }
0x1e7: {  	[sflag:s13] =	ssyncset.done $0x0  }
0x1e8: {  	[sflag:s13] =	ssyncadd.s32 $0xFFFFF800  }
0x1e9: {  	_ =	swait.ge [sflag:s13], $0x800  }
0x1ea: {  	[sflag:s13] =	ssyncset.done $0x0  }
0x1eb: {  	[sflag:s13] =	ssyncadd.s32 $0xFFFFF800  }
0x1ec: {  	_ =	swait.ge [sflag:s13], $0x800  }
0x1ed: {  	[sflag:s13] =	ssyncset.done $0x0  }
0x1ee: {  	[sflag:s13] =	ssyncadd.s32 $0xFFFFF800  }
0x1ef: {  	_ =	swait.ge [sflag:s13], $0x800  }
0x1f0: {  	[sflag:s13] =	ssyncset.done $0x0  }
0x1f1: {  	[sflag:s13] =	ssyncadd.s32 $0xFFFFF800  }
0x1f2: {  	_ =	swait.ge [sflag:s13], $0x800  }
0x1f3: {  	[sflag:s13] =	ssyncset.done $0x0  }
0x1f4: {  	s31 =	simm.s32 $0x2;
	[sflag:s13] =	ssyncadd.s32 $0xFFFFF800  }
0x1f5: {  	_ =	swait.ge [sflag:s31], $0xF420  }
0x1f6: {  	[sflag:s31] =	ssyncset.done $0x0  }
0x1f7: {  	[sflag:s31] =	ssyncadd.s32 $0xFFFF0BE0  }
0x1f8: {  	_ =	swait.ge [sflag:s31], $0xF420  }
0x1f9: {  	[sflag:s31] =	ssyncset.done $0x0  }
0x1fa: {  	[sflag:s31] =	ssyncadd.s32 $0xFFFF0BE0  }
0x1fb: {  	[bflag:$0x0] =	sbarrier.arrive $0xFFFF  }
0x1fc: {  	[hbm4b:s1+s12] =	stream.indirect.scatter [tilespmem:s21], [sflag:$0x1], $0x10, s3, s12, $0xb8;
	[tilespmem:$0x11080] =	vst v63  }
0x1fd: {  	_ = 	snop  }
0x1fe: {  	[hbm4b:s1+s12] =	stream.indirect.scatter [tilespmem:s22], [sflag:$0x1], $0x10, s4, s12, $0xb8;
	[tilespmem:$0x11080] =	vst v63  }
0x1ff: {  	_ = 	snop  }
0x200: {  	[hbm4b:s1+s12] =	stream.indirect.scatter [tilespmem:s23], [sflag:$0x1], $0x10, s5, s12, $0xb8;
	[tilespmem:$0x11080] =	vst v63  }
0x201: {  	_ = 	snop  }
0x202: {  	[hbm4b:s1+s12] =	stream.indirect.scatter [tilespmem:s24], [sflag:$0x1], $0x10, s6, s12, $0xb8;
	[tilespmem:$0x11080] =	vst v63  }
0x203: {  	_ = 	snop  }
0x204: {  	[hbm4b:s1+s12] =	stream.indirect.scatter [tilespmem:s25], [sflag:$0x1], $0x10, s7, s12, $0xb8;
	[tilespmem:$0x11080] =	vst v63  }
0x205: {  	_ = 	snop  }
0x206: {  	[hbm4b:s1+s12] =	stream.indirect.scatter [tilespmem:s26], [sflag:$0x1], $0x10, s8, s12, $0xb8;
	[tilespmem:$0x11080] =	vst v63  }
0x207: {  	_ = 	snop  }
0x208: {  	[hbm4b:s1+s12] =	stream.indirect.scatter [tilespmem:s28], [sflag:$0x1], $0x10, s9, s12, $0xb8;
	[tilespmem:$0x11080] =	vst v63  }
0x209: {  	_ = 	snop  }
0x20a: {  	[hbm4b:s1+s12] =	stream.indirect.scatter [tilespmem:s29], [sflag:$0x1], $0x10, s10, s12, $0xb8;
	[tilespmem:$0x11080] =	vst v63  }
0x20b: {  	_ =	swait.ge [sflag:s13], $0x800  }
0x20c: {  	[sflag:s13] =	ssyncset.done $0x0  }
0x20d: {  	[sflag:s13] =	ssyncadd.s32 $0xFFFFF800  }
0x20e: {  	_ =	swait.ge [sflag:s13], $0x800  }
0x20f: {  	[sflag:s13] =	ssyncset.done $0x0  }
0x210: {  	[sflag:s13] =	ssyncadd.s32 $0xFFFFF800  }
0x211: {  	_ =	swait.ge [sflag:s13], $0x800  }
0x212: {  	[sflag:s13] =	ssyncset.done $0x0  }
0x213: {  	[sflag:s13] =	ssyncadd.s32 $0xFFFFF800  }
0x214: {  	_ =	swait.ge [sflag:s13], $0x800  }
0x215: {  	[sflag:s13] =	ssyncset.done $0x0  }
0x216: {  	[sflag:s13] =	ssyncadd.s32 $0xFFFFF800  }
0x217: {  	_ =	swait.ge [sflag:s13], $0x800  }
0x218: {  	[sflag:s13] =	ssyncset.done $0x0  }
0x219: {  	[sflag:s13] =	ssyncadd.s32 $0xFFFFF800  }
0x21a: {  	_ =	swait.ge [sflag:s13], $0x800  }
0x21b: {  	[sflag:s13] =	ssyncset.done $0x0  }
0x21c: {  	[sflag:s13] =	ssyncadd.s32 $0xFFFFF800  }
0x21d: {  	_ =	swait.ge [sflag:s13], $0x800  }
0x21e: {  	[sflag:s13] =	ssyncset.done $0x0  }
0x21f: {  	[sflag:s13] =	ssyncadd.s32 $0xFFFFF800  }
0x220: {  	_ =	swait.ge [sflag:s13], $0x800  }
0x221: {  	[sflag:s13] =	ssyncset.done $0x0  }
0x222: {  	[sflag:s13] =	ssyncadd.s32 $0xFFFFF800  }
0x223: {  	_ =	sfence.sel $0x180000  }
0x224: {  	[bflag:$0x0] =	sbarrier.arrive $0xFFFF  }
0x225: {  	_ =	strace $0x90000047  }
0x226: {  	s0 =	sadd.s32 @!p0 $0x100000, s0;
	[bflag:$0x2] =	sbarrier.arrive $0xFFFF  }
0x227: {  	[sflag:s0] =	ssyncadd.tile.s32 @!p0 $0x1;
	_ =	shalt  }
.Lfunc_end2:
_tile_overlayer_lowered:
.L_overlay_start_2:
0x228: {  	(tag) =	ssettag $0x2  }
0x229: {  	s0 =	rddreg [dreg:$0x0];
	s2 =	stileid.u32  }
0x22a: {  	s1 =	rddreg [dreg:$0x1];
	p0 =	sne.s32 s2, $0x0  }
0x22b: {  	s3 =	rddreg [dreg:$0x2];
	[bflag:$0x3] =	sbarrier.arrive $0xFFFF;
	s2 =	simm.s32 @!p0 $0x1C03  }
0x22c: {  	[timem:s3], [sflag:s2] =	dma.local @!p0 [hbm:s0], s1  }
0x22d: {  	s0 =	simm.s32 @!p0 $0x3  }
0x22e: {  	_ =	swait.ge @!p0 [sflag:s0], s1  }
0x22f: {  	s1 =	ssub.s32 @!p0 $0x0, s1;
	[sflag:s0] =	ssyncset.done @!p0 $0x0  }
0x230: {  	[sflag:s0] =	ssyncadd.s32 @!p0 s1  }
0x231: {  	[bflag:$0x3] =	sbarrier.arrive $0xFFFF  }
0x232: {  	_ =	shalt  }

// kernel: sparse-core-data-format-call.cloned.1.call-start
scs
called_computation_lowered:
.L_overlay_start_0:
0x0: {  	s2 =	sld [smem:$0x3FD9]  }
0x1: {  	s3 =	sld [smem:$0x3FFE];
	_ =	sdelay $0x1  }
0x2: {  	s1 =	srdreg.scid  }
0x3: {  	s0 =	sand.u32 $0x1, s1  }
0x4: {  	s18 =	sshll.u32 s0, $0xA;
	s2 =	sadd.s32 s3, s2  }
0x5: {  	s2 =	sadd.s32 s2, s18  }
0x6: {  	[smem:$0x3FC5] =	sst s2  }
0x7: {  	_ = 	snop  }
0x8: {  	s2 =	sld [smem:$0x3FD0];
	(tm) =	ssettm $0x1  }
0x9: {  	s19 =	sld [smem:$0x3FFB];
	_ =	sdelay $0x3  }
0xa: {  	_ =	strace s19  }
0xb: {  	s3 =	sld [smem:$0x3FFC];
	_ =	sdelay $0x3  }
0xc: {  	_ =	strace s3  }
0xd: {  	s3 =	sld [smem:$0x3FFD];
	_ =	sdelay $0x3  }
0xe: {  	_ =	strace s3  }
0xf: {  	_ =	strace $0x8FFFFFFF  }
0x10: {  	s20 =	sld [smem:$0x3FDB];
	_ =	sdelay $0x1  }
0x11: {  	s4 =	simm.s32 $_scs_section_size  }
0x12: {  	s5 =	simm.s32 $_size__tile_overlayer_lowered;
	s6 =	simm.s32 $_tile_overlayer_lowered  }
0x13: {  	s23 =	simm.s32 $0x1BFF;
	s22 =	sshll.u32 s6, $0x1;
	s3 =	sadd.s32 s4, s20  }
0x14: {  	s7 =	simm.s32 $0x0;
	s21 =	sshll.u32 s5, $0x1;
	s5 =	sadd.s32 s22, s3  }
0x15: {  	[timem:s7], [sflag:s23] =	dma.local [hbm:s5], s21  }
0x16: {  	_ =	swait.ge [sflag:s23], s21  }
0x17: {  	s4 =	ssub.s32 $0x0, s21;
	[sflag:s23] =	ssyncset.done $0x0  }
0x18: {  	[sflag:s23] =	ssyncadd.s32 s4;
	_ =	sdelay $0x1  }
0x19: {  	s24 =	simm.s32 $0x1B8B  }
0x1a: {  	_ =	swait.ge [sflag:s24], $0x1  }
0x1b: {  	[sflag:s24] =	ssyncset.done $0x0  }
0x1c: {  	s26 =	simm.s32 $0x1B8E;
	s25 =	sld [smem:$0x3FFE];
	[sflag:s24] =	ssyncadd.s32 $0xFFFFFFFF  }
0x1d: {  	s27 =	simm.s32 $execute0_lowered;
	[smem:$0x3FD2] =	sst s26  }
0x1e: {  	s5 =	sshll.u32 s27, $0x1;
	_ =	strace $0x80000049;
	[dreg:$0x1] =	wrdreg $0xFFFFFFFF  }
0x1f: {  	s28 =	simm.s32 $_size_execute0_lowered;
	s3 =	sadd.s32 s3, s5;
	[dreg:$0x0] =	wrdreg $0x0  }
0x20: {  	s5 =	sshll.u32 s28, $0x1;
	[dreg:$0x2] =	wrdreg s3  }
0x21: {  	[dreg:$0x3] =	wrdreg s5  }
0x22: {  	[dreg:$0x4] =	wrdreg $0xC0  }
0x23: {  	_ =	task [dreg:s7], $0x5FFFF  }
0x24: {  	[dreg:$0x1] =	wrdreg $0xFFFFFFFF  }
0x25: {  	[dreg:$0x0] =	wrdreg $0x60  }
0x26: {  	[dreg:$0x2] =	wrdreg s25  }
0x27: {  	[dreg:$0x3] =	wrdreg s2  }
0x28: {  	[dreg:$0x4] =	wrdreg $0x9  }
0x29: {  	_ =	task.clear_ibuf [dreg:s7], $0x5FFFF;
	_ =	strace $0x90000049  }
0x2a: {  	s29 =	simm.s32 $0x9;
	_ =	strace $0x8000004B  }
0x2b: {  	_ =	swait.ge [sflag:s29], $0x1  }
0x2c: {  	[sflag:s29] =	ssyncadd.s32 $0xFFFFFFFF  }
0x2d: {  	_ =	strace $0x9000004B  }
0x2e: {  	_ =	sfence  }
0x2f: {  	s30 =	sld [smem:$0x0];
	_ =	sdelay $0x2  }
0x30: {  	s31 =	sshll.u32 s1, $0xD;
	s1 =	sshrl.u32 s1, $0x2  }
0x31: {  	s3 =	sand.u32 $0x4000, s31;
	s1 =	sadd.s32 s1, s30  }
0x32: {  	s0 =	sor.u32 s3, s0;
	s1 =	sshll.u32 s1, $0x11  }
0x33: {  	s0 =	sor.u32 s1, s0  }
0x34: {  	s0 =	sadd.s32 $0x8F2B, s0  }
0x35: {  	[sflag:s0] =	ssyncadd.remote.s32 $0x1  }
0x36: {  	_ =	sfence.sel $0xFFFF  }
0x37: {  	[dreg:$0x0] =	wrdreg $0xFFFFFFFF;
	(pc) =	sbr.abs _section_cstart, $3  }
0x38: {  	[dreg:$0x1] =	wrdreg $0xFFFFFFFF  }
0x39: {  	_ =	task.clear_ibuf [dreg:s7], $0x2FFFF;
	_ =	strace $0x9FFFFFFF  }
0x3a: {  	(tm) =	ssettm $0x7FFFFFFF  }
0x3b: {  	_ =	shalt  }
tec
execute0_lowered:
.L_overlay_start_1:
0x0: {  	(tag) =	ssettag $0x1  }
0x1: {  	s4 =	rddreg [dreg:$0x0]  }
0x2: {  	s0 =	srdreg.scid;
	s2 =	rddreg [dreg:$0x1]  }
0x3: {  	s1 =	stileid.u32;
	s5 =	simm.s32 $0x1;
	s0 =	sshll.u32 s0, $0x4  }
0x4: {  	s7 =	simm.s32 $0x2;
	s11 =	simm.s32 $0x0;
	s3 =	sand.u32 $0x10, s0  }
.Ltmp0:
0x5: {  	p0 =	por $0x0, $0x0;
	s3 =	sor.u32 s1, s3;
	(pc) =	sbr.rel .LBB1_1-.Ltmp0, $4  }
0x6: {  	s8 =	simm.s32 $0x7A1400;
	s10 =	simm.s32 $0x0;
	s3 =	sshll.u32 s3, $0x7  }
0x7: {  	s0 =	rddreg [dreg:$0x2];
	_ =	strace $0x8000004A;
	s6 =	ssub.s32 $0xF4200, s3  }
0x8: {  	s4 =	sadd.s32 $0x210600, s4;
	[sflag:s5] =	ssyncpa.u1 $0x0;
	s6 =	sshrl.u32 s6, $0xC  }
0x9: {  	[sflag:s7] =	ssyncpa.u1 $0x0;
	s9 =	smov.u32 s3;
	s7 =	sadd.s32 $0x2, s6  }
.LBB1_5:
0xa: {  	s13 =	sadd.s32 $0x1000, s9  }
0xb: {  	p2 =	sgt.s32 s13, $0xF423F  }
0xc: {  	s13 =	smov.u32 @p2 s3;
	p2 =	sne.s32 s10, s7  }
.Ltmp1:
0xd: {  	p1 =	slt.u32 s10, $0x2;
	(pc) =	sbr.rel @!p2 .LBB1_6-.Ltmp1, $4  }
0xe: {  	s12 =	simm.s32 @!p1 $0x2  }
0xf: {  	s14 =	sadd.s32 $0x1, s10;
	_ =	swait.ge @!p1 [sflag:s12], $0x800  }
0x10: {  	s11 =	smov.u32 s9;
	p0 =	por !p0, !p0;
	[sflag:s12] =	ssyncset.done @!p1 $0x0  }
0x11: {  	s10 =	smov.u32 s14;
	s9 =	smov.u32 s13;
	[sflag:s12] =	ssyncadd.s32 @!p1 $0xFFFFF800  }
.LBB1_1:
0x12: {  	p1 =	sgt.u32 s10, s6  }
0x13: {  	s13 =	smov.u32 s9;
	p2 =	sgt.s32 @!p1 s9, $0xF41C0  }
0x14: {  	s12 =	sand.u32 @!p1 $0x1FFFFFF, s9;
	s14 =	sshra.s32 @!p1 s9, $0x1F;
	p2 =	por !p2, p1  }
0x15: {  	s15 =	smulhi.u32 @!p1 $0x218DEF5, s12;
	s14 =	sand.u32 @!p1 s14, s9;
	s13 =	simm.s32 @p2 $0xF41C0  }
0x16: {  	s13 =	ssub.s32 @!p1 s13, s14  }
0x17: {  	s14 =	sshrl.u32 @!p1 s15, $0xD;
	s13 =	sadd.s32 @!p1 $0xFFF0BE40, s13  }
0x18: {  	s15 =	sxor.u32 @!p1 $0xFFFFFFFF, s10;
	s14 =	smul.u32 @!p1 $0xF4240, s14;
	s16 =	sshll.u32 @!p1 s13, $0x6  }
0x19: {  	s15 =	sshll.u32 @!p1 s15, $0xB;
	p2 =	sgt.s32 @!p1 s13, $0x7F;
	s13 =	ssub.s32 @!p1 $0x2000, s16  }
0x1a: {  	s12 =	ssub.s32 @!p1 s12, s14;
	p2 =	por !p2, p1;
	s14 =	sand.u32 @!p1 $0x800, s15  }
0x1b: {  	s15 =	simm.s32 @!p1 $0x10;
	s13 =	sshrl.u32 @!p1 s13, $0x2;
	s12 =	sshll.u32 @!p1 s12, $0x4  }
0x1c: {  	s16 =	simm.s32 @!p1 $0x80;
	s13 =	simm.s32 @!p2 $0x0;
	s12 =	sadd.s32 @!p1 s4, s12  }
0x1d: {  	[tilespmem:s14], [sflag:$0x1] =	stream.strided.gather @!p1 [hbm4b:s12+s15], s13, s16, s15, $0x38;
	[tilespmem:$0x2020] =	vst v63  }
0x1e: {  	p1 =	seq.s32 s10, $0x0  }
0x1f: {  	p2 =	sge.u32 @!p1 s10, s7  }
0x20: {  	p1 =	por p1, p2  }
.Ltmp2:
0x21: {  	_ = 	snop;
	(pc) =	sbr.rel @p1 .LBB1_5-.Ltmp2, $1  }
0x22: {  	_ =	sdelay $0x3  }
0x23: {  	p1 =	sgt.s32 s11, $0xF41C0;
	s12 =	smov.u32 s11;
	s13 =	sshra.s32 s11, $0x1F  }
0x24: {  	s12 =	simm.s32 @!p1 $0xF41C0;
	s13 =	sand.u32 s13, s11  }
0x25: {  	s12 =	ssub.s32 s12, s13  }
0x26: {  	s12 =	sadd.s32 $0xFFF0BE40, s12  }
0x27: {  	s29 =	sshll.u32 s12, $0x6  }
0x28: {  	s13 =	ssub.s32 $0x2000, s29  }
0x29: {  	p1 =	sgt.s32 s12, $0x7F;
	s12 =	sshrl.u32 s13, $0x2  }
0x2a: {  	s13 =	simm.s32 $0x1;
	s12 =	simm.s32 @p1 $0x0  }
0x2b: {  	s13 =	simm.s32 @!p0 $0x0;
	_ =	swait.ge [sflag:s5], s12  }
0x2c: {  	s14 =	sshll.u32 s13, $0xB;
	s12 =	ssub.s32 $0x0, s12;
	[sflag:s5] =	ssyncset.done $0x0  }
0x2d: {  	s15 =	sor.u32 $0x40, s14;
	[sflag:s5] =	ssyncadd.s32 s12  }
0x2e: {  	v1 =	vld [tilespmem:s15+$0x30]  }
0x2f: {  	s30 =	smul.u32 $0x2040, s13;
	v4 =	vld [tilespmem:s15+$0xFFFFFFD0]  }
0x30: {  	v5 =	vld [tilespmem:s15+$0xFFFFFFE0]  }
0x31: {  	s31 =	sand.u32 $0x1, s10;
	s12 =	sshrl.u32 s30, $0x2;
	v2 =	vld [tilespmem:s15+$0xFFFFFFF0]  }
0x32: {  	s13 =	smul.u32 $0x2040, s31;
	s12 =	sor.u32 $0x1007, s12;
	v3 =	vld [tilespmem:s15+$0x0]  }
0x33: {  	v0 =	vld [tilespmem:s15+$0x10];
	[tilespmem:s12+$0x0 ss:$0x81] =	vst.msk $0xffff, v1  }
0x34: {  	s13 =	sshrl.u32 s13, $0x2;
	[tilespmem:s12+$0xFFFFFFFA ss:$0x81] =	vst.msk $0xffff, v4;
	v4 =	vld [tilespmem:s15+$0x20]  }
0x35: {  	s14 =	simm.s32 $0x0;
	s13 =	sor.u32 $0x1000, s13;
	v1 =	vld [tilespmem:s15+$0xFFFFFFC0];
	[tilespmem:s12+$0xFFFFFFFB ss:$0x81] =	vst.msk $0xffff, v5;
	s15 =	sadd.s32 $0x80, s15  }
.LBB1_3:
0x36: {  	v5 =	vld [tilespmem:s15+$0x30];
	s14 =	sadd.s32 $0x8, s14;
	[tilespmem:s12+$0xFFFFFFFC ss:$0x81] =	vst.msk $0xffff, v2  }
0x37: {  	v6 =	vld [tilespmem:s15+$0xFFFFFFD0];
	p1 =	slt.u32 s14, $0x78;
	[tilespmem:s12+$0xFFFFFFFD ss:$0x81] =	vst.msk $0xffff, v3  }
0x38: {  	v7 =	vld [tilespmem:s15+$0xFFFFFFE0];
	[tilespmem:s12+$0xFFFFFFFE ss:$0x81] =	vst.msk $0xffff, v0  }
.Ltmp3:
0x39: {  	v2 =	vld [tilespmem:s15+$0xFFFFFFF0];
	[tilespmem:s12+$0xFFFFFFFF ss:$0x81] =	vst.msk $0xffff, v4;
	(pc) =	sbr.rel @p1 .LBB1_3-.Ltmp3, $4  }
0x3a: {  	v3 =	vld [tilespmem:s15+$0x0];
	[tilespmem:s12+$0xFFFFFFF9 ss:$0x81] =	vst.msk $0xffff, v1;
	s12 =	sadd.s32 $0x8, s12  }
0x3b: {  	v0 =	vld [tilespmem:s15+$0x10];
	[tilespmem:s12+$0x0 ss:$0x81] =	vst.msk $0xffff, v5  }
0x3c: {  	[tilespmem:s12+$0xFFFFFFFA ss:$0x81] =	vst.msk $0xffff, v6;
	v4 =	vld [tilespmem:s15+$0x20]  }
0x3d: {  	v1 =	vld [tilespmem:s15+$0xFFFFFFC0];
	[tilespmem:s12+$0xFFFFFFFB ss:$0x81] =	vst.msk $0xffff, v7;
	s15 =	sadd.s32 $0x80, s15  }
0x3e: {  	s14 =	sshll.u32 s11, $0x3  }
0x3f: {  	s30 =	sand.u32 $0x7F, s11;
	s14 =	sand.u32 $0xFFFFFC00, s14  }
0x40: {  	s11 =	sor.u32 s30, s14  }
0x41: {  	s15 =	smulhi.u32 $0x218D6287, s11;
	_ =	sdelay $0x1  }
0x42: {  	s14 =	smulhi.u32 $0x218D6287, s14;
	s15 =	sshrl.u32 s15, $0x11  }
0x43: {  	s15 =	smul.u32 $0xF4280, s15  }
0x44: {  	[tilespmem:s12+$0xFFFFFFFC ss:$0x81] =	vst.msk $0xffff, v2;
	s14 =	sshrl.u32 s14, $0x11  }
.Ltmp4:
0x45: {  	[tilespmem:s12+$0xFFFFFFFD ss:$0x81] =	vst.msk $0xffff, v3;
	s14 =	sand.u32 $0xF, s14;
	s11 =	ssub.s32 s11, s15;
	(pc) =	sbr.rel .LBB1_5-.Ltmp4, $4  }
0x46: {  	[tilespmem:s12+$0xFFFFFFFE ss:$0x81] =	vst.msk $0xffff, v0;
	s14 =	smul.u32 $0x1E850, s14;
	s15 =	sshrl.u32 s11, $0x3;
	s11 =	sand.u32 $0x7, s11  }
0x47: {  	[tilespmem:s12+$0xFFFFFFFF ss:$0x81] =	vst.msk $0xffff, v4;
	s15 =	sadd.s32 s2, s15;
	s11 =	sshll.u32 s11, $0x12  }
0x48: {  	[tilespmem:s12+$0xFFFFFFF9 ss:$0x81] =	vst.msk $0xffff, v1;
	s31 =	sadd.s32 s14, s15;
	s11 =	sor.u32 $0x400, s11  }
0x49: {  	[hbm4b:s31+s11] =	stream.strided.scatter [tilespmem:s13], [sflag:$0x2], $0x800, s8, s11, $0x20;
	[tilespmem:$0x2020] =	vst v63  }
.LBB1_6:
0x4a: {  	_ =	sfence.sel $0x180000  }
0x4b: {  	s2 =	simm.s32 $0x1;
	[bflag:$0x0] =	sbarrier.arrive $0xFFFF  }
0x4c: {  	s31 =	simm.s32 $0x2;
	[sflag:s2] =	ssyncpa.u1 $0x1  }
0x4d: {  	[sflag:s31] =	ssyncpa.u1 $0x1  }
0x4e: {  	p0 =	sne.s32 s1, $0x0;
	_ =	strace $0x9000004A  }
0x4f: {  	s0 =	sadd.s32 @!p0 $0x100000, s0;
	[bflag:$0x2] =	sbarrier.arrive $0xFFFF  }
0x50: {  	[sflag:s0] =	ssyncadd.tile.s32 @!p0 $0x1;
	_ =	shalt  }
.Lfunc_end1:
_tile_overlayer_lowered:
.L_overlay_start_2:
0x51: {  	(tag) =	ssettag $0x2  }
0x52: {  	s0 =	rddreg [dreg:$0x0];
	s2 =	stileid.u32  }
0x53: {  	s1 =	rddreg [dreg:$0x1];
	p0 =	sne.s32 s2, $0x0  }
0x54: {  	s3 =	rddreg [dreg:$0x2];
	[bflag:$0x3] =	sbarrier.arrive $0xFFFF;
	s2 =	simm.s32 @!p0 $0x1C01  }
0x55: {  	[timem:s3], [sflag:s2] =	dma.local @!p0 [hbm:s0], s1  }
0x56: {  	s0 =	simm.s32 @!p0 $0x1  }
0x57: {  	_ =	swait.ge @!p0 [sflag:s0], s1  }
0x58: {  	s1 =	ssub.s32 @!p0 $0x0, s1;
	[sflag:s0] =	ssyncset.done @!p0 $0x0  }
0x59: {  	[sflag:s0] =	ssyncadd.s32 @!p0 s1  }
0x5a: {  	[bflag:$0x3] =	sbarrier.arrive $0xFFFF  }
0x5b: {  	_ =	shalt  }

</sc_bundles>
